<compile_context>
chip_gen: v7x
topology: tpu7x:2x2x1
jax: 0.10.2.dev20260603
libtpu: 0.0.44.dev20260713+nightly
codegen_flags: <defaults>
</compile_context>

<pallas_src>
import functools

import jax
import jax.numpy as jnp
from jax import lax
from jax.experimental import pallas as pl
from jax.experimental.pallas import tpu as pltpu
from jax.experimental.pallas import tpu_sc as plsc

N_NODES = 10000
D_H = 128
D_OUT = 2
BN_EPS = 1e-5

NC = 2
NS = 16
NW = NC * NS
K = 128
NPAD = 10240
RPT = NPAD // NS
ZR = 64
B_ROWS = 1000

_MESH = dict(core_axis_name="c", subcore_axis_name="s")


@functools.lru_cache(maxsize=None)
def _sc_agg(dcols: int, cpw0: int, cpw1: int):
    assert cpw0 % 2 == 0 and cpw1 % 2 == 0

    def body(table, src, dst, out, sidx0, didx0, sidx1, didx1,
             rows0, rows1, zbuf, acc, sg0, sg1, si1):
        c = lax.axis_index("c")
        s = lax.axis_index("s")

        def _zrow(i, carry):
            for j in range(dcols // 16):
                zbuf[i, pl.ds(j * 16, 16)] = jnp.zeros((16,), jnp.float32)
            return carry

        lax.fori_loop(0, ZR, _zrow, 0)
        for t in range(RPT // ZR):
            pltpu.sync_copy(zbuf, acc.at[pl.ds(s * RPT + t * ZR, ZR)])
        plsc.subcore_barrier()

        def _run(cnt, chunk0):
            base0 = chunk0 * K
            pltpu.sync_copy(src.at[pl.ds(base0, K)], sidx0)
            pltpu.sync_copy(dst.at[pl.ds(base0, K)], didx0)
            pltpu.async_copy(table.at[sidx0], rows0, sg0)
            pltpu.async_copy(src.at[pl.ds(base0 + K, K)], sidx1, si1)
            pltpu.async_copy(dst.at[pl.ds(base0 + K, K)], didx1, si1)

            def _pair(p, carry):
                j0 = 2 * p
                b1 = (chunk0 + j0 + 1) * K
                pltpu.make_async_copy(src.at[pl.ds(b1, K)], sidx1,
                                      si1).wait()
                pltpu.make_async_copy(dst.at[pl.ds(b1, K)], didx1,
                                      si1).wait()
                pltpu.async_copy(table.at[sidx1], rows1, sg1)
                pltpu.make_async_copy(table.at[sidx0], rows0, sg0).wait()
                pltpu.sync_copy(rows0, acc.at[didx0], add=True)

                @pl.when(j0 + 2 < cnt)
                def _():
                    b2 = (chunk0 + j0 + 2) * K
                    pltpu.sync_copy(src.at[pl.ds(b2, K)], sidx0)
                    pltpu.sync_copy(dst.at[pl.ds(b2, K)], didx0)
                    pltpu.async_copy(table.at[sidx0], rows0, sg0)

                pltpu.make_async_copy(table.at[sidx1], rows1, sg1).wait()
                pltpu.sync_copy(rows1, acc.at[didx1], add=True)

                @pl.when(j0 + 3 < cnt)
                def _():
                    b3 = (chunk0 + j0 + 3) * K
                    pltpu.async_copy(src.at[pl.ds(b3, K)], sidx1, si1)
                    pltpu.async_copy(dst.at[pl.ds(b3, K)], didx1, si1)

                return carry

            lax.fori_loop(0, cnt // 2, _pair, 0)

        @pl.when(c == 0)
        def _():
            _run(cpw0, s * cpw0)

        if cpw1 > 0:
            @pl.when(c == 1)
            def _():
                _run(cpw1, NS * cpw0 + s * cpw1)

        plsc.subcore_barrier()
        pltpu.sync_copy(acc.at[pl.ds(s * RPT, RPT)],
                        out.at[c].at[pl.ds(s * RPT, RPT)])

    return pl.kernel(
        body,
        out_type=jax.ShapeDtypeStruct((NC, NPAD, dcols), jnp.float32),
        mesh=plsc.VectorSubcoreMesh(**_MESH),
        scratch_types=[
            pltpu.VMEM((K,), jnp.int32),
            pltpu.VMEM((K,), jnp.int32),
            pltpu.VMEM((K,), jnp.int32),
            pltpu.VMEM((K,), jnp.int32),
            pltpu.VMEM((K, dcols), jnp.float32),
            pltpu.VMEM((K, dcols), jnp.float32),
            pltpu.VMEM((ZR, dcols), jnp.float32),
            pltpu.VMEM_SHARED((NPAD, dcols), jnp.float32),
            pltpu.SemaphoreType.DMA,
            pltpu.SemaphoreType.DMA,
            pltpu.SemaphoreType.DMA,
        ],
    )


@functools.lru_cache(maxsize=None)
def _sc_deg(cpw: int):

    def body(dst, out, didx, ones, zbuf, acc):
        c = lax.axis_index("c")
        s = lax.axis_index("s")
        wid = s * NC + c

        def _fill(i, carry):
            for j in range(D_H // 16):
                zbuf[i, pl.ds(j * 16, 16)] = jnp.zeros((16,), jnp.float32)
                ones[i, pl.ds(j * 16, 16)] = jnp.full((16,), 1.0,
                                                      jnp.float32)
            return carry

        lax.fori_loop(0, ZR, _fill, 0)

        def _fill2(i, carry):
            for j in range(D_H // 16):
                ones[i, pl.ds(j * 16, 16)] = jnp.full((16,), 1.0,
                                                      jnp.float32)
            return carry

        lax.fori_loop(ZR, K, _fill2, 0)
        for t in range(RPT // ZR):
            pltpu.sync_copy(zbuf, acc.at[pl.ds(s * RPT + t * ZR, ZR)])
        plsc.subcore_barrier()

        def _chunk(j, carry):
            base = (wid * cpw + j) * K
            pltpu.sync_copy(dst.at[pl.ds(base, K)], didx)
            pltpu.sync_copy(ones, acc.at[didx], add=True)
            return carry

        lax.fori_loop(0, cpw, _chunk, 0)
        plsc.subcore_barrier()
        pltpu.sync_copy(acc.at[pl.ds(s * RPT, RPT)],
                        out.at[c].at[pl.ds(s * RPT, RPT)])

    return pl.kernel(
        body,
        out_type=jax.ShapeDtypeStruct((NC, NPAD, D_H), jnp.float32),
        mesh=plsc.VectorSubcoreMesh(**_MESH),
        scratch_types=[
            pltpu.VMEM((K,), jnp.int32),
            pltpu.VMEM((K, D_H), jnp.float32),
            pltpu.VMEM((ZR, D_H), jnp.float32),
            pltpu.VMEM_SHARED((NPAD, D_H), jnp.float32),
        ],
    )


def _dinv_of(degp_ref):
    deg = degp_ref[0, :, 0:1] + degp_ref[1, :, 0:1]
    return jnp.where(deg > 0, lax.rsqrt(deg), 0.0)


def _t_first(x, W1, degp):

    def body(x_ref, w_ref, d_ref, o_ref):
        dinv = _dinv_of(d_ref)
        o_ref[...] = jnp.dot(x_ref[...], w_ref[...], precision=lax.Precision.HIGHEST,
                             preferred_element_type=jnp.float32) * dinv

    n = x.shape[0]
    grid = n // B_ROWS
    return pl.pallas_call(
        body,
        grid=(grid,),
        in_specs=[
            pl.BlockSpec((B_ROWS, D_H), lambda i: (i, 0)),
            pl.BlockSpec((D_H, D_H), lambda i: (0, 0)),
            pl.BlockSpec((NC, B_ROWS, D_H), lambda i: (0, i, 0)),
        ],
        out_specs=pl.BlockSpec((B_ROWS, D_H), lambda i: (i, 0)),
        out_shape=jax.ShapeDtypeStruct((n, D_H), jnp.float32),
    )(x, W1, degp)


def _t_mid(aggp, degp, b, g, be, Wn):
    dn = Wn.shape[1]

    def body(a_ref, d_ref, b_ref, g_ref, be_ref, w_ref, o_ref):
        dinv = _dinv_of(d_ref)
        a = (a_ref[0] + a_ref[1]) * dinv + b_ref[...]
        gs = g_ref[...] * lax.rsqrt(jnp.float32(1.0 + BN_EPS))
        h = jnp.maximum(a * gs + be_ref[...], 0.0)
        o_ref[...] = jnp.dot(h, w_ref[...], precision=lax.Precision.HIGHEST,
                             preferred_element_type=jnp.float32) * dinv

    grid = N_NODES // B_ROWS
    return pl.pallas_call(
        body,
        grid=(grid,),
        in_specs=[
            pl.BlockSpec((NC, B_ROWS, D_H), lambda i: (0, i, 0)),
            pl.BlockSpec((NC, B_ROWS, D_H), lambda i: (0, i, 0)),
            pl.BlockSpec((1, D_H), lambda i: (0, 0)),
            pl.BlockSpec((1, D_H), lambda i: (0, 0)),
            pl.BlockSpec((1, D_H), lambda i: (0, 0)),
            pl.BlockSpec((D_H, dn), lambda i: (0, 0)),
        ],
        out_specs=pl.BlockSpec((B_ROWS, dn), lambda i: (i, 0)),
        out_shape=jax.ShapeDtypeStruct((N_NODES, dn), jnp.float32),
    )(aggp, degp, b, g, be, Wn)


def _t_final(aggp, degp, b4p):

    def body(a_ref, d_ref, b_ref, o_ref):
        dinv = _dinv_of(d_ref)
        z = (a_ref[0] + a_ref[1]) * dinv + b_ref[...]
        colmask = lax.broadcasted_iota(jnp.int32, z.shape, 1) < D_OUT
        zm = jnp.where(colmask, z, -1e30)
        m = jnp.max(zm, axis=1, keepdims=True)
        e = jnp.where(colmask, jnp.exp(z - m), 0.0)
        lse = m + jnp.log(jnp.sum(e, axis=1, keepdims=True))
        o_ref[...] = z - lse

    grid = N_NODES // B_ROWS
    return pl.pallas_call(
        body,
        grid=(grid,),
        in_specs=[
            pl.BlockSpec((NC, B_ROWS, D_H), lambda i: (0, i, 0)),
            pl.BlockSpec((NC, B_ROWS, D_H), lambda i: (0, i, 0)),
            pl.BlockSpec((1, D_H), lambda i: (0, 0)),
        ],
        out_specs=pl.BlockSpec((B_ROWS, D_H), lambda i: (i, 0)),
        out_shape=jax.ShapeDtypeStruct((N_NODES, D_H), jnp.float32),
    )(aggp, degp, b4p)


def kernel(x, edge_index, W1, b1, gamma1, beta1, W2, b2, gamma2, beta2,
           W3, b3, gamma3, beta3, W4, b4):
    ei = edge_index.astype(jnp.int32)
    loops = jnp.arange(N_NODES, dtype=jnp.int32)
    src = jnp.concatenate([ei[0], loops])
    dst = jnp.concatenate([ei[1], loops])
    e = src.shape[0]
    cpd = -(-e // (NW * K))
    epad = cpd * NW * K
    tpc = 2 * cpd
    cpw0 = int(round(tpc * 0.74 / 2)) * 2
    cpw1 = tpc - cpw0
    src = jnp.concatenate([src, jnp.zeros((epad - e,), jnp.int32)])
    dst = jnp.concatenate([dst, jnp.full((epad - e,), N_NODES, jnp.int32)])

    degp = _sc_deg(cpd)(dst)

    b1r, g1r, be1r = b1[None, :], gamma1[None, :], beta1[None, :]
    b2r, g2r, be2r = b2[None, :], gamma2[None, :], beta2[None, :]
    b3r, g3r, be3r = b3[None, :], gamma3[None, :], beta3[None, :]
    W4p = jnp.zeros((D_H, D_H), jnp.float32).at[:, :D_OUT].set(W4)
    b4p = jnp.zeros((1, D_H), jnp.float32).at[0, :D_OUT].set(b4)

    y = _t_first(x, W1, degp)
    aggp = _sc_agg(D_H, cpw0, cpw1)(y, src, dst)
    y = _t_mid(aggp, degp, b1r, g1r, be1r, W2)
    aggp = _sc_agg(D_H, cpw0, cpw1)(y, src, dst)
    y = _t_mid(aggp, degp, b2r, g2r, be2r, W3)
    aggp = _sc_agg(D_H, cpw0, cpw1)(y, src, dst)
    y = _t_mid(aggp, degp, b3r, g3r, be3r, W4p)
    aggp = _sc_agg(D_H, cpw0, cpw1)(y, src, dst)
    z = _t_final(aggp, degp, b4p)
    return z[:, :D_OUT]

# --- scband reference (transcript-rebuilt; emitter-appended) ---
"""Pipeline reference for scband-gcnmodel-38920993636608 (READ-ONLY COPY).

The authoritative reference and input builder live on the scoring server;
editing this copy changes nothing except your own understanding.
"""

import jax, jax.numpy as jnp
import numpy as np

N_NODES = 10000
N_EDGES = 320000
D_IN = 128
D_H = 128
D_OUT = 2
BN_EPS = 1e-5


def setup_inputs(seed: int = 0) -> dict:
    key = jax.random.key(seed)
    ks = jax.random.split(key, 16)
    inp = {}
    inp['x'] = jax.random.normal(ks[0], (N_NODES, D_IN), dtype=jnp.float32)
    inp['edge_index'] = jax.random.randint(ks[1], (2, N_EDGES), 0, N_NODES, dtype=jnp.int64)
    inp['W1'] = jax.random.normal(ks[2], (D_IN, D_H), dtype=jnp.float32) * 0.05
    inp['b1'] = jnp.zeros((D_H,), dtype=jnp.float32)
    inp['gamma1'] = jnp.ones((D_H,), dtype=jnp.float32)
    inp['beta1'] = jnp.zeros((D_H,), dtype=jnp.float32)
    inp['W2'] = jax.random.normal(ks[3], (D_H, D_H), dtype=jnp.float32) * 0.05
    inp['b2'] = jnp.zeros((D_H,), dtype=jnp.float32)
    inp['gamma2'] = jnp.ones((D_H,), dtype=jnp.float32)
    inp['beta2'] = jnp.zeros((D_H,), dtype=jnp.float32)
    inp['W3'] = jax.random.normal(ks[4], (D_H, D_H), dtype=jnp.float32) * 0.05
    inp['b3'] = jnp.zeros((D_H,), dtype=jnp.float32)
    inp['gamma3'] = jnp.ones((D_H,), dtype=jnp.float32)
    inp['beta3'] = jnp.zeros((D_H,), dtype=jnp.float32)
    inp['W4'] = jax.random.normal(ks[5], (D_H, D_OUT), dtype=jnp.float32) * 0.05
    inp['b4'] = jnp.zeros((D_OUT,), dtype=jnp.float32)
    return inp


def _gcn_conv(x, src, dst, W, b):
    # PyG GCNConv: add self loops, symmetric normalization, linear transform, scatter-add
    n = x.shape[0]
    deg = jnp.zeros((n,), dtype=x.dtype).at[dst].add(1.0)
    dinv = jnp.where(deg > 0, 1.0 / jnp.sqrt(deg), 0.0)
    norm = dinv[src] * dinv[dst]
    h = x @ W
    msg = h[src] * norm[:, None]
    out = jax.ops.segment_sum(msg, dst, num_segments=n)
    return out + b


def _bn_eval(x, gamma, beta):
    # BatchNorm1d in eval mode with fresh running stats (mean=0, var=1)
    return x * (gamma / jnp.sqrt(1.0 + BN_EPS)) + beta


def reference(x, edge_index, W1, b1, gamma1, beta1, W2, b2, gamma2, beta2, W3, b3, gamma3, beta3, W4, b4):
    n = x.shape[0]
    loops = jnp.arange(n, dtype=edge_index.dtype)
    src = jnp.concatenate([edge_index[0], loops])
    dst = jnp.concatenate([edge_index[1], loops])
    h = _gcn_conv(x, src, dst, W1, b1)
    h = jax.nn.relu(_bn_eval(h, gamma1, beta1))
    h = _gcn_conv(h, src, dst, W2, b2)
    h = jax.nn.relu(_bn_eval(h, gamma2, beta2))
    h = _gcn_conv(h, src, dst, W3, b3)
    h = jax.nn.relu(_bn_eval(h, gamma3, beta3))
    h = _gcn_conv(h, src, dst, W4, b4)
    return jax.nn.log_softmax(h, axis=1)

if __name__ == "__main__":
    import jax
    _d = setup_inputs()
    print(jax.jit(kernel)(*tuple(_d.values())))

</pallas_src>

<mosaic_0001>
#map = affine_map<(d0, d1) -> (0, 0)>
#map1 = affine_map<(d0, d1) -> (0)>
#map2 = affine_map<(d0, d1) -> (0, 0, 0)>
module attributes {stable_mosaic.version = 14 : i64} {
  func.func @body(%arg0: i32, %arg1: i32, %arg2: memref<10000x128xf32, #tpu.memory_space<hbm>>, %arg3: memref<331776xi32, #tpu.memory_space<hbm>>, %arg4: memref<331776xi32, #tpu.memory_space<hbm>>, %arg5: memref<2x10240x128xf32, #tpu.memory_space<hbm>>, %arg6: memref<128xi32, #tpu.memory_space<vmem>>, %arg7: memref<128xi32, #tpu.memory_space<vmem>>, %arg8: memref<128xi32, #tpu.memory_space<vmem>>, %arg9: memref<128xi32, #tpu.memory_space<vmem>>, %arg10: memref<128x128xf32, #tpu.memory_space<vmem>>, %arg11: memref<128x128xf32, #tpu.memory_space<vmem>>, %arg12: memref<64x128xf32, #tpu.memory_space<vmem>>, %arg13: memref<10240x128xf32, #tpu.memory_space<vmem_shared>>, %arg14: memref<!tpu.dma_semaphore, #tpu.memory_space<semaphore_mem>>, %arg15: memref<!tpu.dma_semaphore, #tpu.memory_space<semaphore_mem>>, %arg16: memref<!tpu.dma_semaphore, #tpu.memory_space<semaphore_mem>>) attributes {dimension_semantics = [#tpu.dimension_semantics<core_parallel>, #tpu.dimension_semantics<subcore_parallel>], iteration_bounds = array<i64: 2, 16>, scalar_prefetch = 0 : i64, scratch_operands = 11 : i64, tpu.core_type = #tpu.core_type<sc_vector_subcore>, window_params = [{transform_indices = #map}, {transform_indices = #map1}, {transform_indices = #map1}, {transform_indices = #map2}]} {
    %scan3A = arith.constant 0 : i32
    %scan3A_0 = arith.constant 0 : i32
    %scan3A_1 = arith.constant 64 : i32
    %scan3A_2 = arith.addi %scan3A_0, %scan3A_1 : i32
    %scan3A_3 = arith.constant 1 : i32
    scf.for %scan3A_55 = %scan3A_0 to %scan3A_2 step %scan3A_3  : i32 {
      %broadcast_in_dim3A = arith.constant 0.000000e+00 : f32
      %broadcast_in_dim3A_56 = vector.broadcast %broadcast_in_dim3A : f32 to vector<16xf32>
      %swap3A = arith.index_cast %scan3A_55 : i32 to index
      %swap3A_57 = arith.constant 0 : index
      %swap3A_58 = tpu.vector_load %arg12[%swap3A, %swap3A_57] {strides = array<i32>} : memref<64x128xf32, #tpu.memory_space<vmem>>, vector<1x16xf32>,
      %swap3A_59 = vector.shape_cast %swap3A_58 : vector<1x16xf32> to vector<16xf32>
      %swap3A_60 = vector.shape_cast %broadcast_in_dim3A_56 : vector<16xf32> to vector<1x16xf32>
      tpu.vector_store %arg12[%swap3A, %swap3A_57], %swap3A_60 {strides = array<i32>} : memref<64x128xf32, #tpu.memory_space<vmem>>, vector<1x16xf32>,
      %broadcast_in_dim3A_61 = arith.constant 0.000000e+00 : f32
      %broadcast_in_dim3A_62 = vector.broadcast %broadcast_in_dim3A_61 : f32 to vector<16xf32>
      %swap3A_63 = arith.index_cast %scan3A_55 : i32 to index
      %swap3A_64 = arith.constant 16 : index
      %swap3A_65 = tpu.vector_load %arg12[%swap3A_63, %swap3A_64] {strides = array<i32>} : memref<64x128xf32, #tpu.memory_space<vmem>>, vector<1x16xf32>,
      %swap3A_66 = vector.shape_cast %swap3A_65 : vector<1x16xf32> to vector<16xf32>
      %swap3A_67 = vector.shape_cast %broadcast_in_dim3A_62 : vector<16xf32> to vector<1x16xf32>
      tpu.vector_store %arg12[%swap3A_63, %swap3A_64], %swap3A_67 {strides = array<i32>} : memref<64x128xf32, #tpu.memory_space<vmem>>, vector<1x16xf32>,
      %broadcast_in_dim3A_68 = arith.constant 0.000000e+00 : f32
      %broadcast_in_dim3A_69 = vector.broadcast %broadcast_in_dim3A_68 : f32 to vector<16xf32>
      %swap3A_70 = arith.index_cast %scan3A_55 : i32 to index
      %swap3A_71 = arith.constant 32 : index
      %swap3A_72 = tpu.vector_load %arg12[%swap3A_70, %swap3A_71] {strides = array<i32>} : memref<64x128xf32, #tpu.memory_space<vmem>>, vector<1x16xf32>,
      %swap3A_73 = vector.shape_cast %swap3A_72 : vector<1x16xf32> to vector<16xf32>
      %swap3A_74 = vector.shape_cast %broadcast_in_dim3A_69 : vector<16xf32> to vector<1x16xf32>
      tpu.vector_store %arg12[%swap3A_70, %swap3A_71], %swap3A_74 {strides = array<i32>} : memref<64x128xf32, #tpu.memory_space<vmem>>, vector<1x16xf32>,
      %broadcast_in_dim3A_75 = arith.constant 0.000000e+00 : f32
      %broadcast_in_dim3A_76 = vector.broadcast %broadcast_in_dim3A_75 : f32 to vector<16xf32>
      %swap3A_77 = arith.index_cast %scan3A_55 : i32 to index
      %swap3A_78 = arith.constant 48 : index
      %swap3A_79 = tpu.vector_load %arg12[%swap3A_77, %swap3A_78] {strides = array<i32>} : memref<64x128xf32, #tpu.memory_space<vmem>>, vector<1x16xf32>,
      %swap3A_80 = vector.shape_cast %swap3A_79 : vector<1x16xf32> to vector<16xf32>
      %swap3A_81 = vector.shape_cast %broadcast_in_dim3A_76 : vector<16xf32> to vector<1x16xf32>
      tpu.vector_store %arg12[%swap3A_77, %swap3A_78], %swap3A_81 {strides = array<i32>} : memref<64x128xf32, #tpu.memory_space<vmem>>, vector<1x16xf32>,
      %broadcast_in_dim3A_82 = arith.constant 0.000000e+00 : f32
      %broadcast_in_dim3A_83 = vector.broadcast %broadcast_in_dim3A_82 : f32 to vector<16xf32>
      %swap3A_84 = arith.index_cast %scan3A_55 : i32 to index
      %swap3A_85 = arith.constant 64 : index
      %swap3A_86 = tpu.vector_load %arg12[%swap3A_84, %swap3A_85] {strides = array<i32>} : memref<64x128xf32, #tpu.memory_space<vmem>>, vector<1x16xf32>,
      %swap3A_87 = vector.shape_cast %swap3A_86 : vector<1x16xf32> to vector<16xf32>
      %swap3A_88 = vector.shape_cast %broadcast_in_dim3A_83 : vector<16xf32> to vector<1x16xf32>
      tpu.vector_store %arg12[%swap3A_84, %swap3A_85], %swap3A_88 {strides = array<i32>} : memref<64x128xf32, #tpu.memory_space<vmem>>, vector<1x16xf32>,
      %broadcast_in_dim3A_89 = arith.constant 0.000000e+00 : f32
      %broadcast_in_dim3A_90 = vector.broadcast %broadcast_in_dim3A_89 : f32 to vector<16xf32>
      %swap3A_91 = arith.index_cast %scan3A_55 : i32 to index
      %swap3A_92 = arith.constant 80 : index
      %swap3A_93 = tpu.vector_load %arg12[%swap3A_91, %swap3A_92] {strides = array<i32>} : memref<64x128xf32, #tpu.memory_space<vmem>>, vector<1x16xf32>,
      %swap3A_94 = vector.shape_cast %swap3A_93 : vector<1x16xf32> to vector<16xf32>
      %swap3A_95 = vector.shape_cast %broadcast_in_dim3A_90 : vector<16xf32> to vector<1x16xf32>
      tpu.vector_store %arg12[%swap3A_91, %swap3A_92], %swap3A_95 {strides = array<i32>} : memref<64x128xf32, #tpu.memory_space<vmem>>, vector<1x16xf32>,
      %broadcast_in_dim3A_96 = arith.constant 0.000000e+00 : f32
      %broadcast_in_dim3A_97 = vector.broadcast %broadcast_in_dim3A_96 : f32 to vector<16xf32>
      %swap3A_98 = arith.index_cast %scan3A_55 : i32 to index
      %swap3A_99 = arith.constant 96 : index
      %swap3A_100 = tpu.vector_load %arg12[%swap3A_98, %swap3A_99] {strides = array<i32>} : memref<64x128xf32, #tpu.memory_space<vmem>>, vector<1x16xf32>,
      %swap3A_101 = vector.shape_cast %swap3A_100 : vector<1x16xf32> to vector<16xf32>
      %swap3A_102 = vector.shape_cast %broadcast_in_dim3A_97 : vector<16xf32> to vector<1x16xf32>
      tpu.vector_store %arg12[%swap3A_98, %swap3A_99], %swap3A_102 {strides = array<i32>} : memref<64x128xf32, #tpu.memory_space<vmem>>, vector<1x16xf32>,
      %broadcast_in_dim3A_103 = arith.constant 0.000000e+00 : f32
      %broadcast_in_dim3A_104 = vector.broadcast %broadcast_in_dim3A_103 : f32 to vector<16xf32>
      %swap3A_105 = arith.index_cast %scan3A_55 : i32 to index
      %swap3A_106 = arith.constant 112 : index
      %swap3A_107 = tpu.vector_load %arg12[%swap3A_105, %swap3A_106] {strides = array<i32>} : memref<64x128xf32, #tpu.memory_space<vmem>>, vector<1x16xf32>,
      %swap3A_108 = vector.shape_cast %swap3A_107 : vector<1x16xf32> to vector<16xf32>
      %swap3A_109 = vector.shape_cast %broadcast_in_dim3A_104 : vector<16xf32> to vector<1x16xf32>
      tpu.vector_store %arg12[%swap3A_105, %swap3A_106], %swap3A_109 {strides = array<i32>} : memref<64x128xf32, #tpu.memory_space<vmem>>, vector<1x16xf32>,
    }
    %scan3A_4 = arith.constant 64 : i32
    %mul3A = arith.constant 640 : i32
    %mul3A_5 = arith.muli %arg1, %mul3A : i32
    %add3A = arith.constant 0 : i32
    %add3A_6 = arith.addi %mul3A_5, %add3A : i32
    "tpu.region"() ({
      %run_scoped3A = tpu.sem_alloc : memref<!tpu.dma_semaphore, #tpu.memory_space<semaphore_mem>>
      %dma_start3A = arith.constant 0 : i32
      %dma_start3A_55 = tpu.memref_slice %arg13[%add3A_6, %dma_start3A] : memref<10240x128xf32, #tpu.memory_space<vmem_shared>> -> memref<64x128xf32, #tpu.memory_space<vmem_shared>>
      %dma_start3A_56 = arith.constant 0 : i32
      %dma_start3A_57 = tpu.memref_slice %arg13[%add3A_6, %dma_start3A_56] : memref<10240x128xf32, #tpu.memory_space<vmem_shared>> -> memref<64x128xf32, #tpu.memory_space<vmem_shared>>
      tpu.enqueue_dma source(%arg12 : memref<64x128xf32, #tpu.memory_space<vmem>>) target(%dma_start3A_57 : memref<64x128xf32, #tpu.memory_space<vmem_shared>>) target_semaphore(%run_scoped3A : memref<!tpu.dma_semaphore, #tpu.memory_space<semaphore_mem>>)
      %dma_wait3A = arith.constant 0 : i32
      %dma_wait3A_58 = tpu.memref_slice %arg13[%add3A_6, %dma_wait3A] : memref<10240x128xf32, #tpu.memory_space<vmem_shared>> -> memref<64x128xf32, #tpu.memory_space<vmem_shared>>
      %dma_wait3A_59 = arith.constant 0 : i32
      %dma_wait3A_60 = tpu.memref_slice %arg13[%add3A_6, %dma_wait3A_59] : memref<10240x128xf32, #tpu.memory_space<vmem_shared>> -> memref<64x128xf32, #tpu.memory_space<vmem_shared>>
      tpu.wait_dma2 semaphore(%run_scoped3A : memref<!tpu.dma_semaphore, #tpu.memory_space<semaphore_mem>>) src(%arg12 : memref<64x128xf32, #tpu.memory_space<vmem>>) dst(%dma_wait3A_60 : memref<64x128xf32, #tpu.memory_space<vmem_shared>>)
      tpu.yield
    }) : () -> ()
    %mul3A_7 = arith.constant 640 : i32
    %mul3A_8 = arith.muli %arg1, %mul3A_7 : i32
    %add3A_9 = arith.constant 64 : i32
    %add3A_10 = arith.addi %mul3A_8, %add3A_9 : i32
    "tpu.region"() ({
      %run_scoped3A = tpu.sem_alloc : memref<!tpu.dma_semaphore, #tpu.memory_space<semaphore_mem>>
      %dma_start3A = arith.constant 0 : i32
      %dma_start3A_55 = tpu.memref_slice %arg13[%add3A_10, %dma_start3A] : memref<10240x128xf32, #tpu.memory_space<vmem_shared>> -> memref<64x128xf32, #tpu.memory_space<vmem_shared>>
      %dma_start3A_56 = arith.constant 0 : i32
      %dma_start3A_57 = tpu.memref_slice %arg13[%add3A_10, %dma_start3A_56] : memref<10240x128xf32, #tpu.memory_space<vmem_shared>> -> memref<64x128xf32, #tpu.memory_space<vmem_shared>>
      tpu.enqueue_dma source(%arg12 : memref<64x128xf32, #tpu.memory_space<vmem>>) target(%dma_start3A_57 : memref<64x128xf32, #tpu.memory_space<vmem_shared>>) target_semaphore(%run_scoped3A : memref<!tpu.dma_semaphore, #tpu.memory_space<semaphore_mem>>)
      %dma_wait3A = arith.constant 0 : i32
      %dma_wait3A_58 = tpu.memref_slice %arg13[%add3A_10, %dma_wait3A] : memref<10240x128xf32, #tpu.memory_space<vmem_shared>> -> memref<64x128xf32, #tpu.memory_space<vmem_shared>>
      %dma_wait3A_59 = arith.constant 0 : i32
      %dma_wait3A_60 = tpu.memref_slice %arg13[%add3A_10, %dma_wait3A_59] : memref<10240x128xf32, #tpu.memory_space<vmem_shared>> -> memref<64x128xf32, #tpu.memory_space<vmem_shared>>
      tpu.wait_dma2 semaphore(%run_scoped3A : memref<!tpu.dma_semaphore, #tpu.memory_space<semaphore_mem>>) src(%arg12 : memref<64x128xf32, #tpu.memory_space<vmem>>) dst(%dma_wait3A_60 : memref<64x128xf32, #tpu.memory_space<vmem_shared>>)
      tpu.yield
    }) : () -> ()
    %mul3A_11 = arith.constant 640 : i32
    %mul3A_12 = arith.muli %arg1, %mul3A_11 : i32
    %add3A_13 = arith.constant 128 : i32
    %add3A_14 = arith.addi %mul3A_12, %add3A_13 : i32
    "tpu.region"() ({
      %run_scoped3A = tpu.sem_alloc : memref<!tpu.dma_semaphore, #tpu.memory_space<semaphore_mem>>
      %dma_start3A = arith.constant 0 : i32
      %dma_start3A_55 = tpu.memref_slice %arg13[%add3A_14, %dma_start3A] : memref<10240x128xf32, #tpu.memory_space<vmem_shared>> -> memref<64x128xf32, #tpu.memory_space<vmem_shared>>
      %dma_start3A_56 = arith.constant 0 : i32
      %dma_start3A_57 = tpu.memref_slice %arg13[%add3A_14, %dma_start3A_56] : memref<10240x128xf32, #tpu.memory_space<vmem_shared>> -> memref<64x128xf32, #tpu.memory_space<vmem_shared>>
      tpu.enqueue_dma source(%arg12 : memref<64x128xf32, #tpu.memory_space<vmem>>) target(%dma_start3A_57 : memref<64x128xf32, #tpu.memory_space<vmem_shared>>) target_semaphore(%run_scoped3A : memref<!tpu.dma_semaphore, #tpu.memory_space<semaphore_mem>>)
      %dma_wait3A = arith.constant 0 : i32
      %dma_wait3A_58 = tpu.memref_slice %arg13[%add3A_14, %dma_wait3A] : memref<10240x128xf32, #tpu.memory_space<vmem_shared>> -> memref<64x128xf32, #tpu.memory_space<vmem_shared>>
      %dma_wait3A_59 = arith.constant 0 : i32
      %dma_wait3A_60 = tpu.memref_slice %arg13[%add3A_14, %dma_wait3A_59] : memref<10240x128xf32, #tpu.memory_space<vmem_shared>> -> memref<64x128xf32, #tpu.memory_space<vmem_shared>>
      tpu.wait_dma2 semaphore(%run_scoped3A : memref<!tpu.dma_semaphore, #tpu.memory_space<semaphore_mem>>) src(%arg12 : memref<64x128xf32, #tpu.memory_space<vmem>>) dst(%dma_wait3A_60 : memref<64x128xf32, #tpu.memory_space<vmem_shared>>)
      tpu.yield
    }) : () -> ()
    %mul3A_15 = arith.constant 640 : i32
    %mul3A_16 = arith.muli %arg1, %mul3A_15 : i32
    %add3A_17 = arith.constant 192 : i32
    %add3A_18 = arith.addi %mul3A_16, %add3A_17 : i32
    "tpu.region"() ({
      %run_scoped3A = tpu.sem_alloc : memref<!tpu.dma_semaphore, #tpu.memory_space<semaphore_mem>>
      %dma_start3A = arith.constant 0 : i32
      %dma_start3A_55 = tpu.memref_slice %arg13[%add3A_18, %dma_start3A] : memref<10240x128xf32, #tpu.memory_space<vmem_shared>> -> memref<64x128xf32, #tpu.memory_space<vmem_shared>>
      %dma_start3A_56 = arith.constant 0 : i32
      %dma_start3A_57 = tpu.memref_slice %arg13[%add3A_18, %dma_start3A_56] : memref<10240x128xf32, #tpu.memory_space<vmem_shared>> -> memref<64x128xf32, #tpu.memory_space<vmem_shared>>
      tpu.enqueue_dma source(%arg12 : memref<64x128xf32, #tpu.memory_space<vmem>>) target(%dma_start3A_57 : memref<64x128xf32, #tpu.memory_space<vmem_shared>>) target_semaphore(%run_scoped3A : memref<!tpu.dma_semaphore, #tpu.memory_space<semaphore_mem>>)
      %dma_wait3A = arith.constant 0 : i32
      %dma_wait3A_58 = tpu.memref_slice %arg13[%add3A_18, %dma_wait3A] : memref<10240x128xf32, #tpu.memory_space<vmem_shared>> -> memref<64x128xf32, #tpu.memory_space<vmem_shared>>
      %dma_wait3A_59 = arith.constant 0 : i32
      %dma_wait3A_60 = tpu.memref_slice %arg13[%add3A_18, %dma_wait3A_59] : memref<10240x128xf32, #tpu.memory_space<vmem_shared>> -> memref<64x128xf32, #tpu.memory_space<vmem_shared>>
      tpu.wait_dma2 semaphore(%run_scoped3A : memref<!tpu.dma_semaphore, #tpu.memory_space<semaphore_mem>>) src(%arg12 : memref<64x128xf32, #tpu.memory_space<vmem>>) dst(%dma_wait3A_60 : memref<64x128xf32, #tpu.memory_space<vmem_shared>>)
      tpu.yield
    }) : () -> ()
    %mul3A_19 = arith.constant 640 : i32
    %mul3A_20 = arith.muli %arg1, %mul3A_19 : i32
    %add3A_21 = arith.constant 256 : i32
    %add3A_22 = arith.addi %mul3A_20, %add3A_21 : i32
    "tpu.region"() ({
      %run_scoped3A = tpu.sem_alloc : memref<!tpu.dma_semaphore, #tpu.memory_space<semaphore_mem>>
      %dma_start3A = arith.constant 0 : i32
      %dma_start3A_55 = tpu.memref_slice %arg13[%add3A_22, %dma_start3A] : memref<10240x128xf32, #tpu.memory_space<vmem_shared>> -> memref<64x128xf32, #tpu.memory_space<vmem_shared>>
      %dma_start3A_56 = arith.constant 0 : i32
      %dma_start3A_57 = tpu.memref_slice %arg13[%add3A_22, %dma_start3A_56] : memref<10240x128xf32, #tpu.memory_space<vmem_shared>> -> memref<64x128xf32, #tpu.memory_space<vmem_shared>>
      tpu.enqueue_dma source(%arg12 : memref<64x128xf32, #tpu.memory_space<vmem>>) target(%dma_start3A_57 : memref<64x128xf32, #tpu.memory_space<vmem_shared>>) target_semaphore(%run_scoped3A : memref<!tpu.dma_semaphore, #tpu.memory_space<semaphore_mem>>)
      %dma_wait3A = arith.constant 0 : i32
      %dma_wait3A_58 = tpu.memref_slice %arg13[%add3A_22, %dma_wait3A] : memref<10240x128xf32, #tpu.memory_space<vmem_shared>> -> memref<64x128xf32, #tpu.memory_space<vmem_shared>>
      %dma_wait3A_59 = arith.constant 0 : i32
      %dma_wait3A_60 = tpu.memref_slice %arg13[%add3A_22, %dma_wait3A_59] : memref<10240x128xf32, #tpu.memory_space<vmem_shared>> -> memref<64x128xf32, #tpu.memory_space<vmem_shared>>
      tpu.wait_dma2 semaphore(%run_scoped3A : memref<!tpu.dma_semaphore, #tpu.memory_space<semaphore_mem>>) src(%arg12 : memref<64x128xf32, #tpu.memory_space<vmem>>) dst(%dma_wait3A_60 : memref<64x128xf32, #tpu.memory_space<vmem_shared>>)
      tpu.yield
    }) : () -> ()
    %mul3A_23 = arith.constant 640 : i32
    %mul3A_24 = arith.muli %arg1, %mul3A_23 : i32
    %add3A_25 = arith.constant 320 : i32
    %add3A_26 = arith.addi %mul3A_24, %add3A_25 : i32
    "tpu.region"() ({
      %run_scoped3A = tpu.sem_alloc : memref<!tpu.dma_semaphore, #tpu.memory_space<semaphore_mem>>
      %dma_start3A = arith.constant 0 : i32
      %dma_start3A_55 = tpu.memref_slice %arg13[%add3A_26, %dma_start3A] : memref<10240x128xf32, #tpu.memory_space<vmem_shared>> -> memref<64x128xf32, #tpu.memory_space<vmem_shared>>
      %dma_start3A_56 = arith.constant 0 : i32
      %dma_start3A_57 = tpu.memref_slice %arg13[%add3A_26, %dma_start3A_56] : memref<10240x128xf32, #tpu.memory_space<vmem_shared>> -> memref<64x128xf32, #tpu.memory_space<vmem_shared>>
      tpu.enqueue_dma source(%arg12 : memref<64x128xf32, #tpu.memory_space<vmem>>) target(%dma_start3A_57 : memref<64x128xf32, #tpu.memory_space<vmem_shared>>) target_semaphore(%run_scoped3A : memref<!tpu.dma_semaphore, #tpu.memory_space<semaphore_mem>>)
      %dma_wait3A = arith.constant 0 : i32
      %dma_wait3A_58 = tpu.memref_slice %arg13[%add3A_26, %dma_wait3A] : memref<10240x128xf32, #tpu.memory_space<vmem_shared>> -> memref<64x128xf32, #tpu.memory_space<vmem_shared>>
      %dma_wait3A_59 = arith.constant 0 : i32
      %dma_wait3A_60 = tpu.memref_slice %arg13[%add3A_26, %dma_wait3A_59] : memref<10240x128xf32, #tpu.memory_space<vmem_shared>> -> memref<64x128xf32, #tpu.memory_space<vmem_shared>>
      tpu.wait_dma2 semaphore(%run_scoped3A : memref<!tpu.dma_semaphore, #tpu.memory_space<semaphore_mem>>) src(%arg12 : memref<64x128xf32, #tpu.memory_space<vmem>>) dst(%dma_wait3A_60 : memref<64x128xf32, #tpu.memory_space<vmem_shared>>)
      tpu.yield
    }) : () -> ()
    %mul3A_27 = arith.constant 640 : i32
    %mul3A_28 = arith.muli %arg1, %mul3A_27 : i32
    %add3A_29 = arith.constant 384 : i32
    %add3A_30 = arith.addi %mul3A_28, %add3A_29 : i32
    "tpu.region"() ({
      %run_scoped3A = tpu.sem_alloc : memref<!tpu.dma_semaphore, #tpu.memory_space<semaphore_mem>>
      %dma_start3A = arith.constant 0 : i32
      %dma_start3A_55 = tpu.memref_slice %arg13[%add3A_30, %dma_start3A] : memref<10240x128xf32, #tpu.memory_space<vmem_shared>> -> memref<64x128xf32, #tpu.memory_space<vmem_shared>>
      %dma_start3A_56 = arith.constant 0 : i32
      %dma_start3A_57 = tpu.memref_slice %arg13[%add3A_30, %dma_start3A_56] : memref<10240x128xf32, #tpu.memory_space<vmem_shared>> -> memref<64x128xf32, #tpu.memory_space<vmem_shared>>
      tpu.enqueue_dma source(%arg12 : memref<64x128xf32, #tpu.memory_space<vmem>>) target(%dma_start3A_57 : memref<64x128xf32, #tpu.memory_space<vmem_shared>>) target_semaphore(%run_scoped3A : memref<!tpu.dma_semaphore, #tpu.memory_space<semaphore_mem>>)
      %dma_wait3A = arith.constant 0 : i32
      %dma_wait3A_58 = tpu.memref_slice %arg13[%add3A_30, %dma_wait3A] : memref<10240x128xf32, #tpu.memory_space<vmem_shared>> -> memref<64x128xf32, #tpu.memory_space<vmem_shared>>
      %dma_wait3A_59 = arith.constant 0 : i32
      %dma_wait3A_60 = tpu.memref_slice %arg13[%add3A_30, %dma_wait3A_59] : memref<10240x128xf32, #tpu.memory_space<vmem_shared>> -> memref<64x128xf32, #tpu.memory_space<vmem_shared>>
      tpu.wait_dma2 semaphore(%run_scoped3A : memref<!tpu.dma_semaphore, #tpu.memory_space<semaphore_mem>>) src(%arg12 : memref<64x128xf32, #tpu.memory_space<vmem>>) dst(%dma_wait3A_60 : memref<64x128xf32, #tpu.memory_space<vmem_shared>>)
      tpu.yield
    }) : () -> ()
    %mul3A_31 = arith.constant 640 : i32
    %mul3A_32 = arith.muli %arg1, %mul3A_31 : i32
    %add3A_33 = arith.constant 448 : i32
    %add3A_34 = arith.addi %mul3A_32, %add3A_33 : i32
    "tpu.region"() ({
      %run_scoped3A = tpu.sem_alloc : memref<!tpu.dma_semaphore, #tpu.memory_space<semaphore_mem>>
      %dma_start3A = arith.constant 0 : i32
      %dma_start3A_55 = tpu.memref_slice %arg13[%add3A_34, %dma_start3A] : memref<10240x128xf32, #tpu.memory_space<vmem_shared>> -> memref<64x128xf32, #tpu.memory_space<vmem_shared>>
      %dma_start3A_56 = arith.constant 0 : i32
      %dma_start3A_57 = tpu.memref_slice %arg13[%add3A_34, %dma_start3A_56] : memref<10240x128xf32, #tpu.memory_space<vmem_shared>> -> memref<64x128xf32, #tpu.memory_space<vmem_shared>>
      tpu.enqueue_dma source(%arg12 : memref<64x128xf32, #tpu.memory_space<vmem>>) target(%dma_start3A_57 : memref<64x128xf32, #tpu.memory_space<vmem_shared>>) target_semaphore(%run_scoped3A : memref<!tpu.dma_semaphore, #tpu.memory_space<semaphore_mem>>)
      %dma_wait3A = arith.constant 0 : i32
      %dma_wait3A_58 = tpu.memref_slice %arg13[%add3A_34, %dma_wait3A] : memref<10240x128xf32, #tpu.memory_space<vmem_shared>> -> memref<64x128xf32, #tpu.memory_space<vmem_shared>>
      %dma_wait3A_59 = arith.constant 0 : i32
      %dma_wait3A_60 = tpu.memref_slice %arg13[%add3A_34, %dma_wait3A_59] : memref<10240x128xf32, #tpu.memory_space<vmem_shared>> -> memref<64x128xf32, #tpu.memory_space<vmem_shared>>
      tpu.wait_dma2 semaphore(%run_scoped3A : memref<!tpu.dma_semaphore, #tpu.memory_space<semaphore_mem>>) src(%arg12 : memref<64x128xf32, #tpu.memory_space<vmem>>) dst(%dma_wait3A_60 : memref<64x128xf32, #tpu.memory_space<vmem_shared>>)
      tpu.yield
    }) : () -> ()
    %mul3A_35 = arith.constant 640 : i32
    %mul3A_36 = arith.muli %arg1, %mul3A_35 : i32
    %add3A_37 = arith.constant 512 : i32
    %add3A_38 = arith.addi %mul3A_36, %add3A_37 : i32
    "tpu.region"() ({
      %run_scoped3A = tpu.sem_alloc : memref<!tpu.dma_semaphore, #tpu.memory_space<semaphore_mem>>
      %dma_start3A = arith.constant 0 : i32
      %dma_start3A_55 = tpu.memref_slice %arg13[%add3A_38, %dma_start3A] : memref<10240x128xf32, #tpu.memory_space<vmem_shared>> -> memref<64x128xf32, #tpu.memory_space<vmem_shared>>
      %dma_start3A_56 = arith.constant 0 : i32
      %dma_start3A_57 = tpu.memref_slice %arg13[%add3A_38, %dma_start3A_56] : memref<10240x128xf32, #tpu.memory_space<vmem_shared>> -> memref<64x128xf32, #tpu.memory_space<vmem_shared>>
      tpu.enqueue_dma source(%arg12 : memref<64x128xf32, #tpu.memory_space<vmem>>) target(%dma_start3A_57 : memref<64x128xf32, #tpu.memory_space<vmem_shared>>) target_semaphore(%run_scoped3A : memref<!tpu.dma_semaphore, #tpu.memory_space<semaphore_mem>>)
      %dma_wait3A = arith.constant 0 : i32
      %dma_wait3A_58 = tpu.memref_slice %arg13[%add3A_38, %dma_wait3A] : memref<10240x128xf32, #tpu.memory_space<vmem_shared>> -> memref<64x128xf32, #tpu.memory_space<vmem_shared>>
      %dma_wait3A_59 = arith.constant 0 : i32
      %dma_wait3A_60 = tpu.memref_slice %arg13[%add3A_38, %dma_wait3A_59] : memref<10240x128xf32, #tpu.memory_space<vmem_shared>> -> memref<64x128xf32, #tpu.memory_space<vmem_shared>>
      tpu.wait_dma2 semaphore(%run_scoped3A : memref<!tpu.dma_semaphore, #tpu.memory_space<semaphore_mem>>) src(%arg12 : memref<64x128xf32, #tpu.memory_space<vmem>>) dst(%dma_wait3A_60 : memref<64x128xf32, #tpu.memory_space<vmem_shared>>)
      tpu.yield
    }) : () -> ()
    %mul3A_39 = arith.constant 640 : i32
    %mul3A_40 = arith.muli %arg1, %mul3A_39 : i32
    %add3A_41 = arith.constant 576 : i32
    %add3A_42 = arith.addi %mul3A_40, %add3A_41 : i32
    "tpu.region"() ({
      %run_scoped3A = tpu.sem_alloc : memref<!tpu.dma_semaphore, #tpu.memory_space<semaphore_mem>>
      %dma_start3A = arith.constant 0 : i32
      %dma_start3A_55 = tpu.memref_slice %arg13[%add3A_42, %dma_start3A] : memref<10240x128xf32, #tpu.memory_space<vmem_shared>> -> memref<64x128xf32, #tpu.memory_space<vmem_shared>>
      %dma_start3A_56 = arith.constant 0 : i32
      %dma_start3A_57 = tpu.memref_slice %arg13[%add3A_42, %dma_start3A_56] : memref<10240x128xf32, #tpu.memory_space<vmem_shared>> -> memref<64x128xf32, #tpu.memory_space<vmem_shared>>
      tpu.enqueue_dma source(%arg12 : memref<64x128xf32, #tpu.memory_space<vmem>>) target(%dma_start3A_57 : memref<64x128xf32, #tpu.memory_space<vmem_shared>>) target_semaphore(%run_scoped3A : memref<!tpu.dma_semaphore, #tpu.memory_space<semaphore_mem>>)
      %dma_wait3A = arith.constant 0 : i32
      %dma_wait3A_58 = tpu.memref_slice %arg13[%add3A_42, %dma_wait3A] : memref<10240x128xf32, #tpu.memory_space<vmem_shared>> -> memref<64x128xf32, #tpu.memory_space<vmem_shared>>
      %dma_wait3A_59 = arith.constant 0 : i32
      %dma_wait3A_60 = tpu.memref_slice %arg13[%add3A_42, %dma_wait3A_59] : memref<10240x128xf32, #tpu.memory_space<vmem_shared>> -> memref<64x128xf32, #tpu.memory_space<vmem_shared>>
      tpu.wait_dma2 semaphore(%run_scoped3A : memref<!tpu.dma_semaphore, #tpu.memory_space<semaphore_mem>>) src(%arg12 : memref<64x128xf32, #tpu.memory_space<vmem>>) dst(%dma_wait3A_60 : memref<64x128xf32, #tpu.memory_space<vmem_shared>>)
      tpu.yield
    }) : () -> ()
    %barrier3A = arith.constant 0 : index
    tpu.barrier barrier_id(%barrier3A)
    %eq3A = arith.constant 0 : i32
    %eq3A_43 = arith.cmpi eq, %arg0, %eq3A : i32
    %convert_element_type3A = arith.extui %eq3A_43 : i1 to i32
    %cond3A = arith.constant 0 : i32
    %cond3A_44 = arith.cmpi ne, %convert_element_type3A, %cond3A : i32
    scf.if %cond3A_44 {
      %mul3A_55 = arith.constant 120 : i32
      %mul3A_56 = arith.muli %arg1, %mul3A_55 : i32
      %mul3A_57 = arith.constant 128 : i32
      %mul3A_58 = arith.muli %mul3A_56, %mul3A_57 : i32
      "tpu.region"() ({
        %run_scoped3A = tpu.sem_alloc : memref<!tpu.dma_semaphore, #tpu.memory_space<semaphore_mem>>
        %dma_start3A_75 = tpu.memref_slice %arg3[%mul3A_58] : memref<331776xi32, #tpu.memory_space<hbm>> -> memref<128xi32, #tpu.memory_space<hbm>>
        %dma_start3A_76 = tpu.memref_slice %arg3[%mul3A_58] : memref<331776xi32, #tpu.memory_space<hbm>> -> memref<128xi32, #tpu.memory_space<hbm>>
        tpu.enqueue_dma source(%dma_start3A_76 : memref<128xi32, #tpu.memory_space<hbm>>) target(%arg6 : memref<128xi32, #tpu.memory_space<vmem>>) target_semaphore(%run_scoped3A : memref<!tpu.dma_semaphore, #tpu.memory_space<semaphore_mem>>)
        %dma_wait3A = tpu.memref_slice %arg3[%mul3A_58] : memref<331776xi32, #tpu.memory_space<hbm>> -> memref<128xi32, #tpu.memory_space<hbm>>
        %dma_wait3A_77 = tpu.memref_slice %arg3[%mul3A_58] : memref<331776xi32, #tpu.memory_space<hbm>> -> memref<128xi32, #tpu.memory_space<hbm>>
        tpu.wait_dma2 semaphore(%run_scoped3A : memref<!tpu.dma_semaphore, #tpu.memory_space<semaphore_mem>>) src(%dma_wait3A_77 : memref<128xi32, #tpu.memory_space<hbm>>) dst(%arg6 : memref<128xi32, #tpu.memory_space<vmem>>)
        tpu.yield
      }) : () -> ()
      "tpu.region"() ({
        %run_scoped3A = tpu.sem_alloc : memref<!tpu.dma_semaphore, #tpu.memory_space<semaphore_mem>>
        %dma_start3A_75 = tpu.memref_slice %arg4[%mul3A_58] : memref<331776xi32, #tpu.memory_space<hbm>> -> memref<128xi32, #tpu.memory_space<hbm>>
        %dma_start3A_76 = tpu.memref_slice %arg4[%mul3A_58] : memref<331776xi32, #tpu.memory_space<hbm>> -> memref<128xi32, #tpu.memory_space<hbm>>
        tpu.enqueue_dma source(%dma_start3A_76 : memref<128xi32, #tpu.memory_space<hbm>>) target(%arg7 : memref<128xi32, #tpu.memory_space<vmem>>) target_semaphore(%run_scoped3A : memref<!tpu.dma_semaphore, #tpu.memory_space<semaphore_mem>>)
        %dma_wait3A = tpu.memref_slice %arg4[%mul3A_58] : memref<331776xi32, #tpu.memory_space<hbm>> -> memref<128xi32, #tpu.memory_space<hbm>>
        %dma_wait3A_77 = tpu.memref_slice %arg4[%mul3A_58] : memref<331776xi32, #tpu.memory_space<hbm>> -> memref<128xi32, #tpu.memory_space<hbm>>
        tpu.wait_dma2 semaphore(%run_scoped3A : memref<!tpu.dma_semaphore, #tpu.memory_space<semaphore_mem>>) src(%dma_wait3A_77 : memref<128xi32, #tpu.memory_space<hbm>>) dst(%arg7 : memref<128xi32, #tpu.memory_space<vmem>>)
        tpu.yield
      }) : () -> ()
      %dma_start3A = arith.constant 0 : i32
      %dma_start3A_59 = arith.constant 0 : i32
      %dma_start3A_60 = tpu.memref_slice %arg2[%dma_start3A, %dma_start3A_59] : memref<10000x128xf32, #tpu.memory_space<hbm>> -> memref<10000x128xf32, #tpu.memory_space<hbm>>
      tpu.enqueue_indirect_dma source(%dma_start3A_60 : memref<10000x128xf32, #tpu.memory_space<hbm>>) target(%arg10 : memref<128x128xf32, #tpu.memory_space<vmem>>) offsets(%arg6 : memref<128xi32, #tpu.memory_space<vmem>>) semaphore(%arg14 : memref<!tpu.dma_semaphore, #tpu.memory_space<semaphore_mem>>)
      %add3A_61 = arith.constant 128 : i32
      %add3A_62 = arith.addi %mul3A_58, %add3A_61 : i32
      %dma_start3A_63 = tpu.memref_slice %arg3[%add3A_62] : memref<331776xi32, #tpu.memory_space<hbm>> -> memref<128xi32, #tpu.memory_space<hbm>>
      %dma_start3A_64 = tpu.memref_slice %arg3[%add3A_62] : memref<331776xi32, #tpu.memory_space<hbm>> -> memref<128xi32, #tpu.memory_space<hbm>>
      tpu.enqueue_dma source(%dma_start3A_64 : memref<128xi32, #tpu.memory_space<hbm>>) target(%arg8 : memref<128xi32, #tpu.memory_space<vmem>>) target_semaphore(%arg16 : memref<!tpu.dma_semaphore, #tpu.memory_space<semaphore_mem>>)
      %add3A_65 = arith.constant 128 : i32
      %add3A_66 = arith.addi %mul3A_58, %add3A_65 : i32
      %dma_start3A_67 = tpu.memref_slice %arg4[%add3A_66] : memref<331776xi32, #tpu.memory_space<hbm>> -> memref<128xi32, #tpu.memory_space<hbm>>
      %dma_start3A_68 = tpu.memref_slice %arg4[%add3A_66] : memref<331776xi32, #tpu.memory_space<hbm>> -> memref<128xi32, #tpu.memory_space<hbm>>
      tpu.enqueue_dma source(%dma_start3A_68 : memref<128xi32, #tpu.memory_space<hbm>>) target(%arg9 : memref<128xi32, #tpu.memory_space<vmem>>) target_semaphore(%arg16 : memref<!tpu.dma_semaphore, #tpu.memory_space<semaphore_mem>>)
      %scan3A_69 = arith.constant 0 : i32
      %scan3A_70 = arith.constant 0 : i32
      %scan3A_71 = arith.constant 60 : i32
      %scan3A_72 = arith.addi %scan3A_70, %scan3A_71 : i32
      %scan3A_73 = arith.constant 1 : i32
      scf.for %scan3A_75 = %scan3A_70 to %scan3A_72 step %scan3A_73  : i32 {
        %mul3A_76 = arith.constant 2 : i32
        %mul3A_77 = arith.muli %mul3A_76, %scan3A_75 : i32
        %add3A_78 = arith.addi %mul3A_56, %mul3A_77 : i32
        %add3A_79 = arith.constant 1 : i32
        %add3A_80 = arith.addi %add3A_78, %add3A_79 : i32
        %mul3A_81 = arith.constant 128 : i32
        %mul3A_82 = arith.muli %add3A_80, %mul3A_81 : i32
        %dma_wait3A = tpu.memref_slice %arg3[%mul3A_82] : memref<331776xi32, #tpu.memory_space<hbm>> -> memref<128xi32, #tpu.memory_space<hbm>>
        %dma_wait3A_83 = tpu.memref_slice %arg3[%mul3A_82] : memref<331776xi32, #tpu.memory_space<hbm>> -> memref<128xi32, #tpu.memory_space<hbm>>
        tpu.wait_dma2 semaphore(%arg16 : memref<!tpu.dma_semaphore, #tpu.memory_space<semaphore_mem>>) src(%dma_wait3A_83 : memref<128xi32, #tpu.memory_space<hbm>>) dst(%arg8 : memref<128xi32, #tpu.memory_space<vmem>>)
        %dma_wait3A_84 = tpu.memref_slice %arg4[%mul3A_82] : memref<331776xi32, #tpu.memory_space<hbm>> -> memref<128xi32, #tpu.memory_space<hbm>>
        %dma_wait3A_85 = tpu.memref_slice %arg4[%mul3A_82] : memref<331776xi32, #tpu.memory_space<hbm>> -> memref<128xi32, #tpu.memory_space<hbm>>
        tpu.wait_dma2 semaphore(%arg16 : memref<!tpu.dma_semaphore, #tpu.memory_space<semaphore_mem>>) src(%dma_wait3A_85 : memref<128xi32, #tpu.memory_space<hbm>>) dst(%arg9 : memref<128xi32, #tpu.memory_space<vmem>>)
        %dma_start3A_86 = arith.constant 0 : i32
        %dma_start3A_87 = arith.constant 0 : i32
        %dma_start3A_88 = tpu.memref_slice %arg2[%dma_start3A_86, %dma_start3A_87] : memref<10000x128xf32, #tpu.memory_space<hbm>> -> memref<10000x128xf32, #tpu.memory_space<hbm>>
        tpu.enqueue_indirect_dma source(%dma_start3A_88 : memref<10000x128xf32, #tpu.memory_space<hbm>>) target(%arg11 : memref<128x128xf32, #tpu.memory_space<vmem>>) offsets(%arg8 : memref<128xi32, #tpu.memory_space<vmem>>) semaphore(%arg15 : memref<!tpu.dma_semaphore, #tpu.memory_space<semaphore_mem>>)
        %dma_wait3A_89 = arith.constant 0 : i32
        %dma_wait3A_90 = arith.constant 0 : i32
        %dma_wait3A_91 = tpu.memref_slice %arg2[%dma_wait3A_89, %dma_wait3A_90] : memref<10000x128xf32, #tpu.memory_space<hbm>> -> memref<10000x128xf32, #tpu.memory_space<hbm>>
        tpu.wait_indirect_dma semaphore(%arg14 : memref<!tpu.dma_semaphore, #tpu.memory_space<semaphore_mem>>) src(%dma_wait3A_91 : memref<10000x128xf32, #tpu.memory_space<hbm>>) dst(%arg10 : memref<128x128xf32, #tpu.memory_space<vmem>>)
        "tpu.region"() ({
          %run_scoped3A = tpu.sem_alloc : memref<!tpu.dma_semaphore, #tpu.memory_space<semaphore_mem>>
          %dma_start3A_108 = arith.constant 0 : i32
          %dma_start3A_109 = arith.constant 0 : i32
          %dma_start3A_110 = tpu.memref_slice %arg13[%dma_start3A_108, %dma_start3A_109] : memref<10240x128xf32, #tpu.memory_space<vmem_shared>> -> memref<10240x128xf32, #tpu.memory_space<vmem_shared>>
          tpu.enqueue_indirect_dma source(%arg10 : memref<128x128xf32, #tpu.memory_space<vmem>>) target(%dma_start3A_110 : memref<10240x128xf32, #tpu.memory_space<vmem_shared>>) offsets(%arg7 : memref<128xi32, #tpu.memory_space<vmem>>) semaphore(%run_scoped3A : memref<!tpu.dma_semaphore, #tpu.memory_space<semaphore_mem>>) {add = true}
          %dma_wait3A_111 = arith.constant 0 : i32
          %dma_wait3A_112 = arith.constant 0 : i32
          %dma_wait3A_113 = tpu.memref_slice %arg13[%dma_wait3A_111, %dma_wait3A_112] : memref<10240x128xf32, #tpu.memory_space<vmem_shared>> -> memref<10240x128xf32, #tpu.memory_space<vmem_shared>>
          tpu.wait_indirect_dma semaphore(%run_scoped3A : memref<!tpu.dma_semaphore, #tpu.memory_space<semaphore_mem>>) src(%arg10 : memref<128x128xf32, #tpu.memory_space<vmem>>) dst(%dma_wait3A_113 : memref<10240x128xf32, #tpu.memory_space<vmem_shared>>)
          tpu.yield
        }) : () -> ()
        %add3A_92 = arith.constant 2 : i32
        %add3A_93 = arith.addi %mul3A_77, %add3A_92 : i32
        %lt3A = arith.constant 120 : i32
        %lt3A_94 = arith.cmpi slt, %add3A_93, %lt3A : i32
        %convert_element_type3A_95 = arith.extui %lt3A_94 : i1 to i32
        %cond3A_96 = arith.constant 0 : i32
        %cond3A_97 = arith.cmpi ne, %convert_element_type3A_95, %cond3A_96 : i32
        scf.if %cond3A_97 {
          %add3A_108 = arith.addi %mul3A_56, %mul3A_77 : i32
          %add3A_109 = arith.constant 2 : i32
          %add3A_110 = arith.addi %add3A_108, %add3A_109 : i32
          %mul3A_111 = arith.constant 128 : i32
          %mul3A_112 = arith.muli %add3A_110, %mul3A_111 : i32
          "tpu.region"() ({
            %run_scoped3A = tpu.sem_alloc : memref<!tpu.dma_semaphore, #tpu.memory_space<semaphore_mem>>
            %dma_start3A_116 = tpu.memref_slice %arg3[%mul3A_112] : memref<331776xi32, #tpu.memory_space<hbm>> -> memref<128xi32, #tpu.memory_space<hbm>>
            %dma_start3A_117 = tpu.memref_slice %arg3[%mul3A_112] : memref<331776xi32, #tpu.memory_space<hbm>> -> memref<128xi32, #tpu.memory_space<hbm>>
            tpu.enqueue_dma source(%dma_start3A_117 : memref<128xi32, #tpu.memory_space<hbm>>) target(%arg6 : memref<128xi32, #tpu.memory_space<vmem>>) target_semaphore(%run_scoped3A : memref<!tpu.dma_semaphore, #tpu.memory_space<semaphore_mem>>)
            %dma_wait3A_118 = tpu.memref_slice %arg3[%mul3A_112] : memref<331776xi32, #tpu.memory_space<hbm>> -> memref<128xi32, #tpu.memory_space<hbm>>
            %dma_wait3A_119 = tpu.memref_slice %arg3[%mul3A_112] : memref<331776xi32, #tpu.memory_space<hbm>> -> memref<128xi32, #tpu.memory_space<hbm>>
            tpu.wait_dma2 semaphore(%run_scoped3A : memref<!tpu.dma_semaphore, #tpu.memory_space<semaphore_mem>>) src(%dma_wait3A_119 : memref<128xi32, #tpu.memory_space<hbm>>) dst(%arg6 : memref<128xi32, #tpu.memory_space<vmem>>)
            tpu.yield
          }) : () -> ()
          "tpu.region"() ({
            %run_scoped3A = tpu.sem_alloc : memref<!tpu.dma_semaphore, #tpu.memory_space<semaphore_mem>>
            %dma_start3A_116 = tpu.memref_slice %arg4[%mul3A_112] : memref<331776xi32, #tpu.memory_space<hbm>> -> memref<128xi32, #tpu.memory_space<hbm>>
            %dma_start3A_117 = tpu.memref_slice %arg4[%mul3A_112] : memref<331776xi32, #tpu.memory_space<hbm>> -> memref<128xi32, #tpu.memory_space<hbm>>
            tpu.enqueue_dma source(%dma_start3A_117 : memref<128xi32, #tpu.memory_space<hbm>>) target(%arg7 : memref<128xi32, #tpu.memory_space<vmem>>) target_semaphore(%run_scoped3A : memref<!tpu.dma_semaphore, #tpu.memory_space<semaphore_mem>>)
            %dma_wait3A_118 = tpu.memref_slice %arg4[%mul3A_112] : memref<331776xi32, #tpu.memory_space<hbm>> -> memref<128xi32, #tpu.memory_space<hbm>>
            %dma_wait3A_119 = tpu.memref_slice %arg4[%mul3A_112] : memref<331776xi32, #tpu.memory_space<hbm>> -> memref<128xi32, #tpu.memory_space<hbm>>
            tpu.wait_dma2 semaphore(%run_scoped3A : memref<!tpu.dma_semaphore, #tpu.memory_space<semaphore_mem>>) src(%dma_wait3A_119 : memref<128xi32, #tpu.memory_space<hbm>>) dst(%arg7 : memref<128xi32, #tpu.memory_space<vmem>>)
            tpu.yield
          }) : () -> ()
          %dma_start3A_113 = arith.constant 0 : i32
          %dma_start3A_114 = arith.constant 0 : i32
          %dma_start3A_115 = tpu.memref_slice %arg2[%dma_start3A_113, %dma_start3A_114] : memref<10000x128xf32, #tpu.memory_space<hbm>> -> memref<10000x128xf32, #tpu.memory_space<hbm>>
          tpu.enqueue_indirect_dma source(%dma_start3A_115 : memref<10000x128xf32, #tpu.memory_space<hbm>>) target(%arg10 : memref<128x128xf32, #tpu.memory_space<vmem>>) offsets(%arg6 : memref<128xi32, #tpu.memory_space<vmem>>) semaphore(%arg14 : memref<!tpu.dma_semaphore, #tpu.memory_space<semaphore_mem>>)
        } else {
        }
        %dma_wait3A_98 = arith.constant 0 : i32
        %dma_wait3A_99 = arith.constant 0 : i32
        %dma_wait3A_100 = tpu.memref_slice %arg2[%dma_wait3A_98, %dma_wait3A_99] : memref<10000x128xf32, #tpu.memory_space<hbm>> -> memref<10000x128xf32, #tpu.memory_space<hbm>>
        tpu.wait_indirect_dma semaphore(%arg15 : memref<!tpu.dma_semaphore, #tpu.memory_space<semaphore_mem>>) src(%dma_wait3A_100 : memref<10000x128xf32, #tpu.memory_space<hbm>>) dst(%arg11 : memref<128x128xf32, #tpu.memory_space<vmem>>)
        "tpu.region"() ({
          %run_scoped3A = tpu.sem_alloc : memref<!tpu.dma_semaphore, #tpu.memory_space<semaphore_mem>>
          %dma_start3A_108 = arith.constant 0 : i32
          %dma_start3A_109 = arith.constant 0 : i32
          %dma_start3A_110 = tpu.memref_slice %arg13[%dma_start3A_108, %dma_start3A_109] : memref<10240x128xf32, #tpu.memory_space<vmem_shared>> -> memref<10240x128xf32, #tpu.memory_space<vmem_shared>>
          tpu.enqueue_indirect_dma source(%arg11 : memref<128x128xf32, #tpu.memory_space<vmem>>) target(%dma_start3A_110 : memref<10240x128xf32, #tpu.memory_space<vmem_shared>>) offsets(%arg9 : memref<128xi32, #tpu.memory_space<vmem>>) semaphore(%run_scoped3A : memref<!tpu.dma_semaphore, #tpu.memory_space<semaphore_mem>>) {add = true}
          %dma_wait3A_111 = arith.constant 0 : i32
          %dma_wait3A_112 = arith.constant 0 : i32
          %dma_wait3A_113 = tpu.memref_slice %arg13[%dma_wait3A_111, %dma_wait3A_112] : memref<10240x128xf32, #tpu.memory_space<vmem_shared>> -> memref<10240x128xf32, #tpu.memory_space<vmem_shared>>
          tpu.wait_indirect_dma semaphore(%run_scoped3A : memref<!tpu.dma_semaphore, #tpu.memory_space<semaphore_mem>>) src(%arg11 : memref<128x128xf32, #tpu.memory_space<vmem>>) dst(%dma_wait3A_113 : memref<10240x128xf32, #tpu.memory_space<vmem_shared>>)
          tpu.yield
        }) : () -> ()
        %add3A_101 = arith.constant 3 : i32
        %add3A_102 = arith.addi %mul3A_77, %add3A_101 : i32
        %lt3A_103 = arith.constant 120 : i32
        %lt3A_104 = arith.cmpi slt, %add3A_102, %lt3A_103 : i32
        %convert_element_type3A_105 = arith.extui %lt3A_104 : i1 to i32
        %cond3A_106 = arith.constant 0 : i32
        %cond3A_107 = arith.cmpi ne, %convert_element_type3A_105, %cond3A_106 : i32
        scf.if %cond3A_107 {
          %add3A_108 = arith.addi %mul3A_56, %mul3A_77 : i32
          %add3A_109 = arith.constant 3 : i32
          %add3A_110 = arith.addi %add3A_108, %add3A_109 : i32
          %mul3A_111 = arith.constant 128 : i32
          %mul3A_112 = arith.muli %add3A_110, %mul3A_111 : i32
          %dma_start3A_113 = tpu.memref_slice %arg3[%mul3A_112] : memref<331776xi32, #tpu.memory_space<hbm>> -> memref<128xi32, #tpu.memory_space<hbm>>
          %dma_start3A_114 = tpu.memref_slice %arg3[%mul3A_112] : memref<331776xi32, #tpu.memory_space<hbm>> -> memref<128xi32, #tpu.memory_space<hbm>>
          tpu.enqueue_dma source(%dma_start3A_114 : memref<128xi32, #tpu.memory_space<hbm>>) target(%arg8 : memref<128xi32, #tpu.memory_space<vmem>>) target_semaphore(%arg16 : memref<!tpu.dma_semaphore, #tpu.memory_space<semaphore_mem>>)
          %dma_start3A_115 = tpu.memref_slice %arg4[%mul3A_112] : memref<331776xi32, #tpu.memory_space<hbm>> -> memref<128xi32, #tpu.memory_space<hbm>>
          %dma_start3A_116 = tpu.memref_slice %arg4[%mul3A_112] : memref<331776xi32, #tpu.memory_space<hbm>> -> memref<128xi32, #tpu.memory_space<hbm>>
          tpu.enqueue_dma source(%dma_start3A_116 : memref<128xi32, #tpu.memory_space<hbm>>) target(%arg9 : memref<128xi32, #tpu.memory_space<vmem>>) target_semaphore(%arg16 : memref<!tpu.dma_semaphore, #tpu.memory_space<semaphore_mem>>)
        } else {
        }
      }
      %scan3A_74 = arith.constant 60 : i32
    } else {
    }
    %eq3A_45 = arith.constant 1 : i32
    %eq3A_46 = arith.cmpi eq, %arg0, %eq3A_45 : i32
    %convert_element_type3A_47 = arith.extui %eq3A_46 : i1 to i32
    %cond3A_48 = arith.constant 0 : i32
    %cond3A_49 = arith.cmpi ne, %convert_element_type3A_47, %cond3A_48 : i32
    scf.if %cond3A_49 {
      %mul3A_55 = arith.constant 42 : i32
      %mul3A_56 = arith.muli %arg1, %mul3A_55 : i32
      %add3A_57 = arith.constant 1920 : i32
      %add3A_58 = arith.addi %add3A_57, %mul3A_56 : i32
      %mul3A_59 = arith.constant 128 : i32
      %mul3A_60 = arith.muli %add3A_58, %mul3A_59 : i32
      "tpu.region"() ({
        %run_scoped3A = tpu.sem_alloc : memref<!tpu.dma_semaphore, #tpu.memory_space<semaphore_mem>>
        %dma_start3A_77 = tpu.memref_slice %arg3[%mul3A_60] : memref<331776xi32, #tpu.memory_space<hbm>> -> memref<128xi32, #tpu.memory_space<hbm>>
        %dma_start3A_78 = tpu.memref_slice %arg3[%mul3A_60] : memref<331776xi32, #tpu.memory_space<hbm>> -> memref<128xi32, #tpu.memory_space<hbm>>
        tpu.enqueue_dma source(%dma_start3A_78 : memref<128xi32, #tpu.memory_space<hbm>>) target(%arg6 : memref<128xi32, #tpu.memory_space<vmem>>) target_semaphore(%run_scoped3A : memref<!tpu.dma_semaphore, #tpu.memory_space<semaphore_mem>>)
        %dma_wait3A = tpu.memref_slice %arg3[%mul3A_60] : memref<331776xi32, #tpu.memory_space<hbm>> -> memref<128xi32, #tpu.memory_space<hbm>>
        %dma_wait3A_79 = tpu.memref_slice %arg3[%mul3A_60] : memref<331776xi32, #tpu.memory_space<hbm>> -> memref<128xi32, #tpu.memory_space<hbm>>
        tpu.wait_dma2 semaphore(%run_scoped3A : memref<!tpu.dma_semaphore, #tpu.memory_space<semaphore_mem>>) src(%dma_wait3A_79 : memref<128xi32, #tpu.memory_space<hbm>>) dst(%arg6 : memref<128xi32, #tpu.memory_space<vmem>>)
        tpu.yield
      }) : () -> ()
      "tpu.region"() ({
        %run_scoped3A = tpu.sem_alloc : memref<!tpu.dma_semaphore, #tpu.memory_space<semaphore_mem>>
        %dma_start3A_77 = tpu.memref_slice %arg4[%mul3A_60] : memref<331776xi32, #tpu.memory_space<hbm>> -> memref<128xi32, #tpu.memory_space<hbm>>
        %dma_start3A_78 = tpu.memref_slice %arg4[%mul3A_60] : memref<331776xi32, #tpu.memory_space<hbm>> -> memref<128xi32, #tpu.memory_space<hbm>>
        tpu.enqueue_dma source(%dma_start3A_78 : memref<128xi32, #tpu.memory_space<hbm>>) target(%arg7 : memref<128xi32, #tpu.memory_space<vmem>>) target_semaphore(%run_scoped3A : memref<!tpu.dma_semaphore, #tpu.memory_space<semaphore_mem>>)
        %dma_wait3A = tpu.memref_slice %arg4[%mul3A_60] : memref<331776xi32, #tpu.memory_space<hbm>> -> memref<128xi32, #tpu.memory_space<hbm>>
        %dma_wait3A_79 = tpu.memref_slice %arg4[%mul3A_60] : memref<331776xi32, #tpu.memory_space<hbm>> -> memref<128xi32, #tpu.memory_space<hbm>>
        tpu.wait_dma2 semaphore(%run_scoped3A : memref<!tpu.dma_semaphore, #tpu.memory_space<semaphore_mem>>) src(%dma_wait3A_79 : memref<128xi32, #tpu.memory_space<hbm>>) dst(%arg7 : memref<128xi32, #tpu.memory_space<vmem>>)
        tpu.yield
      }) : () -> ()
      %dma_start3A = arith.constant 0 : i32
      %dma_start3A_61 = arith.constant 0 : i32
      %dma_start3A_62 = tpu.memref_slice %arg2[%dma_start3A, %dma_start3A_61] : memref<10000x128xf32, #tpu.memory_space<hbm>> -> memref<10000x128xf32, #tpu.memory_space<hbm>>
      tpu.enqueue_indirect_dma source(%dma_start3A_62 : memref<10000x128xf32, #tpu.memory_space<hbm>>) target(%arg10 : memref<128x128xf32, #tpu.memory_space<vmem>>) offsets(%arg6 : memref<128xi32, #tpu.memory_space<vmem>>) semaphore(%arg14 : memref<!tpu.dma_semaphore, #tpu.memory_space<semaphore_mem>>)
      %add3A_63 = arith.constant 128 : i32
      %add3A_64 = arith.addi %mul3A_60, %add3A_63 : i32
      %dma_start3A_65 = tpu.memref_slice %arg3[%add3A_64] : memref<331776xi32, #tpu.memory_space<hbm>> -> memref<128xi32, #tpu.memory_space<hbm>>
      %dma_start3A_66 = tpu.memref_slice %arg3[%add3A_64] : memref<331776xi32, #tpu.memory_space<hbm>> -> memref<128xi32, #tpu.memory_space<hbm>>
      tpu.enqueue_dma source(%dma_start3A_66 : memref<128xi32, #tpu.memory_space<hbm>>) target(%arg8 : memref<128xi32, #tpu.memory_space<vmem>>) target_semaphore(%arg16 : memref<!tpu.dma_semaphore, #tpu.memory_space<semaphore_mem>>)
      %add3A_67 = arith.constant 128 : i32
      %add3A_68 = arith.addi %mul3A_60, %add3A_67 : i32
      %dma_start3A_69 = tpu.memref_slice %arg4[%add3A_68] : memref<331776xi32, #tpu.memory_space<hbm>> -> memref<128xi32, #tpu.memory_space<hbm>>
      %dma_start3A_70 = tpu.memref_slice %arg4[%add3A_68] : memref<331776xi32, #tpu.memory_space<hbm>> -> memref<128xi32, #tpu.memory_space<hbm>>
      tpu.enqueue_dma source(%dma_start3A_70 : memref<128xi32, #tpu.memory_space<hbm>>) target(%arg9 : memref<128xi32, #tpu.memory_space<vmem>>) target_semaphore(%arg16 : memref<!tpu.dma_semaphore, #tpu.memory_space<semaphore_mem>>)
      %scan3A_71 = arith.constant 0 : i32
      %scan3A_72 = arith.constant 0 : i32
      %scan3A_73 = arith.constant 21 : i32
      %scan3A_74 = arith.addi %scan3A_72, %scan3A_73 : i32
      %scan3A_75 = arith.constant 1 : i32
      scf.for %scan3A_77 = %scan3A_72 to %scan3A_74 step %scan3A_75  : i32 {
        %mul3A_78 = arith.constant 2 : i32
        %mul3A_79 = arith.muli %mul3A_78, %scan3A_77 : i32
        %add3A_80 = arith.addi %add3A_58, %mul3A_79 : i32
        %add3A_81 = arith.constant 1 : i32
        %add3A_82 = arith.addi %add3A_80, %add3A_81 : i32
        %mul3A_83 = arith.constant 128 : i32
        %mul3A_84 = arith.muli %add3A_82, %mul3A_83 : i32
        %dma_wait3A = tpu.memref_slice %arg3[%mul3A_84] : memref<331776xi32, #tpu.memory_space<hbm>> -> memref<128xi32, #tpu.memory_space<hbm>>
        %dma_wait3A_85 = tpu.memref_slice %arg3[%mul3A_84] : memref<331776xi32, #tpu.memory_space<hbm>> -> memref<128xi32, #tpu.memory_space<hbm>>
        tpu.wait_dma2 semaphore(%arg16 : memref<!tpu.dma_semaphore, #tpu.memory_space<semaphore_mem>>) src(%dma_wait3A_85 : memref<128xi32, #tpu.memory_space<hbm>>) dst(%arg8 : memref<128xi32, #tpu.memory_space<vmem>>)
        %dma_wait3A_86 = tpu.memref_slice %arg4[%mul3A_84] : memref<331776xi32, #tpu.memory_space<hbm>> -> memref<128xi32, #tpu.memory_space<hbm>>
        %dma_wait3A_87 = tpu.memref_slice %arg4[%mul3A_84] : memref<331776xi32, #tpu.memory_space<hbm>> -> memref<128xi32, #tpu.memory_space<hbm>>
        tpu.wait_dma2 semaphore(%arg16 : memref<!tpu.dma_semaphore, #tpu.memory_space<semaphore_mem>>) src(%dma_wait3A_87 : memref<128xi32, #tpu.memory_space<hbm>>) dst(%arg9 : memref<128xi32, #tpu.memory_space<vmem>>)
        %dma_start3A_88 = arith.constant 0 : i32
        %dma_start3A_89 = arith.constant 0 : i32
        %dma_start3A_90 = tpu.memref_slice %arg2[%dma_start3A_88, %dma_start3A_89] : memref<10000x128xf32, #tpu.memory_space<hbm>> -> memref<10000x128xf32, #tpu.memory_space<hbm>>
        tpu.enqueue_indirect_dma source(%dma_start3A_90 : memref<10000x128xf32, #tpu.memory_space<hbm>>) target(%arg11 : memref<128x128xf32, #tpu.memory_space<vmem>>) offsets(%arg8 : memref<128xi32, #tpu.memory_space<vmem>>) semaphore(%arg15 : memref<!tpu.dma_semaphore, #tpu.memory_space<semaphore_mem>>)
        %dma_wait3A_91 = arith.constant 0 : i32
        %dma_wait3A_92 = arith.constant 0 : i32
        %dma_wait3A_93 = tpu.memref_slice %arg2[%dma_wait3A_91, %dma_wait3A_92] : memref<10000x128xf32, #tpu.memory_space<hbm>> -> memref<10000x128xf32, #tpu.memory_space<hbm>>
        tpu.wait_indirect_dma semaphore(%arg14 : memref<!tpu.dma_semaphore, #tpu.memory_space<semaphore_mem>>) src(%dma_wait3A_93 : memref<10000x128xf32, #tpu.memory_space<hbm>>) dst(%arg10 : memref<128x128xf32, #tpu.memory_space<vmem>>)
        "tpu.region"() ({
          %run_scoped3A = tpu.sem_alloc : memref<!tpu.dma_semaphore, #tpu.memory_space<semaphore_mem>>
          %dma_start3A_110 = arith.constant 0 : i32
          %dma_start3A_111 = arith.constant 0 : i32
          %dma_start3A_112 = tpu.memref_slice %arg13[%dma_start3A_110, %dma_start3A_111] : memref<10240x128xf32, #tpu.memory_space<vmem_shared>> -> memref<10240x128xf32, #tpu.memory_space<vmem_shared>>
          tpu.enqueue_indirect_dma source(%arg10 : memref<128x128xf32, #tpu.memory_space<vmem>>) target(%dma_start3A_112 : memref<10240x128xf32, #tpu.memory_space<vmem_shared>>) offsets(%arg7 : memref<128xi32, #tpu.memory_space<vmem>>) semaphore(%run_scoped3A : memref<!tpu.dma_semaphore, #tpu.memory_space<semaphore_mem>>) {add = true}
          %dma_wait3A_113 = arith.constant 0 : i32
          %dma_wait3A_114 = arith.constant 0 : i32
          %dma_wait3A_115 = tpu.memref_slice %arg13[%dma_wait3A_113, %dma_wait3A_114] : memref<10240x128xf32, #tpu.memory_space<vmem_shared>> -> memref<10240x128xf32, #tpu.memory_space<vmem_shared>>
          tpu.wait_indirect_dma semaphore(%run_scoped3A : memref<!tpu.dma_semaphore, #tpu.memory_space<semaphore_mem>>) src(%arg10 : memref<128x128xf32, #tpu.memory_space<vmem>>) dst(%dma_wait3A_115 : memref<10240x128xf32, #tpu.memory_space<vmem_shared>>)
          tpu.yield
        }) : () -> ()
        %add3A_94 = arith.constant 2 : i32
        %add3A_95 = arith.addi %mul3A_79, %add3A_94 : i32
        %lt3A = arith.constant 42 : i32
        %lt3A_96 = arith.cmpi slt, %add3A_95, %lt3A : i32
        %convert_element_type3A_97 = arith.extui %lt3A_96 : i1 to i32
        %cond3A_98 = arith.constant 0 : i32
        %cond3A_99 = arith.cmpi ne, %convert_element_type3A_97, %cond3A_98 : i32
        scf.if %cond3A_99 {
          %add3A_110 = arith.addi %add3A_58, %mul3A_79 : i32
          %add3A_111 = arith.constant 2 : i32
          %add3A_112 = arith.addi %add3A_110, %add3A_111 : i32
          %mul3A_113 = arith.constant 128 : i32
          %mul3A_114 = arith.muli %add3A_112, %mul3A_113 : i32
          "tpu.region"() ({
            %run_scoped3A = tpu.sem_alloc : memref<!tpu.dma_semaphore, #tpu.memory_space<semaphore_mem>>
            %dma_start3A_118 = tpu.memref_slice %arg3[%mul3A_114] : memref<331776xi32, #tpu.memory_space<hbm>> -> memref<128xi32, #tpu.memory_space<hbm>>
            %dma_start3A_119 = tpu.memref_slice %arg3[%mul3A_114] : memref<331776xi32, #tpu.memory_space<hbm>> -> memref<128xi32, #tpu.memory_space<hbm>>
            tpu.enqueue_dma source(%dma_start3A_119 : memref<128xi32, #tpu.memory_space<hbm>>) target(%arg6 : memref<128xi32, #tpu.memory_space<vmem>>) target_semaphore(%run_scoped3A : memref<!tpu.dma_semaphore, #tpu.memory_space<semaphore_mem>>)
            %dma_wait3A_120 = tpu.memref_slice %arg3[%mul3A_114] : memref<331776xi32, #tpu.memory_space<hbm>> -> memref<128xi32, #tpu.memory_space<hbm>>
            %dma_wait3A_121 = tpu.memref_slice %arg3[%mul3A_114] : memref<331776xi32, #tpu.memory_space<hbm>> -> memref<128xi32, #tpu.memory_space<hbm>>
            tpu.wait_dma2 semaphore(%run_scoped3A : memref<!tpu.dma_semaphore, #tpu.memory_space<semaphore_mem>>) src(%dma_wait3A_121 : memref<128xi32, #tpu.memory_space<hbm>>) dst(%arg6 : memref<128xi32, #tpu.memory_space<vmem>>)
            tpu.yield
          }) : () -> ()
          "tpu.region"() ({
            %run_scoped3A = tpu.sem_alloc : memref<!tpu.dma_semaphore, #tpu.memory_space<semaphore_mem>>
            %dma_start3A_118 = tpu.memref_slice %arg4[%mul3A_114] : memref<331776xi32, #tpu.memory_space<hbm>> -> memref<128xi32, #tpu.memory_space<hbm>>
            %dma_start3A_119 = tpu.memref_slice %arg4[%mul3A_114] : memref<331776xi32, #tpu.memory_space<hbm>> -> memref<128xi32, #tpu.memory_space<hbm>>
            tpu.enqueue_dma source(%dma_start3A_119 : memref<128xi32, #tpu.memory_space<hbm>>) target(%arg7 : memref<128xi32, #tpu.memory_space<vmem>>) target_semaphore(%run_scoped3A : memref<!tpu.dma_semaphore, #tpu.memory_space<semaphore_mem>>)
            %dma_wait3A_120 = tpu.memref_slice %arg4[%mul3A_114] : memref<331776xi32, #tpu.memory_space<hbm>> -> memref<128xi32, #tpu.memory_space<hbm>>
            %dma_wait3A_121 = tpu.memref_slice %arg4[%mul3A_114] : memref<331776xi32, #tpu.memory_space<hbm>> -> memref<128xi32, #tpu.memory_space<hbm>>
            tpu.wait_dma2 semaphore(%run_scoped3A : memref<!tpu.dma_semaphore, #tpu.memory_space<semaphore_mem>>) src(%dma_wait3A_121 : memref<128xi32, #tpu.memory_space<hbm>>) dst(%arg7 : memref<128xi32, #tpu.memory_space<vmem>>)
            tpu.yield
          }) : () -> ()
          %dma_start3A_115 = arith.constant 0 : i32
          %dma_start3A_116 = arith.constant 0 : i32
          %dma_start3A_117 = tpu.memref_slice %arg2[%dma_start3A_115, %dma_start3A_116] : memref<10000x128xf32, #tpu.memory_space<hbm>> -> memref<10000x128xf32, #tpu.memory_space<hbm>>
          tpu.enqueue_indirect_dma source(%dma_start3A_117 : memref<10000x128xf32, #tpu.memory_space<hbm>>) target(%arg10 : memref<128x128xf32, #tpu.memory_space<vmem>>) offsets(%arg6 : memref<128xi32, #tpu.memory_space<vmem>>) semaphore(%arg14 : memref<!tpu.dma_semaphore, #tpu.memory_space<semaphore_mem>>)
        } else {
        }
        %dma_wait3A_100 = arith.constant 0 : i32
        %dma_wait3A_101 = arith.constant 0 : i32
        %dma_wait3A_102 = tpu.memref_slice %arg2[%dma_wait3A_100, %dma_wait3A_101] : memref<10000x128xf32, #tpu.memory_space<hbm>> -> memref<10000x128xf32, #tpu.memory_space<hbm>>
        tpu.wait_indirect_dma semaphore(%arg15 : memref<!tpu.dma_semaphore, #tpu.memory_space<semaphore_mem>>) src(%dma_wait3A_102 : memref<10000x128xf32, #tpu.memory_space<hbm>>) dst(%arg11 : memref<128x128xf32, #tpu.memory_space<vmem>>)
        "tpu.region"() ({
          %run_scoped3A = tpu.sem_alloc : memref<!tpu.dma_semaphore, #tpu.memory_space<semaphore_mem>>
          %dma_start3A_110 = arith.constant 0 : i32
          %dma_start3A_111 = arith.constant 0 : i32
          %dma_start3A_112 = tpu.memref_slice %arg13[%dma_start3A_110, %dma_start3A_111] : memref<10240x128xf32, #tpu.memory_space<vmem_shared>> -> memref<10240x128xf32, #tpu.memory_space<vmem_shared>>
          tpu.enqueue_indirect_dma source(%arg11 : memref<128x128xf32, #tpu.memory_space<vmem>>) target(%dma_start3A_112 : memref<10240x128xf32, #tpu.memory_space<vmem_shared>>) offsets(%arg9 : memref<128xi32, #tpu.memory_space<vmem>>) semaphore(%run_scoped3A : memref<!tpu.dma_semaphore, #tpu.memory_space<semaphore_mem>>) {add = true}
          %dma_wait3A_113 = arith.constant 0 : i32
          %dma_wait3A_114 = arith.constant 0 : i32
          %dma_wait3A_115 = tpu.memref_slice %arg13[%dma_wait3A_113, %dma_wait3A_114] : memref<10240x128xf32, #tpu.memory_space<vmem_shared>> -> memref<10240x128xf32, #tpu.memory_space<vmem_shared>>
          tpu.wait_indirect_dma semaphore(%run_scoped3A : memref<!tpu.dma_semaphore, #tpu.memory_space<semaphore_mem>>) src(%arg11 : memref<128x128xf32, #tpu.memory_space<vmem>>) dst(%dma_wait3A_115 : memref<10240x128xf32, #tpu.memory_space<vmem_shared>>)
          tpu.yield
        }) : () -> ()
        %add3A_103 = arith.constant 3 : i32
        %add3A_104 = arith.addi %mul3A_79, %add3A_103 : i32
        %lt3A_105 = arith.constant 42 : i32
        %lt3A_106 = arith.cmpi slt, %add3A_104, %lt3A_105 : i32
        %convert_element_type3A_107 = arith.extui %lt3A_106 : i1 to i32
        %cond3A_108 = arith.constant 0 : i32
        %cond3A_109 = arith.cmpi ne, %convert_element_type3A_107, %cond3A_108 : i32
        scf.if %cond3A_109 {
          %add3A_110 = arith.addi %add3A_58, %mul3A_79 : i32
          %add3A_111 = arith.constant 3 : i32
          %add3A_112 = arith.addi %add3A_110, %add3A_111 : i32
          %mul3A_113 = arith.constant 128 : i32
          %mul3A_114 = arith.muli %add3A_112, %mul3A_113 : i32
          %dma_start3A_115 = tpu.memref_slice %arg3[%mul3A_114] : memref<331776xi32, #tpu.memory_space<hbm>> -> memref<128xi32, #tpu.memory_space<hbm>>
          %dma_start3A_116 = tpu.memref_slice %arg3[%mul3A_114] : memref<331776xi32, #tpu.memory_space<hbm>> -> memref<128xi32, #tpu.memory_space<hbm>>
          tpu.enqueue_dma source(%dma_start3A_116 : memref<128xi32, #tpu.memory_space<hbm>>) target(%arg8 : memref<128xi32, #tpu.memory_space<vmem>>) target_semaphore(%arg16 : memref<!tpu.dma_semaphore, #tpu.memory_space<semaphore_mem>>)
          %dma_start3A_117 = tpu.memref_slice %arg4[%mul3A_114] : memref<331776xi32, #tpu.memory_space<hbm>> -> memref<128xi32, #tpu.memory_space<hbm>>
          %dma_start3A_118 = tpu.memref_slice %arg4[%mul3A_114] : memref<331776xi32, #tpu.memory_space<hbm>> -> memref<128xi32, #tpu.memory_space<hbm>>
          tpu.enqueue_dma source(%dma_start3A_118 : memref<128xi32, #tpu.memory_space<hbm>>) target(%arg9 : memref<128xi32, #tpu.memory_space<vmem>>) target_semaphore(%arg16 : memref<!tpu.dma_semaphore, #tpu.memory_space<semaphore_mem>>)
        } else {
        }
      }
      %scan3A_76 = arith.constant 21 : i32
    } else {
    }
    %barrier3A_50 = arith.constant 0 : index
    tpu.barrier barrier_id(%barrier3A_50)
    %mul3A_51 = arith.constant 640 : i32
    %mul3A_52 = arith.muli %arg1, %mul3A_51 : i32
    %mul3A_53 = arith.constant 640 : i32
    %mul3A_54 = arith.muli %arg1, %mul3A_53 : i32
    "tpu.region"() ({
      %run_scoped3A = tpu.sem_alloc : memref<!tpu.dma_semaphore, #tpu.memory_space<semaphore_mem>>
      %dma_start3A = arith.constant 0 : i32
      %dma_start3A_55 = arith.constant 0 : i32
      %dma_start3A_56 = tpu.memref_slice %arg5[%arg0, %dma_start3A, %dma_start3A_55] : memref<2x10240x128xf32, #tpu.memory_space<hbm>> -> memref<1x10240x128xf32, #tpu.memory_space<hbm>>
      %dma_start3A_57 = tpu.memref_squeeze %dma_start3A_56 : memref<1x10240x128xf32, #tpu.memory_space<hbm>> -> memref<10240x128xf32, #tpu.memory_space<hbm>>
      %dma_start3A_58 = arith.constant 0 : i32
      %dma_start3A_59 = tpu.memref_slice %dma_start3A_57[%mul3A_54, %dma_start3A_58] : memref<10240x128xf32, #tpu.memory_space<hbm>> -> memref<640x128xf32, #tpu.memory_space<hbm>>
      %dma_start3A_60 = arith.constant 0 : i32
      %dma_start3A_61 = tpu.memref_slice %arg13[%mul3A_52, %dma_start3A_60] : memref<10240x128xf32, #tpu.memory_space<vmem_shared>> -> memref<640x128xf32, #tpu.memory_space<vmem_shared>>
      tpu.enqueue_dma source(%dma_start3A_61 : memref<640x128xf32, #tpu.memory_space<vmem_shared>>) target(%dma_start3A_59 : memref<640x128xf32, #tpu.memory_space<hbm>>) target_semaphore(%run_scoped3A : memref<!tpu.dma_semaphore, #tpu.memory_space<semaphore_mem>>)
      %dma_wait3A = arith.constant 0 : i32
      %dma_wait3A_62 = arith.constant 0 : i32
      %dma_wait3A_63 = tpu.memref_slice %arg5[%arg0, %dma_wait3A, %dma_wait3A_62] : memref<2x10240x128xf32, #tpu.memory_space<hbm>> -> memref<1x10240x128xf32, #tpu.memory_space<hbm>>
      %dma_wait3A_64 = tpu.memref_squeeze %dma_wait3A_63 : memref<1x10240x128xf32, #tpu.memory_space<hbm>> -> memref<10240x128xf32, #tpu.memory_space<hbm>>
      %dma_wait3A_65 = arith.constant 0 : i32
      %dma_wait3A_66 = tpu.memref_slice %dma_wait3A_64[%mul3A_54, %dma_wait3A_65] : memref<10240x128xf32, #tpu.memory_space<hbm>> -> memref<640x128xf32, #tpu.memory_space<hbm>>
      %dma_wait3A_67 = arith.constant 0 : i32
      %dma_wait3A_68 = tpu.memref_slice %arg13[%mul3A_52, %dma_wait3A_67] : memref<10240x128xf32, #tpu.memory_space<vmem_shared>> -> memref<640x128xf32, #tpu.memory_space<vmem_shared>>
      tpu.wait_dma2 semaphore(%run_scoped3A : memref<!tpu.dma_semaphore, #tpu.memory_space<semaphore_mem>>) src(%dma_wait3A_68 : memref<640x128xf32, #tpu.memory_space<vmem_shared>>) dst(%dma_wait3A_66 : memref<640x128xf32, #tpu.memory_space<hbm>>)
      tpu.yield
    }) : () -> ()
    return
  }
}

#map = affine_map<(d0, d1) -> (0)>
#map1 = affine_map<(d0, d1) -> (0, 0, 0)>
module attributes {stable_mosaic.version = 14 : i64} {
  func.func @body(%arg0: i32, %arg1: i32, %arg2: memref<331776xi32, #tpu.memory_space<hbm>>, %arg3: memref<2x10240x128xf32, #tpu.memory_space<hbm>>, %arg4: memref<128xi32, #tpu.memory_space<vmem>>, %arg5: memref<128x128xf32, #tpu.memory_space<vmem>>, %arg6: memref<64x128xf32, #tpu.memory_space<vmem>>, %arg7: memref<10240x128xf32, #tpu.memory_space<vmem_shared>>) attributes {dimension_semantics = [#tpu.dimension_semantics<core_parallel>, #tpu.dimension_semantics<subcore_parallel>], iteration_bounds = array<i64: 2, 16>, scalar_prefetch = 0 : i64, scratch_operands = 4 : i64, tpu.core_type = #tpu.core_type<sc_vector_subcore>, window_params = [{transform_indices = #map}, {transform_indices = #map1}]} {
    %mul3A = arith.constant 2 : i32
    %mul3A_0 = arith.muli %arg1, %mul3A : i32
    %add3A = arith.addi %mul3A_0, %arg0 : i32
    %scan3A = arith.constant 0 : i32
    %scan3A_1 = arith.constant 0 : i32
    %scan3A_2 = arith.constant 64 : i32
    %scan3A_3 = arith.addi %scan3A_1, %scan3A_2 : i32
    %scan3A_4 = arith.constant 1 : i32
    scf.for %scan3A_63 = %scan3A_1 to %scan3A_3 step %scan3A_4  : i32 {
      %broadcast_in_dim3A = arith.constant 0.000000e+00 : f32
      %broadcast_in_dim3A_64 = vector.broadcast %broadcast_in_dim3A : f32 to vector<16xf32>
      %swap3A = arith.index_cast %scan3A_63 : i32 to index
      %swap3A_65 = arith.constant 0 : index
      %swap3A_66 = tpu.vector_load %arg6[%swap3A, %swap3A_65] {strides = array<i32>} : memref<64x128xf32, #tpu.memory_space<vmem>>, vector<1x16xf32>,
      %swap3A_67 = vector.shape_cast %swap3A_66 : vector<1x16xf32> to vector<16xf32>
      %swap3A_68 = vector.shape_cast %broadcast_in_dim3A_64 : vector<16xf32> to vector<1x16xf32>
      tpu.vector_store %arg6[%swap3A, %swap3A_65], %swap3A_68 {strides = array<i32>} : memref<64x128xf32, #tpu.memory_space<vmem>>, vector<1x16xf32>,
      %broadcast_in_dim3A_69 = arith.constant 1.000000e+00 : f32
      %broadcast_in_dim3A_70 = vector.broadcast %broadcast_in_dim3A_69 : f32 to vector<16xf32>
      %swap3A_71 = arith.index_cast %scan3A_63 : i32 to index
      %swap3A_72 = arith.constant 0 : index
      %swap3A_73 = tpu.vector_load %arg5[%swap3A_71, %swap3A_72] {strides = array<i32>} : memref<128x128xf32, #tpu.memory_space<vmem>>, vector<1x16xf32>,
      %swap3A_74 = vector.shape_cast %swap3A_73 : vector<1x16xf32> to vector<16xf32>
      %swap3A_75 = vector.shape_cast %broadcast_in_dim3A_70 : vector<16xf32> to vector<1x16xf32>
      tpu.vector_store %arg5[%swap3A_71, %swap3A_72], %swap3A_75 {strides = array<i32>} : memref<128x128xf32, #tpu.memory_space<vmem>>, vector<1x16xf32>,
      %broadcast_in_dim3A_76 = arith.constant 0.000000e+00 : f32
      %broadcast_in_dim3A_77 = vector.broadcast %broadcast_in_dim3A_76 : f32 to vector<16xf32>
      %swap3A_78 = arith.index_cast %scan3A_63 : i32 to index
      %swap3A_79 = arith.constant 16 : index
      %swap3A_80 = tpu.vector_load %arg6[%swap3A_78, %swap3A_79] {strides = array<i32>} : memref<64x128xf32, #tpu.memory_space<vmem>>, vector<1x16xf32>,
      %swap3A_81 = vector.shape_cast %swap3A_80 : vector<1x16xf32> to vector<16xf32>
      %swap3A_82 = vector.shape_cast %broadcast_in_dim3A_77 : vector<16xf32> to vector<1x16xf32>
      tpu.vector_store %arg6[%swap3A_78, %swap3A_79], %swap3A_82 {strides = array<i32>} : memref<64x128xf32, #tpu.memory_space<vmem>>, vector<1x16xf32>,
      %broadcast_in_dim3A_83 = arith.constant 1.000000e+00 : f32
      %broadcast_in_dim3A_84 = vector.broadcast %broadcast_in_dim3A_83 : f32 to vector<16xf32>
      %swap3A_85 = arith.index_cast %scan3A_63 : i32 to index
      %swap3A_86 = arith.constant 16 : index
      %swap3A_87 = tpu.vector_load %arg5[%swap3A_85, %swap3A_86] {strides = array<i32>} : memref<128x128xf32, #tpu.memory_space<vmem>>, vector<1x16xf32>,
      %swap3A_88 = vector.shape_cast %swap3A_87 : vector<1x16xf32> to vector<16xf32>
      %swap3A_89 = vector.shape_cast %broadcast_in_dim3A_84 : vector<16xf32> to vector<1x16xf32>
      tpu.vector_store %arg5[%swap3A_85, %swap3A_86], %swap3A_89 {strides = array<i32>} : memref<128x128xf32, #tpu.memory_space<vmem>>, vector<1x16xf32>,
      %broadcast_in_dim3A_90 = arith.constant 0.000000e+00 : f32
      %broadcast_in_dim3A_91 = vector.broadcast %broadcast_in_dim3A_90 : f32 to vector<16xf32>
      %swap3A_92 = arith.index_cast %scan3A_63 : i32 to index
      %swap3A_93 = arith.constant 32 : index
      %swap3A_94 = tpu.vector_load %arg6[%swap3A_92, %swap3A_93] {strides = array<i32>} : memref<64x128xf32, #tpu.memory_space<vmem>>, vector<1x16xf32>,
      %swap3A_95 = vector.shape_cast %swap3A_94 : vector<1x16xf32> to vector<16xf32>
      %swap3A_96 = vector.shape_cast %broadcast_in_dim3A_91 : vector<16xf32> to vector<1x16xf32>
      tpu.vector_store %arg6[%swap3A_92, %swap3A_93], %swap3A_96 {strides = array<i32>} : memref<64x128xf32, #tpu.memory_space<vmem>>, vector<1x16xf32>,
      %broadcast_in_dim3A_97 = arith.constant 1.000000e+00 : f32
      %broadcast_in_dim3A_98 = vector.broadcast %broadcast_in_dim3A_97 : f32 to vector<16xf32>
      %swap3A_99 = arith.index_cast %scan3A_63 : i32 to index
      %swap3A_100 = arith.constant 32 : index
      %swap3A_101 = tpu.vector_load %arg5[%swap3A_99, %swap3A_100] {strides = array<i32>} : memref<128x128xf32, #tpu.memory_space<vmem>>, vector<1x16xf32>,
      %swap3A_102 = vector.shape_cast %swap3A_101 : vector<1x16xf32> to vector<16xf32>
      %swap3A_103 = vector.shape_cast %broadcast_in_dim3A_98 : vector<16xf32> to vector<1x16xf32>
      tpu.vector_store %arg5[%swap3A_99, %swap3A_100], %swap3A_103 {strides = array<i32>} : memref<128x128xf32, #tpu.memory_space<vmem>>, vector<1x16xf32>,
      %broadcast_in_dim3A_104 = arith.constant 0.000000e+00 : f32
      %broadcast_in_dim3A_105 = vector.broadcast %broadcast_in_dim3A_104 : f32 to vector<16xf32>
      %swap3A_106 = arith.index_cast %scan3A_63 : i32 to index
      %swap3A_107 = arith.constant 48 : index
      %swap3A_108 = tpu.vector_load %arg6[%swap3A_106, %swap3A_107] {strides = array<i32>} : memref<64x128xf32, #tpu.memory_space<vmem>>, vector<1x16xf32>,
      %swap3A_109 = vector.shape_cast %swap3A_108 : vector<1x16xf32> to vector<16xf32>
      %swap3A_110 = vector.shape_cast %broadcast_in_dim3A_105 : vector<16xf32> to vector<1x16xf32>
      tpu.vector_store %arg6[%swap3A_106, %swap3A_107], %swap3A_110 {strides = array<i32>} : memref<64x128xf32, #tpu.memory_space<vmem>>, vector<1x16xf32>,
      %broadcast_in_dim3A_111 = arith.constant 1.000000e+00 : f32
      %broadcast_in_dim3A_112 = vector.broadcast %broadcast_in_dim3A_111 : f32 to vector<16xf32>
      %swap3A_113 = arith.index_cast %scan3A_63 : i32 to index
      %swap3A_114 = arith.constant 48 : index
      %swap3A_115 = tpu.vector_load %arg5[%swap3A_113, %swap3A_114] {strides = array<i32>} : memref<128x128xf32, #tpu.memory_space<vmem>>, vector<1x16xf32>,
      %swap3A_116 = vector.shape_cast %swap3A_115 : vector<1x16xf32> to vector<16xf32>
      %swap3A_117 = vector.shape_cast %broadcast_in_dim3A_112 : vector<16xf32> to vector<1x16xf32>
      tpu.vector_store %arg5[%swap3A_113, %swap3A_114], %swap3A_117 {strides = array<i32>} : memref<128x128xf32, #tpu.memory_space<vmem>>, vector<1x16xf32>,
      %broadcast_in_dim3A_118 = arith.constant 0.000000e+00 : f32
      %broadcast_in_dim3A_119 = vector.broadcast %broadcast_in_dim3A_118 : f32 to vector<16xf32>
      %swap3A_120 = arith.index_cast %scan3A_63 : i32 to index
      %swap3A_121 = arith.constant 64 : index
      %swap3A_122 = tpu.vector_load %arg6[%swap3A_120, %swap3A_121] {strides = array<i32>} : memref<64x128xf32, #tpu.memory_space<vmem>>, vector<1x16xf32>,
      %swap3A_123 = vector.shape_cast %swap3A_122 : vector<1x16xf32> to vector<16xf32>
      %swap3A_124 = vector.shape_cast %broadcast_in_dim3A_119 : vector<16xf32> to vector<1x16xf32>
      tpu.vector_store %arg6[%swap3A_120, %swap3A_121], %swap3A_124 {strides = array<i32>} : memref<64x128xf32, #tpu.memory_space<vmem>>, vector<1x16xf32>,
      %broadcast_in_dim3A_125 = arith.constant 1.000000e+00 : f32
      %broadcast_in_dim3A_126 = vector.broadcast %broadcast_in_dim3A_125 : f32 to vector<16xf32>
      %swap3A_127 = arith.index_cast %scan3A_63 : i32 to index
      %swap3A_128 = arith.constant 64 : index
      %swap3A_129 = tpu.vector_load %arg5[%swap3A_127, %swap3A_128] {strides = array<i32>} : memref<128x128xf32, #tpu.memory_space<vmem>>, vector<1x16xf32>,
      %swap3A_130 = vector.shape_cast %swap3A_129 : vector<1x16xf32> to vector<16xf32>
      %swap3A_131 = vector.shape_cast %broadcast_in_dim3A_126 : vector<16xf32> to vector<1x16xf32>
      tpu.vector_store %arg5[%swap3A_127, %swap3A_128], %swap3A_131 {strides = array<i32>} : memref<128x128xf32, #tpu.memory_space<vmem>>, vector<1x16xf32>,
      %broadcast_in_dim3A_132 = arith.constant 0.000000e+00 : f32
      %broadcast_in_dim3A_133 = vector.broadcast %broadcast_in_dim3A_132 : f32 to vector<16xf32>
      %swap3A_134 = arith.index_cast %scan3A_63 : i32 to index
      %swap3A_135 = arith.constant 80 : index
      %swap3A_136 = tpu.vector_load %arg6[%swap3A_134, %swap3A_135] {strides = array<i32>} : memref<64x128xf32, #tpu.memory_space<vmem>>, vector<1x16xf32>,
      %swap3A_137 = vector.shape_cast %swap3A_136 : vector<1x16xf32> to vector<16xf32>
      %swap3A_138 = vector.shape_cast %broadcast_in_dim3A_133 : vector<16xf32> to vector<1x16xf32>
      tpu.vector_store %arg6[%swap3A_134, %swap3A_135], %swap3A_138 {strides = array<i32>} : memref<64x128xf32, #tpu.memory_space<vmem>>, vector<1x16xf32>,
      %broadcast_in_dim3A_139 = arith.constant 1.000000e+00 : f32
      %broadcast_in_dim3A_140 = vector.broadcast %broadcast_in_dim3A_139 : f32 to vector<16xf32>
      %swap3A_141 = arith.index_cast %scan3A_63 : i32 to index
      %swap3A_142 = arith.constant 80 : index
      %swap3A_143 = tpu.vector_load %arg5[%swap3A_141, %swap3A_142] {strides = array<i32>} : memref<128x128xf32, #tpu.memory_space<vmem>>, vector<1x16xf32>,
      %swap3A_144 = vector.shape_cast %swap3A_143 : vector<1x16xf32> to vector<16xf32>
      %swap3A_145 = vector.shape_cast %broadcast_in_dim3A_140 : vector<16xf32> to vector<1x16xf32>
      tpu.vector_store %arg5[%swap3A_141, %swap3A_142], %swap3A_145 {strides = array<i32>} : memref<128x128xf32, #tpu.memory_space<vmem>>, vector<1x16xf32>,
      %broadcast_in_dim3A_146 = arith.constant 0.000000e+00 : f32
      %broadcast_in_dim3A_147 = vector.broadcast %broadcast_in_dim3A_146 : f32 to vector<16xf32>
      %swap3A_148 = arith.index_cast %scan3A_63 : i32 to index
      %swap3A_149 = arith.constant 96 : index
      %swap3A_150 = tpu.vector_load %arg6[%swap3A_148, %swap3A_149] {strides = array<i32>} : memref<64x128xf32, #tpu.memory_space<vmem>>, vector<1x16xf32>,
      %swap3A_151 = vector.shape_cast %swap3A_150 : vector<1x16xf32> to vector<16xf32>
      %swap3A_152 = vector.shape_cast %broadcast_in_dim3A_147 : vector<16xf32> to vector<1x16xf32>
      tpu.vector_store %arg6[%swap3A_148, %swap3A_149], %swap3A_152 {strides = array<i32>} : memref<64x128xf32, #tpu.memory_space<vmem>>, vector<1x16xf32>,
      %broadcast_in_dim3A_153 = arith.constant 1.000000e+00 : f32
      %broadcast_in_dim3A_154 = vector.broadcast %broadcast_in_dim3A_153 : f32 to vector<16xf32>
      %swap3A_155 = arith.index_cast %scan3A_63 : i32 to index
      %swap3A_156 = arith.constant 96 : index
      %swap3A_157 = tpu.vector_load %arg5[%swap3A_155, %swap3A_156] {strides = array<i32>} : memref<128x128xf32, #tpu.memory_space<vmem>>, vector<1x16xf32>,
      %swap3A_158 = vector.shape_cast %swap3A_157 : vector<1x16xf32> to vector<16xf32>
      %swap3A_159 = vector.shape_cast %broadcast_in_dim3A_154 : vector<16xf32> to vector<1x16xf32>
      tpu.vector_store %arg5[%swap3A_155, %swap3A_156], %swap3A_159 {strides = array<i32>} : memref<128x128xf32, #tpu.memory_space<vmem>>, vector<1x16xf32>,
      %broadcast_in_dim3A_160 = arith.constant 0.000000e+00 : f32
      %broadcast_in_dim3A_161 = vector.broadcast %broadcast_in_dim3A_160 : f32 to vector<16xf32>
      %swap3A_162 = arith.index_cast %scan3A_63 : i32 to index
      %swap3A_163 = arith.constant 112 : index
      %swap3A_164 = tpu.vector_load %arg6[%swap3A_162, %swap3A_163] {strides = array<i32>} : memref<64x128xf32, #tpu.memory_space<vmem>>, vector<1x16xf32>,
      %swap3A_165 = vector.shape_cast %swap3A_164 : vector<1x16xf32> to vector<16xf32>
      %swap3A_166 = vector.shape_cast %broadcast_in_dim3A_161 : vector<16xf32> to vector<1x16xf32>
      tpu.vector_store %arg6[%swap3A_162, %swap3A_163], %swap3A_166 {strides = array<i32>} : memref<64x128xf32, #tpu.memory_space<vmem>>, vector<1x16xf32>,
      %broadcast_in_dim3A_167 = arith.constant 1.000000e+00 : f32
      %broadcast_in_dim3A_168 = vector.broadcast %broadcast_in_dim3A_167 : f32 to vector<16xf32>
      %swap3A_169 = arith.index_cast %scan3A_63 : i32 to index
      %swap3A_170 = arith.constant 112 : index
      %swap3A_171 = tpu.vector_load %arg5[%swap3A_169, %swap3A_170] {strides = array<i32>} : memref<128x128xf32, #tpu.memory_space<vmem>>, vector<1x16xf32>,
      %swap3A_172 = vector.shape_cast %swap3A_171 : vector<1x16xf32> to vector<16xf32>
      %swap3A_173 = vector.shape_cast %broadcast_in_dim3A_168 : vector<16xf32> to vector<1x16xf32>
      tpu.vector_store %arg5[%swap3A_169, %swap3A_170], %swap3A_173 {strides = array<i32>} : memref<128x128xf32, #tpu.memory_space<vmem>>, vector<1x16xf32>,
    }
    %scan3A_5 = arith.constant 64 : i32
    %scan3A_6 = arith.constant 0 : i32
    %scan3A_7 = arith.constant 64 : i32
    %scan3A_8 = arith.constant 64 : i32
    %scan3A_9 = arith.addi %scan3A_7, %scan3A_8 : i32
    %scan3A_10 = arith.constant 1 : i32
    scf.for %scan3A_63 = %scan3A_7 to %scan3A_9 step %scan3A_10  : i32 {
      %broadcast_in_dim3A = arith.constant 1.000000e+00 : f32
      %broadcast_in_dim3A_64 = vector.broadcast %broadcast_in_dim3A : f32 to vector<16xf32>
      %swap3A = arith.index_cast %scan3A_63 : i32 to index
      %swap3A_65 = arith.constant 0 : index
      %swap3A_66 = tpu.vector_load %arg5[%swap3A, %swap3A_65] {strides = array<i32>} : memref<128x128xf32, #tpu.memory_space<vmem>>, vector<1x16xf32>,
      %swap3A_67 = vector.shape_cast %swap3A_66 : vector<1x16xf32> to vector<16xf32>
      %swap3A_68 = vector.shape_cast %broadcast_in_dim3A_64 : vector<16xf32> to vector<1x16xf32>
      tpu.vector_store %arg5[%swap3A, %swap3A_65], %swap3A_68 {strides = array<i32>} : memref<128x128xf32, #tpu.memory_space<vmem>>, vector<1x16xf32>,
      %broadcast_in_dim3A_69 = arith.constant 1.000000e+00 : f32
      %broadcast_in_dim3A_70 = vector.broadcast %broadcast_in_dim3A_69 : f32 to vector<16xf32>
      %swap3A_71 = arith.index_cast %scan3A_63 : i32 to index
      %swap3A_72 = arith.constant 16 : index
      %swap3A_73 = tpu.vector_load %arg5[%swap3A_71, %swap3A_72] {strides = array<i32>} : memref<128x128xf32, #tpu.memory_space<vmem>>, vector<1x16xf32>,
      %swap3A_74 = vector.shape_cast %swap3A_73 : vector<1x16xf32> to vector<16xf32>
      %swap3A_75 = vector.shape_cast %broadcast_in_dim3A_70 : vector<16xf32> to vector<1x16xf32>
      tpu.vector_store %arg5[%swap3A_71, %swap3A_72], %swap3A_75 {strides = array<i32>} : memref<128x128xf32, #tpu.memory_space<vmem>>, vector<1x16xf32>,
      %broadcast_in_dim3A_76 = arith.constant 1.000000e+00 : f32
      %broadcast_in_dim3A_77 = vector.broadcast %broadcast_in_dim3A_76 : f32 to vector<16xf32>
      %swap3A_78 = arith.index_cast %scan3A_63 : i32 to index
      %swap3A_79 = arith.constant 32 : index
      %swap3A_80 = tpu.vector_load %arg5[%swap3A_78, %swap3A_79] {strides = array<i32>} : memref<128x128xf32, #tpu.memory_space<vmem>>, vector<1x16xf32>,
      %swap3A_81 = vector.shape_cast %swap3A_80 : vector<1x16xf32> to vector<16xf32>
      %swap3A_82 = vector.shape_cast %broadcast_in_dim3A_77 : vector<16xf32> to vector<1x16xf32>
      tpu.vector_store %arg5[%swap3A_78, %swap3A_79], %swap3A_82 {strides = array<i32>} : memref<128x128xf32, #tpu.memory_space<vmem>>, vector<1x16xf32>,
      %broadcast_in_dim3A_83 = arith.constant 1.000000e+00 : f32
      %broadcast_in_dim3A_84 = vector.broadcast %broadcast_in_dim3A_83 : f32 to vector<16xf32>
      %swap3A_85 = arith.index_cast %scan3A_63 : i32 to index
      %swap3A_86 = arith.constant 48 : index
      %swap3A_87 = tpu.vector_load %arg5[%swap3A_85, %swap3A_86] {strides = array<i32>} : memref<128x128xf32, #tpu.memory_space<vmem>>, vector<1x16xf32>,
      %swap3A_88 = vector.shape_cast %swap3A_87 : vector<1x16xf32> to vector<16xf32>
      %swap3A_89 = vector.shape_cast %broadcast_in_dim3A_84 : vector<16xf32> to vector<1x16xf32>
      tpu.vector_store %arg5[%swap3A_85, %swap3A_86], %swap3A_89 {strides = array<i32>} : memref<128x128xf32, #tpu.memory_space<vmem>>, vector<1x16xf32>,
      %broadcast_in_dim3A_90 = arith.constant 1.000000e+00 : f32
      %broadcast_in_dim3A_91 = vector.broadcast %broadcast_in_dim3A_90 : f32 to vector<16xf32>
      %swap3A_92 = arith.index_cast %scan3A_63 : i32 to index
      %swap3A_93 = arith.constant 64 : index
      %swap3A_94 = tpu.vector_load %arg5[%swap3A_92, %swap3A_93] {strides = array<i32>} : memref<128x128xf32, #tpu.memory_space<vmem>>, vector<1x16xf32>,
      %swap3A_95 = vector.shape_cast %swap3A_94 : vector<1x16xf32> to vector<16xf32>
      %swap3A_96 = vector.shape_cast %broadcast_in_dim3A_91 : vector<16xf32> to vector<1x16xf32>
      tpu.vector_store %arg5[%swap3A_92, %swap3A_93], %swap3A_96 {strides = array<i32>} : memref<128x128xf32, #tpu.memory_space<vmem>>, vector<1x16xf32>,
      %broadcast_in_dim3A_97 = arith.constant 1.000000e+00 : f32
      %broadcast_in_dim3A_98 = vector.broadcast %broadcast_in_dim3A_97 : f32 to vector<16xf32>
      %swap3A_99 = arith.index_cast %scan3A_63 : i32 to index
      %swap3A_100 = arith.constant 80 : index
      %swap3A_101 = tpu.vector_load %arg5[%swap3A_99, %swap3A_100] {strides = array<i32>} : memref<128x128xf32, #tpu.memory_space<vmem>>, vector<1x16xf32>,
      %swap3A_102 = vector.shape_cast %swap3A_101 : vector<1x16xf32> to vector<16xf32>
      %swap3A_103 = vector.shape_cast %broadcast_in_dim3A_98 : vector<16xf32> to vector<1x16xf32>
      tpu.vector_store %arg5[%swap3A_99, %swap3A_100], %swap3A_103 {strides = array<i32>} : memref<128x128xf32, #tpu.memory_space<vmem>>, vector<1x16xf32>,
      %broadcast_in_dim3A_104 = arith.constant 1.000000e+00 : f32
      %broadcast_in_dim3A_105 = vector.broadcast %broadcast_in_dim3A_104 : f32 to vector<16xf32>
      %swap3A_106 = arith.index_cast %scan3A_63 : i32 to index
      %swap3A_107 = arith.constant 96 : index
      %swap3A_108 = tpu.vector_load %arg5[%swap3A_106, %swap3A_107] {strides = array<i32>} : memref<128x128xf32, #tpu.memory_space<vmem>>, vector<1x16xf32>,
      %swap3A_109 = vector.shape_cast %swap3A_108 : vector<1x16xf32> to vector<16xf32>
      %swap3A_110 = vector.shape_cast %broadcast_in_dim3A_105 : vector<16xf32> to vector<1x16xf32>
      tpu.vector_store %arg5[%swap3A_106, %swap3A_107], %swap3A_110 {strides = array<i32>} : memref<128x128xf32, #tpu.memory_space<vmem>>, vector<1x16xf32>,
      %broadcast_in_dim3A_111 = arith.constant 1.000000e+00 : f32
      %broadcast_in_dim3A_112 = vector.broadcast %broadcast_in_dim3A_111 : f32 to vector<16xf32>
      %swap3A_113 = arith.index_cast %scan3A_63 : i32 to index
      %swap3A_114 = arith.constant 112 : index
      %swap3A_115 = tpu.vector_load %arg5[%swap3A_113, %swap3A_114] {strides = array<i32>} : memref<128x128xf32, #tpu.memory_space<vmem>>, vector<1x16xf32>,
      %swap3A_116 = vector.shape_cast %swap3A_115 : vector<1x16xf32> to vector<16xf32>
      %swap3A_117 = vector.shape_cast %broadcast_in_dim3A_112 : vector<16xf32> to vector<1x16xf32>
      tpu.vector_store %arg5[%swap3A_113, %swap3A_114], %swap3A_117 {strides = array<i32>} : memref<128x128xf32, #tpu.memory_space<vmem>>, vector<1x16xf32>,
    }
    %scan3A_11 = arith.constant 64 : i32
    %mul3A_12 = arith.constant 640 : i32
    %mul3A_13 = arith.muli %arg1, %mul3A_12 : i32
    %add3A_14 = arith.constant 0 : i32
    %add3A_15 = arith.addi %mul3A_13, %add3A_14 : i32
    "tpu.region"() ({
      %run_scoped3A = tpu.sem_alloc : memref<!tpu.dma_semaphore, #tpu.memory_space<semaphore_mem>>
      %dma_start3A = arith.constant 0 : i32
      %dma_start3A_63 = tpu.memref_slice %arg7[%add3A_15, %dma_start3A] : memref<10240x128xf32, #tpu.memory_space<vmem_shared>> -> memref<64x128xf32, #tpu.memory_space<vmem_shared>>
      %dma_start3A_64 = arith.constant 0 : i32
      %dma_start3A_65 = tpu.memref_slice %arg7[%add3A_15, %dma_start3A_64] : memref<10240x128xf32, #tpu.memory_space<vmem_shared>> -> memref<64x128xf32, #tpu.memory_space<vmem_shared>>
      tpu.enqueue_dma source(%arg6 : memref<64x128xf32, #tpu.memory_space<vmem>>) target(%dma_start3A_65 : memref<64x128xf32, #tpu.memory_space<vmem_shared>>) target_semaphore(%run_scoped3A : memref<!tpu.dma_semaphore, #tpu.memory_space<semaphore_mem>>)
      %dma_wait3A = arith.constant 0 : i32
      %dma_wait3A_66 = tpu.memref_slice %arg7[%add3A_15, %dma_wait3A] : memref<10240x128xf32, #tpu.memory_space<vmem_shared>> -> memref<64x128xf32, #tpu.memory_space<vmem_shared>>
      %dma_wait3A_67 = arith.constant 0 : i32
      %dma_wait3A_68 = tpu.memref_slice %arg7[%add3A_15, %dma_wait3A_67] : memref<10240x128xf32, #tpu.memory_space<vmem_shared>> -> memref<64x128xf32, #tpu.memory_space<vmem_shared>>
      tpu.wait_dma2 semaphore(%run_scoped3A : memref<!tpu.dma_semaphore, #tpu.memory_space<semaphore_mem>>) src(%arg6 : memref<64x128xf32, #tpu.memory_space<vmem>>) dst(%dma_wait3A_68 : memref<64x128xf32, #tpu.memory_space<vmem_shared>>)
      tpu.yield
    }) : () -> ()
    %mul3A_16 = arith.constant 640 : i32
    %mul3A_17 = arith.muli %arg1, %mul3A_16 : i32
    %add3A_18 = arith.constant 64 : i32
    %add3A_19 = arith.addi %mul3A_17, %add3A_18 : i32
    "tpu.region"() ({
      %run_scoped3A = tpu.sem_alloc : memref<!tpu.dma_semaphore, #tpu.memory_space<semaphore_mem>>
      %dma_start3A = arith.constant 0 : i32
      %dma_start3A_63 = tpu.memref_slice %arg7[%add3A_19, %dma_start3A] : memref<10240x128xf32, #tpu.memory_space<vmem_shared>> -> memref<64x128xf32, #tpu.memory_space<vmem_shared>>
      %dma_start3A_64 = arith.constant 0 : i32
      %dma_start3A_65 = tpu.memref_slice %arg7[%add3A_19, %dma_start3A_64] : memref<10240x128xf32, #tpu.memory_space<vmem_shared>> -> memref<64x128xf32, #tpu.memory_space<vmem_shared>>
      tpu.enqueue_dma source(%arg6 : memref<64x128xf32, #tpu.memory_space<vmem>>) target(%dma_start3A_65 : memref<64x128xf32, #tpu.memory_space<vmem_shared>>) target_semaphore(%run_scoped3A : memref<!tpu.dma_semaphore, #tpu.memory_space<semaphore_mem>>)
      %dma_wait3A = arith.constant 0 : i32
      %dma_wait3A_66 = tpu.memref_slice %arg7[%add3A_19, %dma_wait3A] : memref<10240x128xf32, #tpu.memory_space<vmem_shared>> -> memref<64x128xf32, #tpu.memory_space<vmem_shared>>
      %dma_wait3A_67 = arith.constant 0 : i32
      %dma_wait3A_68 = tpu.memref_slice %arg7[%add3A_19, %dma_wait3A_67] : memref<10240x128xf32, #tpu.memory_space<vmem_shared>> -> memref<64x128xf32, #tpu.memory_space<vmem_shared>>
      tpu.wait_dma2 semaphore(%run_scoped3A : memref<!tpu.dma_semaphore, #tpu.memory_space<semaphore_mem>>) src(%arg6 : memref<64x128xf32, #tpu.memory_space<vmem>>) dst(%dma_wait3A_68 : memref<64x128xf32, #tpu.memory_space<vmem_shared>>)
      tpu.yield
    }) : () -> ()
    %mul3A_20 = arith.constant 640 : i32
    %mul3A_21 = arith.muli %arg1, %mul3A_20 : i32
    %add3A_22 = arith.constant 128 : i32
    %add3A_23 = arith.addi %mul3A_21, %add3A_22 : i32
    "tpu.region"() ({
      %run_scoped3A = tpu.sem_alloc : memref<!tpu.dma_semaphore, #tpu.memory_space<semaphore_mem>>
      %dma_start3A = arith.constant 0 : i32
      %dma_start3A_63 = tpu.memref_slice %arg7[%add3A_23, %dma_start3A] : memref<10240x128xf32, #tpu.memory_space<vmem_shared>> -> memref<64x128xf32, #tpu.memory_space<vmem_shared>>
      %dma_start3A_64 = arith.constant 0 : i32
      %dma_start3A_65 = tpu.memref_slice %arg7[%add3A_23, %dma_start3A_64] : memref<10240x128xf32, #tpu.memory_space<vmem_shared>> -> memref<64x128xf32, #tpu.memory_space<vmem_shared>>
      tpu.enqueue_dma source(%arg6 : memref<64x128xf32, #tpu.memory_space<vmem>>) target(%dma_start3A_65 : memref<64x128xf32, #tpu.memory_space<vmem_shared>>) target_semaphore(%run_scoped3A : memref<!tpu.dma_semaphore, #tpu.memory_space<semaphore_mem>>)
      %dma_wait3A = arith.constant 0 : i32
      %dma_wait3A_66 = tpu.memref_slice %arg7[%add3A_23, %dma_wait3A] : memref<10240x128xf32, #tpu.memory_space<vmem_shared>> -> memref<64x128xf32, #tpu.memory_space<vmem_shared>>
      %dma_wait3A_67 = arith.constant 0 : i32
      %dma_wait3A_68 = tpu.memref_slice %arg7[%add3A_23, %dma_wait3A_67] : memref<10240x128xf32, #tpu.memory_space<vmem_shared>> -> memref<64x128xf32, #tpu.memory_space<vmem_shared>>
      tpu.wait_dma2 semaphore(%run_scoped3A : memref<!tpu.dma_semaphore, #tpu.memory_space<semaphore_mem>>) src(%arg6 : memref<64x128xf32, #tpu.memory_space<vmem>>) dst(%dma_wait3A_68 : memref<64x128xf32, #tpu.memory_space<vmem_shared>>)
      tpu.yield
    }) : () -> ()
    %mul3A_24 = arith.constant 640 : i32
    %mul3A_25 = arith.muli %arg1, %mul3A_24 : i32
    %add3A_26 = arith.constant 192 : i32
    %add3A_27 = arith.addi %mul3A_25, %add3A_26 : i32
    "tpu.region"() ({
      %run_scoped3A = tpu.sem_alloc : memref<!tpu.dma_semaphore, #tpu.memory_space<semaphore_mem>>
      %dma_start3A = arith.constant 0 : i32
      %dma_start3A_63 = tpu.memref_slice %arg7[%add3A_27, %dma_start3A] : memref<10240x128xf32, #tpu.memory_space<vmem_shared>> -> memref<64x128xf32, #tpu.memory_space<vmem_shared>>
      %dma_start3A_64 = arith.constant 0 : i32
      %dma_start3A_65 = tpu.memref_slice %arg7[%add3A_27, %dma_start3A_64] : memref<10240x128xf32, #tpu.memory_space<vmem_shared>> -> memref<64x128xf32, #tpu.memory_space<vmem_shared>>
      tpu.enqueue_dma source(%arg6 : memref<64x128xf32, #tpu.memory_space<vmem>>) target(%dma_start3A_65 : memref<64x128xf32, #tpu.memory_space<vmem_shared>>) target_semaphore(%run_scoped3A : memref<!tpu.dma_semaphore, #tpu.memory_space<semaphore_mem>>)
      %dma_wait3A = arith.constant 0 : i32
      %dma_wait3A_66 = tpu.memref_slice %arg7[%add3A_27, %dma_wait3A] : memref<10240x128xf32, #tpu.memory_space<vmem_shared>> -> memref<64x128xf32, #tpu.memory_space<vmem_shared>>
      %dma_wait3A_67 = arith.constant 0 : i32
      %dma_wait3A_68 = tpu.memref_slice %arg7[%add3A_27, %dma_wait3A_67] : memref<10240x128xf32, #tpu.memory_space<vmem_shared>> -> memref<64x128xf32, #tpu.memory_space<vmem_shared>>
      tpu.wait_dma2 semaphore(%run_scoped3A : memref<!tpu.dma_semaphore, #tpu.memory_space<semaphore_mem>>) src(%arg6 : memref<64x128xf32, #tpu.memory_space<vmem>>) dst(%dma_wait3A_68 : memref<64x128xf32, #tpu.memory_space<vmem_shared>>)
      tpu.yield
    }) : () -> ()
    %mul3A_28 = arith.constant 640 : i32
    %mul3A_29 = arith.muli %arg1, %mul3A_28 : i32
    %add3A_30 = arith.constant 256 : i32
    %add3A_31 = arith.addi %mul3A_29, %add3A_30 : i32
    "tpu.region"() ({
      %run_scoped3A = tpu.sem_alloc : memref<!tpu.dma_semaphore, #tpu.memory_space<semaphore_mem>>
      %dma_start3A = arith.constant 0 : i32
      %dma_start3A_63 = tpu.memref_slice %arg7[%add3A_31, %dma_start3A] : memref<10240x128xf32, #tpu.memory_space<vmem_shared>> -> memref<64x128xf32, #tpu.memory_space<vmem_shared>>
      %dma_start3A_64 = arith.constant 0 : i32
      %dma_start3A_65 = tpu.memref_slice %arg7[%add3A_31, %dma_start3A_64] : memref<10240x128xf32, #tpu.memory_space<vmem_shared>> -> memref<64x128xf32, #tpu.memory_space<vmem_shared>>
      tpu.enqueue_dma source(%arg6 : memref<64x128xf32, #tpu.memory_space<vmem>>) target(%dma_start3A_65 : memref<64x128xf32, #tpu.memory_space<vmem_shared>>) target_semaphore(%run_scoped3A : memref<!tpu.dma_semaphore, #tpu.memory_space<semaphore_mem>>)
      %dma_wait3A = arith.constant 0 : i32
      %dma_wait3A_66 = tpu.memref_slice %arg7[%add3A_31, %dma_wait3A] : memref<10240x128xf32, #tpu.memory_space<vmem_shared>> -> memref<64x128xf32, #tpu.memory_space<vmem_shared>>
      %dma_wait3A_67 = arith.constant 0 : i32
      %dma_wait3A_68 = tpu.memref_slice %arg7[%add3A_31, %dma_wait3A_67] : memref<10240x128xf32, #tpu.memory_space<vmem_shared>> -> memref<64x128xf32, #tpu.memory_space<vmem_shared>>
      tpu.wait_dma2 semaphore(%run_scoped3A : memref<!tpu.dma_semaphore, #tpu.memory_space<semaphore_mem>>) src(%arg6 : memref<64x128xf32, #tpu.memory_space<vmem>>) dst(%dma_wait3A_68 : memref<64x128xf32, #tpu.memory_space<vmem_shared>>)
      tpu.yield
    }) : () -> ()
    %mul3A_32 = arith.constant 640 : i32
    %mul3A_33 = arith.muli %arg1, %mul3A_32 : i32
    %add3A_34 = arith.constant 320 : i32
    %add3A_35 = arith.addi %mul3A_33, %add3A_34 : i32
    "tpu.region"() ({
      %run_scoped3A = tpu.sem_alloc : memref<!tpu.dma_semaphore, #tpu.memory_space<semaphore_mem>>
      %dma_start3A = arith.constant 0 : i32
      %dma_start3A_63 = tpu.memref_slice %arg7[%add3A_35, %dma_start3A] : memref<10240x128xf32, #tpu.memory_space<vmem_shared>> -> memref<64x128xf32, #tpu.memory_space<vmem_shared>>
      %dma_start3A_64 = arith.constant 0 : i32
      %dma_start3A_65 = tpu.memref_slice %arg7[%add3A_35, %dma_start3A_64] : memref<10240x128xf32, #tpu.memory_space<vmem_shared>> -> memref<64x128xf32, #tpu.memory_space<vmem_shared>>
      tpu.enqueue_dma source(%arg6 : memref<64x128xf32, #tpu.memory_space<vmem>>) target(%dma_start3A_65 : memref<64x128xf32, #tpu.memory_space<vmem_shared>>) target_semaphore(%run_scoped3A : memref<!tpu.dma_semaphore, #tpu.memory_space<semaphore_mem>>)
      %dma_wait3A = arith.constant 0 : i32
      %dma_wait3A_66 = tpu.memref_slice %arg7[%add3A_35, %dma_wait3A] : memref<10240x128xf32, #tpu.memory_space<vmem_shared>> -> memref<64x128xf32, #tpu.memory_space<vmem_shared>>
      %dma_wait3A_67 = arith.constant 0 : i32
      %dma_wait3A_68 = tpu.memref_slice %arg7[%add3A_35, %dma_wait3A_67] : memref<10240x128xf32, #tpu.memory_space<vmem_shared>> -> memref<64x128xf32, #tpu.memory_space<vmem_shared>>
      tpu.wait_dma2 semaphore(%run_scoped3A : memref<!tpu.dma_semaphore, #tpu.memory_space<semaphore_mem>>) src(%arg6 : memref<64x128xf32, #tpu.memory_space<vmem>>) dst(%dma_wait3A_68 : memref<64x128xf32, #tpu.memory_space<vmem_shared>>)
      tpu.yield
    }) : () -> ()
    %mul3A_36 = arith.constant 640 : i32
    %mul3A_37 = arith.muli %arg1, %mul3A_36 : i32
    %add3A_38 = arith.constant 384 : i32
    %add3A_39 = arith.addi %mul3A_37, %add3A_38 : i32
    "tpu.region"() ({
      %run_scoped3A = tpu.sem_alloc : memref<!tpu.dma_semaphore, #tpu.memory_space<semaphore_mem>>
      %dma_start3A = arith.constant 0 : i32
      %dma_start3A_63 = tpu.memref_slice %arg7[%add3A_39, %dma_start3A] : memref<10240x128xf32, #tpu.memory_space<vmem_shared>> -> memref<64x128xf32, #tpu.memory_space<vmem_shared>>
      %dma_start3A_64 = arith.constant 0 : i32
      %dma_start3A_65 = tpu.memref_slice %arg7[%add3A_39, %dma_start3A_64] : memref<10240x128xf32, #tpu.memory_space<vmem_shared>> -> memref<64x128xf32, #tpu.memory_space<vmem_shared>>
      tpu.enqueue_dma source(%arg6 : memref<64x128xf32, #tpu.memory_space<vmem>>) target(%dma_start3A_65 : memref<64x128xf32, #tpu.memory_space<vmem_shared>>) target_semaphore(%run_scoped3A : memref<!tpu.dma_semaphore, #tpu.memory_space<semaphore_mem>>)
      %dma_wait3A = arith.constant 0 : i32
      %dma_wait3A_66 = tpu.memref_slice %arg7[%add3A_39, %dma_wait3A] : memref<10240x128xf32, #tpu.memory_space<vmem_shared>> -> memref<64x128xf32, #tpu.memory_space<vmem_shared>>
      %dma_wait3A_67 = arith.constant 0 : i32
      %dma_wait3A_68 = tpu.memref_slice %arg7[%add3A_39, %dma_wait3A_67] : memref<10240x128xf32, #tpu.memory_space<vmem_shared>> -> memref<64x128xf32, #tpu.memory_space<vmem_shared>>
      tpu.wait_dma2 semaphore(%run_scoped3A : memref<!tpu.dma_semaphore, #tpu.memory_space<semaphore_mem>>) src(%arg6 : memref<64x128xf32, #tpu.memory_space<vmem>>) dst(%dma_wait3A_68 : memref<64x128xf32, #tpu.memory_space<vmem_shared>>)
      tpu.yield
    }) : () -> ()
    %mul3A_40 = arith.constant 640 : i32
    %mul3A_41 = arith.muli %arg1, %mul3A_40 : i32
    %add3A_42 = arith.constant 448 : i32
    %add3A_43 = arith.addi %mul3A_41, %add3A_42 : i32
    "tpu.region"() ({
      %run_scoped3A = tpu.sem_alloc : memref<!tpu.dma_semaphore, #tpu.memory_space<semaphore_mem>>
      %dma_start3A = arith.constant 0 : i32
      %dma_start3A_63 = tpu.memref_slice %arg7[%add3A_43, %dma_start3A] : memref<10240x128xf32, #tpu.memory_space<vmem_shared>> -> memref<64x128xf32, #tpu.memory_space<vmem_shared>>
      %dma_start3A_64 = arith.constant 0 : i32
      %dma_start3A_65 = tpu.memref_slice %arg7[%add3A_43, %dma_start3A_64] : memref<10240x128xf32, #tpu.memory_space<vmem_shared>> -> memref<64x128xf32, #tpu.memory_space<vmem_shared>>
      tpu.enqueue_dma source(%arg6 : memref<64x128xf32, #tpu.memory_space<vmem>>) target(%dma_start3A_65 : memref<64x128xf32, #tpu.memory_space<vmem_shared>>) target_semaphore(%run_scoped3A : memref<!tpu.dma_semaphore, #tpu.memory_space<semaphore_mem>>)
      %dma_wait3A = arith.constant 0 : i32
      %dma_wait3A_66 = tpu.memref_slice %arg7[%add3A_43, %dma_wait3A] : memref<10240x128xf32, #tpu.memory_space<vmem_shared>> -> memref<64x128xf32, #tpu.memory_space<vmem_shared>>
      %dma_wait3A_67 = arith.constant 0 : i32
      %dma_wait3A_68 = tpu.memref_slice %arg7[%add3A_43, %dma_wait3A_67] : memref<10240x128xf32, #tpu.memory_space<vmem_shared>> -> memref<64x128xf32, #tpu.memory_space<vmem_shared>>
      tpu.wait_dma2 semaphore(%run_scoped3A : memref<!tpu.dma_semaphore, #tpu.memory_space<semaphore_mem>>) src(%arg6 : memref<64x128xf32, #tpu.memory_space<vmem>>) dst(%dma_wait3A_68 : memref<64x128xf32, #tpu.memory_space<vmem_shared>>)
      tpu.yield
    }) : () -> ()
    %mul3A_44 = arith.constant 640 : i32
    %mul3A_45 = arith.muli %arg1, %mul3A_44 : i32
    %add3A_46 = arith.constant 512 : i32
    %add3A_47 = arith.addi %mul3A_45, %add3A_46 : i32
    "tpu.region"() ({
      %run_scoped3A = tpu.sem_alloc : memref<!tpu.dma_semaphore, #tpu.memory_space<semaphore_mem>>
      %dma_start3A = arith.constant 0 : i32
      %dma_start3A_63 = tpu.memref_slice %arg7[%add3A_47, %dma_start3A] : memref<10240x128xf32, #tpu.memory_space<vmem_shared>> -> memref<64x128xf32, #tpu.memory_space<vmem_shared>>
      %dma_start3A_64 = arith.constant 0 : i32
      %dma_start3A_65 = tpu.memref_slice %arg7[%add3A_47, %dma_start3A_64] : memref<10240x128xf32, #tpu.memory_space<vmem_shared>> -> memref<64x128xf32, #tpu.memory_space<vmem_shared>>
      tpu.enqueue_dma source(%arg6 : memref<64x128xf32, #tpu.memory_space<vmem>>) target(%dma_start3A_65 : memref<64x128xf32, #tpu.memory_space<vmem_shared>>) target_semaphore(%run_scoped3A : memref<!tpu.dma_semaphore, #tpu.memory_space<semaphore_mem>>)
      %dma_wait3A = arith.constant 0 : i32
      %dma_wait3A_66 = tpu.memref_slice %arg7[%add3A_47, %dma_wait3A] : memref<10240x128xf32, #tpu.memory_space<vmem_shared>> -> memref<64x128xf32, #tpu.memory_space<vmem_shared>>
      %dma_wait3A_67 = arith.constant 0 : i32
      %dma_wait3A_68 = tpu.memref_slice %arg7[%add3A_47, %dma_wait3A_67] : memref<10240x128xf32, #tpu.memory_space<vmem_shared>> -> memref<64x128xf32, #tpu.memory_space<vmem_shared>>
      tpu.wait_dma2 semaphore(%run_scoped3A : memref<!tpu.dma_semaphore, #tpu.memory_space<semaphore_mem>>) src(%arg6 : memref<64x128xf32, #tpu.memory_space<vmem>>) dst(%dma_wait3A_68 : memref<64x128xf32, #tpu.memory_space<vmem_shared>>)
      tpu.yield
    }) : () -> ()
    %mul3A_48 = arith.constant 640 : i32
    %mul3A_49 = arith.muli %arg1, %mul3A_48 : i32
    %add3A_50 = arith.constant 576 : i32
    %add3A_51 = arith.addi %mul3A_49, %add3A_50 : i32
    "tpu.region"() ({
      %run_scoped3A = tpu.sem_alloc : memref<!tpu.dma_semaphore, #tpu.memory_space<semaphore_mem>>
      %dma_start3A = arith.constant 0 : i32
      %dma_start3A_63 = tpu.memref_slice %arg7[%add3A_51, %dma_start3A] : memref<10240x128xf32, #tpu.memory_space<vmem_shared>> -> memref<64x128xf32, #tpu.memory_space<vmem_shared>>
      %dma_start3A_64 = arith.constant 0 : i32
      %dma_start3A_65 = tpu.memref_slice %arg7[%add3A_51, %dma_start3A_64] : memref<10240x128xf32, #tpu.memory_space<vmem_shared>> -> memref<64x128xf32, #tpu.memory_space<vmem_shared>>
      tpu.enqueue_dma source(%arg6 : memref<64x128xf32, #tpu.memory_space<vmem>>) target(%dma_start3A_65 : memref<64x128xf32, #tpu.memory_space<vmem_shared>>) target_semaphore(%run_scoped3A : memref<!tpu.dma_semaphore, #tpu.memory_space<semaphore_mem>>)
      %dma_wait3A = arith.constant 0 : i32
      %dma_wait3A_66 = tpu.memref_slice %arg7[%add3A_51, %dma_wait3A] : memref<10240x128xf32, #tpu.memory_space<vmem_shared>> -> memref<64x128xf32, #tpu.memory_space<vmem_shared>>
      %dma_wait3A_67 = arith.constant 0 : i32
      %dma_wait3A_68 = tpu.memref_slice %arg7[%add3A_51, %dma_wait3A_67] : memref<10240x128xf32, #tpu.memory_space<vmem_shared>> -> memref<64x128xf32, #tpu.memory_space<vmem_shared>>
      tpu.wait_dma2 semaphore(%run_scoped3A : memref<!tpu.dma_semaphore, #tpu.memory_space<semaphore_mem>>) src(%arg6 : memref<64x128xf32, #tpu.memory_space<vmem>>) dst(%dma_wait3A_68 : memref<64x128xf32, #tpu.memory_space<vmem_shared>>)
      tpu.yield
    }) : () -> ()
    %barrier3A = arith.constant 0 : index
    tpu.barrier barrier_id(%barrier3A)
    %scan3A_52 = arith.constant 0 : i32
    %scan3A_53 = arith.constant 0 : i32
    %scan3A_54 = arith.constant 81 : i32
    %scan3A_55 = arith.addi %scan3A_53, %scan3A_54 : i32
    %scan3A_56 = arith.constant 1 : i32
    scf.for %scan3A_63 = %scan3A_53 to %scan3A_55 step %scan3A_56  : i32 {
      %mul3A_64 = arith.constant 81 : i32
      %mul3A_65 = arith.muli %add3A, %mul3A_64 : i32
      %add3A_66 = arith.addi %mul3A_65, %scan3A_63 : i32
      %mul3A_67 = arith.constant 128 : i32
      %mul3A_68 = arith.muli %add3A_66, %mul3A_67 : i32
      "tpu.region"() ({
        %run_scoped3A = tpu.sem_alloc : memref<!tpu.dma_semaphore, #tpu.memory_space<semaphore_mem>>
        %dma_start3A = tpu.memref_slice %arg2[%mul3A_68] : memref<331776xi32, #tpu.memory_space<hbm>> -> memref<128xi32, #tpu.memory_space<hbm>>
        %dma_start3A_69 = tpu.memref_slice %arg2[%mul3A_68] : memref<331776xi32, #tpu.memory_space<hbm>> -> memref<128xi32, #tpu.memory_space<hbm>>
        tpu.enqueue_dma source(%dma_start3A_69 : memref<128xi32, #tpu.memory_space<hbm>>) target(%arg4 : memref<128xi32, #tpu.memory_space<vmem>>) target_semaphore(%run_scoped3A : memref<!tpu.dma_semaphore, #tpu.memory_space<semaphore_mem>>)
        %dma_wait3A = tpu.memref_slice %arg2[%mul3A_68] : memref<331776xi32, #tpu.memory_space<hbm>> -> memref<128xi32, #tpu.memory_space<hbm>>
        %dma_wait3A_70 = tpu.memref_slice %arg2[%mul3A_68] : memref<331776xi32, #tpu.memory_space<hbm>> -> memref<128xi32, #tpu.memory_space<hbm>>
        tpu.wait_dma2 semaphore(%run_scoped3A : memref<!tpu.dma_semaphore, #tpu.memory_space<semaphore_mem>>) src(%dma_wait3A_70 : memref<128xi32, #tpu.memory_space<hbm>>) dst(%arg4 : memref<128xi32, #tpu.memory_space<vmem>>)
        tpu.yield
      }) : () -> ()
      "tpu.region"() ({
        %run_scoped3A = tpu.sem_alloc : memref<!tpu.dma_semaphore, #tpu.memory_space<semaphore_mem>>
        %dma_start3A = arith.constant 0 : i32
        %dma_start3A_69 = arith.constant 0 : i32
        %dma_start3A_70 = tpu.memref_slice %arg7[%dma_start3A, %dma_start3A_69] : memref<10240x128xf32, #tpu.memory_space<vmem_shared>> -> memref<10240x128xf32, #tpu.memory_space<vmem_shared>>
        tpu.enqueue_indirect_dma source(%arg5 : memref<128x128xf32, #tpu.memory_space<vmem>>) target(%dma_start3A_70 : memref<10240x128xf32, #tpu.memory_space<vmem_shared>>) offsets(%arg4 : memref<128xi32, #tpu.memory_space<vmem>>) semaphore(%run_scoped3A : memref<!tpu.dma_semaphore, #tpu.memory_space<semaphore_mem>>) {add = true}
        %dma_wait3A = arith.constant 0 : i32
        %dma_wait3A_71 = arith.constant 0 : i32
        %dma_wait3A_72 = tpu.memref_slice %arg7[%dma_wait3A, %dma_wait3A_71] : memref<10240x128xf32, #tpu.memory_space<vmem_shared>> -> memref<10240x128xf32, #tpu.memory_space<vmem_shared>>
        tpu.wait_indirect_dma semaphore(%run_scoped3A : memref<!tpu.dma_semaphore, #tpu.memory_space<semaphore_mem>>) src(%arg5 : memref<128x128xf32, #tpu.memory_space<vmem>>) dst(%dma_wait3A_72 : memref<10240x128xf32, #tpu.memory_space<vmem_shared>>)
        tpu.yield
      }) : () -> ()
    }
    %scan3A_57 = arith.constant 81 : i32
    %barrier3A_58 = arith.constant 0 : index
    tpu.barrier barrier_id(%barrier3A_58)
    %mul3A_59 = arith.constant 640 : i32
    %mul3A_60 = arith.muli %arg1, %mul3A_59 : i32
    %mul3A_61 = arith.constant 640 : i32
    %mul3A_62 = arith.muli %arg1, %mul3A_61 : i32
    "tpu.region"() ({
      %run_scoped3A = tpu.sem_alloc : memref<!tpu.dma_semaphore, #tpu.memory_space<semaphore_mem>>
      %dma_start3A = arith.constant 0 : i32
      %dma_start3A_63 = arith.constant 0 : i32
      %dma_start3A_64 = tpu.memref_slice %arg3[%arg0, %dma_start3A, %dma_start3A_63] : memref<2x10240x128xf32, #tpu.memory_space<hbm>> -> memref<1x10240x128xf32, #tpu.memory_space<hbm>>
      %dma_start3A_65 = tpu.memref_squeeze %dma_start3A_64 : memref<1x10240x128xf32, #tpu.memory_space<hbm>> -> memref<10240x128xf32, #tpu.memory_space<hbm>>
      %dma_start3A_66 = arith.constant 0 : i32
      %dma_start3A_67 = tpu.memref_slice %dma_start3A_65[%mul3A_62, %dma_start3A_66] : memref<10240x128xf32, #tpu.memory_space<hbm>> -> memref<640x128xf32, #tpu.memory_space<hbm>>
      %dma_start3A_68 = arith.constant 0 : i32
      %dma_start3A_69 = tpu.memref_slice %arg7[%mul3A_60, %dma_start3A_68] : memref<10240x128xf32, #tpu.memory_space<vmem_shared>> -> memref<640x128xf32, #tpu.memory_space<vmem_shared>>
      tpu.enqueue_dma source(%dma_start3A_69 : memref<640x128xf32, #tpu.memory_space<vmem_shared>>) target(%dma_start3A_67 : memref<640x128xf32, #tpu.memory_space<hbm>>) target_semaphore(%run_scoped3A : memref<!tpu.dma_semaphore, #tpu.memory_space<semaphore_mem>>)
      %dma_wait3A = arith.constant 0 : i32
      %dma_wait3A_70 = arith.constant 0 : i32
      %dma_wait3A_71 = tpu.memref_slice %arg3[%arg0, %dma_wait3A, %dma_wait3A_70] : memref<2x10240x128xf32, #tpu.memory_space<hbm>> -> memref<1x10240x128xf32, #tpu.memory_space<hbm>>
      %dma_wait3A_72 = tpu.memref_squeeze %dma_wait3A_71 : memref<1x10240x128xf32, #tpu.memory_space<hbm>> -> memref<10240x128xf32, #tpu.memory_space<hbm>>
      %dma_wait3A_73 = arith.constant 0 : i32
      %dma_wait3A_74 = tpu.memref_slice %dma_wait3A_72[%mul3A_62, %dma_wait3A_73] : memref<10240x128xf32, #tpu.memory_space<hbm>> -> memref<640x128xf32, #tpu.memory_space<hbm>>
      %dma_wait3A_75 = arith.constant 0 : i32
      %dma_wait3A_76 = tpu.memref_slice %arg7[%mul3A_60, %dma_wait3A_75] : memref<10240x128xf32, #tpu.memory_space<vmem_shared>> -> memref<640x128xf32, #tpu.memory_space<vmem_shared>>
      tpu.wait_dma2 semaphore(%run_scoped3A : memref<!tpu.dma_semaphore, #tpu.memory_space<semaphore_mem>>) src(%dma_wait3A_76 : memref<640x128xf32, #tpu.memory_space<vmem_shared>>) dst(%dma_wait3A_74 : memref<640x128xf32, #tpu.memory_space<hbm>>)
      tpu.yield
    }) : () -> ()
    return
  }
}

#map = affine_map<(d0, d1) -> (0, 0)>
#map1 = affine_map<(d0, d1) -> (0)>
#map2 = affine_map<(d0, d1) -> (0, 0, 0)>
module attributes {stable_mosaic.version = 14 : i64} {
  func.func @body(%arg0: i32, %arg1: i32, %arg2: memref<10000x128xf32, #tpu.memory_space<hbm>>, %arg3: memref<331776xi32, #tpu.memory_space<hbm>>, %arg4: memref<331776xi32, #tpu.memory_space<hbm>>, %arg5: memref<2x10240x128xf32, #tpu.memory_space<hbm>>, %arg6: memref<128xi32, #tpu.memory_space<vmem>>, %arg7: memref<128xi32, #tpu.memory_space<vmem>>, %arg8: memref<128xi32, #tpu.memory_space<vmem>>, %arg9: memref<128xi32, #tpu.memory_space<vmem>>, %arg10: memref<128x128xf32, #tpu.memory_space<vmem>>, %arg11: memref<128x128xf32, #tpu.memory_space<vmem>>, %arg12: memref<64x128xf32, #tpu.memory_space<vmem>>, %arg13: memref<10240x128xf32, #tpu.memory_space<vmem_shared>>, %arg14: memref<!tpu.dma_semaphore, #tpu.memory_space<semaphore_mem>>, %arg15: memref<!tpu.dma_semaphore, #tpu.memory_space<semaphore_mem>>, %arg16: memref<!tpu.dma_semaphore, #tpu.memory_space<semaphore_mem>>) attributes {dimension_semantics = [#tpu.dimension_semantics<core_parallel>, #tpu.dimension_semantics<subcore_parallel>], iteration_bounds = array<i64: 2, 16>, scalar_prefetch = 0 : i64, scratch_operands = 11 : i64, tpu.core_type = #tpu.core_type<sc_vector_subcore>, window_params = [{transform_indices = #map}, {transform_indices = #map1}, {transform_indices = #map1}, {transform_indices = #map2}]} {
    %scan3A = arith.constant 0 : i32
    %scan3A_0 = arith.constant 0 : i32
    %scan3A_1 = arith.constant 64 : i32
    %scan3A_2 = arith.addi %scan3A_0, %scan3A_1 : i32
    %scan3A_3 = arith.constant 1 : i32
    scf.for %scan3A_55 = %scan3A_0 to %scan3A_2 step %scan3A_3  : i32 {
      %broadcast_in_dim3A = arith.constant 0.000000e+00 : f32
      %broadcast_in_dim3A_56 = vector.broadcast %broadcast_in_dim3A : f32 to vector<16xf32>
      %swap3A = arith.index_cast %scan3A_55 : i32 to index
      %swap3A_57 = arith.constant 0 : index
      %swap3A_58 = tpu.vector_load %arg12[%swap3A, %swap3A_57] {strides = array<i32>} : memref<64x128xf32, #tpu.memory_space<vmem>>, vector<1x16xf32>,
      %swap3A_59 = vector.shape_cast %swap3A_58 : vector<1x16xf32> to vector<16xf32>
      %swap3A_60 = vector.shape_cast %broadcast_in_dim3A_56 : vector<16xf32> to vector<1x16xf32>
      tpu.vector_store %arg12[%swap3A, %swap3A_57], %swap3A_60 {strides = array<i32>} : memref<64x128xf32, #tpu.memory_space<vmem>>, vector<1x16xf32>,
      %broadcast_in_dim3A_61 = arith.constant 0.000000e+00 : f32
      %broadcast_in_dim3A_62 = vector.broadcast %broadcast_in_dim3A_61 : f32 to vector<16xf32>
      %swap3A_63 = arith.index_cast %scan3A_55 : i32 to index
      %swap3A_64 = arith.constant 16 : index
      %swap3A_65 = tpu.vector_load %arg12[%swap3A_63, %swap3A_64] {strides = array<i32>} : memref<64x128xf32, #tpu.memory_space<vmem>>, vector<1x16xf32>,
      %swap3A_66 = vector.shape_cast %swap3A_65 : vector<1x16xf32> to vector<16xf32>
      %swap3A_67 = vector.shape_cast %broadcast_in_dim3A_62 : vector<16xf32> to vector<1x16xf32>
      tpu.vector_store %arg12[%swap3A_63, %swap3A_64], %swap3A_67 {strides = array<i32>} : memref<64x128xf32, #tpu.memory_space<vmem>>, vector<1x16xf32>,
      %broadcast_in_dim3A_68 = arith.constant 0.000000e+00 : f32
      %broadcast_in_dim3A_69 = vector.broadcast %broadcast_in_dim3A_68 : f32 to vector<16xf32>
      %swap3A_70 = arith.index_cast %scan3A_55 : i32 to index
      %swap3A_71 = arith.constant 32 : index
      %swap3A_72 = tpu.vector_load %arg12[%swap3A_70, %swap3A_71] {strides = array<i32>} : memref<64x128xf32, #tpu.memory_space<vmem>>, vector<1x16xf32>,
      %swap3A_73 = vector.shape_cast %swap3A_72 : vector<1x16xf32> to vector<16xf32>
      %swap3A_74 = vector.shape_cast %broadcast_in_dim3A_69 : vector<16xf32> to vector<1x16xf32>
      tpu.vector_store %arg12[%swap3A_70, %swap3A_71], %swap3A_74 {strides = array<i32>} : memref<64x128xf32, #tpu.memory_space<vmem>>, vector<1x16xf32>,
      %broadcast_in_dim3A_75 = arith.constant 0.000000e+00 : f32
      %broadcast_in_dim3A_76 = vector.broadcast %broadcast_in_dim3A_75 : f32 to vector<16xf32>
      %swap3A_77 = arith.index_cast %scan3A_55 : i32 to index
      %swap3A_78 = arith.constant 48 : index
      %swap3A_79 = tpu.vector_load %arg12[%swap3A_77, %swap3A_78] {strides = array<i32>} : memref<64x128xf32, #tpu.memory_space<vmem>>, vector<1x16xf32>,
      %swap3A_80 = vector.shape_cast %swap3A_79 : vector<1x16xf32> to vector<16xf32>
      %swap3A_81 = vector.shape_cast %broadcast_in_dim3A_76 : vector<16xf32> to vector<1x16xf32>
      tpu.vector_store %arg12[%swap3A_77, %swap3A_78], %swap3A_81 {strides = array<i32>} : memref<64x128xf32, #tpu.memory_space<vmem>>, vector<1x16xf32>,
      %broadcast_in_dim3A_82 = arith.constant 0.000000e+00 : f32
      %broadcast_in_dim3A_83 = vector.broadcast %broadcast_in_dim3A_82 : f32 to vector<16xf32>
      %swap3A_84 = arith.index_cast %scan3A_55 : i32 to index
      %swap3A_85 = arith.constant 64 : index
      %swap3A_86 = tpu.vector_load %arg12[%swap3A_84, %swap3A_85] {strides = array<i32>} : memref<64x128xf32, #tpu.memory_space<vmem>>, vector<1x16xf32>,
      %swap3A_87 = vector.shape_cast %swap3A_86 : vector<1x16xf32> to vector<16xf32>
      %swap3A_88 = vector.shape_cast %broadcast_in_dim3A_83 : vector<16xf32> to vector<1x16xf32>
      tpu.vector_store %arg12[%swap3A_84, %swap3A_85], %swap3A_88 {strides = array<i32>} : memref<64x128xf32, #tpu.memory_space<vmem>>, vector<1x16xf32>,
      %broadcast_in_dim3A_89 = arith.constant 0.000000e+00 : f32
      %broadcast_in_dim3A_90 = vector.broadcast %broadcast_in_dim3A_89 : f32 to vector<16xf32>
      %swap3A_91 = arith.index_cast %scan3A_55 : i32 to index
      %swap3A_92 = arith.constant 80 : index
      %swap3A_93 = tpu.vector_load %arg12[%swap3A_91, %swap3A_92] {strides = array<i32>} : memref<64x128xf32, #tpu.memory_space<vmem>>, vector<1x16xf32>,
      %swap3A_94 = vector.shape_cast %swap3A_93 : vector<1x16xf32> to vector<16xf32>
      %swap3A_95 = vector.shape_cast %broadcast_in_dim3A_90 : vector<16xf32> to vector<1x16xf32>
      tpu.vector_store %arg12[%swap3A_91, %swap3A_92], %swap3A_95 {strides = array<i32>} : memref<64x128xf32, #tpu.memory_space<vmem>>, vector<1x16xf32>,
      %broadcast_in_dim3A_96 = arith.constant 0.000000e+00 : f32
      %broadcast_in_dim3A_97 = vector.broadcast %broadcast_in_dim3A_96 : f32 to vector<16xf32>
      %swap3A_98 = arith.index_cast %scan3A_55 : i32 to index
      %swap3A_99 = arith.constant 96 : index
      %swap3A_100 = tpu.vector_load %arg12[%swap3A_98, %swap3A_99] {strides = array<i32>} : memref<64x128xf32, #tpu.memory_space<vmem>>, vector<1x16xf32>,
      %swap3A_101 = vector.shape_cast %swap3A_100 : vector<1x16xf32> to vector<16xf32>
      %swap3A_102 = vector.shape_cast %broadcast_in_dim3A_97 : vector<16xf32> to vector<1x16xf32>
      tpu.vector_store %arg12[%swap3A_98, %swap3A_99], %swap3A_102 {strides = array<i32>} : memref<64x128xf32, #tpu.memory_space<vmem>>, vector<1x16xf32>,
      %broadcast_in_dim3A_103 = arith.constant 0.000000e+00 : f32
      %broadcast_in_dim3A_104 = vector.broadcast %broadcast_in_dim3A_103 : f32 to vector<16xf32>
      %swap3A_105 = arith.index_cast %scan3A_55 : i32 to index
      %swap3A_106 = arith.constant 112 : index
      %swap3A_107 = tpu.vector_load %arg12[%swap3A_105, %swap3A_106] {strides = array<i32>} : memref<64x128xf32, #tpu.memory_space<vmem>>, vector<1x16xf32>,
      %swap3A_108 = vector.shape_cast %swap3A_107 : vector<1x16xf32> to vector<16xf32>
      %swap3A_109 = vector.shape_cast %broadcast_in_dim3A_104 : vector<16xf32> to vector<1x16xf32>
      tpu.vector_store %arg12[%swap3A_105, %swap3A_106], %swap3A_109 {strides = array<i32>} : memref<64x128xf32, #tpu.memory_space<vmem>>, vector<1x16xf32>,
    }
    %scan3A_4 = arith.constant 64 : i32
    %mul3A = arith.constant 640 : i32
    %mul3A_5 = arith.muli %arg1, %mul3A : i32
    %add3A = arith.constant 0 : i32
    %add3A_6 = arith.addi %mul3A_5, %add3A : i32
    "tpu.region"() ({
      %run_scoped3A = tpu.sem_alloc : memref<!tpu.dma_semaphore, #tpu.memory_space<semaphore_mem>>
      %dma_start3A = arith.constant 0 : i32
      %dma_start3A_55 = tpu.memref_slice %arg13[%add3A_6, %dma_start3A] : memref<10240x128xf32, #tpu.memory_space<vmem_shared>> -> memref<64x128xf32, #tpu.memory_space<vmem_shared>>
      %dma_start3A_56 = arith.constant 0 : i32
      %dma_start3A_57 = tpu.memref_slice %arg13[%add3A_6, %dma_start3A_56] : memref<10240x128xf32, #tpu.memory_space<vmem_shared>> -> memref<64x128xf32, #tpu.memory_space<vmem_shared>>
      tpu.enqueue_dma source(%arg12 : memref<64x128xf32, #tpu.memory_space<vmem>>) target(%dma_start3A_57 : memref<64x128xf32, #tpu.memory_space<vmem_shared>>) target_semaphore(%run_scoped3A : memref<!tpu.dma_semaphore, #tpu.memory_space<semaphore_mem>>)
      %dma_wait3A = arith.constant 0 : i32
      %dma_wait3A_58 = tpu.memref_slice %arg13[%add3A_6, %dma_wait3A] : memref<10240x128xf32, #tpu.memory_space<vmem_shared>> -> memref<64x128xf32, #tpu.memory_space<vmem_shared>>
      %dma_wait3A_59 = arith.constant 0 : i32
      %dma_wait3A_60 = tpu.memref_slice %arg13[%add3A_6, %dma_wait3A_59] : memref<10240x128xf32, #tpu.memory_space<vmem_shared>> -> memref<64x128xf32, #tpu.memory_space<vmem_shared>>
      tpu.wait_dma2 semaphore(%run_scoped3A : memref<!tpu.dma_semaphore, #tpu.memory_space<semaphore_mem>>) src(%arg12 : memref<64x128xf32, #tpu.memory_space<vmem>>) dst(%dma_wait3A_60 : memref<64x128xf32, #tpu.memory_space<vmem_shared>>)
      tpu.yield
    }) : () -> ()
    %mul3A_7 = arith.constant 640 : i32
    %mul3A_8 = arith.muli %arg1, %mul3A_7 : i32
    %add3A_9 = arith.constant 64 : i32
    %add3A_10 = arith.addi %mul3A_8, %add3A_9 : i32
    "tpu.region"() ({
      %run_scoped3A = tpu.sem_alloc : memref<!tpu.dma_semaphore, #tpu.memory_space<semaphore_mem>>
      %dma_start3A = arith.constant 0 : i32
      %dma_start3A_55 = tpu.memref_slice %arg13[%add3A_10, %dma_start3A] : memref<10240x128xf32, #tpu.memory_space<vmem_shared>> -> memref<64x128xf32, #tpu.memory_space<vmem_shared>>
      %dma_start3A_56 = arith.constant 0 : i32
      %dma_start3A_57 = tpu.memref_slice %arg13[%add3A_10, %dma_start3A_56] : memref<10240x128xf32, #tpu.memory_space<vmem_shared>> -> memref<64x128xf32, #tpu.memory_space<vmem_shared>>
      tpu.enqueue_dma source(%arg12 : memref<64x128xf32, #tpu.memory_space<vmem>>) target(%dma_start3A_57 : memref<64x128xf32, #tpu.memory_space<vmem_shared>>) target_semaphore(%run_scoped3A : memref<!tpu.dma_semaphore, #tpu.memory_space<semaphore_mem>>)
      %dma_wait3A = arith.constant 0 : i32
      %dma_wait3A_58 = tpu.memref_slice %arg13[%add3A_10, %dma_wait3A] : memref<10240x128xf32, #tpu.memory_space<vmem_shared>> -> memref<64x128xf32, #tpu.memory_space<vmem_shared>>
      %dma_wait3A_59 = arith.constant 0 : i32
      %dma_wait3A_60 = tpu.memref_slice %arg13[%add3A_10, %dma_wait3A_59] : memref<10240x128xf32, #tpu.memory_space<vmem_shared>> -> memref<64x128xf32, #tpu.memory_space<vmem_shared>>
      tpu.wait_dma2 semaphore(%run_scoped3A : memref<!tpu.dma_semaphore, #tpu.memory_space<semaphore_mem>>) src(%arg12 : memref<64x128xf32, #tpu.memory_space<vmem>>) dst(%dma_wait3A_60 : memref<64x128xf32, #tpu.memory_space<vmem_shared>>)
      tpu.yield
    }) : () -> ()
    %mul3A_11 = arith.constant 640 : i32
    %mul3A_12 = arith.muli %arg1, %mul3A_11 : i32
    %add3A_13 = arith.constant 128 : i32
    %add3A_14 = arith.addi %mul3A_12, %add3A_13 : i32
    "tpu.region"() ({
      %run_scoped3A = tpu.sem_alloc : memref<!tpu.dma_semaphore, #tpu.memory_space<semaphore_mem>>
      %dma_start3A = arith.constant 0 : i32
      %dma_start3A_55 = tpu.memref_slice %arg13[%add3A_14, %dma_start3A] : memref<10240x128xf32, #tpu.memory_space<vmem_shared>> -> memref<64x128xf32, #tpu.memory_space<vmem_shared>>
      %dma_start3A_56 = arith.constant 0 : i32
      %dma_start3A_57 = tpu.memref_slice %arg13[%add3A_14, %dma_start3A_56] : memref<10240x128xf32, #tpu.memory_space<vmem_shared>> -> memref<64x128xf32, #tpu.memory_space<vmem_shared>>
      tpu.enqueue_dma source(%arg12 : memref<64x128xf32, #tpu.memory_space<vmem>>) target(%dma_start3A_57 : memref<64x128xf32, #tpu.memory_space<vmem_shared>>) target_semaphore(%run_scoped3A : memref<!tpu.dma_semaphore, #tpu.memory_space<semaphore_mem>>)
      %dma_wait3A = arith.constant 0 : i32
      %dma_wait3A_58 = tpu.memref_slice %arg13[%add3A_14, %dma_wait3A] : memref<10240x128xf32, #tpu.memory_space<vmem_shared>> -> memref<64x128xf32, #tpu.memory_space<vmem_shared>>
      %dma_wait3A_59 = arith.constant 0 : i32
      %dma_wait3A_60 = tpu.memref_slice %arg13[%add3A_14, %dma_wait3A_59] : memref<10240x128xf32, #tpu.memory_space<vmem_shared>> -> memref<64x128xf32, #tpu.memory_space<vmem_shared>>
      tpu.wait_dma2 semaphore(%run_scoped3A : memref<!tpu.dma_semaphore, #tpu.memory_space<semaphore_mem>>) src(%arg12 : memref<64x128xf32, #tpu.memory_space<vmem>>) dst(%dma_wait3A_60 : memref<64x128xf32, #tpu.memory_space<vmem_shared>>)
      tpu.yield
    }) : () -> ()
    %mul3A_15 = arith.constant 640 : i32
    %mul3A_16 = arith.muli %arg1, %mul3A_15 : i32
    %add3A_17 = arith.constant 192 : i32
    %add3A_18 = arith.addi %mul3A_16, %add3A_17 : i32
    "tpu.region"() ({
      %run_scoped3A = tpu.sem_alloc : memref<!tpu.dma_semaphore, #tpu.memory_space<semaphore_mem>>
      %dma_start3A = arith.constant 0 : i32
      %dma_start3A_55 = tpu.memref_slice %arg13[%add3A_18, %dma_start3A] : memref<10240x128xf32, #tpu.memory_space<vmem_shared>> -> memref<64x128xf32, #tpu.memory_space<vmem_shared>>
      %dma_start3A_56 = arith.constant 0 : i32
      %dma_start3A_57 = tpu.memref_slice %arg13[%add3A_18, %dma_start3A_56] : memref<10240x128xf32, #tpu.memory_space<vmem_shared>> -> memref<64x128xf32, #tpu.memory_space<vmem_shared>>
      tpu.enqueue_dma source(%arg12 : memref<64x128xf32, #tpu.memory_space<vmem>>) target(%dma_start3A_57 : memref<64x128xf32, #tpu.memory_space<vmem_shared>>) target_semaphore(%run_scoped3A : memref<!tpu.dma_semaphore, #tpu.memory_space<semaphore_mem>>)
      %dma_wait3A = arith.constant 0 : i32
      %dma_wait3A_58 = tpu.memref_slice %arg13[%add3A_18, %dma_wait3A] : memref<10240x128xf32, #tpu.memory_space<vmem_shared>> -> memref<64x128xf32, #tpu.memory_space<vmem_shared>>
      %dma_wait3A_59 = arith.constant 0 : i32
      %dma_wait3A_60 = tpu.memref_slice %arg13[%add3A_18, %dma_wait3A_59] : memref<10240x128xf32, #tpu.memory_space<vmem_shared>> -> memref<64x128xf32, #tpu.memory_space<vmem_shared>>
      tpu.wait_dma2 semaphore(%run_scoped3A : memref<!tpu.dma_semaphore, #tpu.memory_space<semaphore_mem>>) src(%arg12 : memref<64x128xf32, #tpu.memory_space<vmem>>) dst(%dma_wait3A_60 : memref<64x128xf32, #tpu.memory_space<vmem_shared>>)
      tpu.yield
    }) : () -> ()
    %mul3A_19 = arith.constant 640 : i32
    %mul3A_20 = arith.muli %arg1, %mul3A_19 : i32
    %add3A_21 = arith.constant 256 : i32
    %add3A_22 = arith.addi %mul3A_20, %add3A_21 : i32
    "tpu.region"() ({
      %run_scoped3A = tpu.sem_alloc : memref<!tpu.dma_semaphore, #tpu.memory_space<semaphore_mem>>
      %dma_start3A = arith.constant 0 : i32
      %dma_start3A_55 = tpu.memref_slice %arg13[%add3A_22, %dma_start3A] : memref<10240x128xf32, #tpu.memory_space<vmem_shared>> -> memref<64x128xf32, #tpu.memory_space<vmem_shared>>
      %dma_start3A_56 = arith.constant 0 : i32
      %dma_start3A_57 = tpu.memref_slice %arg13[%add3A_22, %dma_start3A_56] : memref<10240x128xf32, #tpu.memory_space<vmem_shared>> -> memref<64x128xf32, #tpu.memory_space<vmem_shared>>
      tpu.enqueue_dma source(%arg12 : memref<64x128xf32, #tpu.memory_space<vmem>>) target(%dma_start3A_57 : memref<64x128xf32, #tpu.memory_space<vmem_shared>>) target_semaphore(%run_scoped3A : memref<!tpu.dma_semaphore, #tpu.memory_space<semaphore_mem>>)
      %dma_wait3A = arith.constant 0 : i32
      %dma_wait3A_58 = tpu.memref_slice %arg13[%add3A_22, %dma_wait3A] : memref<10240x128xf32, #tpu.memory_space<vmem_shared>> -> memref<64x128xf32, #tpu.memory_space<vmem_shared>>
      %dma_wait3A_59 = arith.constant 0 : i32
      %dma_wait3A_60 = tpu.memref_slice %arg13[%add3A_22, %dma_wait3A_59] : memref<10240x128xf32, #tpu.memory_space<vmem_shared>> -> memref<64x128xf32, #tpu.memory_space<vmem_shared>>
      tpu.wait_dma2 semaphore(%run_scoped3A : memref<!tpu.dma_semaphore, #tpu.memory_space<semaphore_mem>>) src(%arg12 : memref<64x128xf32, #tpu.memory_space<vmem>>) dst(%dma_wait3A_60 : memref<64x128xf32, #tpu.memory_space<vmem_shared>>)
      tpu.yield
    }) : () -> ()
    %mul3A_23 = arith.constant 640 : i32
    %mul3A_24 = arith.muli %arg1, %mul3A_23 : i32
    %add3A_25 = arith.constant 320 : i32
    %add3A_26 = arith.addi %mul3A_24, %add3A_25 : i32
    "tpu.region"() ({
      %run_scoped3A = tpu.sem_alloc : memref<!tpu.dma_semaphore, #tpu.memory_space<semaphore_mem>>
      %dma_start3A = arith.constant 0 : i32
      %dma_start3A_55 = tpu.memref_slice %arg13[%add3A_26, %dma_start3A] : memref<10240x128xf32, #tpu.memory_space<vmem_shared>> -> memref<64x128xf32, #tpu.memory_space<vmem_shared>>
      %dma_start3A_56 = arith.constant 0 : i32
      %dma_start3A_57 = tpu.memref_slice %arg13[%add3A_26, %dma_start3A_56] : memref<10240x128xf32, #tpu.memory_space<vmem_shared>> -> memref<64x128xf32, #tpu.memory_space<vmem_shared>>
      tpu.enqueue_dma source(%arg12 : memref<64x128xf32, #tpu.memory_space<vmem>>) target(%dma_start3A_57 : memref<64x128xf32, #tpu.memory_space<vmem_shared>>) target_semaphore(%run_scoped3A : memref<!tpu.dma_semaphore, #tpu.memory_space<semaphore_mem>>)
      %dma_wait3A = arith.constant 0 : i32
      %dma_wait3A_58 = tpu.memref_slice %arg13[%add3A_26, %dma_wait3A] : memref<10240x128xf32, #tpu.memory_space<vmem_shared>> -> memref<64x128xf32, #tpu.memory_space<vmem_shared>>
      %dma_wait3A_59 = arith.constant 0 : i32
      %dma_wait3A_60 = tpu.memref_slice %arg13[%add3A_26, %dma_wait3A_59] : memref<10240x128xf32, #tpu.memory_space<vmem_shared>> -> memref<64x128xf32, #tpu.memory_space<vmem_shared>>
      tpu.wait_dma2 semaphore(%run_scoped3A : memref<!tpu.dma_semaphore, #tpu.memory_space<semaphore_mem>>) src(%arg12 : memref<64x128xf32, #tpu.memory_space<vmem>>) dst(%dma_wait3A_60 : memref<64x128xf32, #tpu.memory_space<vmem_shared>>)
      tpu.yield
    }) : () -> ()
    %mul3A_27 = arith.constant 640 : i32
    %mul3A_28 = arith.muli %arg1, %mul3A_27 : i32
    %add3A_29 = arith.constant 384 : i32
    %add3A_30 = arith.addi %mul3A_28, %add3A_29 : i32
    "tpu.region"() ({
      %run_scoped3A = tpu.sem_alloc : memref<!tpu.dma_semaphore, #tpu.memory_space<semaphore_mem>>
      %dma_start3A = arith.constant 0 : i32
      %dma_start3A_55 = tpu.memref_slice %arg13[%add3A_30, %dma_start3A] : memref<10240x128xf32, #tpu.memory_space<vmem_shared>> -> memref<64x128xf32, #tpu.memory_space<vmem_shared>>
      %dma_start3A_56 = arith.constant 0 : i32
      %dma_start3A_57 = tpu.memref_slice %arg13[%add3A_30, %dma_start3A_56] : memref<10240x128xf32, #tpu.memory_space<vmem_shared>> -> memref<64x128xf32, #tpu.memory_space<vmem_shared>>
      tpu.enqueue_dma source(%arg12 : memref<64x128xf32, #tpu.memory_space<vmem>>) target(%dma_start3A_57 : memref<64x128xf32, #tpu.memory_space<vmem_shared>>) target_semaphore(%run_scoped3A : memref<!tpu.dma_semaphore, #tpu.memory_space<semaphore_mem>>)
      %dma_wait3A = arith.constant 0 : i32
      %dma_wait3A_58 = tpu.memref_slice %arg13[%add3A_30, %dma_wait3A] : memref<10240x128xf32, #tpu.memory_space<vmem_shared>> -> memref<64x128xf32, #tpu.memory_space<vmem_shared>>
      %dma_wait3A_59 = arith.constant 0 : i32
      %dma_wait3A_60 = tpu.memref_slice %arg13[%add3A_30, %dma_wait3A_59] : memref<10240x128xf32, #tpu.memory_space<vmem_shared>> -> memref<64x128xf32, #tpu.memory_space<vmem_shared>>
      tpu.wait_dma2 semaphore(%run_scoped3A : memref<!tpu.dma_semaphore, #tpu.memory_space<semaphore_mem>>) src(%arg12 : memref<64x128xf32, #tpu.memory_space<vmem>>) dst(%dma_wait3A_60 : memref<64x128xf32, #tpu.memory_space<vmem_shared>>)
      tpu.yield
    }) : () -> ()
    %mul3A_31 = arith.constant 640 : i32
    %mul3A_32 = arith.muli %arg1, %mul3A_31 : i32
    %add3A_33 = arith.constant 448 : i32
    %add3A_34 = arith.addi %mul3A_32, %add3A_33 : i32
    "tpu.region"() ({
      %run_scoped3A = tpu.sem_alloc : memref<!tpu.dma_semaphore, #tpu.memory_space<semaphore_mem>>
      %dma_start3A = arith.constant 0 : i32
      %dma_start3A_55 = tpu.memref_slice %arg13[%add3A_34, %dma_start3A] : memref<10240x128xf32, #tpu.memory_space<vmem_shared>> -> memref<64x128xf32, #tpu.memory_space<vmem_shared>>
      %dma_start3A_56 = arith.constant 0 : i32
      %dma_start3A_57 = tpu.memref_slice %arg13[%add3A_34, %dma_start3A_56] : memref<10240x128xf32, #tpu.memory_space<vmem_shared>> -> memref<64x128xf32, #tpu.memory_space<vmem_shared>>
      tpu.enqueue_dma source(%arg12 : memref<64x128xf32, #tpu.memory_space<vmem>>) target(%dma_start3A_57 : memref<64x128xf32, #tpu.memory_space<vmem_shared>>) target_semaphore(%run_scoped3A : memref<!tpu.dma_semaphore, #tpu.memory_space<semaphore_mem>>)
      %dma_wait3A = arith.constant 0 : i32
      %dma_wait3A_58 = tpu.memref_slice %arg13[%add3A_34, %dma_wait3A] : memref<10240x128xf32, #tpu.memory_space<vmem_shared>> -> memref<64x128xf32, #tpu.memory_space<vmem_shared>>
      %dma_wait3A_59 = arith.constant 0 : i32
      %dma_wait3A_60 = tpu.memref_slice %arg13[%add3A_34, %dma_wait3A_59] : memref<10240x128xf32, #tpu.memory_space<vmem_shared>> -> memref<64x128xf32, #tpu.memory_space<vmem_shared>>
      tpu.wait_dma2 semaphore(%run_scoped3A : memref<!tpu.dma_semaphore, #tpu.memory_space<semaphore_mem>>) src(%arg12 : memref<64x128xf32, #tpu.memory_space<vmem>>) dst(%dma_wait3A_60 : memref<64x128xf32, #tpu.memory_space<vmem_shared>>)
      tpu.yield
    }) : () -> ()
    %mul3A_35 = arith.constant 640 : i32
    %mul3A_36 = arith.muli %arg1, %mul3A_35 : i32
    %add3A_37 = arith.constant 512 : i32
    %add3A_38 = arith.addi %mul3A_36, %add3A_37 : i32
    "tpu.region"() ({
      %run_scoped3A = tpu.sem_alloc : memref<!tpu.dma_semaphore, #tpu.memory_space<semaphore_mem>>
      %dma_start3A = arith.constant 0 : i32
      %dma_start3A_55 = tpu.memref_slice %arg13[%add3A_38, %dma_start3A] : memref<10240x128xf32, #tpu.memory_space<vmem_shared>> -> memref<64x128xf32, #tpu.memory_space<vmem_shared>>
      %dma_start3A_56 = arith.constant 0 : i32
      %dma_start3A_57 = tpu.memref_slice %arg13[%add3A_38, %dma_start3A_56] : memref<10240x128xf32, #tpu.memory_space<vmem_shared>> -> memref<64x128xf32, #tpu.memory_space<vmem_shared>>
      tpu.enqueue_dma source(%arg12 : memref<64x128xf32, #tpu.memory_space<vmem>>) target(%dma_start3A_57 : memref<64x128xf32, #tpu.memory_space<vmem_shared>>) target_semaphore(%run_scoped3A : memref<!tpu.dma_semaphore, #tpu.memory_space<semaphore_mem>>)
      %dma_wait3A = arith.constant 0 : i32
      %dma_wait3A_58 = tpu.memref_slice %arg13[%add3A_38, %dma_wait3A] : memref<10240x128xf32, #tpu.memory_space<vmem_shared>> -> memref<64x128xf32, #tpu.memory_space<vmem_shared>>
      %dma_wait3A_59 = arith.constant 0 : i32
      %dma_wait3A_60 = tpu.memref_slice %arg13[%add3A_38, %dma_wait3A_59] : memref<10240x128xf32, #tpu.memory_space<vmem_shared>> -> memref<64x128xf32, #tpu.memory_space<vmem_shared>>
      tpu.wait_dma2 semaphore(%run_scoped3A : memref<!tpu.dma_semaphore, #tpu.memory_space<semaphore_mem>>) src(%arg12 : memref<64x128xf32, #tpu.memory_space<vmem>>) dst(%dma_wait3A_60 : memref<64x128xf32, #tpu.memory_space<vmem_shared>>)
      tpu.yield
    }) : () -> ()
    %mul3A_39 = arith.constant 640 : i32
    %mul3A_40 = arith.muli %arg1, %mul3A_39 : i32
    %add3A_41 = arith.constant 576 : i32
    %add3A_42 = arith.addi %mul3A_40, %add3A_41 : i32
    "tpu.region"() ({
      %run_scoped3A = tpu.sem_alloc : memref<!tpu.dma_semaphore, #tpu.memory_space<semaphore_mem>>
      %dma_start3A = arith.constant 0 : i32
      %dma_start3A_55 = tpu.memref_slice %arg13[%add3A_42, %dma_start3A] : memref<10240x128xf32, #tpu.memory_space<vmem_shared>> -> memref<64x128xf32, #tpu.memory_space<vmem_shared>>
      %dma_start3A_56 = arith.constant 0 : i32
      %dma_start3A_57 = tpu.memref_slice %arg13[%add3A_42, %dma_start3A_56] : memref<10240x128xf32, #tpu.memory_space<vmem_shared>> -> memref<64x128xf32, #tpu.memory_space<vmem_shared>>
      tpu.enqueue_dma source(%arg12 : memref<64x128xf32, #tpu.memory_space<vmem>>) target(%dma_start3A_57 : memref<64x128xf32, #tpu.memory_space<vmem_shared>>) target_semaphore(%run_scoped3A : memref<!tpu.dma_semaphore, #tpu.memory_space<semaphore_mem>>)
      %dma_wait3A = arith.constant 0 : i32
      %dma_wait3A_58 = tpu.memref_slice %arg13[%add3A_42, %dma_wait3A] : memref<10240x128xf32, #tpu.memory_space<vmem_shared>> -> memref<64x128xf32, #tpu.memory_space<vmem_shared>>
      %dma_wait3A_59 = arith.constant 0 : i32
      %dma_wait3A_60 = tpu.memref_slice %arg13[%add3A_42, %dma_wait3A_59] : memref<10240x128xf32, #tpu.memory_space<vmem_shared>> -> memref<64x128xf32, #tpu.memory_space<vmem_shared>>
      tpu.wait_dma2 semaphore(%run_scoped3A : memref<!tpu.dma_semaphore, #tpu.memory_space<semaphore_mem>>) src(%arg12 : memref<64x128xf32, #tpu.memory_space<vmem>>) dst(%dma_wait3A_60 : memref<64x128xf32, #tpu.memory_space<vmem_shared>>)
      tpu.yield
    }) : () -> ()
    %barrier3A = arith.constant 0 : index
    tpu.barrier barrier_id(%barrier3A)
    %eq3A = arith.constant 0 : i32
    %eq3A_43 = arith.cmpi eq, %arg0, %eq3A : i32
    %convert_element_type3A = arith.extui %eq3A_43 : i1 to i32
    %cond3A = arith.constant 0 : i32
    %cond3A_44 = arith.cmpi ne, %convert_element_type3A, %cond3A : i32
    scf.if %cond3A_44 {
      %mul3A_55 = arith.constant 120 : i32
      %mul3A_56 = arith.muli %arg1, %mul3A_55 : i32
      %mul3A_57 = arith.constant 128 : i32
      %mul3A_58 = arith.muli %mul3A_56, %mul3A_57 : i32
      "tpu.region"() ({
        %run_scoped3A = tpu.sem_alloc : memref<!tpu.dma_semaphore, #tpu.memory_space<semaphore_mem>>
        %dma_start3A_75 = tpu.memref_slice %arg3[%mul3A_58] : memref<331776xi32, #tpu.memory_space<hbm>> -> memref<128xi32, #tpu.memory_space<hbm>>
        %dma_start3A_76 = tpu.memref_slice %arg3[%mul3A_58] : memref<331776xi32, #tpu.memory_space<hbm>> -> memref<128xi32, #tpu.memory_space<hbm>>
        tpu.enqueue_dma source(%dma_start3A_76 : memref<128xi32, #tpu.memory_space<hbm>>) target(%arg6 : memref<128xi32, #tpu.memory_space<vmem>>) target_semaphore(%run_scoped3A : memref<!tpu.dma_semaphore, #tpu.memory_space<semaphore_mem>>)
        %dma_wait3A = tpu.memref_slice %arg3[%mul3A_58] : memref<331776xi32, #tpu.memory_space<hbm>> -> memref<128xi32, #tpu.memory_space<hbm>>
        %dma_wait3A_77 = tpu.memref_slice %arg3[%mul3A_58] : memref<331776xi32, #tpu.memory_space<hbm>> -> memref<128xi32, #tpu.memory_space<hbm>>
        tpu.wait_dma2 semaphore(%run_scoped3A : memref<!tpu.dma_semaphore, #tpu.memory_space<semaphore_mem>>) src(%dma_wait3A_77 : memref<128xi32, #tpu.memory_space<hbm>>) dst(%arg6 : memref<128xi32, #tpu.memory_space<vmem>>)
        tpu.yield
      }) : () -> ()
      "tpu.region"() ({
        %run_scoped3A = tpu.sem_alloc : memref<!tpu.dma_semaphore, #tpu.memory_space<semaphore_mem>>
        %dma_start3A_75 = tpu.memref_slice %arg4[%mul3A_58] : memref<331776xi32, #tpu.memory_space<hbm>> -> memref<128xi32, #tpu.memory_space<hbm>>
        %dma_start3A_76 = tpu.memref_slice %arg4[%mul3A_58] : memref<331776xi32, #tpu.memory_space<hbm>> -> memref<128xi32, #tpu.memory_space<hbm>>
        tpu.enqueue_dma source(%dma_start3A_76 : memref<128xi32, #tpu.memory_space<hbm>>) target(%arg7 : memref<128xi32, #tpu.memory_space<vmem>>) target_semaphore(%run_scoped3A : memref<!tpu.dma_semaphore, #tpu.memory_space<semaphore_mem>>)
        %dma_wait3A = tpu.memref_slice %arg4[%mul3A_58] : memref<331776xi32, #tpu.memory_space<hbm>> -> memref<128xi32, #tpu.memory_space<hbm>>
        %dma_wait3A_77 = tpu.memref_slice %arg4[%mul3A_58] : memref<331776xi32, #tpu.memory_space<hbm>> -> memref<128xi32, #tpu.memory_space<hbm>>
        tpu.wait_dma2 semaphore(%run_scoped3A : memref<!tpu.dma_semaphore, #tpu.memory_space<semaphore_mem>>) src(%dma_wait3A_77 : memref<128xi32, #tpu.memory_space<hbm>>) dst(%arg7 : memref<128xi32, #tpu.memory_space<vmem>>)
        tpu.yield
      }) : () -> ()
      %dma_start3A = arith.constant 0 : i32
      %dma_start3A_59 = arith.constant 0 : i32
      %dma_start3A_60 = tpu.memref_slice %arg2[%dma_start3A, %dma_start3A_59] : memref<10000x128xf32, #tpu.memory_space<hbm>> -> memref<10000x128xf32, #tpu.memory_space<hbm>>
      tpu.enqueue_indirect_dma source(%dma_start3A_60 : memref<10000x128xf32, #tpu.memory_space<hbm>>) target(%arg10 : memref<128x128xf32, #tpu.memory_space<vmem>>) offsets(%arg6 : memref<128xi32, #tpu.memory_space<vmem>>) semaphore(%arg14 : memref<!tpu.dma_semaphore, #tpu.memory_space<semaphore_mem>>)
      %add3A_61 = arith.constant 128 : i32
      %add3A_62 = arith.addi %mul3A_58, %add3A_61 : i32
      %dma_start3A_63 = tpu.memref_slice %arg3[%add3A_62] : memref<331776xi32, #tpu.memory_space<hbm>> -> memref<128xi32, #tpu.memory_space<hbm>>
      %dma_start3A_64 = tpu.memref_slice %arg3[%add3A_62] : memref<331776xi32, #tpu.memory_space<hbm>> -> memref<128xi32, #tpu.memory_space<hbm>>
      tpu.enqueue_dma source(%dma_start3A_64 : memref<128xi32, #tpu.memory_space<hbm>>) target(%arg8 : memref<128xi32, #tpu.memory_space<vmem>>) target_semaphore(%arg16 : memref<!tpu.dma_semaphore, #tpu.memory_space<semaphore_mem>>)
      %add3A_65 = arith.constant 128 : i32
      %add3A_66 = arith.addi %mul3A_58, %add3A_65 : i32
      %dma_start3A_67 = tpu.memref_slice %arg4[%add3A_66] : memref<331776xi32, #tpu.memory_space<hbm>> -> memref<128xi32, #tpu.memory_space<hbm>>
      %dma_start3A_68 = tpu.memref_slice %arg4[%add3A_66] : memref<331776xi32, #tpu.memory_space<hbm>> -> memref<128xi32, #tpu.memory_space<hbm>>
      tpu.enqueue_dma source(%dma_start3A_68 : memref<128xi32, #tpu.memory_space<hbm>>) target(%arg9 : memref<128xi32, #tpu.memory_space<vmem>>) target_semaphore(%arg16 : memref<!tpu.dma_semaphore, #tpu.memory_space<semaphore_mem>>)
      %scan3A_69 = arith.constant 0 : i32
      %scan3A_70 = arith.constant 0 : i32
      %scan3A_71 = arith.constant 60 : i32
      %scan3A_72 = arith.addi %scan3A_70, %scan3A_71 : i32
      %scan3A_73 = arith.constant 1 : i32
      scf.for %scan3A_75 = %scan3A_70 to %scan3A_72 step %scan3A_73  : i32 {
        %mul3A_76 = arith.constant 2 : i32
        %mul3A_77 = arith.muli %mul3A_76, %scan3A_75 : i32
        %add3A_78 = arith.addi %mul3A_56, %mul3A_77 : i32
        %add3A_79 = arith.constant 1 : i32
        %add3A_80 = arith.addi %add3A_78, %add3A_79 : i32
        %mul3A_81 = arith.constant 128 : i32
        %mul3A_82 = arith.muli %add3A_80, %mul3A_81 : i32
        %dma_wait3A = tpu.memref_slice %arg3[%mul3A_82] : memref<331776xi32, #tpu.memory_space<hbm>> -> memref<128xi32, #tpu.memory_space<hbm>>
        %dma_wait3A_83 = tpu.memref_slice %arg3[%mul3A_82] : memref<331776xi32, #tpu.memory_space<hbm>> -> memref<128xi32, #tpu.memory_space<hbm>>
        tpu.wait_dma2 semaphore(%arg16 : memref<!tpu.dma_semaphore, #tpu.memory_space<semaphore_mem>>) src(%dma_wait3A_83 : memref<128xi32, #tpu.memory_space<hbm>>) dst(%arg8 : memref<128xi32, #tpu.memory_space<vmem>>)
        %dma_wait3A_84 = tpu.memref_slice %arg4[%mul3A_82] : memref<331776xi32, #tpu.memory_space<hbm>> -> memref<128xi32, #tpu.memory_space<hbm>>
        %dma_wait3A_85 = tpu.memref_slice %arg4[%mul3A_82] : memref<331776xi32, #tpu.memory_space<hbm>> -> memref<128xi32, #tpu.memory_space<hbm>>
        tpu.wait_dma2 semaphore(%arg16 : memref<!tpu.dma_semaphore, #tpu.memory_space<semaphore_mem>>) src(%dma_wait3A_85 : memref<128xi32, #tpu.memory_space<hbm>>) dst(%arg9 : memref<128xi32, #tpu.memory_space<vmem>>)
        %dma_start3A_86 = arith.constant 0 : i32
        %dma_start3A_87 = arith.constant 0 : i32
        %dma_start3A_88 = tpu.memref_slice %arg2[%dma_start3A_86, %dma_start3A_87] : memref<10000x128xf32, #tpu.memory_space<hbm>> -> memref<10000x128xf32, #tpu.memory_space<hbm>>
        tpu.enqueue_indirect_dma source(%dma_start3A_88 : memref<10000x128xf32, #tpu.memory_space<hbm>>) target(%arg11 : memref<128x128xf32, #tpu.memory_space<vmem>>) offsets(%arg8 : memref<128xi32, #tpu.memory_space<vmem>>) semaphore(%arg15 : memref<!tpu.dma_semaphore, #tpu.memory_space<semaphore_mem>>)
        %dma_wait3A_89 = arith.constant 0 : i32
        %dma_wait3A_90 = arith.constant 0 : i32
        %dma_wait3A_91 = tpu.memref_slice %arg2[%dma_wait3A_89, %dma_wait3A_90] : memref<10000x128xf32, #tpu.memory_space<hbm>> -> memref<10000x128xf32, #tpu.memory_space<hbm>>
        tpu.wait_indirect_dma semaphore(%arg14 : memref<!tpu.dma_semaphore, #tpu.memory_space<semaphore_mem>>) src(%dma_wait3A_91 : memref<10000x128xf32, #tpu.memory_space<hbm>>) dst(%arg10 : memref<128x128xf32, #tpu.memory_space<vmem>>)
        "tpu.region"() ({
          %run_scoped3A = tpu.sem_alloc : memref<!tpu.dma_semaphore, #tpu.memory_space<semaphore_mem>>
          %dma_start3A_108 = arith.constant 0 : i32
          %dma_start3A_109 = arith.constant 0 : i32
          %dma_start3A_110 = tpu.memref_slice %arg13[%dma_start3A_108, %dma_start3A_109] : memref<10240x128xf32, #tpu.memory_space<vmem_shared>> -> memref<10240x128xf32, #tpu.memory_space<vmem_shared>>
          tpu.enqueue_indirect_dma source(%arg10 : memref<128x128xf32, #tpu.memory_space<vmem>>) target(%dma_start3A_110 : memref<10240x128xf32, #tpu.memory_space<vmem_shared>>) offsets(%arg7 : memref<128xi32, #tpu.memory_space<vmem>>) semaphore(%run_scoped3A : memref<!tpu.dma_semaphore, #tpu.memory_space<semaphore_mem>>) {add = true}
          %dma_wait3A_111 = arith.constant 0 : i32
          %dma_wait3A_112 = arith.constant 0 : i32
          %dma_wait3A_113 = tpu.memref_slice %arg13[%dma_wait3A_111, %dma_wait3A_112] : memref<10240x128xf32, #tpu.memory_space<vmem_shared>> -> memref<10240x128xf32, #tpu.memory_space<vmem_shared>>
          tpu.wait_indirect_dma semaphore(%run_scoped3A : memref<!tpu.dma_semaphore, #tpu.memory_space<semaphore_mem>>) src(%arg10 : memref<128x128xf32, #tpu.memory_space<vmem>>) dst(%dma_wait3A_113 : memref<10240x128xf32, #tpu.memory_space<vmem_shared>>)
          tpu.yield
        }) : () -> ()
        %add3A_92 = arith.constant 2 : i32
        %add3A_93 = arith.addi %mul3A_77, %add3A_92 : i32
        %lt3A = arith.constant 120 : i32
        %lt3A_94 = arith.cmpi slt, %add3A_93, %lt3A : i32
        %convert_element_type3A_95 = arith.extui %lt3A_94 : i1 to i32
        %cond3A_96 = arith.constant 0 : i32
        %cond3A_97 = arith.cmpi ne, %convert_element_type3A_95, %cond3A_96 : i32
        scf.if %cond3A_97 {
          %add3A_108 = arith.addi %mul3A_56, %mul3A_77 : i32
          %add3A_109 = arith.constant 2 : i32
          %add3A_110 = arith.addi %add3A_108, %add3A_109 : i32
          %mul3A_111 = arith.constant 128 : i32
          %mul3A_112 = arith.muli %add3A_110, %mul3A_111 : i32
          "tpu.region"() ({
            %run_scoped3A = tpu.sem_alloc : memref<!tpu.dma_semaphore, #tpu.memory_space<semaphore_mem>>
            %dma_start3A_116 = tpu.memref_slice %arg3[%mul3A_112] : memref<331776xi32, #tpu.memory_space<hbm>> -> memref<128xi32, #tpu.memory_space<hbm>>
            %dma_start3A_117 = tpu.memref_slice %arg3[%mul3A_112] : memref<331776xi32, #tpu.memory_space<hbm>> -> memref<128xi32, #tpu.memory_space<hbm>>
            tpu.enqueue_dma source(%dma_start3A_117 : memref<128xi32, #tpu.memory_space<hbm>>) target(%arg6 : memref<128xi32, #tpu.memory_space<vmem>>) target_semaphore(%run_scoped3A : memref<!tpu.dma_semaphore, #tpu.memory_space<semaphore_mem>>)
            %dma_wait3A_118 = tpu.memref_slice %arg3[%mul3A_112] : memref<331776xi32, #tpu.memory_space<hbm>> -> memref<128xi32, #tpu.memory_space<hbm>>
            %dma_wait3A_119 = tpu.memref_slice %arg3[%mul3A_112] : memref<331776xi32, #tpu.memory_space<hbm>> -> memref<128xi32, #tpu.memory_space<hbm>>
            tpu.wait_dma2 semaphore(%run_scoped3A : memref<!tpu.dma_semaphore, #tpu.memory_space<semaphore_mem>>) src(%dma_wait3A_119 : memref<128xi32, #tpu.memory_space<hbm>>) dst(%arg6 : memref<128xi32, #tpu.memory_space<vmem>>)
            tpu.yield
          }) : () -> ()
          "tpu.region"() ({
            %run_scoped3A = tpu.sem_alloc : memref<!tpu.dma_semaphore, #tpu.memory_space<semaphore_mem>>
            %dma_start3A_116 = tpu.memref_slice %arg4[%mul3A_112] : memref<331776xi32, #tpu.memory_space<hbm>> -> memref<128xi32, #tpu.memory_space<hbm>>
            %dma_start3A_117 = tpu.memref_slice %arg4[%mul3A_112] : memref<331776xi32, #tpu.memory_space<hbm>> -> memref<128xi32, #tpu.memory_space<hbm>>
            tpu.enqueue_dma source(%dma_start3A_117 : memref<128xi32, #tpu.memory_space<hbm>>) target(%arg7 : memref<128xi32, #tpu.memory_space<vmem>>) target_semaphore(%run_scoped3A : memref<!tpu.dma_semaphore, #tpu.memory_space<semaphore_mem>>)
            %dma_wait3A_118 = tpu.memref_slice %arg4[%mul3A_112] : memref<331776xi32, #tpu.memory_space<hbm>> -> memref<128xi32, #tpu.memory_space<hbm>>
            %dma_wait3A_119 = tpu.memref_slice %arg4[%mul3A_112] : memref<331776xi32, #tpu.memory_space<hbm>> -> memref<128xi32, #tpu.memory_space<hbm>>
            tpu.wait_dma2 semaphore(%run_scoped3A : memref<!tpu.dma_semaphore, #tpu.memory_space<semaphore_mem>>) src(%dma_wait3A_119 : memref<128xi32, #tpu.memory_space<hbm>>) dst(%arg7 : memref<128xi32, #tpu.memory_space<vmem>>)
            tpu.yield
          }) : () -> ()
          %dma_start3A_113 = arith.constant 0 : i32
          %dma_start3A_114 = arith.constant 0 : i32
          %dma_start3A_115 = tpu.memref_slice %arg2[%dma_start3A_113, %dma_start3A_114] : memref<10000x128xf32, #tpu.memory_space<hbm>> -> memref<10000x128xf32, #tpu.memory_space<hbm>>
          tpu.enqueue_indirect_dma source(%dma_start3A_115 : memref<10000x128xf32, #tpu.memory_space<hbm>>) target(%arg10 : memref<128x128xf32, #tpu.memory_space<vmem>>) offsets(%arg6 : memref<128xi32, #tpu.memory_space<vmem>>) semaphore(%arg14 : memref<!tpu.dma_semaphore, #tpu.memory_space<semaphore_mem>>)
        } else {
        }
        %dma_wait3A_98 = arith.constant 0 : i32
        %dma_wait3A_99 = arith.constant 0 : i32
        %dma_wait3A_100 = tpu.memref_slice %arg2[%dma_wait3A_98, %dma_wait3A_99] : memref<10000x128xf32, #tpu.memory_space<hbm>> -> memref<10000x128xf32, #tpu.memory_space<hbm>>
        tpu.wait_indirect_dma semaphore(%arg15 : memref<!tpu.dma_semaphore, #tpu.memory_space<semaphore_mem>>) src(%dma_wait3A_100 : memref<10000x128xf32, #tpu.memory_space<hbm>>) dst(%arg11 : memref<128x128xf32, #tpu.memory_space<vmem>>)
        "tpu.region"() ({
          %run_scoped3A = tpu.sem_alloc : memref<!tpu.dma_semaphore, #tpu.memory_space<semaphore_mem>>
          %dma_start3A_108 = arith.constant 0 : i32
          %dma_start3A_109 = arith.constant 0 : i32
          %dma_start3A_110 = tpu.memref_slice %arg13[%dma_start3A_108, %dma_start3A_109] : memref<10240x128xf32, #tpu.memory_space<vmem_shared>> -> memref<10240x128xf32, #tpu.memory_space<vmem_shared>>
          tpu.enqueue_indirect_dma source(%arg11 : memref<128x128xf32, #tpu.memory_space<vmem>>) target(%dma_start3A_110 : memref<10240x128xf32, #tpu.memory_space<vmem_shared>>) offsets(%arg9 : memref<128xi32, #tpu.memory_space<vmem>>) semaphore(%run_scoped3A : memref<!tpu.dma_semaphore, #tpu.memory_space<semaphore_mem>>) {add = true}
          %dma_wait3A_111 = arith.constant 0 : i32
          %dma_wait3A_112 = arith.constant 0 : i32
          %dma_wait3A_113 = tpu.memref_slice %arg13[%dma_wait3A_111, %dma_wait3A_112] : memref<10240x128xf32, #tpu.memory_space<vmem_shared>> -> memref<10240x128xf32, #tpu.memory_space<vmem_shared>>
          tpu.wait_indirect_dma semaphore(%run_scoped3A : memref<!tpu.dma_semaphore, #tpu.memory_space<semaphore_mem>>) src(%arg11 : memref<128x128xf32, #tpu.memory_space<vmem>>) dst(%dma_wait3A_113 : memref<10240x128xf32, #tpu.memory_space<vmem_shared>>)
          tpu.yield
        }) : () -> ()
        %add3A_101 = arith.constant 3 : i32
        %add3A_102 = arith.addi %mul3A_77, %add3A_101 : i32
        %lt3A_103 = arith.constant 120 : i32
        %lt3A_104 = arith.cmpi slt, %add3A_102, %lt3A_103 : i32
        %convert_element_type3A_105 = arith.extui %lt3A_104 : i1 to i32
        %cond3A_106 = arith.constant 0 : i32
        %cond3A_107 = arith.cmpi ne, %convert_element_type3A_105, %cond3A_106 : i32
        scf.if %cond3A_107 {
          %add3A_108 = arith.addi %mul3A_56, %mul3A_77 : i32
          %add3A_109 = arith.constant 3 : i32
          %add3A_110 = arith.addi %add3A_108, %add3A_109 : i32
          %mul3A_111 = arith.constant 128 : i32
          %mul3A_112 = arith.muli %add3A_110, %mul3A_111 : i32
          %dma_start3A_113 = tpu.memref_slice %arg3[%mul3A_112] : memref<331776xi32, #tpu.memory_space<hbm>> -> memref<128xi32, #tpu.memory_space<hbm>>
          %dma_start3A_114 = tpu.memref_slice %arg3[%mul3A_112] : memref<331776xi32, #tpu.memory_space<hbm>> -> memref<128xi32, #tpu.memory_space<hbm>>
          tpu.enqueue_dma source(%dma_start3A_114 : memref<128xi32, #tpu.memory_space<hbm>>) target(%arg8 : memref<128xi32, #tpu.memory_space<vmem>>) target_semaphore(%arg16 : memref<!tpu.dma_semaphore, #tpu.memory_space<semaphore_mem>>)
          %dma_start3A_115 = tpu.memref_slice %arg4[%mul3A_112] : memref<331776xi32, #tpu.memory_space<hbm>> -> memref<128xi32, #tpu.memory_space<hbm>>
          %dma_start3A_116 = tpu.memref_slice %arg4[%mul3A_112] : memref<331776xi32, #tpu.memory_space<hbm>> -> memref<128xi32, #tpu.memory_space<hbm>>
          tpu.enqueue_dma source(%dma_start3A_116 : memref<128xi32, #tpu.memory_space<hbm>>) target(%arg9 : memref<128xi32, #tpu.memory_space<vmem>>) target_semaphore(%arg16 : memref<!tpu.dma_semaphore, #tpu.memory_space<semaphore_mem>>)
        } else {
        }
      }
      %scan3A_74 = arith.constant 60 : i32
    } else {
    }
    %eq3A_45 = arith.constant 1 : i32
    %eq3A_46 = arith.cmpi eq, %arg0, %eq3A_45 : i32
    %convert_element_type3A_47 = arith.extui %eq3A_46 : i1 to i32
    %cond3A_48 = arith.constant 0 : i32
    %cond3A_49 = arith.cmpi ne, %convert_element_type3A_47, %cond3A_48 : i32
    scf.if %cond3A_49 {
      %mul3A_55 = arith.constant 42 : i32
      %mul3A_56 = arith.muli %arg1, %mul3A_55 : i32
      %add3A_57 = arith.constant 1920 : i32
      %add3A_58 = arith.addi %add3A_57, %mul3A_56 : i32
      %mul3A_59 = arith.constant 128 : i32
      %mul3A_60 = arith.muli %add3A_58, %mul3A_59 : i32
      "tpu.region"() ({
        %run_scoped3A = tpu.sem_alloc : memref<!tpu.dma_semaphore, #tpu.memory_space<semaphore_mem>>
        %dma_start3A_77 = tpu.memref_slice %arg3[%mul3A_60] : memref<331776xi32, #tpu.memory_space<hbm>> -> memref<128xi32, #tpu.memory_space<hbm>>
        %dma_start3A_78 = tpu.memref_slice %arg3[%mul3A_60] : memref<331776xi32, #tpu.memory_space<hbm>> -> memref<128xi32, #tpu.memory_space<hbm>>
        tpu.enqueue_dma source(%dma_start3A_78 : memref<128xi32, #tpu.memory_space<hbm>>) target(%arg6 : memref<128xi32, #tpu.memory_space<vmem>>) target_semaphore(%run_scoped3A : memref<!tpu.dma_semaphore, #tpu.memory_space<semaphore_mem>>)
        %dma_wait3A = tpu.memref_slice %arg3[%mul3A_60] : memref<331776xi32, #tpu.memory_space<hbm>> -> memref<128xi32, #tpu.memory_space<hbm>>
        %dma_wait3A_79 = tpu.memref_slice %arg3[%mul3A_60] : memref<331776xi32, #tpu.memory_space<hbm>> -> memref<128xi32, #tpu.memory_space<hbm>>
        tpu.wait_dma2 semaphore(%run_scoped3A : memref<!tpu.dma_semaphore, #tpu.memory_space<semaphore_mem>>) src(%dma_wait3A_79 : memref<128xi32, #tpu.memory_space<hbm>>) dst(%arg6 : memref<128xi32, #tpu.memory_space<vmem>>)
        tpu.yield
      }) : () -> ()
      "tpu.region"() ({
        %run_scoped3A = tpu.sem_alloc : memref<!tpu.dma_semaphore, #tpu.memory_space<semaphore_mem>>
        %dma_start3A_77 = tpu.memref_slice %arg4[%mul3A_60] : memref<331776xi32, #tpu.memory_space<hbm>> -> memref<128xi32, #tpu.memory_space<hbm>>
        %dma_start3A_78 = tpu.memref_slice %arg4[%mul3A_60] : memref<331776xi32, #tpu.memory_space<hbm>> -> memref<128xi32, #tpu.memory_space<hbm>>
        tpu.enqueue_dma source(%dma_start3A_78 : memref<128xi32, #tpu.memory_space<hbm>>) target(%arg7 : memref<128xi32, #tpu.memory_space<vmem>>) target_semaphore(%run_scoped3A : memref<!tpu.dma_semaphore, #tpu.memory_space<semaphore_mem>>)
        %dma_wait3A = tpu.memref_slice %arg4[%mul3A_60] : memref<331776xi32, #tpu.memory_space<hbm>> -> memref<128xi32, #tpu.memory_space<hbm>>
        %dma_wait3A_79 = tpu.memref_slice %arg4[%mul3A_60] : memref<331776xi32, #tpu.memory_space<hbm>> -> memref<128xi32, #tpu.memory_space<hbm>>
        tpu.wait_dma2 semaphore(%run_scoped3A : memref<!tpu.dma_semaphore, #tpu.memory_space<semaphore_mem>>) src(%dma_wait3A_79 : memref<128xi32, #tpu.memory_space<hbm>>) dst(%arg7 : memref<128xi32, #tpu.memory_space<vmem>>)
        tpu.yield
      }) : () -> ()
      %dma_start3A = arith.constant 0 : i32
      %dma_start3A_61 = arith.constant 0 : i32
      %dma_start3A_62 = tpu.memref_slice %arg2[%dma_start3A, %dma_start3A_61] : memref<10000x128xf32, #tpu.memory_space<hbm>> -> memref<10000x128xf32, #tpu.memory_space<hbm>>
      tpu.enqueue_indirect_dma source(%dma_start3A_62 : memref<10000x128xf32, #tpu.memory_space<hbm>>) target(%arg10 : memref<128x128xf32, #tpu.memory_space<vmem>>) offsets(%arg6 : memref<128xi32, #tpu.memory_space<vmem>>) semaphore(%arg14 : memref<!tpu.dma_semaphore, #tpu.memory_space<semaphore_mem>>)
      %add3A_63 = arith.constant 128 : i32
      %add3A_64 = arith.addi %mul3A_60, %add3A_63 : i32
      %dma_start3A_65 = tpu.memref_slice %arg3[%add3A_64] : memref<331776xi32, #tpu.memory_space<hbm>> -> memref<128xi32, #tpu.memory_space<hbm>>
      %dma_start3A_66 = tpu.memref_slice %arg3[%add3A_64] : memref<331776xi32, #tpu.memory_space<hbm>> -> memref<128xi32, #tpu.memory_space<hbm>>
      tpu.enqueue_dma source(%dma_start3A_66 : memref<128xi32, #tpu.memory_space<hbm>>) target(%arg8 : memref<128xi32, #tpu.memory_space<vmem>>) target_semaphore(%arg16 : memref<!tpu.dma_semaphore, #tpu.memory_space<semaphore_mem>>)
      %add3A_67 = arith.constant 128 : i32
      %add3A_68 = arith.addi %mul3A_60, %add3A_67 : i32
      %dma_start3A_69 = tpu.memref_slice %arg4[%add3A_68] : memref<331776xi32, #tpu.memory_space<hbm>> -> memref<128xi32, #tpu.memory_space<hbm>>
      %dma_start3A_70 = tpu.memref_slice %arg4[%add3A_68] : memref<331776xi32, #tpu.memory_space<hbm>> -> memref<128xi32, #tpu.memory_space<hbm>>
      tpu.enqueue_dma source(%dma_start3A_70 : memref<128xi32, #tpu.memory_space<hbm>>) target(%arg9 : memref<128xi32, #tpu.memory_space<vmem>>) target_semaphore(%arg16 : memref<!tpu.dma_semaphore, #tpu.memory_space<semaphore_mem>>)
      %scan3A_71 = arith.constant 0 : i32
      %scan3A_72 = arith.constant 0 : i32
      %scan3A_73 = arith.constant 21 : i32
      %scan3A_74 = arith.addi %scan3A_72, %scan3A_73 : i32
      %scan3A_75 = arith.constant 1 : i32
      scf.for %scan3A_77 = %scan3A_72 to %scan3A_74 step %scan3A_75  : i32 {
        %mul3A_78 = arith.constant 2 : i32
        %mul3A_79 = arith.muli %mul3A_78, %scan3A_77 : i32
        %add3A_80 = arith.addi %add3A_58, %mul3A_79 : i32
        %add3A_81 = arith.constant 1 : i32
        %add3A_82 = arith.addi %add3A_80, %add3A_81 : i32
        %mul3A_83 = arith.constant 128 : i32
        %mul3A_84 = arith.muli %add3A_82, %mul3A_83 : i32
        %dma_wait3A = tpu.memref_slice %arg3[%mul3A_84] : memref<331776xi32, #tpu.memory_space<hbm>> -> memref<128xi32, #tpu.memory_space<hbm>>
        %dma_wait3A_85 = tpu.memref_slice %arg3[%mul3A_84] : memref<331776xi32, #tpu.memory_space<hbm>> -> memref<128xi32, #tpu.memory_space<hbm>>
        tpu.wait_dma2 semaphore(%arg16 : memref<!tpu.dma_semaphore, #tpu.memory_space<semaphore_mem>>) src(%dma_wait3A_85 : memref<128xi32, #tpu.memory_space<hbm>>) dst(%arg8 : memref<128xi32, #tpu.memory_space<vmem>>)
        %dma_wait3A_86 = tpu.memref_slice %arg4[%mul3A_84] : memref<331776xi32, #tpu.memory_space<hbm>> -> memref<128xi32, #tpu.memory_space<hbm>>
        %dma_wait3A_87 = tpu.memref_slice %arg4[%mul3A_84] : memref<331776xi32, #tpu.memory_space<hbm>> -> memref<128xi32, #tpu.memory_space<hbm>>
        tpu.wait_dma2 semaphore(%arg16 : memref<!tpu.dma_semaphore, #tpu.memory_space<semaphore_mem>>) src(%dma_wait3A_87 : memref<128xi32, #tpu.memory_space<hbm>>) dst(%arg9 : memref<128xi32, #tpu.memory_space<vmem>>)
        %dma_start3A_88 = arith.constant 0 : i32
        %dma_start3A_89 = arith.constant 0 : i32
        %dma_start3A_90 = tpu.memref_slice %arg2[%dma_start3A_88, %dma_start3A_89] : memref<10000x128xf32, #tpu.memory_space<hbm>> -> memref<10000x128xf32, #tpu.memory_space<hbm>>
        tpu.enqueue_indirect_dma source(%dma_start3A_90 : memref<10000x128xf32, #tpu.memory_space<hbm>>) target(%arg11 : memref<128x128xf32, #tpu.memory_space<vmem>>) offsets(%arg8 : memref<128xi32, #tpu.memory_space<vmem>>) semaphore(%arg15 : memref<!tpu.dma_semaphore, #tpu.memory_space<semaphore_mem>>)
        %dma_wait3A_91 = arith.constant 0 : i32
        %dma_wait3A_92 = arith.constant 0 : i32
        %dma_wait3A_93 = tpu.memref_slice %arg2[%dma_wait3A_91, %dma_wait3A_92] : memref<10000x128xf32, #tpu.memory_space<hbm>> -> memref<10000x128xf32, #tpu.memory_space<hbm>>
        tpu.wait_indirect_dma semaphore(%arg14 : memref<!tpu.dma_semaphore, #tpu.memory_space<semaphore_mem>>) src(%dma_wait3A_93 : memref<10000x128xf32, #tpu.memory_space<hbm>>) dst(%arg10 : memref<128x128xf32, #tpu.memory_space<vmem>>)
        "tpu.region"() ({
          %run_scoped3A = tpu.sem_alloc : memref<!tpu.dma_semaphore, #tpu.memory_space<semaphore_mem>>
          %dma_start3A_110 = arith.constant 0 : i32
          %dma_start3A_111 = arith.constant 0 : i32
          %dma_start3A_112 = tpu.memref_slice %arg13[%dma_start3A_110, %dma_start3A_111] : memref<10240x128xf32, #tpu.memory_space<vmem_shared>> -> memref<10240x128xf32, #tpu.memory_space<vmem_shared>>
          tpu.enqueue_indirect_dma source(%arg10 : memref<128x128xf32, #tpu.memory_space<vmem>>) target(%dma_start3A_112 : memref<10240x128xf32, #tpu.memory_space<vmem_shared>>) offsets(%arg7 : memref<128xi32, #tpu.memory_space<vmem>>) semaphore(%run_scoped3A : memref<!tpu.dma_semaphore, #tpu.memory_space<semaphore_mem>>) {add = true}
          %dma_wait3A_113 = arith.constant 0 : i32
          %dma_wait3A_114 = arith.constant 0 : i32
          %dma_wait3A_115 = tpu.memref_slice %arg13[%dma_wait3A_113, %dma_wait3A_114] : memref<10240x128xf32, #tpu.memory_space<vmem_shared>> -> memref<10240x128xf32, #tpu.memory_space<vmem_shared>>
          tpu.wait_indirect_dma semaphore(%run_scoped3A : memref<!tpu.dma_semaphore, #tpu.memory_space<semaphore_mem>>) src(%arg10 : memref<128x128xf32, #tpu.memory_space<vmem>>) dst(%dma_wait3A_115 : memref<10240x128xf32, #tpu.memory_space<vmem_shared>>)
          tpu.yield
        }) : () -> ()
        %add3A_94 = arith.constant 2 : i32
        %add3A_95 = arith.addi %mul3A_79, %add3A_94 : i32
        %lt3A = arith.constant 42 : i32
        %lt3A_96 = arith.cmpi slt, %add3A_95, %lt3A : i32
        %convert_element_type3A_97 = arith.extui %lt3A_96 : i1 to i32
        %cond3A_98 = arith.constant 0 : i32
        %cond3A_99 = arith.cmpi ne, %convert_element_type3A_97, %cond3A_98 : i32
        scf.if %cond3A_99 {
          %add3A_110 = arith.addi %add3A_58, %mul3A_79 : i32
          %add3A_111 = arith.constant 2 : i32
          %add3A_112 = arith.addi %add3A_110, %add3A_111 : i32
          %mul3A_113 = arith.constant 128 : i32
          %mul3A_114 = arith.muli %add3A_112, %mul3A_113 : i32
          "tpu.region"() ({
            %run_scoped3A = tpu.sem_alloc : memref<!tpu.dma_semaphore, #tpu.memory_space<semaphore_mem>>
            %dma_start3A_118 = tpu.memref_slice %arg3[%mul3A_114] : memref<331776xi32, #tpu.memory_space<hbm>> -> memref<128xi32, #tpu.memory_space<hbm>>
            %dma_start3A_119 = tpu.memref_slice %arg3[%mul3A_114] : memref<331776xi32, #tpu.memory_space<hbm>> -> memref<128xi32, #tpu.memory_space<hbm>>
            tpu.enqueue_dma source(%dma_start3A_119 : memref<128xi32, #tpu.memory_space<hbm>>) target(%arg6 : memref<128xi32, #tpu.memory_space<vmem>>) target_semaphore(%run_scoped3A : memref<!tpu.dma_semaphore, #tpu.memory_space<semaphore_mem>>)
            %dma_wait3A_120 = tpu.memref_slice %arg3[%mul3A_114] : memref<331776xi32, #tpu.memory_space<hbm>> -> memref<128xi32, #tpu.memory_space<hbm>>
            %dma_wait3A_121 = tpu.memref_slice %arg3[%mul3A_114] : memref<331776xi32, #tpu.memory_space<hbm>> -> memref<128xi32, #tpu.memory_space<hbm>>
            tpu.wait_dma2 semaphore(%run_scoped3A : memref<!tpu.dma_semaphore, #tpu.memory_space<semaphore_mem>>) src(%dma_wait3A_121 : memref<128xi32, #tpu.memory_space<hbm>>) dst(%arg6 : memref<128xi32, #tpu.memory_space<vmem>>)
            tpu.yield
          }) : () -> ()
          "tpu.region"() ({
            %run_scoped3A = tpu.sem_alloc : memref<!tpu.dma_semaphore, #tpu.memory_space<semaphore_mem>>
            %dma_start3A_118 = tpu.memref_slice %arg4[%mul3A_114] : memref<331776xi32, #tpu.memory_space<hbm>> -> memref<128xi32, #tpu.memory_space<hbm>>
            %dma_start3A_119 = tpu.memref_slice %arg4[%mul3A_114] : memref<331776xi32, #tpu.memory_space<hbm>> -> memref<128xi32, #tpu.memory_space<hbm>>
            tpu.enqueue_dma source(%dma_start3A_119 : memref<128xi32, #tpu.memory_space<hbm>>) target(%arg7 : memref<128xi32, #tpu.memory_space<vmem>>) target_semaphore(%run_scoped3A : memref<!tpu.dma_semaphore, #tpu.memory_space<semaphore_mem>>)
            %dma_wait3A_120 = tpu.memref_slice %arg4[%mul3A_114] : memref<331776xi32, #tpu.memory_space<hbm>> -> memref<128xi32, #tpu.memory_space<hbm>>
            %dma_wait3A_121 = tpu.memref_slice %arg4[%mul3A_114] : memref<331776xi32, #tpu.memory_space<hbm>> -> memref<128xi32, #tpu.memory_space<hbm>>
            tpu.wait_dma2 semaphore(%run_scoped3A : memref<!tpu.dma_semaphore, #tpu.memory_space<semaphore_mem>>) src(%dma_wait3A_121 : memref<128xi32, #tpu.memory_space<hbm>>) dst(%arg7 : memref<128xi32, #tpu.memory_space<vmem>>)
            tpu.yield
          }) : () -> ()
          %dma_start3A_115 = arith.constant 0 : i32
          %dma_start3A_116 = arith.constant 0 : i32
          %dma_start3A_117 = tpu.memref_slice %arg2[%dma_start3A_115, %dma_start3A_116] : memref<10000x128xf32, #tpu.memory_space<hbm>> -> memref<10000x128xf32, #tpu.memory_space<hbm>>
          tpu.enqueue_indirect_dma source(%dma_start3A_117 : memref<10000x128xf32, #tpu.memory_space<hbm>>) target(%arg10 : memref<128x128xf32, #tpu.memory_space<vmem>>) offsets(%arg6 : memref<128xi32, #tpu.memory_space<vmem>>) semaphore(%arg14 : memref<!tpu.dma_semaphore, #tpu.memory_space<semaphore_mem>>)
        } else {
        }
        %dma_wait3A_100 = arith.constant 0 : i32
        %dma_wait3A_101 = arith.constant 0 : i32
        %dma_wait3A_102 = tpu.memref_slice %arg2[%dma_wait3A_100, %dma_wait3A_101] : memref<10000x128xf32, #tpu.memory_space<hbm>> -> memref<10000x128xf32, #tpu.memory_space<hbm>>
        tpu.wait_indirect_dma semaphore(%arg15 : memref<!tpu.dma_semaphore, #tpu.memory_space<semaphore_mem>>) src(%dma_wait3A_102 : memref<10000x128xf32, #tpu.memory_space<hbm>>) dst(%arg11 : memref<128x128xf32, #tpu.memory_space<vmem>>)
        "tpu.region"() ({
          %run_scoped3A = tpu.sem_alloc : memref<!tpu.dma_semaphore, #tpu.memory_space<semaphore_mem>>
          %dma_start3A_110 = arith.constant 0 : i32
          %dma_start3A_111 = arith.constant 0 : i32
          %dma_start3A_112 = tpu.memref_slice %arg13[%dma_start3A_110, %dma_start3A_111] : memref<10240x128xf32, #tpu.memory_space<vmem_shared>> -> memref<10240x128xf32, #tpu.memory_space<vmem_shared>>
          tpu.enqueue_indirect_dma source(%arg11 : memref<128x128xf32, #tpu.memory_space<vmem>>) target(%dma_start3A_112 : memref<10240x128xf32, #tpu.memory_space<vmem_shared>>) offsets(%arg9 : memref<128xi32, #tpu.memory_space<vmem>>) semaphore(%run_scoped3A : memref<!tpu.dma_semaphore, #tpu.memory_space<semaphore_mem>>) {add = true}
          %dma_wait3A_113 = arith.constant 0 : i32
          %dma_wait3A_114 = arith.constant 0 : i32
          %dma_wait3A_115 = tpu.memref_slice %arg13[%dma_wait3A_113, %dma_wait3A_114] : memref<10240x128xf32, #tpu.memory_space<vmem_shared>> -> memref<10240x128xf32, #tpu.memory_space<vmem_shared>>
          tpu.wait_indirect_dma semaphore(%run_scoped3A : memref<!tpu.dma_semaphore, #tpu.memory_space<semaphore_mem>>) src(%arg11 : memref<128x128xf32, #tpu.memory_space<vmem>>) dst(%dma_wait3A_115 : memref<10240x128xf32, #tpu.memory_space<vmem_shared>>)
          tpu.yield
        }) : () -> ()
        %add3A_103 = arith.constant 3 : i32
        %add3A_104 = arith.addi %mul3A_79, %add3A_103 : i32
        %lt3A_105 = arith.constant 42 : i32
        %lt3A_106 = arith.cmpi slt, %add3A_104, %lt3A_105 : i32
        %convert_element_type3A_107 = arith.extui %lt3A_106 : i1 to i32
        %cond3A_108 = arith.constant 0 : i32
        %cond3A_109 = arith.cmpi ne, %convert_element_type3A_107, %cond3A_108 : i32
        scf.if %cond3A_109 {
          %add3A_110 = arith.addi %add3A_58, %mul3A_79 : i32
          %add3A_111 = arith.constant 3 : i32
          %add3A_112 = arith.addi %add3A_110, %add3A_111 : i32
          %mul3A_113 = arith.constant 128 : i32
          %mul3A_114 = arith.muli %add3A_112, %mul3A_113 : i32
          %dma_start3A_115 = tpu.memref_slice %arg3[%mul3A_114] : memref<331776xi32, #tpu.memory_space<hbm>> -> memref<128xi32, #tpu.memory_space<hbm>>
          %dma_start3A_116 = tpu.memref_slice %arg3[%mul3A_114] : memref<331776xi32, #tpu.memory_space<hbm>> -> memref<128xi32, #tpu.memory_space<hbm>>
          tpu.enqueue_dma source(%dma_start3A_116 : memref<128xi32, #tpu.memory_space<hbm>>) target(%arg8 : memref<128xi32, #tpu.memory_space<vmem>>) target_semaphore(%arg16 : memref<!tpu.dma_semaphore, #tpu.memory_space<semaphore_mem>>)
          %dma_start3A_117 = tpu.memref_slice %arg4[%mul3A_114] : memref<331776xi32, #tpu.memory_space<hbm>> -> memref<128xi32, #tpu.memory_space<hbm>>
          %dma_start3A_118 = tpu.memref_slice %arg4[%mul3A_114] : memref<331776xi32, #tpu.memory_space<hbm>> -> memref<128xi32, #tpu.memory_space<hbm>>
          tpu.enqueue_dma source(%dma_start3A_118 : memref<128xi32, #tpu.memory_space<hbm>>) target(%arg9 : memref<128xi32, #tpu.memory_space<vmem>>) target_semaphore(%arg16 : memref<!tpu.dma_semaphore, #tpu.memory_space<semaphore_mem>>)
        } else {
        }
      }
      %scan3A_76 = arith.constant 21 : i32
    } else {
    }
    %barrier3A_50 = arith.constant 0 : index
    tpu.barrier barrier_id(%barrier3A_50)
    %mul3A_51 = arith.constant 640 : i32
    %mul3A_52 = arith.muli %arg1, %mul3A_51 : i32
    %mul3A_53 = arith.constant 640 : i32
    %mul3A_54 = arith.muli %arg1, %mul3A_53 : i32
    "tpu.region"() ({
      %run_scoped3A = tpu.sem_alloc : memref<!tpu.dma_semaphore, #tpu.memory_space<semaphore_mem>>
      %dma_start3A = arith.constant 0 : i32
      %dma_start3A_55 = arith.constant 0 : i32
      %dma_start3A_56 = tpu.memref_slice %arg5[%arg0, %dma_start3A, %dma_start3A_55] : memref<2x10240x128xf32, #tpu.memory_space<hbm>> -> memref<1x10240x128xf32, #tpu.memory_space<hbm>>
      %dma_start3A_57 = tpu.memref_squeeze %dma_start3A_56 : memref<1x10240x128xf32, #tpu.memory_space<hbm>> -> memref<10240x128xf32, #tpu.memory_space<hbm>>
      %dma_start3A_58 = arith.constant 0 : i32
      %dma_start3A_59 = tpu.memref_slice %dma_start3A_57[%mul3A_54, %dma_start3A_58] : memref<10240x128xf32, #tpu.memory_space<hbm>> -> memref<640x128xf32, #tpu.memory_space<hbm>>
      %dma_start3A_60 = arith.constant 0 : i32
      %dma_start3A_61 = tpu.memref_slice %arg13[%mul3A_52, %dma_start3A_60] : memref<10240x128xf32, #tpu.memory_space<vmem_shared>> -> memref<640x128xf32, #tpu.memory_space<vmem_shared>>
      tpu.enqueue_dma source(%dma_start3A_61 : memref<640x128xf32, #tpu.memory_space<vmem_shared>>) target(%dma_start3A_59 : memref<640x128xf32, #tpu.memory_space<hbm>>) target_semaphore(%run_scoped3A : memref<!tpu.dma_semaphore, #tpu.memory_space<semaphore_mem>>)
      %dma_wait3A = arith.constant 0 : i32
      %dma_wait3A_62 = arith.constant 0 : i32
      %dma_wait3A_63 = tpu.memref_slice %arg5[%arg0, %dma_wait3A, %dma_wait3A_62] : memref<2x10240x128xf32, #tpu.memory_space<hbm>> -> memref<1x10240x128xf32, #tpu.memory_space<hbm>>
      %dma_wait3A_64 = tpu.memref_squeeze %dma_wait3A_63 : memref<1x10240x128xf32, #tpu.memory_space<hbm>> -> memref<10240x128xf32, #tpu.memory_space<hbm>>
      %dma_wait3A_65 = arith.constant 0 : i32
      %dma_wait3A_66 = tpu.memref_slice %dma_wait3A_64[%mul3A_54, %dma_wait3A_65] : memref<10240x128xf32, #tpu.memory_space<hbm>> -> memref<640x128xf32, #tpu.memory_space<hbm>>
      %dma_wait3A_67 = arith.constant 0 : i32
      %dma_wait3A_68 = tpu.memref_slice %arg13[%mul3A_52, %dma_wait3A_67] : memref<10240x128xf32, #tpu.memory_space<vmem_shared>> -> memref<640x128xf32, #tpu.memory_space<vmem_shared>>
      tpu.wait_dma2 semaphore(%run_scoped3A : memref<!tpu.dma_semaphore, #tpu.memory_space<semaphore_mem>>) src(%dma_wait3A_68 : memref<640x128xf32, #tpu.memory_space<vmem_shared>>) dst(%dma_wait3A_66 : memref<640x128xf32, #tpu.memory_space<hbm>>)
      tpu.yield
    }) : () -> ()
    return
  }
}

#map = affine_map<(d0, d1) -> (0, 0)>
#map1 = affine_map<(d0, d1) -> (0)>
#map2 = affine_map<(d0, d1) -> (0, 0, 0)>
module attributes {stable_mosaic.version = 14 : i64} {
  func.func @body(%arg0: i32, %arg1: i32, %arg2: memref<10000x128xf32, #tpu.memory_space<hbm>>, %arg3: memref<331776xi32, #tpu.memory_space<hbm>>, %arg4: memref<331776xi32, #tpu.memory_space<hbm>>, %arg5: memref<2x10240x128xf32, #tpu.memory_space<hbm>>, %arg6: memref<128xi32, #tpu.memory_space<vmem>>, %arg7: memref<128xi32, #tpu.memory_space<vmem>>, %arg8: memref<128xi32, #tpu.memory_space<vmem>>, %arg9: memref<128xi32, #tpu.memory_space<vmem>>, %arg10: memref<128x128xf32, #tpu.memory_space<vmem>>, %arg11: memref<128x128xf32, #tpu.memory_space<vmem>>, %arg12: memref<64x128xf32, #tpu.memory_space<vmem>>, %arg13: memref<10240x128xf32, #tpu.memory_space<vmem_shared>>, %arg14: memref<!tpu.dma_semaphore, #tpu.memory_space<semaphore_mem>>, %arg15: memref<!tpu.dma_semaphore, #tpu.memory_space<semaphore_mem>>, %arg16: memref<!tpu.dma_semaphore, #tpu.memory_space<semaphore_mem>>) attributes {dimension_semantics = [#tpu.dimension_semantics<core_parallel>, #tpu.dimension_semantics<subcore_parallel>], iteration_bounds = array<i64: 2, 16>, scalar_prefetch = 0 : i64, scratch_operands = 11 : i64, tpu.core_type = #tpu.core_type<sc_vector_subcore>, window_params = [{transform_indices = #map}, {transform_indices = #map1}, {transform_indices = #map1}, {transform_indices = #map2}]} {
    %scan3A = arith.constant 0 : i32
    %scan3A_0 = arith.constant 0 : i32
    %scan3A_1 = arith.constant 64 : i32
    %scan3A_2 = arith.addi %scan3A_0, %scan3A_1 : i32
    %scan3A_3 = arith.constant 1 : i32
    scf.for %scan3A_55 = %scan3A_0 to %scan3A_2 step %scan3A_3  : i32 {
      %broadcast_in_dim3A = arith.constant 0.000000e+00 : f32
      %broadcast_in_dim3A_56 = vector.broadcast %broadcast_in_dim3A : f32 to vector<16xf32>
      %swap3A = arith.index_cast %scan3A_55 : i32 to index
      %swap3A_57 = arith.constant 0 : index
      %swap3A_58 = tpu.vector_load %arg12[%swap3A, %swap3A_57] {strides = array<i32>} : memref<64x128xf32, #tpu.memory_space<vmem>>, vector<1x16xf32>,
      %swap3A_59 = vector.shape_cast %swap3A_58 : vector<1x16xf32> to vector<16xf32>
      %swap3A_60 = vector.shape_cast %broadcast_in_dim3A_56 : vector<16xf32> to vector<1x16xf32>
      tpu.vector_store %arg12[%swap3A, %swap3A_57], %swap3A_60 {strides = array<i32>} : memref<64x128xf32, #tpu.memory_space<vmem>>, vector<1x16xf32>,
      %broadcast_in_dim3A_61 = arith.constant 0.000000e+00 : f32
      %broadcast_in_dim3A_62 = vector.broadcast %broadcast_in_dim3A_61 : f32 to vector<16xf32>
      %swap3A_63 = arith.index_cast %scan3A_55 : i32 to index
      %swap3A_64 = arith.constant 16 : index
      %swap3A_65 = tpu.vector_load %arg12[%swap3A_63, %swap3A_64] {strides = array<i32>} : memref<64x128xf32, #tpu.memory_space<vmem>>, vector<1x16xf32>,
      %swap3A_66 = vector.shape_cast %swap3A_65 : vector<1x16xf32> to vector<16xf32>
      %swap3A_67 = vector.shape_cast %broadcast_in_dim3A_62 : vector<16xf32> to vector<1x16xf32>
      tpu.vector_store %arg12[%swap3A_63, %swap3A_64], %swap3A_67 {strides = array<i32>} : memref<64x128xf32, #tpu.memory_space<vmem>>, vector<1x16xf32>,
      %broadcast_in_dim3A_68 = arith.constant 0.000000e+00 : f32
      %broadcast_in_dim3A_69 = vector.broadcast %broadcast_in_dim3A_68 : f32 to vector<16xf32>
      %swap3A_70 = arith.index_cast %scan3A_55 : i32 to index
      %swap3A_71 = arith.constant 32 : index
      %swap3A_72 = tpu.vector_load %arg12[%swap3A_70, %swap3A_71] {strides = array<i32>} : memref<64x128xf32, #tpu.memory_space<vmem>>, vector<1x16xf32>,
      %swap3A_73 = vector.shape_cast %swap3A_72 : vector<1x16xf32> to vector<16xf32>
      %swap3A_74 = vector.shape_cast %broadcast_in_dim3A_69 : vector<16xf32> to vector<1x16xf32>
      tpu.vector_store %arg12[%swap3A_70, %swap3A_71], %swap3A_74 {strides = array<i32>} : memref<64x128xf32, #tpu.memory_space<vmem>>, vector<1x16xf32>,
      %broadcast_in_dim3A_75 = arith.constant 0.000000e+00 : f32
      %broadcast_in_dim3A_76 = vector.broadcast %broadcast_in_dim3A_75 : f32 to vector<16xf32>
      %swap3A_77 = arith.index_cast %scan3A_55 : i32 to index
      %swap3A_78 = arith.constant 48 : index
      %swap3A_79 = tpu.vector_load %arg12[%swap3A_77, %swap3A_78] {strides = array<i32>} : memref<64x128xf32, #tpu.memory_space<vmem>>, vector<1x16xf32>,
      %swap3A_80 = vector.shape_cast %swap3A_79 : vector<1x16xf32> to vector<16xf32>
      %swap3A_81 = vector.shape_cast %broadcast_in_dim3A_76 : vector<16xf32> to vector<1x16xf32>
      tpu.vector_store %arg12[%swap3A_77, %swap3A_78], %swap3A_81 {strides = array<i32>} : memref<64x128xf32, #tpu.memory_space<vmem>>, vector<1x16xf32>,
      %broadcast_in_dim3A_82 = arith.constant 0.000000e+00 : f32
      %broadcast_in_dim3A_83 = vector.broadcast %broadcast_in_dim3A_82 : f32 to vector<16xf32>
      %swap3A_84 = arith.index_cast %scan3A_55 : i32 to index
      %swap3A_85 = arith.constant 64 : index
      %swap3A_86 = tpu.vector_load %arg12[%swap3A_84, %swap3A_85] {strides = array<i32>} : memref<64x128xf32, #tpu.memory_space<vmem>>, vector<1x16xf32>,
      %swap3A_87 = vector.shape_cast %swap3A_86 : vector<1x16xf32> to vector<16xf32>
      %swap3A_88 = vector.shape_cast %broadcast_in_dim3A_83 : vector<16xf32> to vector<1x16xf32>
      tpu.vector_store %arg12[%swap3A_84, %swap3A_85], %swap3A_88 {strides = array<i32>} : memref<64x128xf32, #tpu.memory_space<vmem>>, vector<1x16xf32>,
      %broadcast_in_dim3A_89 = arith.constant 0.000000e+00 : f32
      %broadcast_in_dim3A_90 = vector.broadcast %broadcast_in_dim3A_89 : f32 to vector<16xf32>
      %swap3A_91 = arith.index_cast %scan3A_55 : i32 to index
      %swap3A_92 = arith.constant 80 : index
      %swap3A_93 = tpu.vector_load %arg12[%swap3A_91, %swap3A_92] {strides = array<i32>} : memref<64x128xf32, #tpu.memory_space<vmem>>, vector<1x16xf32>,
      %swap3A_94 = vector.shape_cast %swap3A_93 : vector<1x16xf32> to vector<16xf32>
      %swap3A_95 = vector.shape_cast %broadcast_in_dim3A_90 : vector<16xf32> to vector<1x16xf32>
      tpu.vector_store %arg12[%swap3A_91, %swap3A_92], %swap3A_95 {strides = array<i32>} : memref<64x128xf32, #tpu.memory_space<vmem>>, vector<1x16xf32>,
      %broadcast_in_dim3A_96 = arith.constant 0.000000e+00 : f32
      %broadcast_in_dim3A_97 = vector.broadcast %broadcast_in_dim3A_96 : f32 to vector<16xf32>
      %swap3A_98 = arith.index_cast %scan3A_55 : i32 to index
      %swap3A_99 = arith.constant 96 : index
      %swap3A_100 = tpu.vector_load %arg12[%swap3A_98, %swap3A_99] {strides = array<i32>} : memref<64x128xf32, #tpu.memory_space<vmem>>, vector<1x16xf32>,
      %swap3A_101 = vector.shape_cast %swap3A_100 : vector<1x16xf32> to vector<16xf32>
      %swap3A_102 = vector.shape_cast %broadcast_in_dim3A_97 : vector<16xf32> to vector<1x16xf32>
      tpu.vector_store %arg12[%swap3A_98, %swap3A_99], %swap3A_102 {strides = array<i32>} : memref<64x128xf32, #tpu.memory_space<vmem>>, vector<1x16xf32>,
      %broadcast_in_dim3A_103 = arith.constant 0.000000e+00 : f32
      %broadcast_in_dim3A_104 = vector.broadcast %broadcast_in_dim3A_103 : f32 to vector<16xf32>
      %swap3A_105 = arith.index_cast %scan3A_55 : i32 to index
      %swap3A_106 = arith.constant 112 : index
      %swap3A_107 = tpu.vector_load %arg12[%swap3A_105, %swap3A_106] {strides = array<i32>} : memref<64x128xf32, #tpu.memory_space<vmem>>, vector<1x16xf32>,
      %swap3A_108 = vector.shape_cast %swap3A_107 : vector<1x16xf32> to vector<16xf32>
      %swap3A_109 = vector.shape_cast %broadcast_in_dim3A_104 : vector<16xf32> to vector<1x16xf32>
      tpu.vector_store %arg12[%swap3A_105, %swap3A_106], %swap3A_109 {strides = array<i32>} : memref<64x128xf32, #tpu.memory_space<vmem>>, vector<1x16xf32>,
    }
    %scan3A_4 = arith.constant 64 : i32
    %mul3A = arith.constant 640 : i32
    %mul3A_5 = arith.muli %arg1, %mul3A : i32
    %add3A = arith.constant 0 : i32
    %add3A_6 = arith.addi %mul3A_5, %add3A : i32
    "tpu.region"() ({
      %run_scoped3A = tpu.sem_alloc : memref<!tpu.dma_semaphore, #tpu.memory_space<semaphore_mem>>
      %dma_start3A = arith.constant 0 : i32
      %dma_start3A_55 = tpu.memref_slice %arg13[%add3A_6, %dma_start3A] : memref<10240x128xf32, #tpu.memory_space<vmem_shared>> -> memref<64x128xf32, #tpu.memory_space<vmem_shared>>
      %dma_start3A_56 = arith.constant 0 : i32
      %dma_start3A_57 = tpu.memref_slice %arg13[%add3A_6, %dma_start3A_56] : memref<10240x128xf32, #tpu.memory_space<vmem_shared>> -> memref<64x128xf32, #tpu.memory_space<vmem_shared>>
      tpu.enqueue_dma source(%arg12 : memref<64x128xf32, #tpu.memory_space<vmem>>) target(%dma_start3A_57 : memref<64x128xf32, #tpu.memory_space<vmem_shared>>) target_semaphore(%run_scoped3A : memref<!tpu.dma_semaphore, #tpu.memory_space<semaphore_mem>>)
      %dma_wait3A = arith.constant 0 : i32
      %dma_wait3A_58 = tpu.memref_slice %arg13[%add3A_6, %dma_wait3A] : memref<10240x128xf32, #tpu.memory_space<vmem_shared>> -> memref<64x128xf32, #tpu.memory_space<vmem_shared>>
      %dma_wait3A_59 = arith.constant 0 : i32
      %dma_wait3A_60 = tpu.memref_slice %arg13[%add3A_6, %dma_wait3A_59] : memref<10240x128xf32, #tpu.memory_space<vmem_shared>> -> memref<64x128xf32, #tpu.memory_space<vmem_shared>>
      tpu.wait_dma2 semaphore(%run_scoped3A : memref<!tpu.dma_semaphore, #tpu.memory_space<semaphore_mem>>) src(%arg12 : memref<64x128xf32, #tpu.memory_space<vmem>>) dst(%dma_wait3A_60 : memref<64x128xf32, #tpu.memory_space<vmem_shared>>)
      tpu.yield
    }) : () -> ()
    %mul3A_7 = arith.constant 640 : i32
    %mul3A_8 = arith.muli %arg1, %mul3A_7 : i32
    %add3A_9 = arith.constant 64 : i32
    %add3A_10 = arith.addi %mul3A_8, %add3A_9 : i32
    "tpu.region"() ({
      %run_scoped3A = tpu.sem_alloc : memref<!tpu.dma_semaphore, #tpu.memory_space<semaphore_mem>>
      %dma_start3A = arith.constant 0 : i32
      %dma_start3A_55 = tpu.memref_slice %arg13[%add3A_10, %dma_start3A] : memref<10240x128xf32, #tpu.memory_space<vmem_shared>> -> memref<64x128xf32, #tpu.memory_space<vmem_shared>>
      %dma_start3A_56 = arith.constant 0 : i32
      %dma_start3A_57 = tpu.memref_slice %arg13[%add3A_10, %dma_start3A_56] : memref<10240x128xf32, #tpu.memory_space<vmem_shared>> -> memref<64x128xf32, #tpu.memory_space<vmem_shared>>
      tpu.enqueue_dma source(%arg12 : memref<64x128xf32, #tpu.memory_space<vmem>>) target(%dma_start3A_57 : memref<64x128xf32, #tpu.memory_space<vmem_shared>>) target_semaphore(%run_scoped3A : memref<!tpu.dma_semaphore, #tpu.memory_space<semaphore_mem>>)
      %dma_wait3A = arith.constant 0 : i32
      %dma_wait3A_58 = tpu.memref_slice %arg13[%add3A_10, %dma_wait3A] : memref<10240x128xf32, #tpu.memory_space<vmem_shared>> -> memref<64x128xf32, #tpu.memory_space<vmem_shared>>
      %dma_wait3A_59 = arith.constant 0 : i32
      %dma_wait3A_60 = tpu.memref_slice %arg13[%add3A_10, %dma_wait3A_59] : memref<10240x128xf32, #tpu.memory_space<vmem_shared>> -> memref<64x128xf32, #tpu.memory_space<vmem_shared>>
      tpu.wait_dma2 semaphore(%run_scoped3A : memref<!tpu.dma_semaphore, #tpu.memory_space<semaphore_mem>>) src(%arg12 : memref<64x128xf32, #tpu.memory_space<vmem>>) dst(%dma_wait3A_60 : memref<64x128xf32, #tpu.memory_space<vmem_shared>>)
      tpu.yield
    }) : () -> ()
    %mul3A_11 = arith.constant 640 : i32
    %mul3A_12 = arith.muli %arg1, %mul3A_11 : i32
    %add3A_13 = arith.constant 128 : i32
    %add3A_14 = arith.addi %mul3A_12, %add3A_13 : i32
    "tpu.region"() ({
      %run_scoped3A = tpu.sem_alloc : memref<!tpu.dma_semaphore, #tpu.memory_space<semaphore_mem>>
      %dma_start3A = arith.constant 0 : i32
      %dma_start3A_55 = tpu.memref_slice %arg13[%add3A_14, %dma_start3A] : memref<10240x128xf32, #tpu.memory_space<vmem_shared>> -> memref<64x128xf32, #tpu.memory_space<vmem_shared>>
      %dma_start3A_56 = arith.constant 0 : i32
      %dma_start3A_57 = tpu.memref_slice %arg13[%add3A_14, %dma_start3A_56] : memref<10240x128xf32, #tpu.memory_space<vmem_shared>> -> memref<64x128xf32, #tpu.memory_space<vmem_shared>>
      tpu.enqueue_dma source(%arg12 : memref<64x128xf32, #tpu.memory_space<vmem>>) target(%dma_start3A_57 : memref<64x128xf32, #tpu.memory_space<vmem_shared>>) target_semaphore(%run_scoped3A : memref<!tpu.dma_semaphore, #tpu.memory_space<semaphore_mem>>)
      %dma_wait3A = arith.constant 0 : i32
      %dma_wait3A_58 = tpu.memref_slice %arg13[%add3A_14, %dma_wait3A] : memref<10240x128xf32, #tpu.memory_space<vmem_shared>> -> memref<64x128xf32, #tpu.memory_space<vmem_shared>>
      %dma_wait3A_59 = arith.constant 0 : i32
      %dma_wait3A_60 = tpu.memref_slice %arg13[%add3A_14, %dma_wait3A_59] : memref<10240x128xf32, #tpu.memory_space<vmem_shared>> -> memref<64x128xf32, #tpu.memory_space<vmem_shared>>
      tpu.wait_dma2 semaphore(%run_scoped3A : memref<!tpu.dma_semaphore, #tpu.memory_space<semaphore_mem>>) src(%arg12 : memref<64x128xf32, #tpu.memory_space<vmem>>) dst(%dma_wait3A_60 : memref<64x128xf32, #tpu.memory_space<vmem_shared>>)
      tpu.yield
    }) : () -> ()
    %mul3A_15 = arith.constant 640 : i32
    %mul3A_16 = arith.muli %arg1, %mul3A_15 : i32
    %add3A_17 = arith.constant 192 : i32
    %add3A_18 = arith.addi %mul3A_16, %add3A_17 : i32
    "tpu.region"() ({
      %run_scoped3A = tpu.sem_alloc : memref<!tpu.dma_semaphore, #tpu.memory_space<semaphore_mem>>
      %dma_start3A = arith.constant 0 : i32
      %dma_start3A_55 = tpu.memref_slice %arg13[%add3A_18, %dma_start3A] : memref<10240x128xf32, #tpu.memory_space<vmem_shared>> -> memref<64x128xf32, #tpu.memory_space<vmem_shared>>
      %dma_start3A_56 = arith.constant 0 : i32
      %dma_start3A_57 = tpu.memref_slice %arg13[%add3A_18, %dma_start3A_56] : memref<10240x128xf32, #tpu.memory_space<vmem_shared>> -> memref<64x128xf32, #tpu.memory_space<vmem_shared>>
      tpu.enqueue_dma source(%arg12 : memref<64x128xf32, #tpu.memory_space<vmem>>) target(%dma_start3A_57 : memref<64x128xf32, #tpu.memory_space<vmem_shared>>) target_semaphore(%run_scoped3A : memref<!tpu.dma_semaphore, #tpu.memory_space<semaphore_mem>>)
      %dma_wait3A = arith.constant 0 : i32
      %dma_wait3A_58 = tpu.memref_slice %arg13[%add3A_18, %dma_wait3A] : memref<10240x128xf32, #tpu.memory_space<vmem_shared>> -> memref<64x128xf32, #tpu.memory_space<vmem_shared>>
      %dma_wait3A_59 = arith.constant 0 : i32
      %dma_wait3A_60 = tpu.memref_slice %arg13[%add3A_18, %dma_wait3A_59] : memref<10240x128xf32, #tpu.memory_space<vmem_shared>> -> memref<64x128xf32, #tpu.memory_space<vmem_shared>>
      tpu.wait_dma2 semaphore(%run_scoped3A : memref<!tpu.dma_semaphore, #tpu.memory_space<semaphore_mem>>) src(%arg12 : memref<64x128xf32, #tpu.memory_space<vmem>>) dst(%dma_wait3A_60 : memref<64x128xf32, #tpu.memory_space<vmem_shared>>)
      tpu.yield
    }) : () -> ()
    %mul3A_19 = arith.constant 640 : i32
    %mul3A_20 = arith.muli %arg1, %mul3A_19 : i32
    %add3A_21 = arith.constant 256 : i32
    %add3A_22 = arith.addi %mul3A_20, %add3A_21 : i32
    "tpu.region"() ({
      %run_scoped3A = tpu.sem_alloc : memref<!tpu.dma_semaphore, #tpu.memory_space<semaphore_mem>>
      %dma_start3A = arith.constant 0 : i32
      %dma_start3A_55 = tpu.memref_slice %arg13[%add3A_22, %dma_start3A] : memref<10240x128xf32, #tpu.memory_space<vmem_shared>> -> memref<64x128xf32, #tpu.memory_space<vmem_shared>>
      %dma_start3A_56 = arith.constant 0 : i32
      %dma_start3A_57 = tpu.memref_slice %arg13[%add3A_22, %dma_start3A_56] : memref<10240x128xf32, #tpu.memory_space<vmem_shared>> -> memref<64x128xf32, #tpu.memory_space<vmem_shared>>
      tpu.enqueue_dma source(%arg12 : memref<64x128xf32, #tpu.memory_space<vmem>>) target(%dma_start3A_57 : memref<64x128xf32, #tpu.memory_space<vmem_shared>>) target_semaphore(%run_scoped3A : memref<!tpu.dma_semaphore, #tpu.memory_space<semaphore_mem>>)
      %dma_wait3A = arith.constant 0 : i32
      %dma_wait3A_58 = tpu.memref_slice %arg13[%add3A_22, %dma_wait3A] : memref<10240x128xf32, #tpu.memory_space<vmem_shared>> -> memref<64x128xf32, #tpu.memory_space<vmem_shared>>
      %dma_wait3A_59 = arith.constant 0 : i32
      %dma_wait3A_60 = tpu.memref_slice %arg13[%add3A_22, %dma_wait3A_59] : memref<10240x128xf32, #tpu.memory_space<vmem_shared>> -> memref<64x128xf32, #tpu.memory_space<vmem_shared>>
      tpu.wait_dma2 semaphore(%run_scoped3A : memref<!tpu.dma_semaphore, #tpu.memory_space<semaphore_mem>>) src(%arg12 : memref<64x128xf32, #tpu.memory_space<vmem>>) dst(%dma_wait3A_60 : memref<64x128xf32, #tpu.memory_space<vmem_shared>>)
      tpu.yield
    }) : () -> ()
    %mul3A_23 = arith.constant 640 : i32
    %mul3A_24 = arith.muli %arg1, %mul3A_23 : i32
    %add3A_25 = arith.constant 320 : i32
    %add3A_26 = arith.addi %mul3A_24, %add3A_25 : i32
    "tpu.region"() ({
      %run_scoped3A = tpu.sem_alloc : memref<!tpu.dma_semaphore, #tpu.memory_space<semaphore_mem>>
      %dma_start3A = arith.constant 0 : i32
      %dma_start3A_55 = tpu.memref_slice %arg13[%add3A_26, %dma_start3A] : memref<10240x128xf32, #tpu.memory_space<vmem_shared>> -> memref<64x128xf32, #tpu.memory_space<vmem_shared>>
      %dma_start3A_56 = arith.constant 0 : i32
      %dma_start3A_57 = tpu.memref_slice %arg13[%add3A_26, %dma_start3A_56] : memref<10240x128xf32, #tpu.memory_space<vmem_shared>> -> memref<64x128xf32, #tpu.memory_space<vmem_shared>>
      tpu.enqueue_dma source(%arg12 : memref<64x128xf32, #tpu.memory_space<vmem>>) target(%dma_start3A_57 : memref<64x128xf32, #tpu.memory_space<vmem_shared>>) target_semaphore(%run_scoped3A : memref<!tpu.dma_semaphore, #tpu.memory_space<semaphore_mem>>)
      %dma_wait3A = arith.constant 0 : i32
      %dma_wait3A_58 = tpu.memref_slice %arg13[%add3A_26, %dma_wait3A] : memref<10240x128xf32, #tpu.memory_space<vmem_shared>> -> memref<64x128xf32, #tpu.memory_space<vmem_shared>>
      %dma_wait3A_59 = arith.constant 0 : i32
      %dma_wait3A_60 = tpu.memref_slice %arg13[%add3A_26, %dma_wait3A_59] : memref<10240x128xf32, #tpu.memory_space<vmem_shared>> -> memref<64x128xf32, #tpu.memory_space<vmem_shared>>
      tpu.wait_dma2 semaphore(%run_scoped3A : memref<!tpu.dma_semaphore, #tpu.memory_space<semaphore_mem>>) src(%arg12 : memref<64x128xf32, #tpu.memory_space<vmem>>) dst(%dma_wait3A_60 : memref<64x128xf32, #tpu.memory_space<vmem_shared>>)
      tpu.yield
    }) : () -> ()
    %mul3A_27 = arith.constant 640 : i32
    %mul3A_28 = arith.muli %arg1, %mul3A_27 : i32
    %add3A_29 = arith.constant 384 : i32
    %add3A_30 = arith.addi %mul3A_28, %add3A_29 : i32
    "tpu.region"() ({
      %run_scoped3A = tpu.sem_alloc : memref<!tpu.dma_semaphore, #tpu.memory_space<semaphore_mem>>
      %dma_start3A = arith.constant 0 : i32
      %dma_start3A_55 = tpu.memref_slice %arg13[%add3A_30, %dma_start3A] : memref<10240x128xf32, #tpu.memory_space<vmem_shared>> -> memref<64x128xf32, #tpu.memory_space<vmem_shared>>
      %dma_start3A_56 = arith.constant 0 : i32
      %dma_start3A_57 = tpu.memref_slice %arg13[%add3A_30, %dma_start3A_56] : memref<10240x128xf32, #tpu.memory_space<vmem_shared>> -> memref<64x128xf32, #tpu.memory_space<vmem_shared>>
      tpu.enqueue_dma source(%arg12 : memref<64x128xf32, #tpu.memory_space<vmem>>) target(%dma_start3A_57 : memref<64x128xf32, #tpu.memory_space<vmem_shared>>) target_semaphore(%run_scoped3A : memref<!tpu.dma_semaphore, #tpu.memory_space<semaphore_mem>>)
      %dma_wait3A = arith.constant 0 : i32
      %dma_wait3A_58 = tpu.memref_slice %arg13[%add3A_30, %dma_wait3A] : memref<10240x128xf32, #tpu.memory_space<vmem_shared>> -> memref<64x128xf32, #tpu.memory_space<vmem_shared>>
      %dma_wait3A_59 = arith.constant 0 : i32
      %dma_wait3A_60 = tpu.memref_slice %arg13[%add3A_30, %dma_wait3A_59] : memref<10240x128xf32, #tpu.memory_space<vmem_shared>> -> memref<64x128xf32, #tpu.memory_space<vmem_shared>>
      tpu.wait_dma2 semaphore(%run_scoped3A : memref<!tpu.dma_semaphore, #tpu.memory_space<semaphore_mem>>) src(%arg12 : memref<64x128xf32, #tpu.memory_space<vmem>>) dst(%dma_wait3A_60 : memref<64x128xf32, #tpu.memory_space<vmem_shared>>)
      tpu.yield
    }) : () -> ()
    %mul3A_31 = arith.constant 640 : i32
    %mul3A_32 = arith.muli %arg1, %mul3A_31 : i32
    %add3A_33 = arith.constant 448 : i32
    %add3A_34 = arith.addi %mul3A_32, %add3A_33 : i32
    "tpu.region"() ({
      %run_scoped3A = tpu.sem_alloc : memref<!tpu.dma_semaphore, #tpu.memory_space<semaphore_mem>>
      %dma_start3A = arith.constant 0 : i32
      %dma_start3A_55 = tpu.memref_slice %arg13[%add3A_34, %dma_start3A] : memref<10240x128xf32, #tpu.memory_space<vmem_shared>> -> memref<64x128xf32, #tpu.memory_space<vmem_shared>>
      %dma_start3A_56 = arith.constant 0 : i32
      %dma_start3A_57 = tpu.memref_slice %arg13[%add3A_34, %dma_start3A_56] : memref<10240x128xf32, #tpu.memory_space<vmem_shared>> -> memref<64x128xf32, #tpu.memory_space<vmem_shared>>
      tpu.enqueue_dma source(%arg12 : memref<64x128xf32, #tpu.memory_space<vmem>>) target(%dma_start3A_57 : memref<64x128xf32, #tpu.memory_space<vmem_shared>>) target_semaphore(%run_scoped3A : memref<!tpu.dma_semaphore, #tpu.memory_space<semaphore_mem>>)
      %dma_wait3A = arith.constant 0 : i32
      %dma_wait3A_58 = tpu.memref_slice %arg13[%add3A_34, %dma_wait3A] : memref<10240x128xf32, #tpu.memory_space<vmem_shared>> -> memref<64x128xf32, #tpu.memory_space<vmem_shared>>
      %dma_wait3A_59 = arith.constant 0 : i32
      %dma_wait3A_60 = tpu.memref_slice %arg13[%add3A_34, %dma_wait3A_59] : memref<10240x128xf32, #tpu.memory_space<vmem_shared>> -> memref<64x128xf32, #tpu.memory_space<vmem_shared>>
      tpu.wait_dma2 semaphore(%run_scoped3A : memref<!tpu.dma_semaphore, #tpu.memory_space<semaphore_mem>>) src(%arg12 : memref<64x128xf32, #tpu.memory_space<vmem>>) dst(%dma_wait3A_60 : memref<64x128xf32, #tpu.memory_space<vmem_shared>>)
      tpu.yield
    }) : () -> ()
    %mul3A_35 = arith.constant 640 : i32
    %mul3A_36 = arith.muli %arg1, %mul3A_35 : i32
    %add3A_37 = arith.constant 512 : i32
    %add3A_38 = arith.addi %mul3A_36, %add3A_37 : i32
    "tpu.region"() ({
      %run_scoped3A = tpu.sem_alloc : memref<!tpu.dma_semaphore, #tpu.memory_space<semaphore_mem>>
      %dma_start3A = arith.constant 0 : i32
      %dma_start3A_55 = tpu.memref_slice %arg13[%add3A_38, %dma_start3A] : memref<10240x128xf32, #tpu.memory_space<vmem_shared>> -> memref<64x128xf32, #tpu.memory_space<vmem_shared>>
      %dma_start3A_56 = arith.constant 0 : i32
      %dma_start3A_57 = tpu.memref_slice %arg13[%add3A_38, %dma_start3A_56] : memref<10240x128xf32, #tpu.memory_space<vmem_shared>> -> memref<64x128xf32, #tpu.memory_space<vmem_shared>>
      tpu.enqueue_dma source(%arg12 : memref<64x128xf32, #tpu.memory_space<vmem>>) target(%dma_start3A_57 : memref<64x128xf32, #tpu.memory_space<vmem_shared>>) target_semaphore(%run_scoped3A : memref<!tpu.dma_semaphore, #tpu.memory_space<semaphore_mem>>)
      %dma_wait3A = arith.constant 0 : i32
      %dma_wait3A_58 = tpu.memref_slice %arg13[%add3A_38, %dma_wait3A] : memref<10240x128xf32, #tpu.memory_space<vmem_shared>> -> memref<64x128xf32, #tpu.memory_space<vmem_shared>>
      %dma_wait3A_59 = arith.constant 0 : i32
      %dma_wait3A_60 = tpu.memref_slice %arg13[%add3A_38, %dma_wait3A_59] : memref<10240x128xf32, #tpu.memory_space<vmem_shared>> -> memref<64x128xf32, #tpu.memory_space<vmem_shared>>
      tpu.wait_dma2 semaphore(%run_scoped3A : memref<!tpu.dma_semaphore, #tpu.memory_space<semaphore_mem>>) src(%arg12 : memref<64x128xf32, #tpu.memory_space<vmem>>) dst(%dma_wait3A_60 : memref<64x128xf32, #tpu.memory_space<vmem_shared>>)
      tpu.yield
    }) : () -> ()
    %mul3A_39 = arith.constant 640 : i32
    %mul3A_40 = arith.muli %arg1, %mul3A_39 : i32
    %add3A_41 = arith.constant 576 : i32
    %add3A_42 = arith.addi %mul3A_40, %add3A_41 : i32
    "tpu.region"() ({
      %run_scoped3A = tpu.sem_alloc : memref<!tpu.dma_semaphore, #tpu.memory_space<semaphore_mem>>
      %dma_start3A = arith.constant 0 : i32
      %dma_start3A_55 = tpu.memref_slice %arg13[%add3A_42, %dma_start3A] : memref<10240x128xf32, #tpu.memory_space<vmem_shared>> -> memref<64x128xf32, #tpu.memory_space<vmem_shared>>
      %dma_start3A_56 = arith.constant 0 : i32
      %dma_start3A_57 = tpu.memref_slice %arg13[%add3A_42, %dma_start3A_56] : memref<10240x128xf32, #tpu.memory_space<vmem_shared>> -> memref<64x128xf32, #tpu.memory_space<vmem_shared>>
      tpu.enqueue_dma source(%arg12 : memref<64x128xf32, #tpu.memory_space<vmem>>) target(%dma_start3A_57 : memref<64x128xf32, #tpu.memory_space<vmem_shared>>) target_semaphore(%run_scoped3A : memref<!tpu.dma_semaphore, #tpu.memory_space<semaphore_mem>>)
      %dma_wait3A = arith.constant 0 : i32
      %dma_wait3A_58 = tpu.memref_slice %arg13[%add3A_42, %dma_wait3A] : memref<10240x128xf32, #tpu.memory_space<vmem_shared>> -> memref<64x128xf32, #tpu.memory_space<vmem_shared>>
      %dma_wait3A_59 = arith.constant 0 : i32
      %dma_wait3A_60 = tpu.memref_slice %arg13[%add3A_42, %dma_wait3A_59] : memref<10240x128xf32, #tpu.memory_space<vmem_shared>> -> memref<64x128xf32, #tpu.memory_space<vmem_shared>>
      tpu.wait_dma2 semaphore(%run_scoped3A : memref<!tpu.dma_semaphore, #tpu.memory_space<semaphore_mem>>) src(%arg12 : memref<64x128xf32, #tpu.memory_space<vmem>>) dst(%dma_wait3A_60 : memref<64x128xf32, #tpu.memory_space<vmem_shared>>)
      tpu.yield
    }) : () -> ()
    %barrier3A = arith.constant 0 : index
    tpu.barrier barrier_id(%barrier3A)
    %eq3A = arith.constant 0 : i32
    %eq3A_43 = arith.cmpi eq, %arg0, %eq3A : i32
    %convert_element_type3A = arith.extui %eq3A_43 : i1 to i32
    %cond3A = arith.constant 0 : i32
    %cond3A_44 = arith.cmpi ne, %convert_element_type3A, %cond3A : i32
    scf.if %cond3A_44 {
      %mul3A_55 = arith.constant 120 : i32
      %mul3A_56 = arith.muli %arg1, %mul3A_55 : i32
      %mul3A_57 = arith.constant 128 : i32
      %mul3A_58 = arith.muli %mul3A_56, %mul3A_57 : i32
      "tpu.region"() ({
        %run_scoped3A = tpu.sem_alloc : memref<!tpu.dma_semaphore, #tpu.memory_space<semaphore_mem>>
        %dma_start3A_75 = tpu.memref_slice %arg3[%mul3A_58] : memref<331776xi32, #tpu.memory_space<hbm>> -> memref<128xi32, #tpu.memory_space<hbm>>
        %dma_start3A_76 = tpu.memref_slice %arg3[%mul3A_58] : memref<331776xi32, #tpu.memory_space<hbm>> -> memref<128xi32, #tpu.memory_space<hbm>>
        tpu.enqueue_dma source(%dma_start3A_76 : memref<128xi32, #tpu.memory_space<hbm>>) target(%arg6 : memref<128xi32, #tpu.memory_space<vmem>>) target_semaphore(%run_scoped3A : memref<!tpu.dma_semaphore, #tpu.memory_space<semaphore_mem>>)
        %dma_wait3A = tpu.memref_slice %arg3[%mul3A_58] : memref<331776xi32, #tpu.memory_space<hbm>> -> memref<128xi32, #tpu.memory_space<hbm>>
        %dma_wait3A_77 = tpu.memref_slice %arg3[%mul3A_58] : memref<331776xi32, #tpu.memory_space<hbm>> -> memref<128xi32, #tpu.memory_space<hbm>>
        tpu.wait_dma2 semaphore(%run_scoped3A : memref<!tpu.dma_semaphore, #tpu.memory_space<semaphore_mem>>) src(%dma_wait3A_77 : memref<128xi32, #tpu.memory_space<hbm>>) dst(%arg6 : memref<128xi32, #tpu.memory_space<vmem>>)
        tpu.yield
      }) : () -> ()
      "tpu.region"() ({
        %run_scoped3A = tpu.sem_alloc : memref<!tpu.dma_semaphore, #tpu.memory_space<semaphore_mem>>
        %dma_start3A_75 = tpu.memref_slice %arg4[%mul3A_58] : memref<331776xi32, #tpu.memory_space<hbm>> -> memref<128xi32, #tpu.memory_space<hbm>>
        %dma_start3A_76 = tpu.memref_slice %arg4[%mul3A_58] : memref<331776xi32, #tpu.memory_space<hbm>> -> memref<128xi32, #tpu.memory_space<hbm>>
        tpu.enqueue_dma source(%dma_start3A_76 : memref<128xi32, #tpu.memory_space<hbm>>) target(%arg7 : memref<128xi32, #tpu.memory_space<vmem>>) target_semaphore(%run_scoped3A : memref<!tpu.dma_semaphore, #tpu.memory_space<semaphore_mem>>)
        %dma_wait3A = tpu.memref_slice %arg4[%mul3A_58] : memref<331776xi32, #tpu.memory_space<hbm>> -> memref<128xi32, #tpu.memory_space<hbm>>
        %dma_wait3A_77 = tpu.memref_slice %arg4[%mul3A_58] : memref<331776xi32, #tpu.memory_space<hbm>> -> memref<128xi32, #tpu.memory_space<hbm>>
        tpu.wait_dma2 semaphore(%run_scoped3A : memref<!tpu.dma_semaphore, #tpu.memory_space<semaphore_mem>>) src(%dma_wait3A_77 : memref<128xi32, #tpu.memory_space<hbm>>) dst(%arg7 : memref<128xi32, #tpu.memory_space<vmem>>)
        tpu.yield
      }) : () -> ()
      %dma_start3A = arith.constant 0 : i32
      %dma_start3A_59 = arith.constant 0 : i32
      %dma_start3A_60 = tpu.memref_slice %arg2[%dma_start3A, %dma_start3A_59] : memref<10000x128xf32, #tpu.memory_space<hbm>> -> memref<10000x128xf32, #tpu.memory_space<hbm>>
      tpu.enqueue_indirect_dma source(%dma_start3A_60 : memref<10000x128xf32, #tpu.memory_space<hbm>>) target(%arg10 : memref<128x128xf32, #tpu.memory_space<vmem>>) offsets(%arg6 : memref<128xi32, #tpu.memory_space<vmem>>) semaphore(%arg14 : memref<!tpu.dma_semaphore, #tpu.memory_space<semaphore_mem>>)
      %add3A_61 = arith.constant 128 : i32
      %add3A_62 = arith.addi %mul3A_58, %add3A_61 : i32
      %dma_start3A_63 = tpu.memref_slice %arg3[%add3A_62] : memref<331776xi32, #tpu.memory_space<hbm>> -> memref<128xi32, #tpu.memory_space<hbm>>
      %dma_start3A_64 = tpu.memref_slice %arg3[%add3A_62] : memref<331776xi32, #tpu.memory_space<hbm>> -> memref<128xi32, #tpu.memory_space<hbm>>
      tpu.enqueue_dma source(%dma_start3A_64 : memref<128xi32, #tpu.memory_space<hbm>>) target(%arg8 : memref<128xi32, #tpu.memory_space<vmem>>) target_semaphore(%arg16 : memref<!tpu.dma_semaphore, #tpu.memory_space<semaphore_mem>>)
      %add3A_65 = arith.constant 128 : i32
      %add3A_66 = arith.addi %mul3A_58, %add3A_65 : i32
      %dma_start3A_67 = tpu.memref_slice %arg4[%add3A_66] : memref<331776xi32, #tpu.memory_space<hbm>> -> memref<128xi32, #tpu.memory_space<hbm>>
      %dma_start3A_68 = tpu.memref_slice %arg4[%add3A_66] : memref<331776xi32, #tpu.memory_space<hbm>> -> memref<128xi32, #tpu.memory_space<hbm>>
      tpu.enqueue_dma source(%dma_start3A_68 : memref<128xi32, #tpu.memory_space<hbm>>) target(%arg9 : memref<128xi32, #tpu.memory_space<vmem>>) target_semaphore(%arg16 : memref<!tpu.dma_semaphore, #tpu.memory_space<semaphore_mem>>)
      %scan3A_69 = arith.constant 0 : i32
      %scan3A_70 = arith.constant 0 : i32
      %scan3A_71 = arith.constant 60 : i32
      %scan3A_72 = arith.addi %scan3A_70, %scan3A_71 : i32
      %scan3A_73 = arith.constant 1 : i32
      scf.for %scan3A_75 = %scan3A_70 to %scan3A_72 step %scan3A_73  : i32 {
        %mul3A_76 = arith.constant 2 : i32
        %mul3A_77 = arith.muli %mul3A_76, %scan3A_75 : i32
        %add3A_78 = arith.addi %mul3A_56, %mul3A_77 : i32
        %add3A_79 = arith.constant 1 : i32
        %add3A_80 = arith.addi %add3A_78, %add3A_79 : i32
        %mul3A_81 = arith.constant 128 : i32
        %mul3A_82 = arith.muli %add3A_80, %mul3A_81 : i32
        %dma_wait3A = tpu.memref_slice %arg3[%mul3A_82] : memref<331776xi32, #tpu.memory_space<hbm>> -> memref<128xi32, #tpu.memory_space<hbm>>
        %dma_wait3A_83 = tpu.memref_slice %arg3[%mul3A_82] : memref<331776xi32, #tpu.memory_space<hbm>> -> memref<128xi32, #tpu.memory_space<hbm>>
        tpu.wait_dma2 semaphore(%arg16 : memref<!tpu.dma_semaphore, #tpu.memory_space<semaphore_mem>>) src(%dma_wait3A_83 : memref<128xi32, #tpu.memory_space<hbm>>) dst(%arg8 : memref<128xi32, #tpu.memory_space<vmem>>)
        %dma_wait3A_84 = tpu.memref_slice %arg4[%mul3A_82] : memref<331776xi32, #tpu.memory_space<hbm>> -> memref<128xi32, #tpu.memory_space<hbm>>
        %dma_wait3A_85 = tpu.memref_slice %arg4[%mul3A_82] : memref<331776xi32, #tpu.memory_space<hbm>> -> memref<128xi32, #tpu.memory_space<hbm>>
        tpu.wait_dma2 semaphore(%arg16 : memref<!tpu.dma_semaphore, #tpu.memory_space<semaphore_mem>>) src(%dma_wait3A_85 : memref<128xi32, #tpu.memory_space<hbm>>) dst(%arg9 : memref<128xi32, #tpu.memory_space<vmem>>)
        %dma_start3A_86 = arith.constant 0 : i32
        %dma_start3A_87 = arith.constant 0 : i32
        %dma_start3A_88 = tpu.memref_slice %arg2[%dma_start3A_86, %dma_start3A_87] : memref<10000x128xf32, #tpu.memory_space<hbm>> -> memref<10000x128xf32, #tpu.memory_space<hbm>>
        tpu.enqueue_indirect_dma source(%dma_start3A_88 : memref<10000x128xf32, #tpu.memory_space<hbm>>) target(%arg11 : memref<128x128xf32, #tpu.memory_space<vmem>>) offsets(%arg8 : memref<128xi32, #tpu.memory_space<vmem>>) semaphore(%arg15 : memref<!tpu.dma_semaphore, #tpu.memory_space<semaphore_mem>>)
        %dma_wait3A_89 = arith.constant 0 : i32
        %dma_wait3A_90 = arith.constant 0 : i32
        %dma_wait3A_91 = tpu.memref_slice %arg2[%dma_wait3A_89, %dma_wait3A_90] : memref<10000x128xf32, #tpu.memory_space<hbm>> -> memref<10000x128xf32, #tpu.memory_space<hbm>>
        tpu.wait_indirect_dma semaphore(%arg14 : memref<!tpu.dma_semaphore, #tpu.memory_space<semaphore_mem>>) src(%dma_wait3A_91 : memref<10000x128xf32, #tpu.memory_space<hbm>>) dst(%arg10 : memref<128x128xf32, #tpu.memory_space<vmem>>)
        "tpu.region"() ({
          %run_scoped3A = tpu.sem_alloc : memref<!tpu.dma_semaphore, #tpu.memory_space<semaphore_mem>>
          %dma_start3A_108 = arith.constant 0 : i32
          %dma_start3A_109 = arith.constant 0 : i32
          %dma_start3A_110 = tpu.memref_slice %arg13[%dma_start3A_108, %dma_start3A_109] : memref<10240x128xf32, #tpu.memory_space<vmem_shared>> -> memref<10240x128xf32, #tpu.memory_space<vmem_shared>>
          tpu.enqueue_indirect_dma source(%arg10 : memref<128x128xf32, #tpu.memory_space<vmem>>) target(%dma_start3A_110 : memref<10240x128xf32, #tpu.memory_space<vmem_shared>>) offsets(%arg7 : memref<128xi32, #tpu.memory_space<vmem>>) semaphore(%run_scoped3A : memref<!tpu.dma_semaphore, #tpu.memory_space<semaphore_mem>>) {add = true}
          %dma_wait3A_111 = arith.constant 0 : i32
          %dma_wait3A_112 = arith.constant 0 : i32
          %dma_wait3A_113 = tpu.memref_slice %arg13[%dma_wait3A_111, %dma_wait3A_112] : memref<10240x128xf32, #tpu.memory_space<vmem_shared>> -> memref<10240x128xf32, #tpu.memory_space<vmem_shared>>
          tpu.wait_indirect_dma semaphore(%run_scoped3A : memref<!tpu.dma_semaphore, #tpu.memory_space<semaphore_mem>>) src(%arg10 : memref<128x128xf32, #tpu.memory_space<vmem>>) dst(%dma_wait3A_113 : memref<10240x128xf32, #tpu.memory_space<vmem_shared>>)
          tpu.yield
        }) : () -> ()
        %add3A_92 = arith.constant 2 : i32
        %add3A_93 = arith.addi %mul3A_77, %add3A_92 : i32
        %lt3A = arith.constant 120 : i32
        %lt3A_94 = arith.cmpi slt, %add3A_93, %lt3A : i32
        %convert_element_type3A_95 = arith.extui %lt3A_94 : i1 to i32
        %cond3A_96 = arith.constant 0 : i32
        %cond3A_97 = arith.cmpi ne, %convert_element_type3A_95, %cond3A_96 : i32
        scf.if %cond3A_97 {
          %add3A_108 = arith.addi %mul3A_56, %mul3A_77 : i32
          %add3A_109 = arith.constant 2 : i32
          %add3A_110 = arith.addi %add3A_108, %add3A_109 : i32
          %mul3A_111 = arith.constant 128 : i32
          %mul3A_112 = arith.muli %add3A_110, %mul3A_111 : i32
          "tpu.region"() ({
            %run_scoped3A = tpu.sem_alloc : memref<!tpu.dma_semaphore, #tpu.memory_space<semaphore_mem>>
            %dma_start3A_116 = tpu.memref_slice %arg3[%mul3A_112] : memref<331776xi32, #tpu.memory_space<hbm>> -> memref<128xi32, #tpu.memory_space<hbm>>
            %dma_start3A_117 = tpu.memref_slice %arg3[%mul3A_112] : memref<331776xi32, #tpu.memory_space<hbm>> -> memref<128xi32, #tpu.memory_space<hbm>>
            tpu.enqueue_dma source(%dma_start3A_117 : memref<128xi32, #tpu.memory_space<hbm>>) target(%arg6 : memref<128xi32, #tpu.memory_space<vmem>>) target_semaphore(%run_scoped3A : memref<!tpu.dma_semaphore, #tpu.memory_space<semaphore_mem>>)
            %dma_wait3A_118 = tpu.memref_slice %arg3[%mul3A_112] : memref<331776xi32, #tpu.memory_space<hbm>> -> memref<128xi32, #tpu.memory_space<hbm>>
            %dma_wait3A_119 = tpu.memref_slice %arg3[%mul3A_112] : memref<331776xi32, #tpu.memory_space<hbm>> -> memref<128xi32, #tpu.memory_space<hbm>>
            tpu.wait_dma2 semaphore(%run_scoped3A : memref<!tpu.dma_semaphore, #tpu.memory_space<semaphore_mem>>) src(%dma_wait3A_119 : memref<128xi32, #tpu.memory_space<hbm>>) dst(%arg6 : memref<128xi32, #tpu.memory_space<vmem>>)
            tpu.yield
          }) : () -> ()
          "tpu.region"() ({
            %run_scoped3A = tpu.sem_alloc : memref<!tpu.dma_semaphore, #tpu.memory_space<semaphore_mem>>
            %dma_start3A_116 = tpu.memref_slice %arg4[%mul3A_112] : memref<331776xi32, #tpu.memory_space<hbm>> -> memref<128xi32, #tpu.memory_space<hbm>>
            %dma_start3A_117 = tpu.memref_slice %arg4[%mul3A_112] : memref<331776xi32, #tpu.memory_space<hbm>> -> memref<128xi32, #tpu.memory_space<hbm>>
            tpu.enqueue_dma source(%dma_start3A_117 : memref<128xi32, #tpu.memory_space<hbm>>) target(%arg7 : memref<128xi32, #tpu.memory_space<vmem>>) target_semaphore(%run_scoped3A : memref<!tpu.dma_semaphore, #tpu.memory_space<semaphore_mem>>)
            %dma_wait3A_118 = tpu.memref_slice %arg4[%mul3A_112] : memref<331776xi32, #tpu.memory_space<hbm>> -> memref<128xi32, #tpu.memory_space<hbm>>
            %dma_wait3A_119 = tpu.memref_slice %arg4[%mul3A_112] : memref<331776xi32, #tpu.memory_space<hbm>> -> memref<128xi32, #tpu.memory_space<hbm>>
            tpu.wait_dma2 semaphore(%run_scoped3A : memref<!tpu.dma_semaphore, #tpu.memory_space<semaphore_mem>>) src(%dma_wait3A_119 : memref<128xi32, #tpu.memory_space<hbm>>) dst(%arg7 : memref<128xi32, #tpu.memory_space<vmem>>)
            tpu.yield
          }) : () -> ()
          %dma_start3A_113 = arith.constant 0 : i32
          %dma_start3A_114 = arith.constant 0 : i32
          %dma_start3A_115 = tpu.memref_slice %arg2[%dma_start3A_113, %dma_start3A_114] : memref<10000x128xf32, #tpu.memory_space<hbm>> -> memref<10000x128xf32, #tpu.memory_space<hbm>>
          tpu.enqueue_indirect_dma source(%dma_start3A_115 : memref<10000x128xf32, #tpu.memory_space<hbm>>) target(%arg10 : memref<128x128xf32, #tpu.memory_space<vmem>>) offsets(%arg6 : memref<128xi32, #tpu.memory_space<vmem>>) semaphore(%arg14 : memref<!tpu.dma_semaphore, #tpu.memory_space<semaphore_mem>>)
        } else {
        }
        %dma_wait3A_98 = arith.constant 0 : i32
        %dma_wait3A_99 = arith.constant 0 : i32
        %dma_wait3A_100 = tpu.memref_slice %arg2[%dma_wait3A_98, %dma_wait3A_99] : memref<10000x128xf32, #tpu.memory_space<hbm>> -> memref<10000x128xf32, #tpu.memory_space<hbm>>
        tpu.wait_indirect_dma semaphore(%arg15 : memref<!tpu.dma_semaphore, #tpu.memory_space<semaphore_mem>>) src(%dma_wait3A_100 : memref<10000x128xf32, #tpu.memory_space<hbm>>) dst(%arg11 : memref<128x128xf32, #tpu.memory_space<vmem>>)
        "tpu.region"() ({
          %run_scoped3A = tpu.sem_alloc : memref<!tpu.dma_semaphore, #tpu.memory_space<semaphore_mem>>
          %dma_start3A_108 = arith.constant 0 : i32
          %dma_start3A_109 = arith.constant 0 : i32
          %dma_start3A_110 = tpu.memref_slice %arg13[%dma_start3A_108, %dma_start3A_109] : memref<10240x128xf32, #tpu.memory_space<vmem_shared>> -> memref<10240x128xf32, #tpu.memory_space<vmem_shared>>
          tpu.enqueue_indirect_dma source(%arg11 : memref<128x128xf32, #tpu.memory_space<vmem>>) target(%dma_start3A_110 : memref<10240x128xf32, #tpu.memory_space<vmem_shared>>) offsets(%arg9 : memref<128xi32, #tpu.memory_space<vmem>>) semaphore(%run_scoped3A : memref<!tpu.dma_semaphore, #tpu.memory_space<semaphore_mem>>) {add = true}
          %dma_wait3A_111 = arith.constant 0 : i32
          %dma_wait3A_112 = arith.constant 0 : i32
          %dma_wait3A_113 = tpu.memref_slice %arg13[%dma_wait3A_111, %dma_wait3A_112] : memref<10240x128xf32, #tpu.memory_space<vmem_shared>> -> memref<10240x128xf32, #tpu.memory_space<vmem_shared>>
          tpu.wait_indirect_dma semaphore(%run_scoped3A : memref<!tpu.dma_semaphore, #tpu.memory_space<semaphore_mem>>) src(%arg11 : memref<128x128xf32, #tpu.memory_space<vmem>>) dst(%dma_wait3A_113 : memref<10240x128xf32, #tpu.memory_space<vmem_shared>>)
          tpu.yield
        }) : () -> ()
        %add3A_101 = arith.constant 3 : i32
        %add3A_102 = arith.addi %mul3A_77, %add3A_101 : i32
        %lt3A_103 = arith.constant 120 : i32
        %lt3A_104 = arith.cmpi slt, %add3A_102, %lt3A_103 : i32
        %convert_element_type3A_105 = arith.extui %lt3A_104 : i1 to i32
        %cond3A_106 = arith.constant 0 : i32
        %cond3A_107 = arith.cmpi ne, %convert_element_type3A_105, %cond3A_106 : i32
        scf.if %cond3A_107 {
          %add3A_108 = arith.addi %mul3A_56, %mul3A_77 : i32
          %add3A_109 = arith.constant 3 : i32
          %add3A_110 = arith.addi %add3A_108, %add3A_109 : i32
          %mul3A_111 = arith.constant 128 : i32
          %mul3A_112 = arith.muli %add3A_110, %mul3A_111 : i32
          %dma_start3A_113 = tpu.memref_slice %arg3[%mul3A_112] : memref<331776xi32, #tpu.memory_space<hbm>> -> memref<128xi32, #tpu.memory_space<hbm>>
          %dma_start3A_114 = tpu.memref_slice %arg3[%mul3A_112] : memref<331776xi32, #tpu.memory_space<hbm>> -> memref<128xi32, #tpu.memory_space<hbm>>
          tpu.enqueue_dma source(%dma_start3A_114 : memref<128xi32, #tpu.memory_space<hbm>>) target(%arg8 : memref<128xi32, #tpu.memory_space<vmem>>) target_semaphore(%arg16 : memref<!tpu.dma_semaphore, #tpu.memory_space<semaphore_mem>>)
          %dma_start3A_115 = tpu.memref_slice %arg4[%mul3A_112] : memref<331776xi32, #tpu.memory_space<hbm>> -> memref<128xi32, #tpu.memory_space<hbm>>
          %dma_start3A_116 = tpu.memref_slice %arg4[%mul3A_112] : memref<331776xi32, #tpu.memory_space<hbm>> -> memref<128xi32, #tpu.memory_space<hbm>>
          tpu.enqueue_dma source(%dma_start3A_116 : memref<128xi32, #tpu.memory_space<hbm>>) target(%arg9 : memref<128xi32, #tpu.memory_space<vmem>>) target_semaphore(%arg16 : memref<!tpu.dma_semaphore, #tpu.memory_space<semaphore_mem>>)
        } else {
        }
      }
      %scan3A_74 = arith.constant 60 : i32
    } else {
    }
    %eq3A_45 = arith.constant 1 : i32
    %eq3A_46 = arith.cmpi eq, %arg0, %eq3A_45 : i32
    %convert_element_type3A_47 = arith.extui %eq3A_46 : i1 to i32
    %cond3A_48 = arith.constant 0 : i32
    %cond3A_49 = arith.cmpi ne, %convert_element_type3A_47, %cond3A_48 : i32
    scf.if %cond3A_49 {
      %mul3A_55 = arith.constant 42 : i32
      %mul3A_56 = arith.muli %arg1, %mul3A_55 : i32
      %add3A_57 = arith.constant 1920 : i32
      %add3A_58 = arith.addi %add3A_57, %mul3A_56 : i32
      %mul3A_59 = arith.constant 128 : i32
      %mul3A_60 = arith.muli %add3A_58, %mul3A_59 : i32
      "tpu.region"() ({
        %run_scoped3A = tpu.sem_alloc : memref<!tpu.dma_semaphore, #tpu.memory_space<semaphore_mem>>
        %dma_start3A_77 = tpu.memref_slice %arg3[%mul3A_60] : memref<331776xi32, #tpu.memory_space<hbm>> -> memref<128xi32, #tpu.memory_space<hbm>>
        %dma_start3A_78 = tpu.memref_slice %arg3[%mul3A_60] : memref<331776xi32, #tpu.memory_space<hbm>> -> memref<128xi32, #tpu.memory_space<hbm>>
        tpu.enqueue_dma source(%dma_start3A_78 : memref<128xi32, #tpu.memory_space<hbm>>) target(%arg6 : memref<128xi32, #tpu.memory_space<vmem>>) target_semaphore(%run_scoped3A : memref<!tpu.dma_semaphore, #tpu.memory_space<semaphore_mem>>)
        %dma_wait3A = tpu.memref_slice %arg3[%mul3A_60] : memref<331776xi32, #tpu.memory_space<hbm>> -> memref<128xi32, #tpu.memory_space<hbm>>
        %dma_wait3A_79 = tpu.memref_slice %arg3[%mul3A_60] : memref<331776xi32, #tpu.memory_space<hbm>> -> memref<128xi32, #tpu.memory_space<hbm>>
        tpu.wait_dma2 semaphore(%run_scoped3A : memref<!tpu.dma_semaphore, #tpu.memory_space<semaphore_mem>>) src(%dma_wait3A_79 : memref<128xi32, #tpu.memory_space<hbm>>) dst(%arg6 : memref<128xi32, #tpu.memory_space<vmem>>)
        tpu.yield
      }) : () -> ()
      "tpu.region"() ({
        %run_scoped3A = tpu.sem_alloc : memref<!tpu.dma_semaphore, #tpu.memory_space<semaphore_mem>>
        %dma_start3A_77 = tpu.memref_slice %arg4[%mul3A_60] : memref<331776xi32, #tpu.memory_space<hbm>> -> memref<128xi32, #tpu.memory_space<hbm>>
        %dma_start3A_78 = tpu.memref_slice %arg4[%mul3A_60] : memref<331776xi32, #tpu.memory_space<hbm>> -> memref<128xi32, #tpu.memory_space<hbm>>
        tpu.enqueue_dma source(%dma_start3A_78 : memref<128xi32, #tpu.memory_space<hbm>>) target(%arg7 : memref<128xi32, #tpu.memory_space<vmem>>) target_semaphore(%run_scoped3A : memref<!tpu.dma_semaphore, #tpu.memory_space<semaphore_mem>>)
        %dma_wait3A = tpu.memref_slice %arg4[%mul3A_60] : memref<331776xi32, #tpu.memory_space<hbm>> -> memref<128xi32, #tpu.memory_space<hbm>>
        %dma_wait3A_79 = tpu.memref_slice %arg4[%mul3A_60] : memref<331776xi32, #tpu.memory_space<hbm>> -> memref<128xi32, #tpu.memory_space<hbm>>
        tpu.wait_dma2 semaphore(%run_scoped3A : memref<!tpu.dma_semaphore, #tpu.memory_space<semaphore_mem>>) src(%dma_wait3A_79 : memref<128xi32, #tpu.memory_space<hbm>>) dst(%arg7 : memref<128xi32, #tpu.memory_space<vmem>>)
        tpu.yield
      }) : () -> ()
      %dma_start3A = arith.constant 0 : i32
      %dma_start3A_61 = arith.constant 0 : i32
      %dma_start3A_62 = tpu.memref_slice %arg2[%dma_start3A, %dma_start3A_61] : memref<10000x128xf32, #tpu.memory_space<hbm>> -> memref<10000x128xf32, #tpu.memory_space<hbm>>
      tpu.enqueue_indirect_dma source(%dma_start3A_62 : memref<10000x128xf32, #tpu.memory_space<hbm>>) target(%arg10 : memref<128x128xf32, #tpu.memory_space<vmem>>) offsets(%arg6 : memref<128xi32, #tpu.memory_space<vmem>>) semaphore(%arg14 : memref<!tpu.dma_semaphore, #tpu.memory_space<semaphore_mem>>)
      %add3A_63 = arith.constant 128 : i32
      %add3A_64 = arith.addi %mul3A_60, %add3A_63 : i32
      %dma_start3A_65 = tpu.memref_slice %arg3[%add3A_64] : memref<331776xi32, #tpu.memory_space<hbm>> -> memref<128xi32, #tpu.memory_space<hbm>>
      %dma_start3A_66 = tpu.memref_slice %arg3[%add3A_64] : memref<331776xi32, #tpu.memory_space<hbm>> -> memref<128xi32, #tpu.memory_space<hbm>>
      tpu.enqueue_dma source(%dma_start3A_66 : memref<128xi32, #tpu.memory_space<hbm>>) target(%arg8 : memref<128xi32, #tpu.memory_space<vmem>>) target_semaphore(%arg16 : memref<!tpu.dma_semaphore, #tpu.memory_space<semaphore_mem>>)
      %add3A_67 = arith.constant 128 : i32
      %add3A_68 = arith.addi %mul3A_60, %add3A_67 : i32
      %dma_start3A_69 = tpu.memref_slice %arg4[%add3A_68] : memref<331776xi32, #tpu.memory_space<hbm>> -> memref<128xi32, #tpu.memory_space<hbm>>
      %dma_start3A_70 = tpu.memref_slice %arg4[%add3A_68] : memref<331776xi32, #tpu.memory_space<hbm>> -> memref<128xi32, #tpu.memory_space<hbm>>
      tpu.enqueue_dma source(%dma_start3A_70 : memref<128xi32, #tpu.memory_space<hbm>>) target(%arg9 : memref<128xi32, #tpu.memory_space<vmem>>) target_semaphore(%arg16 : memref<!tpu.dma_semaphore, #tpu.memory_space<semaphore_mem>>)
      %scan3A_71 = arith.constant 0 : i32
      %scan3A_72 = arith.constant 0 : i32
      %scan3A_73 = arith.constant 21 : i32
      %scan3A_74 = arith.addi %scan3A_72, %scan3A_73 : i32
      %scan3A_75 = arith.constant 1 : i32
      scf.for %scan3A_77 = %scan3A_72 to %scan3A_74 step %scan3A_75  : i32 {
        %mul3A_78 = arith.constant 2 : i32
        %mul3A_79 = arith.muli %mul3A_78, %scan3A_77 : i32
        %add3A_80 = arith.addi %add3A_58, %mul3A_79 : i32
        %add3A_81 = arith.constant 1 : i32
        %add3A_82 = arith.addi %add3A_80, %add3A_81 : i32
        %mul3A_83 = arith.constant 128 : i32
        %mul3A_84 = arith.muli %add3A_82, %mul3A_83 : i32
        %dma_wait3A = tpu.memref_slice %arg3[%mul3A_84] : memref<331776xi32, #tpu.memory_space<hbm>> -> memref<128xi32, #tpu.memory_space<hbm>>
        %dma_wait3A_85 = tpu.memref_slice %arg3[%mul3A_84] : memref<331776xi32, #tpu.memory_space<hbm>> -> memref<128xi32, #tpu.memory_space<hbm>>
        tpu.wait_dma2 semaphore(%arg16 : memref<!tpu.dma_semaphore, #tpu.memory_space<semaphore_mem>>) src(%dma_wait3A_85 : memref<128xi32, #tpu.memory_space<hbm>>) dst(%arg8 : memref<128xi32, #tpu.memory_space<vmem>>)
        %dma_wait3A_86 = tpu.memref_slice %arg4[%mul3A_84] : memref<331776xi32, #tpu.memory_space<hbm>> -> memref<128xi32, #tpu.memory_space<hbm>>
        %dma_wait3A_87 = tpu.memref_slice %arg4[%mul3A_84] : memref<331776xi32, #tpu.memory_space<hbm>> -> memref<128xi32, #tpu.memory_space<hbm>>
        tpu.wait_dma2 semaphore(%arg16 : memref<!tpu.dma_semaphore, #tpu.memory_space<semaphore_mem>>) src(%dma_wait3A_87 : memref<128xi32, #tpu.memory_space<hbm>>) dst(%arg9 : memref<128xi32, #tpu.memory_space<vmem>>)
        %dma_start3A_88 = arith.constant 0 : i32
        %dma_start3A_89 = arith.constant 0 : i32
        %dma_start3A_90 = tpu.memref_slice %arg2[%dma_start3A_88, %dma_start3A_89] : memref<10000x128xf32, #tpu.memory_space<hbm>> -> memref<10000x128xf32, #tpu.memory_space<hbm>>
        tpu.enqueue_indirect_dma source(%dma_start3A_90 : memref<10000x128xf32, #tpu.memory_space<hbm>>) target(%arg11 : memref<128x128xf32, #tpu.memory_space<vmem>>) offsets(%arg8 : memref<128xi32, #tpu.memory_space<vmem>>) semaphore(%arg15 : memref<!tpu.dma_semaphore, #tpu.memory_space<semaphore_mem>>)
        %dma_wait3A_91 = arith.constant 0 : i32
        %dma_wait3A_92 = arith.constant 0 : i32
        %dma_wait3A_93 = tpu.memref_slice %arg2[%dma_wait3A_91, %dma_wait3A_92] : memref<10000x128xf32, #tpu.memory_space<hbm>> -> memref<10000x128xf32, #tpu.memory_space<hbm>>
        tpu.wait_indirect_dma semaphore(%arg14 : memref<!tpu.dma_semaphore, #tpu.memory_space<semaphore_mem>>) src(%dma_wait3A_93 : memref<10000x128xf32, #tpu.memory_space<hbm>>) dst(%arg10 : memref<128x128xf32, #tpu.memory_space<vmem>>)
        "tpu.region"() ({
          %run_scoped3A = tpu.sem_alloc : memref<!tpu.dma_semaphore, #tpu.memory_space<semaphore_mem>>
          %dma_start3A_110 = arith.constant 0 : i32
          %dma_start3A_111 = arith.constant 0 : i32
          %dma_start3A_112 = tpu.memref_slice %arg13[%dma_start3A_110, %dma_start3A_111] : memref<10240x128xf32, #tpu.memory_space<vmem_shared>> -> memref<10240x128xf32, #tpu.memory_space<vmem_shared>>
          tpu.enqueue_indirect_dma source(%arg10 : memref<128x128xf32, #tpu.memory_space<vmem>>) target(%dma_start3A_112 : memref<10240x128xf32, #tpu.memory_space<vmem_shared>>) offsets(%arg7 : memref<128xi32, #tpu.memory_space<vmem>>) semaphore(%run_scoped3A : memref<!tpu.dma_semaphore, #tpu.memory_space<semaphore_mem>>) {add = true}
          %dma_wait3A_113 = arith.constant 0 : i32
          %dma_wait3A_114 = arith.constant 0 : i32
          %dma_wait3A_115 = tpu.memref_slice %arg13[%dma_wait3A_113, %dma_wait3A_114] : memref<10240x128xf32, #tpu.memory_space<vmem_shared>> -> memref<10240x128xf32, #tpu.memory_space<vmem_shared>>
          tpu.wait_indirect_dma semaphore(%run_scoped3A : memref<!tpu.dma_semaphore, #tpu.memory_space<semaphore_mem>>) src(%arg10 : memref<128x128xf32, #tpu.memory_space<vmem>>) dst(%dma_wait3A_115 : memref<10240x128xf32, #tpu.memory_space<vmem_shared>>)
          tpu.yield
        }) : () -> ()
        %add3A_94 = arith.constant 2 : i32
        %add3A_95 = arith.addi %mul3A_79, %add3A_94 : i32
        %lt3A = arith.constant 42 : i32
        %lt3A_96 = arith.cmpi slt, %add3A_95, %lt3A : i32
        %convert_element_type3A_97 = arith.extui %lt3A_96 : i1 to i32
        %cond3A_98 = arith.constant 0 : i32
        %cond3A_99 = arith.cmpi ne, %convert_element_type3A_97, %cond3A_98 : i32
        scf.if %cond3A_99 {
          %add3A_110 = arith.addi %add3A_58, %mul3A_79 : i32
          %add3A_111 = arith.constant 2 : i32
          %add3A_112 = arith.addi %add3A_110, %add3A_111 : i32
          %mul3A_113 = arith.constant 128 : i32
          %mul3A_114 = arith.muli %add3A_112, %mul3A_113 : i32
          "tpu.region"() ({
            %run_scoped3A = tpu.sem_alloc : memref<!tpu.dma_semaphore, #tpu.memory_space<semaphore_mem>>
            %dma_start3A_118 = tpu.memref_slice %arg3[%mul3A_114] : memref<331776xi32, #tpu.memory_space<hbm>> -> memref<128xi32, #tpu.memory_space<hbm>>
            %dma_start3A_119 = tpu.memref_slice %arg3[%mul3A_114] : memref<331776xi32, #tpu.memory_space<hbm>> -> memref<128xi32, #tpu.memory_space<hbm>>
            tpu.enqueue_dma source(%dma_start3A_119 : memref<128xi32, #tpu.memory_space<hbm>>) target(%arg6 : memref<128xi32, #tpu.memory_space<vmem>>) target_semaphore(%run_scoped3A : memref<!tpu.dma_semaphore, #tpu.memory_space<semaphore_mem>>)
            %dma_wait3A_120 = tpu.memref_slice %arg3[%mul3A_114] : memref<331776xi32, #tpu.memory_space<hbm>> -> memref<128xi32, #tpu.memory_space<hbm>>
            %dma_wait3A_121 = tpu.memref_slice %arg3[%mul3A_114] : memref<331776xi32, #tpu.memory_space<hbm>> -> memref<128xi32, #tpu.memory_space<hbm>>
            tpu.wait_dma2 semaphore(%run_scoped3A : memref<!tpu.dma_semaphore, #tpu.memory_space<semaphore_mem>>) src(%dma_wait3A_121 : memref<128xi32, #tpu.memory_space<hbm>>) dst(%arg6 : memref<128xi32, #tpu.memory_space<vmem>>)
            tpu.yield
          }) : () -> ()
          "tpu.region"() ({
            %run_scoped3A = tpu.sem_alloc : memref<!tpu.dma_semaphore, #tpu.memory_space<semaphore_mem>>
            %dma_start3A_118 = tpu.memref_slice %arg4[%mul3A_114] : memref<331776xi32, #tpu.memory_space<hbm>> -> memref<128xi32, #tpu.memory_space<hbm>>
            %dma_start3A_119 = tpu.memref_slice %arg4[%mul3A_114] : memref<331776xi32, #tpu.memory_space<hbm>> -> memref<128xi32, #tpu.memory_space<hbm>>
            tpu.enqueue_dma source(%dma_start3A_119 : memref<128xi32, #tpu.memory_space<hbm>>) target(%arg7 : memref<128xi32, #tpu.memory_space<vmem>>) target_semaphore(%run_scoped3A : memref<!tpu.dma_semaphore, #tpu.memory_space<semaphore_mem>>)
            %dma_wait3A_120 = tpu.memref_slice %arg4[%mul3A_114] : memref<331776xi32, #tpu.memory_space<hbm>> -> memref<128xi32, #tpu.memory_space<hbm>>
            %dma_wait3A_121 = tpu.memref_slice %arg4[%mul3A_114] : memref<331776xi32, #tpu.memory_space<hbm>> -> memref<128xi32, #tpu.memory_space<hbm>>
            tpu.wait_dma2 semaphore(%run_scoped3A : memref<!tpu.dma_semaphore, #tpu.memory_space<semaphore_mem>>) src(%dma_wait3A_121 : memref<128xi32, #tpu.memory_space<hbm>>) dst(%arg7 : memref<128xi32, #tpu.memory_space<vmem>>)
            tpu.yield
          }) : () -> ()
          %dma_start3A_115 = arith.constant 0 : i32
          %dma_start3A_116 = arith.constant 0 : i32
          %dma_start3A_117 = tpu.memref_slice %arg2[%dma_start3A_115, %dma_start3A_116] : memref<10000x128xf32, #tpu.memory_space<hbm>> -> memref<10000x128xf32, #tpu.memory_space<hbm>>
          tpu.enqueue_indirect_dma source(%dma_start3A_117 : memref<10000x128xf32, #tpu.memory_space<hbm>>) target(%arg10 : memref<128x128xf32, #tpu.memory_space<vmem>>) offsets(%arg6 : memref<128xi32, #tpu.memory_space<vmem>>) semaphore(%arg14 : memref<!tpu.dma_semaphore, #tpu.memory_space<semaphore_mem>>)
        } else {
        }
        %dma_wait3A_100 = arith.constant 0 : i32
        %dma_wait3A_101 = arith.constant 0 : i32
        %dma_wait3A_102 = tpu.memref_slice %arg2[%dma_wait3A_100, %dma_wait3A_101] : memref<10000x128xf32, #tpu.memory_space<hbm>> -> memref<10000x128xf32, #tpu.memory_space<hbm>>
        tpu.wait_indirect_dma semaphore(%arg15 : memref<!tpu.dma_semaphore, #tpu.memory_space<semaphore_mem>>) src(%dma_wait3A_102 : memref<10000x128xf32, #tpu.memory_space<hbm>>) dst(%arg11 : memref<128x128xf32, #tpu.memory_space<vmem>>)
        "tpu.region"() ({
          %run_scoped3A = tpu.sem_alloc : memref<!tpu.dma_semaphore, #tpu.memory_space<semaphore_mem>>
          %dma_start3A_110 = arith.constant 0 : i32
          %dma_start3A_111 = arith.constant 0 : i32
          %dma_start3A_112 = tpu.memref_slice %arg13[%dma_start3A_110, %dma_start3A_111] : memref<10240x128xf32, #tpu.memory_space<vmem_shared>> -> memref<10240x128xf32, #tpu.memory_space<vmem_shared>>
          tpu.enqueue_indirect_dma source(%arg11 : memref<128x128xf32, #tpu.memory_space<vmem>>) target(%dma_start3A_112 : memref<10240x128xf32, #tpu.memory_space<vmem_shared>>) offsets(%arg9 : memref<128xi32, #tpu.memory_space<vmem>>) semaphore(%run_scoped3A : memref<!tpu.dma_semaphore, #tpu.memory_space<semaphore_mem>>) {add = true}
          %dma_wait3A_113 = arith.constant 0 : i32
          %dma_wait3A_114 = arith.constant 0 : i32
          %dma_wait3A_115 = tpu.memref_slice %arg13[%dma_wait3A_113, %dma_wait3A_114] : memref<10240x128xf32, #tpu.memory_space<vmem_shared>> -> memref<10240x128xf32, #tpu.memory_space<vmem_shared>>
          tpu.wait_indirect_dma semaphore(%run_scoped3A : memref<!tpu.dma_semaphore, #tpu.memory_space<semaphore_mem>>) src(%arg11 : memref<128x128xf32, #tpu.memory_space<vmem>>) dst(%dma_wait3A_115 : memref<10240x128xf32, #tpu.memory_space<vmem_shared>>)
          tpu.yield
        }) : () -> ()
        %add3A_103 = arith.constant 3 : i32
        %add3A_104 = arith.addi %mul3A_79, %add3A_103 : i32
        %lt3A_105 = arith.constant 42 : i32
        %lt3A_106 = arith.cmpi slt, %add3A_104, %lt3A_105 : i32
        %convert_element_type3A_107 = arith.extui %lt3A_106 : i1 to i32
        %cond3A_108 = arith.constant 0 : i32
        %cond3A_109 = arith.cmpi ne, %convert_element_type3A_107, %cond3A_108 : i32
        scf.if %cond3A_109 {
          %add3A_110 = arith.addi %add3A_58, %mul3A_79 : i32
          %add3A_111 = arith.constant 3 : i32
          %add3A_112 = arith.addi %add3A_110, %add3A_111 : i32
          %mul3A_113 = arith.constant 128 : i32
          %mul3A_114 = arith.muli %add3A_112, %mul3A_113 : i32
          %dma_start3A_115 = tpu.memref_slice %arg3[%mul3A_114] : memref<331776xi32, #tpu.memory_space<hbm>> -> memref<128xi32, #tpu.memory_space<hbm>>
          %dma_start3A_116 = tpu.memref_slice %arg3[%mul3A_114] : memref<331776xi32, #tpu.memory_space<hbm>> -> memref<128xi32, #tpu.memory_space<hbm>>
          tpu.enqueue_dma source(%dma_start3A_116 : memref<128xi32, #tpu.memory_space<hbm>>) target(%arg8 : memref<128xi32, #tpu.memory_space<vmem>>) target_semaphore(%arg16 : memref<!tpu.dma_semaphore, #tpu.memory_space<semaphore_mem>>)
          %dma_start3A_117 = tpu.memref_slice %arg4[%mul3A_114] : memref<331776xi32, #tpu.memory_space<hbm>> -> memref<128xi32, #tpu.memory_space<hbm>>
          %dma_start3A_118 = tpu.memref_slice %arg4[%mul3A_114] : memref<331776xi32, #tpu.memory_space<hbm>> -> memref<128xi32, #tpu.memory_space<hbm>>
          tpu.enqueue_dma source(%dma_start3A_118 : memref<128xi32, #tpu.memory_space<hbm>>) target(%arg9 : memref<128xi32, #tpu.memory_space<vmem>>) target_semaphore(%arg16 : memref<!tpu.dma_semaphore, #tpu.memory_space<semaphore_mem>>)
        } else {
        }
      }
      %scan3A_76 = arith.constant 21 : i32
    } else {
    }
    %barrier3A_50 = arith.constant 0 : index
    tpu.barrier barrier_id(%barrier3A_50)
    %mul3A_51 = arith.constant 640 : i32
    %mul3A_52 = arith.muli %arg1, %mul3A_51 : i32
    %mul3A_53 = arith.constant 640 : i32
    %mul3A_54 = arith.muli %arg1, %mul3A_53 : i32
    "tpu.region"() ({
      %run_scoped3A = tpu.sem_alloc : memref<!tpu.dma_semaphore, #tpu.memory_space<semaphore_mem>>
      %dma_start3A = arith.constant 0 : i32
      %dma_start3A_55 = arith.constant 0 : i32
      %dma_start3A_56 = tpu.memref_slice %arg5[%arg0, %dma_start3A, %dma_start3A_55] : memref<2x10240x128xf32, #tpu.memory_space<hbm>> -> memref<1x10240x128xf32, #tpu.memory_space<hbm>>
      %dma_start3A_57 = tpu.memref_squeeze %dma_start3A_56 : memref<1x10240x128xf32, #tpu.memory_space<hbm>> -> memref<10240x128xf32, #tpu.memory_space<hbm>>
      %dma_start3A_58 = arith.constant 0 : i32
      %dma_start3A_59 = tpu.memref_slice %dma_start3A_57[%mul3A_54, %dma_start3A_58] : memref<10240x128xf32, #tpu.memory_space<hbm>> -> memref<640x128xf32, #tpu.memory_space<hbm>>
      %dma_start3A_60 = arith.constant 0 : i32
      %dma_start3A_61 = tpu.memref_slice %arg13[%mul3A_52, %dma_start3A_60] : memref<10240x128xf32, #tpu.memory_space<vmem_shared>> -> memref<640x128xf32, #tpu.memory_space<vmem_shared>>
      tpu.enqueue_dma source(%dma_start3A_61 : memref<640x128xf32, #tpu.memory_space<vmem_shared>>) target(%dma_start3A_59 : memref<640x128xf32, #tpu.memory_space<hbm>>) target_semaphore(%run_scoped3A : memref<!tpu.dma_semaphore, #tpu.memory_space<semaphore_mem>>)
      %dma_wait3A = arith.constant 0 : i32
      %dma_wait3A_62 = arith.constant 0 : i32
      %dma_wait3A_63 = tpu.memref_slice %arg5[%arg0, %dma_wait3A, %dma_wait3A_62] : memref<2x10240x128xf32, #tpu.memory_space<hbm>> -> memref<1x10240x128xf32, #tpu.memory_space<hbm>>
      %dma_wait3A_64 = tpu.memref_squeeze %dma_wait3A_63 : memref<1x10240x128xf32, #tpu.memory_space<hbm>> -> memref<10240x128xf32, #tpu.memory_space<hbm>>
      %dma_wait3A_65 = arith.constant 0 : i32
      %dma_wait3A_66 = tpu.memref_slice %dma_wait3A_64[%mul3A_54, %dma_wait3A_65] : memref<10240x128xf32, #tpu.memory_space<hbm>> -> memref<640x128xf32, #tpu.memory_space<hbm>>
      %dma_wait3A_67 = arith.constant 0 : i32
      %dma_wait3A_68 = tpu.memref_slice %arg13[%mul3A_52, %dma_wait3A_67] : memref<10240x128xf32, #tpu.memory_space<vmem_shared>> -> memref<640x128xf32, #tpu.memory_space<vmem_shared>>
      tpu.wait_dma2 semaphore(%run_scoped3A : memref<!tpu.dma_semaphore, #tpu.memory_space<semaphore_mem>>) src(%dma_wait3A_68 : memref<640x128xf32, #tpu.memory_space<vmem_shared>>) dst(%dma_wait3A_66 : memref<640x128xf32, #tpu.memory_space<hbm>>)
      tpu.yield
    }) : () -> ()
    return
  }
}

#map = affine_map<(d0, d1) -> (0, 0)>
#map1 = affine_map<(d0, d1) -> (0)>
#map2 = affine_map<(d0, d1) -> (0, 0, 0)>
module attributes {stable_mosaic.version = 14 : i64} {
  func.func @body(%arg0: i32, %arg1: i32, %arg2: memref<10000x128xf32, #tpu.memory_space<hbm>>, %arg3: memref<331776xi32, #tpu.memory_space<hbm>>, %arg4: memref<331776xi32, #tpu.memory_space<hbm>>, %arg5: memref<2x10240x128xf32, #tpu.memory_space<hbm>>, %arg6: memref<128xi32, #tpu.memory_space<vmem>>, %arg7: memref<128xi32, #tpu.memory_space<vmem>>, %arg8: memref<128xi32, #tpu.memory_space<vmem>>, %arg9: memref<128xi32, #tpu.memory_space<vmem>>, %arg10: memref<128x128xf32, #tpu.memory_space<vmem>>, %arg11: memref<128x128xf32, #tpu.memory_space<vmem>>, %arg12: memref<64x128xf32, #tpu.memory_space<vmem>>, %arg13: memref<10240x128xf32, #tpu.memory_space<vmem_shared>>, %arg14: memref<!tpu.dma_semaphore, #tpu.memory_space<semaphore_mem>>, %arg15: memref<!tpu.dma_semaphore, #tpu.memory_space<semaphore_mem>>, %arg16: memref<!tpu.dma_semaphore, #tpu.memory_space<semaphore_mem>>) attributes {dimension_semantics = [#tpu.dimension_semantics<core_parallel>, #tpu.dimension_semantics<subcore_parallel>], iteration_bounds = array<i64: 2, 16>, scalar_prefetch = 0 : i64, scratch_operands = 11 : i64, tpu.core_type = #tpu.core_type<sc_vector_subcore>, window_params = [{transform_indices = #map}, {transform_indices = #map1}, {transform_indices = #map1}, {transform_indices = #map2}]} {
    %scan3A = arith.constant 0 : i32
    %scan3A_0 = arith.constant 0 : i32
    %scan3A_1 = arith.constant 64 : i32
    %scan3A_2 = arith.addi %scan3A_0, %scan3A_1 : i32
    %scan3A_3 = arith.constant 1 : i32
    scf.for %scan3A_55 = %scan3A_0 to %scan3A_2 step %scan3A_3  : i32 {
      %broadcast_in_dim3A = arith.constant 0.000000e+00 : f32
      %broadcast_in_dim3A_56 = vector.broadcast %broadcast_in_dim3A : f32 to vector<16xf32>
      %swap3A = arith.index_cast %scan3A_55 : i32 to index
      %swap3A_57 = arith.constant 0 : index
      %swap3A_58 = tpu.vector_load %arg12[%swap3A, %swap3A_57] {strides = array<i32>} : memref<64x128xf32, #tpu.memory_space<vmem>>, vector<1x16xf32>,
      %swap3A_59 = vector.shape_cast %swap3A_58 : vector<1x16xf32> to vector<16xf32>
      %swap3A_60 = vector.shape_cast %broadcast_in_dim3A_56 : vector<16xf32> to vector<1x16xf32>
      tpu.vector_store %arg12[%swap3A, %swap3A_57], %swap3A_60 {strides = array<i32>} : memref<64x128xf32, #tpu.memory_space<vmem>>, vector<1x16xf32>,
      %broadcast_in_dim3A_61 = arith.constant 0.000000e+00 : f32
      %broadcast_in_dim3A_62 = vector.broadcast %broadcast_in_dim3A_61 : f32 to vector<16xf32>
      %swap3A_63 = arith.index_cast %scan3A_55 : i32 to index
      %swap3A_64 = arith.constant 16 : index
      %swap3A_65 = tpu.vector_load %arg12[%swap3A_63, %swap3A_64] {strides = array<i32>} : memref<64x128xf32, #tpu.memory_space<vmem>>, vector<1x16xf32>,
      %swap3A_66 = vector.shape_cast %swap3A_65 : vector<1x16xf32> to vector<16xf32>
      %swap3A_67 = vector.shape_cast %broadcast_in_dim3A_62 : vector<16xf32> to vector<1x16xf32>
      tpu.vector_store %arg12[%swap3A_63, %swap3A_64], %swap3A_67 {strides = array<i32>} : memref<64x128xf32, #tpu.memory_space<vmem>>, vector<1x16xf32>,
      %broadcast_in_dim3A_68 = arith.constant 0.000000e+00 : f32
      %broadcast_in_dim3A_69 = vector.broadcast %broadcast_in_dim3A_68 : f32 to vector<16xf32>
      %swap3A_70 = arith.index_cast %scan3A_55 : i32 to index
      %swap3A_71 = arith.constant 32 : index
      %swap3A_72 = tpu.vector_load %arg12[%swap3A_70, %swap3A_71] {strides = array<i32>} : memref<64x128xf32, #tpu.memory_space<vmem>>, vector<1x16xf32>,
      %swap3A_73 = vector.shape_cast %swap3A_72 : vector<1x16xf32> to vector<16xf32>
      %swap3A_74 = vector.shape_cast %broadcast_in_dim3A_69 : vector<16xf32> to vector<1x16xf32>
      tpu.vector_store %arg12[%swap3A_70, %swap3A_71], %swap3A_74 {strides = array<i32>} : memref<64x128xf32, #tpu.memory_space<vmem>>, vector<1x16xf32>,
      %broadcast_in_dim3A_75 = arith.constant 0.000000e+00 : f32
      %broadcast_in_dim3A_76 = vector.broadcast %broadcast_in_dim3A_75 : f32 to vector<16xf32>
      %swap3A_77 = arith.index_cast %scan3A_55 : i32 to index
      %swap3A_78 = arith.constant 48 : index
      %swap3A_79 = tpu.vector_load %arg12[%swap3A_77, %swap3A_78] {strides = array<i32>} : memref<64x128xf32, #tpu.memory_space<vmem>>, vector<1x16xf32>,
      %swap3A_80 = vector.shape_cast %swap3A_79 : vector<1x16xf32> to vector<16xf32>
      %swap3A_81 = vector.shape_cast %broadcast_in_dim3A_76 : vector<16xf32> to vector<1x16xf32>
      tpu.vector_store %arg12[%swap3A_77, %swap3A_78], %swap3A_81 {strides = array<i32>} : memref<64x128xf32, #tpu.memory_space<vmem>>, vector<1x16xf32>,
      %broadcast_in_dim3A_82 = arith.constant 0.000000e+00 : f32
      %broadcast_in_dim3A_83 = vector.broadcast %broadcast_in_dim3A_82 : f32 to vector<16xf32>
      %swap3A_84 = arith.index_cast %scan3A_55 : i32 to index
      %swap3A_85 = arith.constant 64 : index
      %swap3A_86 = tpu.vector_load %arg12[%swap3A_84, %swap3A_85] {strides = array<i32>} : memref<64x128xf32, #tpu.memory_space<vmem>>, vector<1x16xf32>,
      %swap3A_87 = vector.shape_cast %swap3A_86 : vector<1x16xf32> to vector<16xf32>
      %swap3A_88 = vector.shape_cast %broadcast_in_dim3A_83 : vector<16xf32> to vector<1x16xf32>
      tpu.vector_store %arg12[%swap3A_84, %swap3A_85], %swap3A_88 {strides = array<i32>} : memref<64x128xf32, #tpu.memory_space<vmem>>, vector<1x16xf32>,
      %broadcast_in_dim3A_89 = arith.constant 0.000000e+00 : f32
      %broadcast_in_dim3A_90 = vector.broadcast %broadcast_in_dim3A_89 : f32 to vector<16xf32>
      %swap3A_91 = arith.index_cast %scan3A_55 : i32 to index
      %swap3A_92 = arith.constant 80 : index
      %swap3A_93 = tpu.vector_load %arg12[%swap3A_91, %swap3A_92] {strides = array<i32>} : memref<64x128xf32, #tpu.memory_space<vmem>>, vector<1x16xf32>,
      %swap3A_94 = vector.shape_cast %swap3A_93 : vector<1x16xf32> to vector<16xf32>
      %swap3A_95 = vector.shape_cast %broadcast_in_dim3A_90 : vector<16xf32> to vector<1x16xf32>
      tpu.vector_store %arg12[%swap3A_91, %swap3A_92], %swap3A_95 {strides = array<i32>} : memref<64x128xf32, #tpu.memory_space<vmem>>, vector<1x16xf32>,
      %broadcast_in_dim3A_96 = arith.constant 0.000000e+00 : f32
      %broadcast_in_dim3A_97 = vector.broadcast %broadcast_in_dim3A_96 : f32 to vector<16xf32>
      %swap3A_98 = arith.index_cast %scan3A_55 : i32 to index
      %swap3A_99 = arith.constant 96 : index
      %swap3A_100 = tpu.vector_load %arg12[%swap3A_98, %swap3A_99] {strides = array<i32>} : memref<64x128xf32, #tpu.memory_space<vmem>>, vector<1x16xf32>,
      %swap3A_101 = vector.shape_cast %swap3A_100 : vector<1x16xf32> to vector<16xf32>
      %swap3A_102 = vector.shape_cast %broadcast_in_dim3A_97 : vector<16xf32> to vector<1x16xf32>
      tpu.vector_store %arg12[%swap3A_98, %swap3A_99], %swap3A_102 {strides = array<i32>} : memref<64x128xf32, #tpu.memory_space<vmem>>, vector<1x16xf32>,
      %broadcast_in_dim3A_103 = arith.constant 0.000000e+00 : f32
      %broadcast_in_dim3A_104 = vector.broadcast %broadcast_in_dim3A_103 : f32 to vector<16xf32>
      %swap3A_105 = arith.index_cast %scan3A_55 : i32 to index
      %swap3A_106 = arith.constant 112 : index
      %swap3A_107 = tpu.vector_load %arg12[%swap3A_105, %swap3A_106] {strides = array<i32>} : memref<64x128xf32, #tpu.memory_space<vmem>>, vector<1x16xf32>,
      %swap3A_108 = vector.shape_cast %swap3A_107 : vector<1x16xf32> to vector<16xf32>
      %swap3A_109 = vector.shape_cast %broadcast_in_dim3A_104 : vector<16xf32> to vector<1x16xf32>
      tpu.vector_store %arg12[%swap3A_105, %swap3A_106], %swap3A_109 {strides = array<i32>} : memref<64x128xf32, #tpu.memory_space<vmem>>, vector<1x16xf32>,
    }
    %scan3A_4 = arith.constant 64 : i32
    %mul3A = arith.constant 640 : i32
    %mul3A_5 = arith.muli %arg1, %mul3A : i32
    %add3A = arith.constant 0 : i32
    %add3A_6 = arith.addi %mul3A_5, %add3A : i32
    "tpu.region"() ({
      %run_scoped3A = tpu.sem_alloc : memref<!tpu.dma_semaphore, #tpu.memory_space<semaphore_mem>>
      %dma_start3A = arith.constant 0 : i32
      %dma_start3A_55 = tpu.memref_slice %arg13[%add3A_6, %dma_start3A] : memref<10240x128xf32, #tpu.memory_space<vmem_shared>> -> memref<64x128xf32, #tpu.memory_space<vmem_shared>>
      %dma_start3A_56 = arith.constant 0 : i32
      %dma_start3A_57 = tpu.memref_slice %arg13[%add3A_6, %dma_start3A_56] : memref<10240x128xf32, #tpu.memory_space<vmem_shared>> -> memref<64x128xf32, #tpu.memory_space<vmem_shared>>
      tpu.enqueue_dma source(%arg12 : memref<64x128xf32, #tpu.memory_space<vmem>>) target(%dma_start3A_57 : memref<64x128xf32, #tpu.memory_space<vmem_shared>>) target_semaphore(%run_scoped3A : memref<!tpu.dma_semaphore, #tpu.memory_space<semaphore_mem>>)
      %dma_wait3A = arith.constant 0 : i32
      %dma_wait3A_58 = tpu.memref_slice %arg13[%add3A_6, %dma_wait3A] : memref<10240x128xf32, #tpu.memory_space<vmem_shared>> -> memref<64x128xf32, #tpu.memory_space<vmem_shared>>
      %dma_wait3A_59 = arith.constant 0 : i32
      %dma_wait3A_60 = tpu.memref_slice %arg13[%add3A_6, %dma_wait3A_59] : memref<10240x128xf32, #tpu.memory_space<vmem_shared>> -> memref<64x128xf32, #tpu.memory_space<vmem_shared>>
      tpu.wait_dma2 semaphore(%run_scoped3A : memref<!tpu.dma_semaphore, #tpu.memory_space<semaphore_mem>>) src(%arg12 : memref<64x128xf32, #tpu.memory_space<vmem>>) dst(%dma_wait3A_60 : memref<64x128xf32, #tpu.memory_space<vmem_shared>>)
      tpu.yield
    }) : () -> ()
    %mul3A_7 = arith.constant 640 : i32
    %mul3A_8 = arith.muli %arg1, %mul3A_7 : i32
    %add3A_9 = arith.constant 64 : i32
    %add3A_10 = arith.addi %mul3A_8, %add3A_9 : i32
    "tpu.region"() ({
      %run_scoped3A = tpu.sem_alloc : memref<!tpu.dma_semaphore, #tpu.memory_space<semaphore_mem>>
      %dma_start3A = arith.constant 0 : i32
      %dma_start3A_55 = tpu.memref_slice %arg13[%add3A_10, %dma_start3A] : memref<10240x128xf32, #tpu.memory_space<vmem_shared>> -> memref<64x128xf32, #tpu.memory_space<vmem_shared>>
      %dma_start3A_56 = arith.constant 0 : i32
      %dma_start3A_57 = tpu.memref_slice %arg13[%add3A_10, %dma_start3A_56] : memref<10240x128xf32, #tpu.memory_space<vmem_shared>> -> memref<64x128xf32, #tpu.memory_space<vmem_shared>>
      tpu.enqueue_dma source(%arg12 : memref<64x128xf32, #tpu.memory_space<vmem>>) target(%dma_start3A_57 : memref<64x128xf32, #tpu.memory_space<vmem_shared>>) target_semaphore(%run_scoped3A : memref<!tpu.dma_semaphore, #tpu.memory_space<semaphore_mem>>)
      %dma_wait3A = arith.constant 0 : i32
      %dma_wait3A_58 = tpu.memref_slice %arg13[%add3A_10, %dma_wait3A] : memref<10240x128xf32, #tpu.memory_space<vmem_shared>> -> memref<64x128xf32, #tpu.memory_space<vmem_shared>>
      %dma_wait3A_59 = arith.constant 0 : i32
      %dma_wait3A_60 = tpu.memref_slice %arg13[%add3A_10, %dma_wait3A_59] : memref<10240x128xf32, #tpu.memory_space<vmem_shared>> -> memref<64x128xf32, #tpu.memory_space<vmem_shared>>
      tpu.wait_dma2 semaphore(%run_scoped3A : memref<!tpu.dma_semaphore, #tpu.memory_space<semaphore_mem>>) src(%arg12 : memref<64x128xf32, #tpu.memory_space<vmem>>) dst(%dma_wait3A_60 : memref<64x128xf32, #tpu.memory_space<vmem_shared>>)
      tpu.yield
    }) : () -> ()
    %mul3A_11 = arith.constant 640 : i32
    %mul3A_12 = arith.muli %arg1, %mul3A_11 : i32
    %add3A_13 = arith.constant 128 : i32
    %add3A_14 = arith.addi %mul3A_12, %add3A_13 : i32
    "tpu.region"() ({
      %run_scoped3A = tpu.sem_alloc : memref<!tpu.dma_semaphore, #tpu.memory_space<semaphore_mem>>
      %dma_start3A = arith.constant 0 : i32
      %dma_start3A_55 = tpu.memref_slice %arg13[%add3A_14, %dma_start3A] : memref<10240x128xf32, #tpu.memory_space<vmem_shared>> -> memref<64x128xf32, #tpu.memory_space<vmem_shared>>
      %dma_start3A_56 = arith.constant 0 : i32
      %dma_start3A_57 = tpu.memref_slice %arg13[%add3A_14, %dma_start3A_56] : memref<10240x128xf32, #tpu.memory_space<vmem_shared>> -> memref<64x128xf32, #tpu.memory_space<vmem_shared>>
      tpu.enqueue_dma source(%arg12 : memref<64x128xf32, #tpu.memory_space<vmem>>) target(%dma_start3A_57 : memref<64x128xf32, #tpu.memory_space<vmem_shared>>) target_semaphore(%run_scoped3A : memref<!tpu.dma_semaphore, #tpu.memory_space<semaphore_mem>>)
      %dma_wait3A = arith.constant 0 : i32
      %dma_wait3A_58 = tpu.memref_slice %arg13[%add3A_14, %dma_wait3A] : memref<10240x128xf32, #tpu.memory_space<vmem_shared>> -> memref<64x128xf32, #tpu.memory_space<vmem_shared>>
      %dma_wait3A_59 = arith.constant 0 : i32
      %dma_wait3A_60 = tpu.memref_slice %arg13[%add3A_14, %dma_wait3A_59] : memref<10240x128xf32, #tpu.memory_space<vmem_shared>> -> memref<64x128xf32, #tpu.memory_space<vmem_shared>>
      tpu.wait_dma2 semaphore(%run_scoped3A : memref<!tpu.dma_semaphore, #tpu.memory_space<semaphore_mem>>) src(%arg12 : memref<64x128xf32, #tpu.memory_space<vmem>>) dst(%dma_wait3A_60 : memref<64x128xf32, #tpu.memory_space<vmem_shared>>)
      tpu.yield
    }) : () -> ()
    %mul3A_15 = arith.constant 640 : i32
    %mul3A_16 = arith.muli %arg1, %mul3A_15 : i32
    %add3A_17 = arith.constant 192 : i32
    %add3A_18 = arith.addi %mul3A_16, %add3A_17 : i32
    "tpu.region"() ({
      %run_scoped3A = tpu.sem_alloc : memref<!tpu.dma_semaphore, #tpu.memory_space<semaphore_mem>>
      %dma_start3A = arith.constant 0 : i32
      %dma_start3A_55 = tpu.memref_slice %arg13[%add3A_18, %dma_start3A] : memref<10240x128xf32, #tpu.memory_space<vmem_shared>> -> memref<64x128xf32, #tpu.memory_space<vmem_shared>>
      %dma_start3A_56 = arith.constant 0 : i32
      %dma_start3A_57 = tpu.memref_slice %arg13[%add3A_18, %dma_start3A_56] : memref<10240x128xf32, #tpu.memory_space<vmem_shared>> -> memref<64x128xf32, #tpu.memory_space<vmem_shared>>
      tpu.enqueue_dma source(%arg12 : memref<64x128xf32, #tpu.memory_space<vmem>>) target(%dma_start3A_57 : memref<64x128xf32, #tpu.memory_space<vmem_shared>>) target_semaphore(%run_scoped3A : memref<!tpu.dma_semaphore, #tpu.memory_space<semaphore_mem>>)
      %dma_wait3A = arith.constant 0 : i32
      %dma_wait3A_58 = tpu.memref_slice %arg13[%add3A_18, %dma_wait3A] : memref<10240x128xf32, #tpu.memory_space<vmem_shared>> -> memref<64x128xf32, #tpu.memory_space<vmem_shared>>
      %dma_wait3A_59 = arith.constant 0 : i32
      %dma_wait3A_60 = tpu.memref_slice %arg13[%add3A_18, %dma_wait3A_59] : memref<10240x128xf32, #tpu.memory_space<vmem_shared>> -> memref<64x128xf32, #tpu.memory_space<vmem_shared>>
      tpu.wait_dma2 semaphore(%run_scoped3A : memref<!tpu.dma_semaphore, #tpu.memory_space<semaphore_mem>>) src(%arg12 : memref<64x128xf32, #tpu.memory_space<vmem>>) dst(%dma_wait3A_60 : memref<64x128xf32, #tpu.memory_space<vmem_shared>>)
      tpu.yield
    }) : () -> ()
    %mul3A_19 = arith.constant 640 : i32
    %mul3A_20 = arith.muli %arg1, %mul3A_19 : i32
    %add3A_21 = arith.constant 256 : i32
    %add3A_22 = arith.addi %mul3A_20, %add3A_21 : i32
    "tpu.region"() ({
      %run_scoped3A = tpu.sem_alloc : memref<!tpu.dma_semaphore, #tpu.memory_space<semaphore_mem>>
      %dma_start3A = arith.constant 0 : i32
      %dma_start3A_55 = tpu.memref_slice %arg13[%add3A_22, %dma_start3A] : memref<10240x128xf32, #tpu.memory_space<vmem_shared>> -> memref<64x128xf32, #tpu.memory_space<vmem_shared>>
      %dma_start3A_56 = arith.constant 0 : i32
      %dma_start3A_57 = tpu.memref_slice %arg13[%add3A_22, %dma_start3A_56] : memref<10240x128xf32, #tpu.memory_space<vmem_shared>> -> memref<64x128xf32, #tpu.memory_space<vmem_shared>>
      tpu.enqueue_dma source(%arg12 : memref<64x128xf32, #tpu.memory_space<vmem>>) target(%dma_start3A_57 : memref<64x128xf32, #tpu.memory_space<vmem_shared>>) target_semaphore(%run_scoped3A : memref<!tpu.dma_semaphore, #tpu.memory_space<semaphore_mem>>)
      %dma_wait3A = arith.constant 0 : i32
      %dma_wait3A_58 = tpu.memref_slice %arg13[%add3A_22, %dma_wait3A] : memref<10240x128xf32, #tpu.memory_space<vmem_shared>> -> memref<64x128xf32, #tpu.memory_space<vmem_shared>>
      %dma_wait3A_59 = arith.constant 0 : i32
      %dma_wait3A_60 = tpu.memref_slice %arg13[%add3A_22, %dma_wait3A_59] : memref<10240x128xf32, #tpu.memory_space<vmem_shared>> -> memref<64x128xf32, #tpu.memory_space<vmem_shared>>
      tpu.wait_dma2 semaphore(%run_scoped3A : memref<!tpu.dma_semaphore, #tpu.memory_space<semaphore_mem>>) src(%arg12 : memref<64x128xf32, #tpu.memory_space<vmem>>) dst(%dma_wait3A_60 : memref<64x128xf32, #tpu.memory_space<vmem_shared>>)
      tpu.yield
    }) : () -> ()
    %mul3A_23 = arith.constant 640 : i32
    %mul3A_24 = arith.muli %arg1, %mul3A_23 : i32
    %add3A_25 = arith.constant 320 : i32
    %add3A_26 = arith.addi %mul3A_24, %add3A_25 : i32
    "tpu.region"() ({
      %run_scoped3A = tpu.sem_alloc : memref<!tpu.dma_semaphore, #tpu.memory_space<semaphore_mem>>
      %dma_start3A = arith.constant 0 : i32
      %dma_start3A_55 = tpu.memref_slice %arg13[%add3A_26, %dma_start3A] : memref<10240x128xf32, #tpu.memory_space<vmem_shared>> -> memref<64x128xf32, #tpu.memory_space<vmem_shared>>
      %dma_start3A_56 = arith.constant 0 : i32
      %dma_start3A_57 = tpu.memref_slice %arg13[%add3A_26, %dma_start3A_56] : memref<10240x128xf32, #tpu.memory_space<vmem_shared>> -> memref<64x128xf32, #tpu.memory_space<vmem_shared>>
      tpu.enqueue_dma source(%arg12 : memref<64x128xf32, #tpu.memory_space<vmem>>) target(%dma_start3A_57 : memref<64x128xf32, #tpu.memory_space<vmem_shared>>) target_semaphore(%run_scoped3A : memref<!tpu.dma_semaphore, #tpu.memory_space<semaphore_mem>>)
      %dma_wait3A = arith.constant 0 : i32
      %dma_wait3A_58 = tpu.memref_slice %arg13[%add3A_26, %dma_wait3A] : memref<10240x128xf32, #tpu.memory_space<vmem_shared>> -> memref<64x128xf32, #tpu.memory_space<vmem_shared>>
      %dma_wait3A_59 = arith.constant 0 : i32
      %dma_wait3A_60 = tpu.memref_slice %arg13[%add3A_26, %dma_wait3A_59] : memref<10240x128xf32, #tpu.memory_space<vmem_shared>> -> memref<64x128xf32, #tpu.memory_space<vmem_shared>>
      tpu.wait_dma2 semaphore(%run_scoped3A : memref<!tpu.dma_semaphore, #tpu.memory_space<semaphore_mem>>) src(%arg12 : memref<64x128xf32, #tpu.memory_space<vmem>>) dst(%dma_wait3A_60 : memref<64x128xf32, #tpu.memory_space<vmem_shared>>)
      tpu.yield
    }) : () -> ()
    %mul3A_27 = arith.constant 640 : i32
    %mul3A_28 = arith.muli %arg1, %mul3A_27 : i32
    %add3A_29 = arith.constant 384 : i32
    %add3A_30 = arith.addi %mul3A_28, %add3A_29 : i32
    "tpu.region"() ({
      %run_scoped3A = tpu.sem_alloc : memref<!tpu.dma_semaphore, #tpu.memory_space<semaphore_mem>>
      %dma_start3A = arith.constant 0 : i32
      %dma_start3A_55 = tpu.memref_slice %arg13[%add3A_30, %dma_start3A] : memref<10240x128xf32, #tpu.memory_space<vmem_shared>> -> memref<64x128xf32, #tpu.memory_space<vmem_shared>>
      %dma_start3A_56 = arith.constant 0 : i32
      %dma_start3A_57 = tpu.memref_slice %arg13[%add3A_30, %dma_start3A_56] : memref<10240x128xf32, #tpu.memory_space<vmem_shared>> -> memref<64x128xf32, #tpu.memory_space<vmem_shared>>
      tpu.enqueue_dma source(%arg12 : memref<64x128xf32, #tpu.memory_space<vmem>>) target(%dma_start3A_57 : memref<64x128xf32, #tpu.memory_space<vmem_shared>>) target_semaphore(%run_scoped3A : memref<!tpu.dma_semaphore, #tpu.memory_space<semaphore_mem>>)
      %dma_wait3A = arith.constant 0 : i32
      %dma_wait3A_58 = tpu.memref_slice %arg13[%add3A_30, %dma_wait3A] : memref<10240x128xf32, #tpu.memory_space<vmem_shared>> -> memref<64x128xf32, #tpu.memory_space<vmem_shared>>
      %dma_wait3A_59 = arith.constant 0 : i32
      %dma_wait3A_60 = tpu.memref_slice %arg13[%add3A_30, %dma_wait3A_59] : memref<10240x128xf32, #tpu.memory_space<vmem_shared>> -> memref<64x128xf32, #tpu.memory_space<vmem_shared>>
      tpu.wait_dma2 semaphore(%run_scoped3A : memref<!tpu.dma_semaphore, #tpu.memory_space<semaphore_mem>>) src(%arg12 : memref<64x128xf32, #tpu.memory_space<vmem>>) dst(%dma_wait3A_60 : memref<64x128xf32, #tpu.memory_space<vmem_shared>>)
      tpu.yield
    }) : () -> ()
    %mul3A_31 = arith.constant 640 : i32
    %mul3A_32 = arith.muli %arg1, %mul3A_31 : i32
    %add3A_33 = arith.constant 448 : i32
    %add3A_34 = arith.addi %mul3A_32, %add3A_33 : i32
    "tpu.region"() ({
      %run_scoped3A = tpu.sem_alloc : memref<!tpu.dma_semaphore, #tpu.memory_space<semaphore_mem>>
      %dma_start3A = arith.constant 0 : i32
      %dma_start3A_55 = tpu.memref_slice %arg13[%add3A_34, %dma_start3A] : memref<10240x128xf32, #tpu.memory_space<vmem_shared>> -> memref<64x128xf32, #tpu.memory_space<vmem_shared>>
      %dma_start3A_56 = arith.constant 0 : i32
      %dma_start3A_57 = tpu.memref_slice %arg13[%add3A_34, %dma_start3A_56] : memref<10240x128xf32, #tpu.memory_space<vmem_shared>> -> memref<64x128xf32, #tpu.memory_space<vmem_shared>>
      tpu.enqueue_dma source(%arg12 : memref<64x128xf32, #tpu.memory_space<vmem>>) target(%dma_start3A_57 : memref<64x128xf32, #tpu.memory_space<vmem_shared>>) target_semaphore(%run_scoped3A : memref<!tpu.dma_semaphore, #tpu.memory_space<semaphore_mem>>)
      %dma_wait3A = arith.constant 0 : i32
      %dma_wait3A_58 = tpu.memref_slice %arg13[%add3A_34, %dma_wait3A] : memref<10240x128xf32, #tpu.memory_space<vmem_shared>> -> memref<64x128xf32, #tpu.memory_space<vmem_shared>>
      %dma_wait3A_59 = arith.constant 0 : i32
      %dma_wait3A_60 = tpu.memref_slice %arg13[%add3A_34, %dma_wait3A_59] : memref<10240x128xf32, #tpu.memory_space<vmem_shared>> -> memref<64x128xf32, #tpu.memory_space<vmem_shared>>
      tpu.wait_dma2 semaphore(%run_scoped3A : memref<!tpu.dma_semaphore, #tpu.memory_space<semaphore_mem>>) src(%arg12 : memref<64x128xf32, #tpu.memory_space<vmem>>) dst(%dma_wait3A_60 : memref<64x128xf32, #tpu.memory_space<vmem_shared>>)
      tpu.yield
    }) : () -> ()
    %mul3A_35 = arith.constant 640 : i32
    %mul3A_36 = arith.muli %arg1, %mul3A_35 : i32
    %add3A_37 = arith.constant 512 : i32
    %add3A_38 = arith.addi %mul3A_36, %add3A_37 : i32
    "tpu.region"() ({
      %run_scoped3A = tpu.sem_alloc : memref<!tpu.dma_semaphore, #tpu.memory_space<semaphore_mem>>
      %dma_start3A = arith.constant 0 : i32
      %dma_start3A_55 = tpu.memref_slice %arg13[%add3A_38, %dma_start3A] : memref<10240x128xf32, #tpu.memory_space<vmem_shared>> -> memref<64x128xf32, #tpu.memory_space<vmem_shared>>
      %dma_start3A_56 = arith.constant 0 : i32
      %dma_start3A_57 = tpu.memref_slice %arg13[%add3A_38, %dma_start3A_56] : memref<10240x128xf32, #tpu.memory_space<vmem_shared>> -> memref<64x128xf32, #tpu.memory_space<vmem_shared>>
      tpu.enqueue_dma source(%arg12 : memref<64x128xf32, #tpu.memory_space<vmem>>) target(%dma_start3A_57 : memref<64x128xf32, #tpu.memory_space<vmem_shared>>) target_semaphore(%run_scoped3A : memref<!tpu.dma_semaphore, #tpu.memory_space<semaphore_mem>>)
      %dma_wait3A = arith.constant 0 : i32
      %dma_wait3A_58 = tpu.memref_slice %arg13[%add3A_38, %dma_wait3A] : memref<10240x128xf32, #tpu.memory_space<vmem_shared>> -> memref<64x128xf32, #tpu.memory_space<vmem_shared>>
      %dma_wait3A_59 = arith.constant 0 : i32
      %dma_wait3A_60 = tpu.memref_slice %arg13[%add3A_38, %dma_wait3A_59] : memref<10240x128xf32, #tpu.memory_space<vmem_shared>> -> memref<64x128xf32, #tpu.memory_space<vmem_shared>>
      tpu.wait_dma2 semaphore(%run_scoped3A : memref<!tpu.dma_semaphore, #tpu.memory_space<semaphore_mem>>) src(%arg12 : memref<64x128xf32, #tpu.memory_space<vmem>>) dst(%dma_wait3A_60 : memref<64x128xf32, #tpu.memory_space<vmem_shared>>)
      tpu.yield
    }) : () -> ()
    %mul3A_39 = arith.constant 640 : i32
    %mul3A_40 = arith.muli %arg1, %mul3A_39 : i32
    %add3A_41 = arith.constant 576 : i32
    %add3A_42 = arith.addi %mul3A_40, %add3A_41 : i32
    "tpu.region"() ({
      %run_scoped3A = tpu.sem_alloc : memref<!tpu.dma_semaphore, #tpu.memory_space<semaphore_mem>>
      %dma_start3A = arith.constant 0 : i32
      %dma_start3A_55 = tpu.memref_slice %arg13[%add3A_42, %dma_start3A] : memref<10240x128xf32, #tpu.memory_space<vmem_shared>> -> memref<64x128xf32, #tpu.memory_space<vmem_shared>>
      %dma_start3A_56 = arith.constant 0 : i32
      %dma_start3A_57 = tpu.memref_slice %arg13[%add3A_42, %dma_start3A_56] : memref<10240x128xf32, #tpu.memory_space<vmem_shared>> -> memref<64x128xf32, #tpu.memory_space<vmem_shared>>
      tpu.enqueue_dma source(%arg12 : memref<64x128xf32, #tpu.memory_space<vmem>>) target(%dma_start3A_57 : memref<64x128xf32, #tpu.memory_space<vmem_shared>>) target_semaphore(%run_scoped3A : memref<!tpu.dma_semaphore, #tpu.memory_space<semaphore_mem>>)
      %dma_wait3A = arith.constant 0 : i32
      %dma_wait3A_58 = tpu.memref_slice %arg13[%add3A_42, %dma_wait3A] : memref<10240x128xf32, #tpu.memory_space<vmem_shared>> -> memref<64x128xf32, #tpu.memory_space<vmem_shared>>
      %dma_wait3A_59 = arith.constant 0 : i32
      %dma_wait3A_60 = tpu.memref_slice %arg13[%add3A_42, %dma_wait3A_59] : memref<10240x128xf32, #tpu.memory_space<vmem_shared>> -> memref<64x128xf32, #tpu.memory_space<vmem_shared>>
      tpu.wait_dma2 semaphore(%run_scoped3A : memref<!tpu.dma_semaphore, #tpu.memory_space<semaphore_mem>>) src(%arg12 : memref<64x128xf32, #tpu.memory_space<vmem>>) dst(%dma_wait3A_60 : memref<64x128xf32, #tpu.memory_space<vmem_shared>>)
      tpu.yield
    }) : () -> ()
    %barrier3A = arith.constant 0 : index
    tpu.barrier barrier_id(%barrier3A)
    %eq3A = arith.constant 0 : i32
    %eq3A_43 = arith.cmpi eq, %arg0, %eq3A : i32
    %convert_element_type3A = arith.extui %eq3A_43 : i1 to i32
    %cond3A = arith.constant 0 : i32
    %cond3A_44 = arith.cmpi ne, %convert_element_type3A, %cond3A : i32
    scf.if %cond3A_44 {
      %mul3A_55 = arith.constant 120 : i32
      %mul3A_56 = arith.muli %arg1, %mul3A_55 : i32
      %mul3A_57 = arith.constant 128 : i32
      %mul3A_58 = arith.muli %mul3A_56, %mul3A_57 : i32
      "tpu.region"() ({
        %run_scoped3A = tpu.sem_alloc : memref<!tpu.dma_semaphore, #tpu.memory_space<semaphore_mem>>
        %dma_start3A_75 = tpu.memref_slice %arg3[%mul3A_58] : memref<331776xi32, #tpu.memory_space<hbm>> -> memref<128xi32, #tpu.memory_space<hbm>>
        %dma_start3A_76 = tpu.memref_slice %arg3[%mul3A_58] : memref<331776xi32, #tpu.memory_space<hbm>> -> memref<128xi32, #tpu.memory_space<hbm>>
        tpu.enqueue_dma source(%dma_start3A_76 : memref<128xi32, #tpu.memory_space<hbm>>) target(%arg6 : memref<128xi32, #tpu.memory_space<vmem>>) target_semaphore(%run_scoped3A : memref<!tpu.dma_semaphore, #tpu.memory_space<semaphore_mem>>)
        %dma_wait3A = tpu.memref_slice %arg3[%mul3A_58] : memref<331776xi32, #tpu.memory_space<hbm>> -> memref<128xi32, #tpu.memory_space<hbm>>
        %dma_wait3A_77 = tpu.memref_slice %arg3[%mul3A_58] : memref<331776xi32, #tpu.memory_space<hbm>> -> memref<128xi32, #tpu.memory_space<hbm>>
        tpu.wait_dma2 semaphore(%run_scoped3A : memref<!tpu.dma_semaphore, #tpu.memory_space<semaphore_mem>>) src(%dma_wait3A_77 : memref<128xi32, #tpu.memory_space<hbm>>) dst(%arg6 : memref<128xi32, #tpu.memory_space<vmem>>)
        tpu.yield
      }) : () -> ()
      "tpu.region"() ({
        %run_scoped3A = tpu.sem_alloc : memref<!tpu.dma_semaphore, #tpu.memory_space<semaphore_mem>>
        %dma_start3A_75 = tpu.memref_slice %arg4[%mul3A_58] : memref<331776xi32, #tpu.memory_space<hbm>> -> memref<128xi32, #tpu.memory_space<hbm>>
        %dma_start3A_76 = tpu.memref_slice %arg4[%mul3A_58] : memref<331776xi32, #tpu.memory_space<hbm>> -> memref<128xi32, #tpu.memory_space<hbm>>
        tpu.enqueue_dma source(%dma_start3A_76 : memref<128xi32, #tpu.memory_space<hbm>>) target(%arg7 : memref<128xi32, #tpu.memory_space<vmem>>) target_semaphore(%run_scoped3A : memref<!tpu.dma_semaphore, #tpu.memory_space<semaphore_mem>>)
        %dma_wait3A = tpu.memref_slice %arg4[%mul3A_58] : memref<331776xi32, #tpu.memory_space<hbm>> -> memref<128xi32, #tpu.memory_space<hbm>>
        %dma_wait3A_77 = tpu.memref_slice %arg4[%mul3A_58] : memref<331776xi32, #tpu.memory_space<hbm>> -> memref<128xi32, #tpu.memory_space<hbm>>
        tpu.wait_dma2 semaphore(%run_scoped3A : memref<!tpu.dma_semaphore, #tpu.memory_space<semaphore_mem>>) src(%dma_wait3A_77 : memref<128xi32, #tpu.memory_space<hbm>>) dst(%arg7 : memref<128xi32, #tpu.memory_space<vmem>>)
        tpu.yield
      }) : () -> ()
      %dma_start3A = arith.constant 0 : i32
      %dma_start3A_59 = arith.constant 0 : i32
      %dma_start3A_60 = tpu.memref_slice %arg2[%dma_start3A, %dma_start3A_59] : memref<10000x128xf32, #tpu.memory_space<hbm>> -> memref<10000x128xf32, #tpu.memory_space<hbm>>
      tpu.enqueue_indirect_dma source(%dma_start3A_60 : memref<10000x128xf32, #tpu.memory_space<hbm>>) target(%arg10 : memref<128x128xf32, #tpu.memory_space<vmem>>) offsets(%arg6 : memref<128xi32, #tpu.memory_space<vmem>>) semaphore(%arg14 : memref<!tpu.dma_semaphore, #tpu.memory_space<semaphore_mem>>)
      %add3A_61 = arith.constant 128 : i32
      %add3A_62 = arith.addi %mul3A_58, %add3A_61 : i32
      %dma_start3A_63 = tpu.memref_slice %arg3[%add3A_62] : memref<331776xi32, #tpu.memory_space<hbm>> -> memref<128xi32, #tpu.memory_space<hbm>>
      %dma_start3A_64 = tpu.memref_slice %arg3[%add3A_62] : memref<331776xi32, #tpu.memory_space<hbm>> -> memref<128xi32, #tpu.memory_space<hbm>>
      tpu.enqueue_dma source(%dma_start3A_64 : memref<128xi32, #tpu.memory_space<hbm>>) target(%arg8 : memref<128xi32, #tpu.memory_space<vmem>>) target_semaphore(%arg16 : memref<!tpu.dma_semaphore, #tpu.memory_space<semaphore_mem>>)
      %add3A_65 = arith.constant 128 : i32
      %add3A_66 = arith.addi %mul3A_58, %add3A_65 : i32
      %dma_start3A_67 = tpu.memref_slice %arg4[%add3A_66] : memref<331776xi32, #tpu.memory_space<hbm>> -> memref<128xi32, #tpu.memory_space<hbm>>
      %dma_start3A_68 = tpu.memref_slice %arg4[%add3A_66] : memref<331776xi32, #tpu.memory_space<hbm>> -> memref<128xi32, #tpu.memory_space<hbm>>
      tpu.enqueue_dma source(%dma_start3A_68 : memref<128xi32, #tpu.memory_space<hbm>>) target(%arg9 : memref<128xi32, #tpu.memory_space<vmem>>) target_semaphore(%arg16 : memref<!tpu.dma_semaphore, #tpu.memory_space<semaphore_mem>>)
      %scan3A_69 = arith.constant 0 : i32
      %scan3A_70 = arith.constant 0 : i32
      %scan3A_71 = arith.constant 60 : i32
      %scan3A_72 = arith.addi %scan3A_70, %scan3A_71 : i32
      %scan3A_73 = arith.constant 1 : i32
      scf.for %scan3A_75 = %scan3A_70 to %scan3A_72 step %scan3A_73  : i32 {
        %mul3A_76 = arith.constant 2 : i32
        %mul3A_77 = arith.muli %mul3A_76, %scan3A_75 : i32
        %add3A_78 = arith.addi %mul3A_56, %mul3A_77 : i32
        %add3A_79 = arith.constant 1 : i32
        %add3A_80 = arith.addi %add3A_78, %add3A_79 : i32
        %mul3A_81 = arith.constant 128 : i32
        %mul3A_82 = arith.muli %add3A_80, %mul3A_81 : i32
        %dma_wait3A = tpu.memref_slice %arg3[%mul3A_82] : memref<331776xi32, #tpu.memory_space<hbm>> -> memref<128xi32, #tpu.memory_space<hbm>>
        %dma_wait3A_83 = tpu.memref_slice %arg3[%mul3A_82] : memref<331776xi32, #tpu.memory_space<hbm>> -> memref<128xi32, #tpu.memory_space<hbm>>
        tpu.wait_dma2 semaphore(%arg16 : memref<!tpu.dma_semaphore, #tpu.memory_space<semaphore_mem>>) src(%dma_wait3A_83 : memref<128xi32, #tpu.memory_space<hbm>>) dst(%arg8 : memref<128xi32, #tpu.memory_space<vmem>>)
        %dma_wait3A_84 = tpu.memref_slice %arg4[%mul3A_82] : memref<331776xi32, #tpu.memory_space<hbm>> -> memref<128xi32, #tpu.memory_space<hbm>>
        %dma_wait3A_85 = tpu.memref_slice %arg4[%mul3A_82] : memref<331776xi32, #tpu.memory_space<hbm>> -> memref<128xi32, #tpu.memory_space<hbm>>
        tpu.wait_dma2 semaphore(%arg16 : memref<!tpu.dma_semaphore, #tpu.memory_space<semaphore_mem>>) src(%dma_wait3A_85 : memref<128xi32, #tpu.memory_space<hbm>>) dst(%arg9 : memref<128xi32, #tpu.memory_space<vmem>>)
        %dma_start3A_86 = arith.constant 0 : i32
        %dma_start3A_87 = arith.constant 0 : i32
        %dma_start3A_88 = tpu.memref_slice %arg2[%dma_start3A_86, %dma_start3A_87] : memref<10000x128xf32, #tpu.memory_space<hbm>> -> memref<10000x128xf32, #tpu.memory_space<hbm>>
        tpu.enqueue_indirect_dma source(%dma_start3A_88 : memref<10000x128xf32, #tpu.memory_space<hbm>>) target(%arg11 : memref<128x128xf32, #tpu.memory_space<vmem>>) offsets(%arg8 : memref<128xi32, #tpu.memory_space<vmem>>) semaphore(%arg15 : memref<!tpu.dma_semaphore, #tpu.memory_space<semaphore_mem>>)
        %dma_wait3A_89 = arith.constant 0 : i32
        %dma_wait3A_90 = arith.constant 0 : i32
        %dma_wait3A_91 = tpu.memref_slice %arg2[%dma_wait3A_89, %dma_wait3A_90] : memref<10000x128xf32, #tpu.memory_space<hbm>> -> memref<10000x128xf32, #tpu.memory_space<hbm>>
        tpu.wait_indirect_dma semaphore(%arg14 : memref<!tpu.dma_semaphore, #tpu.memory_space<semaphore_mem>>) src(%dma_wait3A_91 : memref<10000x128xf32, #tpu.memory_space<hbm>>) dst(%arg10 : memref<128x128xf32, #tpu.memory_space<vmem>>)
        "tpu.region"() ({
          %run_scoped3A = tpu.sem_alloc : memref<!tpu.dma_semaphore, #tpu.memory_space<semaphore_mem>>
          %dma_start3A_108 = arith.constant 0 : i32
          %dma_start3A_109 = arith.constant 0 : i32
          %dma_start3A_110 = tpu.memref_slice %arg13[%dma_start3A_108, %dma_start3A_109] : memref<10240x128xf32, #tpu.memory_space<vmem_shared>> -> memref<10240x128xf32, #tpu.memory_space<vmem_shared>>
          tpu.enqueue_indirect_dma source(%arg10 : memref<128x128xf32, #tpu.memory_space<vmem>>) target(%dma_start3A_110 : memref<10240x128xf32, #tpu.memory_space<vmem_shared>>) offsets(%arg7 : memref<128xi32, #tpu.memory_space<vmem>>) semaphore(%run_scoped3A : memref<!tpu.dma_semaphore, #tpu.memory_space<semaphore_mem>>) {add = true}
          %dma_wait3A_111 = arith.constant 0 : i32
          %dma_wait3A_112 = arith.constant 0 : i32
          %dma_wait3A_113 = tpu.memref_slice %arg13[%dma_wait3A_111, %dma_wait3A_112] : memref<10240x128xf32, #tpu.memory_space<vmem_shared>> -> memref<10240x128xf32, #tpu.memory_space<vmem_shared>>
          tpu.wait_indirect_dma semaphore(%run_scoped3A : memref<!tpu.dma_semaphore, #tpu.memory_space<semaphore_mem>>) src(%arg10 : memref<128x128xf32, #tpu.memory_space<vmem>>) dst(%dma_wait3A_113 : memref<10240x128xf32, #tpu.memory_space<vmem_shared>>)
          tpu.yield
        }) : () -> ()
        %add3A_92 = arith.constant 2 : i32
        %add3A_93 = arith.addi %mul3A_77, %add3A_92 : i32
        %lt3A = arith.constant 120 : i32
        %lt3A_94 = arith.cmpi slt, %add3A_93, %lt3A : i32
        %convert_element_type3A_95 = arith.extui %lt3A_94 : i1 to i32
        %cond3A_96 = arith.constant 0 : i32
        %cond3A_97 = arith.cmpi ne, %convert_element_type3A_95, %cond3A_96 : i32
        scf.if %cond3A_97 {
          %add3A_108 = arith.addi %mul3A_56, %mul3A_77 : i32
          %add3A_109 = arith.constant 2 : i32
          %add3A_110 = arith.addi %add3A_108, %add3A_109 : i32
          %mul3A_111 = arith.constant 128 : i32
          %mul3A_112 = arith.muli %add3A_110, %mul3A_111 : i32
          "tpu.region"() ({
            %run_scoped3A = tpu.sem_alloc : memref<!tpu.dma_semaphore, #tpu.memory_space<semaphore_mem>>
            %dma_start3A_116 = tpu.memref_slice %arg3[%mul3A_112] : memref<331776xi32, #tpu.memory_space<hbm>> -> memref<128xi32, #tpu.memory_space<hbm>>
            %dma_start3A_117 = tpu.memref_slice %arg3[%mul3A_112] : memref<331776xi32, #tpu.memory_space<hbm>> -> memref<128xi32, #tpu.memory_space<hbm>>
            tpu.enqueue_dma source(%dma_start3A_117 : memref<128xi32, #tpu.memory_space<hbm>>) target(%arg6 : memref<128xi32, #tpu.memory_space<vmem>>) target_semaphore(%run_scoped3A : memref<!tpu.dma_semaphore, #tpu.memory_space<semaphore_mem>>)
            %dma_wait3A_118 = tpu.memref_slice %arg3[%mul3A_112] : memref<331776xi32, #tpu.memory_space<hbm>> -> memref<128xi32, #tpu.memory_space<hbm>>
            %dma_wait3A_119 = tpu.memref_slice %arg3[%mul3A_112] : memref<331776xi32, #tpu.memory_space<hbm>> -> memref<128xi32, #tpu.memory_space<hbm>>
            tpu.wait_dma2 semaphore(%run_scoped3A : memref<!tpu.dma_semaphore, #tpu.memory_space<semaphore_mem>>) src(%dma_wait3A_119 : memref<128xi32, #tpu.memory_space<hbm>>) dst(%arg6 : memref<128xi32, #tpu.memory_space<vmem>>)
            tpu.yield
          }) : () -> ()
          "tpu.region"() ({
            %run_scoped3A = tpu.sem_alloc : memref<!tpu.dma_semaphore, #tpu.memory_space<semaphore_mem>>
            %dma_start3A_116 = tpu.memref_slice %arg4[%mul3A_112] : memref<331776xi32, #tpu.memory_space<hbm>> -> memref<128xi32, #tpu.memory_space<hbm>>
            %dma_start3A_117 = tpu.memref_slice %arg4[%mul3A_112] : memref<331776xi32, #tpu.memory_space<hbm>> -> memref<128xi32, #tpu.memory_space<hbm>>
            tpu.enqueue_dma source(%dma_start3A_117 : memref<128xi32, #tpu.memory_space<hbm>>) target(%arg7 : memref<128xi32, #tpu.memory_space<vmem>>) target_semaphore(%run_scoped3A : memref<!tpu.dma_semaphore, #tpu.memory_space<semaphore_mem>>)
            %dma_wait3A_118 = tpu.memref_slice %arg4[%mul3A_112] : memref<331776xi32, #tpu.memory_space<hbm>> -> memref<128xi32, #tpu.memory_space<hbm>>
            %dma_wait3A_119 = tpu.memref_slice %arg4[%mul3A_112] : memref<331776xi32, #tpu.memory_space<hbm>> -> memref<128xi32, #tpu.memory_space<hbm>>
            tpu.wait_dma2 semaphore(%run_scoped3A : memref<!tpu.dma_semaphore, #tpu.memory_space<semaphore_mem>>) src(%dma_wait3A_119 : memref<128xi32, #tpu.memory_space<hbm>>) dst(%arg7 : memref<128xi32, #tpu.memory_space<vmem>>)
            tpu.yield
          }) : () -> ()
          %dma_start3A_113 = arith.constant 0 : i32
          %dma_start3A_114 = arith.constant 0 : i32
          %dma_start3A_115 = tpu.memref_slice %arg2[%dma_start3A_113, %dma_start3A_114] : memref<10000x128xf32, #tpu.memory_space<hbm>> -> memref<10000x128xf32, #tpu.memory_space<hbm>>
          tpu.enqueue_indirect_dma source(%dma_start3A_115 : memref<10000x128xf32, #tpu.memory_space<hbm>>) target(%arg10 : memref<128x128xf32, #tpu.memory_space<vmem>>) offsets(%arg6 : memref<128xi32, #tpu.memory_space<vmem>>) semaphore(%arg14 : memref<!tpu.dma_semaphore, #tpu.memory_space<semaphore_mem>>)
        } else {
        }
        %dma_wait3A_98 = arith.constant 0 : i32
        %dma_wait3A_99 = arith.constant 0 : i32
        %dma_wait3A_100 = tpu.memref_slice %arg2[%dma_wait3A_98, %dma_wait3A_99] : memref<10000x128xf32, #tpu.memory_space<hbm>> -> memref<10000x128xf32, #tpu.memory_space<hbm>>
        tpu.wait_indirect_dma semaphore(%arg15 : memref<!tpu.dma_semaphore, #tpu.memory_space<semaphore_mem>>) src(%dma_wait3A_100 : memref<10000x128xf32, #tpu.memory_space<hbm>>) dst(%arg11 : memref<128x128xf32, #tpu.memory_space<vmem>>)
        "tpu.region"() ({
          %run_scoped3A = tpu.sem_alloc : memref<!tpu.dma_semaphore, #tpu.memory_space<semaphore_mem>>
          %dma_start3A_108 = arith.constant 0 : i32
          %dma_start3A_109 = arith.constant 0 : i32
          %dma_start3A_110 = tpu.memref_slice %arg13[%dma_start3A_108, %dma_start3A_109] : memref<10240x128xf32, #tpu.memory_space<vmem_shared>> -> memref<10240x128xf32, #tpu.memory_space<vmem_shared>>
          tpu.enqueue_indirect_dma source(%arg11 : memref<128x128xf32, #tpu.memory_space<vmem>>) target(%dma_start3A_110 : memref<10240x128xf32, #tpu.memory_space<vmem_shared>>) offsets(%arg9 : memref<128xi32, #tpu.memory_space<vmem>>) semaphore(%run_scoped3A : memref<!tpu.dma_semaphore, #tpu.memory_space<semaphore_mem>>) {add = true}
          %dma_wait3A_111 = arith.constant 0 : i32
          %dma_wait3A_112 = arith.constant 0 : i32
          %dma_wait3A_113 = tpu.memref_slice %arg13[%dma_wait3A_111, %dma_wait3A_112] : memref<10240x128xf32, #tpu.memory_space<vmem_shared>> -> memref<10240x128xf32, #tpu.memory_space<vmem_shared>>
          tpu.wait_indirect_dma semaphore(%run_scoped3A : memref<!tpu.dma_semaphore, #tpu.memory_space<semaphore_mem>>) src(%arg11 : memref<128x128xf32, #tpu.memory_space<vmem>>) dst(%dma_wait3A_113 : memref<10240x128xf32, #tpu.memory_space<vmem_shared>>)
          tpu.yield
        }) : () -> ()
        %add3A_101 = arith.constant 3 : i32
        %add3A_102 = arith.addi %mul3A_77, %add3A_101 : i32
        %lt3A_103 = arith.constant 120 : i32
        %lt3A_104 = arith.cmpi slt, %add3A_102, %lt3A_103 : i32
        %convert_element_type3A_105 = arith.extui %lt3A_104 : i1 to i32
        %cond3A_106 = arith.constant 0 : i32
        %cond3A_107 = arith.cmpi ne, %convert_element_type3A_105, %cond3A_106 : i32
        scf.if %cond3A_107 {
          %add3A_108 = arith.addi %mul3A_56, %mul3A_77 : i32
          %add3A_109 = arith.constant 3 : i32
          %add3A_110 = arith.addi %add3A_108, %add3A_109 : i32
          %mul3A_111 = arith.constant 128 : i32
          %mul3A_112 = arith.muli %add3A_110, %mul3A_111 : i32
          %dma_start3A_113 = tpu.memref_slice %arg3[%mul3A_112] : memref<331776xi32, #tpu.memory_space<hbm>> -> memref<128xi32, #tpu.memory_space<hbm>>
          %dma_start3A_114 = tpu.memref_slice %arg3[%mul3A_112] : memref<331776xi32, #tpu.memory_space<hbm>> -> memref<128xi32, #tpu.memory_space<hbm>>
          tpu.enqueue_dma source(%dma_start3A_114 : memref<128xi32, #tpu.memory_space<hbm>>) target(%arg8 : memref<128xi32, #tpu.memory_space<vmem>>) target_semaphore(%arg16 : memref<!tpu.dma_semaphore, #tpu.memory_space<semaphore_mem>>)
          %dma_start3A_115 = tpu.memref_slice %arg4[%mul3A_112] : memref<331776xi32, #tpu.memory_space<hbm>> -> memref<128xi32, #tpu.memory_space<hbm>>
          %dma_start3A_116 = tpu.memref_slice %arg4[%mul3A_112] : memref<331776xi32, #tpu.memory_space<hbm>> -> memref<128xi32, #tpu.memory_space<hbm>>
          tpu.enqueue_dma source(%dma_start3A_116 : memref<128xi32, #tpu.memory_space<hbm>>) target(%arg9 : memref<128xi32, #tpu.memory_space<vmem>>) target_semaphore(%arg16 : memref<!tpu.dma_semaphore, #tpu.memory_space<semaphore_mem>>)
        } else {
        }
      }
      %scan3A_74 = arith.constant 60 : i32
    } else {
    }
    %eq3A_45 = arith.constant 1 : i32
    %eq3A_46 = arith.cmpi eq, %arg0, %eq3A_45 : i32
    %convert_element_type3A_47 = arith.extui %eq3A_46 : i1 to i32
    %cond3A_48 = arith.constant 0 : i32
    %cond3A_49 = arith.cmpi ne, %convert_element_type3A_47, %cond3A_48 : i32
    scf.if %cond3A_49 {
      %mul3A_55 = arith.constant 42 : i32
      %mul3A_56 = arith.muli %arg1, %mul3A_55 : i32
      %add3A_57 = arith.constant 1920 : i32
      %add3A_58 = arith.addi %add3A_57, %mul3A_56 : i32
      %mul3A_59 = arith.constant 128 : i32
      %mul3A_60 = arith.muli %add3A_58, %mul3A_59 : i32
      "tpu.region"() ({
        %run_scoped3A = tpu.sem_alloc : memref<!tpu.dma_semaphore, #tpu.memory_space<semaphore_mem>>
        %dma_start3A_77 = tpu.memref_slice %arg3[%mul3A_60] : memref<331776xi32, #tpu.memory_space<hbm>> -> memref<128xi32, #tpu.memory_space<hbm>>
        %dma_start3A_78 = tpu.memref_slice %arg3[%mul3A_60] : memref<331776xi32, #tpu.memory_space<hbm>> -> memref<128xi32, #tpu.memory_space<hbm>>
        tpu.enqueue_dma source(%dma_start3A_78 : memref<128xi32, #tpu.memory_space<hbm>>) target(%arg6 : memref<128xi32, #tpu.memory_space<vmem>>) target_semaphore(%run_scoped3A : memref<!tpu.dma_semaphore, #tpu.memory_space<semaphore_mem>>)
        %dma_wait3A = tpu.memref_slice %arg3[%mul3A_60] : memref<331776xi32, #tpu.memory_space<hbm>> -> memref<128xi32, #tpu.memory_space<hbm>>
        %dma_wait3A_79 = tpu.memref_slice %arg3[%mul3A_60] : memref<331776xi32, #tpu.memory_space<hbm>> -> memref<128xi32, #tpu.memory_space<hbm>>
        tpu.wait_dma2 semaphore(%run_scoped3A : memref<!tpu.dma_semaphore, #tpu.memory_space<semaphore_mem>>) src(%dma_wait3A_79 : memref<128xi32, #tpu.memory_space<hbm>>) dst(%arg6 : memref<128xi32, #tpu.memory_space<vmem>>)
        tpu.yield
      }) : () -> ()
      "tpu.region"() ({
        %run_scoped3A = tpu.sem_alloc : memref<!tpu.dma_semaphore, #tpu.memory_space<semaphore_mem>>
        %dma_start3A_77 = tpu.memref_slice %arg4[%mul3A_60] : memref<331776xi32, #tpu.memory_space<hbm>> -> memref<128xi32, #tpu.memory_space<hbm>>
        %dma_start3A_78 = tpu.memref_slice %arg4[%mul3A_60] : memref<331776xi32, #tpu.memory_space<hbm>> -> memref<128xi32, #tpu.memory_space<hbm>>
        tpu.enqueue_dma source(%dma_start3A_78 : memref<128xi32, #tpu.memory_space<hbm>>) target(%arg7 : memref<128xi32, #tpu.memory_space<vmem>>) target_semaphore(%run_scoped3A : memref<!tpu.dma_semaphore, #tpu.memory_space<semaphore_mem>>)
        %dma_wait3A = tpu.memref_slice %arg4[%mul3A_60] : memref<331776xi32, #tpu.memory_space<hbm>> -> memref<128xi32, #tpu.memory_space<hbm>>
        %dma_wait3A_79 = tpu.memref_slice %arg4[%mul3A_60] : memref<331776xi32, #tpu.memory_space<hbm>> -> memref<128xi32, #tpu.memory_space<hbm>>
        tpu.wait_dma2 semaphore(%run_scoped3A : memref<!tpu.dma_semaphore, #tpu.memory_space<semaphore_mem>>) src(%dma_wait3A_79 : memref<128xi32, #tpu.memory_space<hbm>>) dst(%arg7 : memref<128xi32, #tpu.memory_space<vmem>>)
        tpu.yield
      }) : () -> ()
      %dma_start3A = arith.constant 0 : i32
      %dma_start3A_61 = arith.constant 0 : i32
      %dma_start3A_62 = tpu.memref_slice %arg2[%dma_start3A, %dma_start3A_61] : memref<10000x128xf32, #tpu.memory_space<hbm>> -> memref<10000x128xf32, #tpu.memory_space<hbm>>
      tpu.enqueue_indirect_dma source(%dma_start3A_62 : memref<10000x128xf32, #tpu.memory_space<hbm>>) target(%arg10 : memref<128x128xf32, #tpu.memory_space<vmem>>) offsets(%arg6 : memref<128xi32, #tpu.memory_space<vmem>>) semaphore(%arg14 : memref<!tpu.dma_semaphore, #tpu.memory_space<semaphore_mem>>)
      %add3A_63 = arith.constant 128 : i32
      %add3A_64 = arith.addi %mul3A_60, %add3A_63 : i32
      %dma_start3A_65 = tpu.memref_slice %arg3[%add3A_64] : memref<331776xi32, #tpu.memory_space<hbm>> -> memref<128xi32, #tpu.memory_space<hbm>>
      %dma_start3A_66 = tpu.memref_slice %arg3[%add3A_64] : memref<331776xi32, #tpu.memory_space<hbm>> -> memref<128xi32, #tpu.memory_space<hbm>>
      tpu.enqueue_dma source(%dma_start3A_66 : memref<128xi32, #tpu.memory_space<hbm>>) target(%arg8 : memref<128xi32, #tpu.memory_space<vmem>>) target_semaphore(%arg16 : memref<!tpu.dma_semaphore, #tpu.memory_space<semaphore_mem>>)
      %add3A_67 = arith.constant 128 : i32
      %add3A_68 = arith.addi %mul3A_60, %add3A_67 : i32
      %dma_start3A_69 = tpu.memref_slice %arg4[%add3A_68] : memref<331776xi32, #tpu.memory_space<hbm>> -> memref<128xi32, #tpu.memory_space<hbm>>
      %dma_start3A_70 = tpu.memref_slice %arg4[%add3A_68] : memref<331776xi32, #tpu.memory_space<hbm>> -> memref<128xi32, #tpu.memory_space<hbm>>
      tpu.enqueue_dma source(%dma_start3A_70 : memref<128xi32, #tpu.memory_space<hbm>>) target(%arg9 : memref<128xi32, #tpu.memory_space<vmem>>) target_semaphore(%arg16 : memref<!tpu.dma_semaphore, #tpu.memory_space<semaphore_mem>>)
      %scan3A_71 = arith.constant 0 : i32
      %scan3A_72 = arith.constant 0 : i32
      %scan3A_73 = arith.constant 21 : i32
      %scan3A_74 = arith.addi %scan3A_72, %scan3A_73 : i32
      %scan3A_75 = arith.constant 1 : i32
      scf.for %scan3A_77 = %scan3A_72 to %scan3A_74 step %scan3A_75  : i32 {
        %mul3A_78 = arith.constant 2 : i32
        %mul3A_79 = arith.muli %mul3A_78, %scan3A_77 : i32
        %add3A_80 = arith.addi %add3A_58, %mul3A_79 : i32
        %add3A_81 = arith.constant 1 : i32
        %add3A_82 = arith.addi %add3A_80, %add3A_81 : i32
        %mul3A_83 = arith.constant 128 : i32
        %mul3A_84 = arith.muli %add3A_82, %mul3A_83 : i32
        %dma_wait3A = tpu.memref_slice %arg3[%mul3A_84] : memref<331776xi32, #tpu.memory_space<hbm>> -> memref<128xi32, #tpu.memory_space<hbm>>
        %dma_wait3A_85 = tpu.memref_slice %arg3[%mul3A_84] : memref<331776xi32, #tpu.memory_space<hbm>> -> memref<128xi32, #tpu.memory_space<hbm>>
        tpu.wait_dma2 semaphore(%arg16 : memref<!tpu.dma_semaphore, #tpu.memory_space<semaphore_mem>>) src(%dma_wait3A_85 : memref<128xi32, #tpu.memory_space<hbm>>) dst(%arg8 : memref<128xi32, #tpu.memory_space<vmem>>)
        %dma_wait3A_86 = tpu.memref_slice %arg4[%mul3A_84] : memref<331776xi32, #tpu.memory_space<hbm>> -> memref<128xi32, #tpu.memory_space<hbm>>
        %dma_wait3A_87 = tpu.memref_slice %arg4[%mul3A_84] : memref<331776xi32, #tpu.memory_space<hbm>> -> memref<128xi32, #tpu.memory_space<hbm>>
        tpu.wait_dma2 semaphore(%arg16 : memref<!tpu.dma_semaphore, #tpu.memory_space<semaphore_mem>>) src(%dma_wait3A_87 : memref<128xi32, #tpu.memory_space<hbm>>) dst(%arg9 : memref<128xi32, #tpu.memory_space<vmem>>)
        %dma_start3A_88 = arith.constant 0 : i32
        %dma_start3A_89 = arith.constant 0 : i32
        %dma_start3A_90 = tpu.memref_slice %arg2[%dma_start3A_88, %dma_start3A_89] : memref<10000x128xf32, #tpu.memory_space<hbm>> -> memref<10000x128xf32, #tpu.memory_space<hbm>>
        tpu.enqueue_indirect_dma source(%dma_start3A_90 : memref<10000x128xf32, #tpu.memory_space<hbm>>) target(%arg11 : memref<128x128xf32, #tpu.memory_space<vmem>>) offsets(%arg8 : memref<128xi32, #tpu.memory_space<vmem>>) semaphore(%arg15 : memref<!tpu.dma_semaphore, #tpu.memory_space<semaphore_mem>>)
        %dma_wait3A_91 = arith.constant 0 : i32
        %dma_wait3A_92 = arith.constant 0 : i32
        %dma_wait3A_93 = tpu.memref_slice %arg2[%dma_wait3A_91, %dma_wait3A_92] : memref<10000x128xf32, #tpu.memory_space<hbm>> -> memref<10000x128xf32, #tpu.memory_space<hbm>>
        tpu.wait_indirect_dma semaphore(%arg14 : memref<!tpu.dma_semaphore, #tpu.memory_space<semaphore_mem>>) src(%dma_wait3A_93 : memref<10000x128xf32, #tpu.memory_space<hbm>>) dst(%arg10 : memref<128x128xf32, #tpu.memory_space<vmem>>)
        "tpu.region"() ({
          %run_scoped3A = tpu.sem_alloc : memref<!tpu.dma_semaphore, #tpu.memory_space<semaphore_mem>>
          %dma_start3A_110 = arith.constant 0 : i32
          %dma_start3A_111 = arith.constant 0 : i32
          %dma_start3A_112 = tpu.memref_slice %arg13[%dma_start3A_110, %dma_start3A_111] : memref<10240x128xf32, #tpu.memory_space<vmem_shared>> -> memref<10240x128xf32, #tpu.memory_space<vmem_shared>>
          tpu.enqueue_indirect_dma source(%arg10 : memref<128x128xf32, #tpu.memory_space<vmem>>) target(%dma_start3A_112 : memref<10240x128xf32, #tpu.memory_space<vmem_shared>>) offsets(%arg7 : memref<128xi32, #tpu.memory_space<vmem>>) semaphore(%run_scoped3A : memref<!tpu.dma_semaphore, #tpu.memory_space<semaphore_mem>>) {add = true}
          %dma_wait3A_113 = arith.constant 0 : i32
          %dma_wait3A_114 = arith.constant 0 : i32
          %dma_wait3A_115 = tpu.memref_slice %arg13[%dma_wait3A_113, %dma_wait3A_114] : memref<10240x128xf32, #tpu.memory_space<vmem_shared>> -> memref<10240x128xf32, #tpu.memory_space<vmem_shared>>
          tpu.wait_indirect_dma semaphore(%run_scoped3A : memref<!tpu.dma_semaphore, #tpu.memory_space<semaphore_mem>>) src(%arg10 : memref<128x128xf32, #tpu.memory_space<vmem>>) dst(%dma_wait3A_115 : memref<10240x128xf32, #tpu.memory_space<vmem_shared>>)
          tpu.yield
        }) : () -> ()
        %add3A_94 = arith.constant 2 : i32
        %add3A_95 = arith.addi %mul3A_79, %add3A_94 : i32
        %lt3A = arith.constant 42 : i32
        %lt3A_96 = arith.cmpi slt, %add3A_95, %lt3A : i32
        %convert_element_type3A_97 = arith.extui %lt3A_96 : i1 to i32
        %cond3A_98 = arith.constant 0 : i32
        %cond3A_99 = arith.cmpi ne, %convert_element_type3A_97, %cond3A_98 : i32
        scf.if %cond3A_99 {
          %add3A_110 = arith.addi %add3A_58, %mul3A_79 : i32
          %add3A_111 = arith.constant 2 : i32
          %add3A_112 = arith.addi %add3A_110, %add3A_111 : i32
          %mul3A_113 = arith.constant 128 : i32
          %mul3A_114 = arith.muli %add3A_112, %mul3A_113 : i32
          "tpu.region"() ({
            %run_scoped3A = tpu.sem_alloc : memref<!tpu.dma_semaphore, #tpu.memory_space<semaphore_mem>>
            %dma_start3A_118 = tpu.memref_slice %arg3[%mul3A_114] : memref<331776xi32, #tpu.memory_space<hbm>> -> memref<128xi32, #tpu.memory_space<hbm>>
            %dma_start3A_119 = tpu.memref_slice %arg3[%mul3A_114] : memref<331776xi32, #tpu.memory_space<hbm>> -> memref<128xi32, #tpu.memory_space<hbm>>
            tpu.enqueue_dma source(%dma_start3A_119 : memref<128xi32, #tpu.memory_space<hbm>>) target(%arg6 : memref<128xi32, #tpu.memory_space<vmem>>) target_semaphore(%run_scoped3A : memref<!tpu.dma_semaphore, #tpu.memory_space<semaphore_mem>>)
            %dma_wait3A_120 = tpu.memref_slice %arg3[%mul3A_114] : memref<331776xi32, #tpu.memory_space<hbm>> -> memref<128xi32, #tpu.memory_space<hbm>>
            %dma_wait3A_121 = tpu.memref_slice %arg3[%mul3A_114] : memref<331776xi32, #tpu.memory_space<hbm>> -> memref<128xi32, #tpu.memory_space<hbm>>
            tpu.wait_dma2 semaphore(%run_scoped3A : memref<!tpu.dma_semaphore, #tpu.memory_space<semaphore_mem>>) src(%dma_wait3A_121 : memref<128xi32, #tpu.memory_space<hbm>>) dst(%arg6 : memref<128xi32, #tpu.memory_space<vmem>>)
            tpu.yield
          }) : () -> ()
          "tpu.region"() ({
            %run_scoped3A = tpu.sem_alloc : memref<!tpu.dma_semaphore, #tpu.memory_space<semaphore_mem>>
            %dma_start3A_118 = tpu.memref_slice %arg4[%mul3A_114] : memref<331776xi32, #tpu.memory_space<hbm>> -> memref<128xi32, #tpu.memory_space<hbm>>
            %dma_start3A_119 = tpu.memref_slice %arg4[%mul3A_114] : memref<331776xi32, #tpu.memory_space<hbm>> -> memref<128xi32, #tpu.memory_space<hbm>>
            tpu.enqueue_dma source(%dma_start3A_119 : memref<128xi32, #tpu.memory_space<hbm>>) target(%arg7 : memref<128xi32, #tpu.memory_space<vmem>>) target_semaphore(%run_scoped3A : memref<!tpu.dma_semaphore, #tpu.memory_space<semaphore_mem>>)
            %dma_wait3A_120 = tpu.memref_slice %arg4[%mul3A_114] : memref<331776xi32, #tpu.memory_space<hbm>> -> memref<128xi32, #tpu.memory_space<hbm>>
            %dma_wait3A_121 = tpu.memref_slice %arg4[%mul3A_114] : memref<331776xi32, #tpu.memory_space<hbm>> -> memref<128xi32, #tpu.memory_space<hbm>>
            tpu.wait_dma2 semaphore(%run_scoped3A : memref<!tpu.dma_semaphore, #tpu.memory_space<semaphore_mem>>) src(%dma_wait3A_121 : memref<128xi32, #tpu.memory_space<hbm>>) dst(%arg7 : memref<128xi32, #tpu.memory_space<vmem>>)
            tpu.yield
          }) : () -> ()
          %dma_start3A_115 = arith.constant 0 : i32
          %dma_start3A_116 = arith.constant 0 : i32
          %dma_start3A_117 = tpu.memref_slice %arg2[%dma_start3A_115, %dma_start3A_116] : memref<10000x128xf32, #tpu.memory_space<hbm>> -> memref<10000x128xf32, #tpu.memory_space<hbm>>
          tpu.enqueue_indirect_dma source(%dma_start3A_117 : memref<10000x128xf32, #tpu.memory_space<hbm>>) target(%arg10 : memref<128x128xf32, #tpu.memory_space<vmem>>) offsets(%arg6 : memref<128xi32, #tpu.memory_space<vmem>>) semaphore(%arg14 : memref<!tpu.dma_semaphore, #tpu.memory_space<semaphore_mem>>)
        } else {
        }
        %dma_wait3A_100 = arith.constant 0 : i32
        %dma_wait3A_101 = arith.constant 0 : i32
        %dma_wait3A_102 = tpu.memref_slice %arg2[%dma_wait3A_100, %dma_wait3A_101] : memref<10000x128xf32, #tpu.memory_space<hbm>> -> memref<10000x128xf32, #tpu.memory_space<hbm>>
        tpu.wait_indirect_dma semaphore(%arg15 : memref<!tpu.dma_semaphore, #tpu.memory_space<semaphore_mem>>) src(%dma_wait3A_102 : memref<10000x128xf32, #tpu.memory_space<hbm>>) dst(%arg11 : memref<128x128xf32, #tpu.memory_space<vmem>>)
        "tpu.region"() ({
          %run_scoped3A = tpu.sem_alloc : memref<!tpu.dma_semaphore, #tpu.memory_space<semaphore_mem>>
          %dma_start3A_110 = arith.constant 0 : i32
          %dma_start3A_111 = arith.constant 0 : i32
          %dma_start3A_112 = tpu.memref_slice %arg13[%dma_start3A_110, %dma_start3A_111] : memref<10240x128xf32, #tpu.memory_space<vmem_shared>> -> memref<10240x128xf32, #tpu.memory_space<vmem_shared>>
          tpu.enqueue_indirect_dma source(%arg11 : memref<128x128xf32, #tpu.memory_space<vmem>>) target(%dma_start3A_112 : memref<10240x128xf32, #tpu.memory_space<vmem_shared>>) offsets(%arg9 : memref<128xi32, #tpu.memory_space<vmem>>) semaphore(%run_scoped3A : memref<!tpu.dma_semaphore, #tpu.memory_space<semaphore_mem>>) {add = true}
          %dma_wait3A_113 = arith.constant 0 : i32
          %dma_wait3A_114 = arith.constant 0 : i32
          %dma_wait3A_115 = tpu.memref_slice %arg13[%dma_wait3A_113, %dma_wait3A_114] : memref<10240x128xf32, #tpu.memory_space<vmem_shared>> -> memref<10240x128xf32, #tpu.memory_space<vmem_shared>>
          tpu.wait_indirect_dma semaphore(%run_scoped3A : memref<!tpu.dma_semaphore, #tpu.memory_space<semaphore_mem>>) src(%arg11 : memref<128x128xf32, #tpu.memory_space<vmem>>) dst(%dma_wait3A_115 : memref<10240x128xf32, #tpu.memory_space<vmem_shared>>)
          tpu.yield
        }) : () -> ()
        %add3A_103 = arith.constant 3 : i32
        %add3A_104 = arith.addi %mul3A_79, %add3A_103 : i32
        %lt3A_105 = arith.constant 42 : i32
        %lt3A_106 = arith.cmpi slt, %add3A_104, %lt3A_105 : i32
        %convert_element_type3A_107 = arith.extui %lt3A_106 : i1 to i32
        %cond3A_108 = arith.constant 0 : i32
        %cond3A_109 = arith.cmpi ne, %convert_element_type3A_107, %cond3A_108 : i32
        scf.if %cond3A_109 {
          %add3A_110 = arith.addi %add3A_58, %mul3A_79 : i32
          %add3A_111 = arith.constant 3 : i32
          %add3A_112 = arith.addi %add3A_110, %add3A_111 : i32
          %mul3A_113 = arith.constant 128 : i32
          %mul3A_114 = arith.muli %add3A_112, %mul3A_113 : i32
          %dma_start3A_115 = tpu.memref_slice %arg3[%mul3A_114] : memref<331776xi32, #tpu.memory_space<hbm>> -> memref<128xi32, #tpu.memory_space<hbm>>
          %dma_start3A_116 = tpu.memref_slice %arg3[%mul3A_114] : memref<331776xi32, #tpu.memory_space<hbm>> -> memref<128xi32, #tpu.memory_space<hbm>>
          tpu.enqueue_dma source(%dma_start3A_116 : memref<128xi32, #tpu.memory_space<hbm>>) target(%arg8 : memref<128xi32, #tpu.memory_space<vmem>>) target_semaphore(%arg16 : memref<!tpu.dma_semaphore, #tpu.memory_space<semaphore_mem>>)
          %dma_start3A_117 = tpu.memref_slice %arg4[%mul3A_114] : memref<331776xi32, #tpu.memory_space<hbm>> -> memref<128xi32, #tpu.memory_space<hbm>>
          %dma_start3A_118 = tpu.memref_slice %arg4[%mul3A_114] : memref<331776xi32, #tpu.memory_space<hbm>> -> memref<128xi32, #tpu.memory_space<hbm>>
          tpu.enqueue_dma source(%dma_start3A_118 : memref<128xi32, #tpu.memory_space<hbm>>) target(%arg9 : memref<128xi32, #tpu.memory_space<vmem>>) target_semaphore(%arg16 : memref<!tpu.dma_semaphore, #tpu.memory_space<semaphore_mem>>)
        } else {
        }
      }
      %scan3A_76 = arith.constant 21 : i32
    } else {
    }
    %barrier3A_50 = arith.constant 0 : index
    tpu.barrier barrier_id(%barrier3A_50)
    %mul3A_51 = arith.constant 640 : i32
    %mul3A_52 = arith.muli %arg1, %mul3A_51 : i32
    %mul3A_53 = arith.constant 640 : i32
    %mul3A_54 = arith.muli %arg1, %mul3A_53 : i32
    "tpu.region"() ({
      %run_scoped3A = tpu.sem_alloc : memref<!tpu.dma_semaphore, #tpu.memory_space<semaphore_mem>>
      %dma_start3A = arith.constant 0 : i32
      %dma_start3A_55 = arith.constant 0 : i32
      %dma_start3A_56 = tpu.memref_slice %arg5[%arg0, %dma_start3A, %dma_start3A_55] : memref<2x10240x128xf32, #tpu.memory_space<hbm>> -> memref<1x10240x128xf32, #tpu.memory_space<hbm>>
      %dma_start3A_57 = tpu.memref_squeeze %dma_start3A_56 : memref<1x10240x128xf32, #tpu.memory_space<hbm>> -> memref<10240x128xf32, #tpu.memory_space<hbm>>
      %dma_start3A_58 = arith.constant 0 : i32
      %dma_start3A_59 = tpu.memref_slice %dma_start3A_57[%mul3A_54, %dma_start3A_58] : memref<10240x128xf32, #tpu.memory_space<hbm>> -> memref<640x128xf32, #tpu.memory_space<hbm>>
      %dma_start3A_60 = arith.constant 0 : i32
      %dma_start3A_61 = tpu.memref_slice %arg13[%mul3A_52, %dma_start3A_60] : memref<10240x128xf32, #tpu.memory_space<vmem_shared>> -> memref<640x128xf32, #tpu.memory_space<vmem_shared>>
      tpu.enqueue_dma source(%dma_start3A_61 : memref<640x128xf32, #tpu.memory_space<vmem_shared>>) target(%dma_start3A_59 : memref<640x128xf32, #tpu.memory_space<hbm>>) target_semaphore(%run_scoped3A : memref<!tpu.dma_semaphore, #tpu.memory_space<semaphore_mem>>)
      %dma_wait3A = arith.constant 0 : i32
      %dma_wait3A_62 = arith.constant 0 : i32
      %dma_wait3A_63 = tpu.memref_slice %arg5[%arg0, %dma_wait3A, %dma_wait3A_62] : memref<2x10240x128xf32, #tpu.memory_space<hbm>> -> memref<1x10240x128xf32, #tpu.memory_space<hbm>>
      %dma_wait3A_64 = tpu.memref_squeeze %dma_wait3A_63 : memref<1x10240x128xf32, #tpu.memory_space<hbm>> -> memref<10240x128xf32, #tpu.memory_space<hbm>>
      %dma_wait3A_65 = arith.constant 0 : i32
      %dma_wait3A_66 = tpu.memref_slice %dma_wait3A_64[%mul3A_54, %dma_wait3A_65] : memref<10240x128xf32, #tpu.memory_space<hbm>> -> memref<640x128xf32, #tpu.memory_space<hbm>>
      %dma_wait3A_67 = arith.constant 0 : i32
      %dma_wait3A_68 = tpu.memref_slice %arg13[%mul3A_52, %dma_wait3A_67] : memref<10240x128xf32, #tpu.memory_space<vmem_shared>> -> memref<640x128xf32, #tpu.memory_space<vmem_shared>>
      tpu.wait_dma2 semaphore(%run_scoped3A : memref<!tpu.dma_semaphore, #tpu.memory_space<semaphore_mem>>) src(%dma_wait3A_68 : memref<640x128xf32, #tpu.memory_space<vmem_shared>>) dst(%dma_wait3A_66 : memref<640x128xf32, #tpu.memory_space<hbm>>)
      tpu.yield
    }) : () -> ()
    return
  }
}

module attributes {stable_mosaic.version = 14 : i64} {
  func.func @body(%arg0: i32, %arg1: memref<2x1000x128xf32, #tpu.memory_space<vmem>>, %arg2: memref<2x1000x128xf32, #tpu.memory_space<vmem>>, %arg3: memref<1x128xf32, #tpu.memory_space<vmem>>, %arg4: memref<1x128xf32, #tpu.memory_space<vmem>>, %arg5: memref<1x128xf32, #tpu.memory_space<vmem>>, %arg6: memref<128x128xf32, #tpu.memory_space<vmem>>, %arg7: memref<1000x128xf32, #tpu.memory_space<vmem>>) attributes {dimension_semantics = [#tpu.dimension_semantics<arbitrary>], iteration_bounds = array<i64: 10>, scalar_prefetch = 0 : i64, scratch_operands = 0 : i64, tpu.core_type = #tpu.core_type<tc>, window_params = [{transform_indices = @transform_0, window_bounds = array<i64: 2, 1000, 128>}, {transform_indices = @transform_1, window_bounds = array<i64: 2, 1000, 128>}, {pipeline_mode = #tpu.pipeline_mode<synchronous>, transform_indices = @transform_2, window_bounds = array<i64: 1, 128>}, {pipeline_mode = #tpu.pipeline_mode<synchronous>, transform_indices = @transform_3, window_bounds = array<i64: 1, 128>}, {pipeline_mode = #tpu.pipeline_mode<synchronous>, transform_indices = @transform_4, window_bounds = array<i64: 1, 128>}, {pipeline_mode = #tpu.pipeline_mode<synchronous>, transform_indices = @transform_5, window_bounds = array<i64: 128, 128>}, {transform_indices = @transform_6, window_bounds = array<i64: 1000, 128>}]} {
    %get3A = arith.constant 0 : index
    %get3A_0 = arith.constant 0 : index
    %get3A_1 = arith.constant 0 : index
    %get3A_2 = vector.load %arg2[%get3A, %get3A_0, %get3A_1] : memref<2x1000x128xf32, #tpu.memory_space<vmem>>, vector<1x1000x1xf32>
    %get3A_3 = vector.shape_cast %get3A_2 : vector<1x1000x1xf32> to vector<1000x1xf32>
    %get3A_4 = arith.constant 1 : index
    %get3A_5 = arith.constant 0 : index
    %get3A_6 = arith.constant 0 : index
    %get3A_7 = vector.load %arg2[%get3A_4, %get3A_5, %get3A_6] : memref<2x1000x128xf32, #tpu.memory_space<vmem>>, vector<1x1000x1xf32>
    %get3A_8 = vector.shape_cast %get3A_7 : vector<1x1000x1xf32> to vector<1000x1xf32>
    %add3A = arith.addf %get3A_3, %get3A_8 : vector<1000x1xf32>
    %gt3A = arith.constant 0.000000e+00 : f32
    %gt3A_9 = vector.broadcast %gt3A : f32 to vector<1000x1xf32>
    %gt3A_10 = arith.cmpf ogt, %add3A, %gt3A_9 : vector<1000x1xf32>
    %rsqrt3A = math.rsqrt %add3A : vector<1000x1xf32>
    %jit3A = arith.constant 0.000000e+00 : f32
    %broadcast_in_dim3A = vector.broadcast %jit3A : f32 to vector<1000x1xf32>
    %select_n3A = arith.select %gt3A_10, %rsqrt3A, %broadcast_in_dim3A : vector<1000x1xi1>, vector<1000x1xf32>
    %get3A_11 = arith.constant 0 : index
    %get3A_12 = arith.constant 0 : index
    %get3A_13 = arith.constant 0 : index
    %get3A_14 = vector.load %arg1[%get3A_11, %get3A_12, %get3A_13] : memref<2x1000x128xf32, #tpu.memory_space<vmem>>, vector<1x1000x128xf32>
    %get3A_15 = vector.shape_cast %get3A_14 : vector<1x1000x128xf32> to vector<1000x128xf32>
    %get3A_16 = arith.constant 1 : index
    %get3A_17 = arith.constant 0 : index
    %get3A_18 = arith.constant 0 : index
    %get3A_19 = vector.load %arg1[%get3A_16, %get3A_17, %get3A_18] : memref<2x1000x128xf32, #tpu.memory_space<vmem>>, vector<1x1000x128xf32>
    %get3A_20 = vector.shape_cast %get3A_19 : vector<1x1000x128xf32> to vector<1000x128xf32>
    %add3A_21 = arith.addf %get3A_15, %get3A_20 : vector<1000x128xf32>
    %mul3A = vector.broadcast %select_n3A : vector<1000x1xf32> to vector<1000x128xf32>
    %mul3A_22 = arith.mulf %add3A_21, %mul3A : vector<1000x128xf32>
    %get3A_23 = arith.constant 0 : index
    %get3A_24 = arith.constant 0 : index
    %get3A_25 = vector.load %arg3[%get3A_23, %get3A_24] : memref<1x128xf32, #tpu.memory_space<vmem>>, vector<1x128xf32>
    %add3A_26 = vector.broadcast %get3A_25 : vector<1x128xf32> to vector<1000x128xf32>
    %add3A_27 = arith.addf %mul3A_22, %add3A_26 : vector<1000x128xf32>
    %get3A_28 = arith.constant 0 : index
    %get3A_29 = arith.constant 0 : index
    %get3A_30 = vector.load %arg4[%get3A_28, %get3A_29] : memref<1x128xf32, #tpu.memory_space<vmem>>, vector<1x128xf32>
    %rsqrt3A_31 = arith.constant 1.000010e+00 : f32
    %rsqrt3A_32 = math.rsqrt %rsqrt3A_31 : f32
    %mul3A_33 = vector.broadcast %rsqrt3A_32 : f32 to vector<1x128xf32>
    %mul3A_34 = arith.mulf %get3A_30, %mul3A_33 : vector<1x128xf32>
    %mul3A_35 = vector.broadcast %mul3A_34 : vector<1x128xf32> to vector<1000x128xf32>
    %mul3A_36 = arith.mulf %add3A_27, %mul3A_35 : vector<1000x128xf32>
    %get3A_37 = arith.constant 0 : index
    %get3A_38 = arith.constant 0 : index
    %get3A_39 = vector.load %arg5[%get3A_37, %get3A_38] : memref<1x128xf32, #tpu.memory_space<vmem>>, vector<1x128xf32>
    %add3A_40 = vector.broadcast %get3A_39 : vector<1x128xf32> to vector<1000x128xf32>
    %add3A_41 = arith.addf %mul3A_36, %add3A_40 : vector<1000x128xf32>
    %max3A = arith.constant 0.000000e+00 : f32
    %max3A_42 = vector.broadcast %max3A : f32 to vector<1000x128xf32>
    %max3A_43 = arith.maximumf %add3A_41, %max3A_42 : vector<1000x128xf32>
    %get3A_44 = arith.constant 0 : index
    %get3A_45 = arith.constant 0 : index
    %get3A_46 = vector.load %arg6[%get3A_44, %get3A_45] : memref<128x128xf32, #tpu.memory_space<vmem>>, vector<128x128xf32>
    %dot_general3A = arith.constant dense<0.000000e+00> : vector<1000x128xf32>
    %dot_general3A_47 = tpu.matmul %max3A_43, %get3A_46, %dot_general3A {dimension_numbers = #tpu.dot_dimension_numbers<[1], [0], [0], [1], [0, 0, 1, 1], [], []>, precision = #tpu.contract_precision<fp32>, transpose_lhs_hint = false} : vector<1000x128xf32>, vector<128x128xf32>, vector<1000x128xf32> -> vector<1000x128xf32>
    %mul3A_48 = vector.broadcast %select_n3A : vector<1000x1xf32> to vector<1000x128xf32>
    %mul3A_49 = arith.mulf %dot_general3A_47, %mul3A_48 : vector<1000x128xf32>
    %swap3A = arith.constant 0 : index
    %swap3A_50 = arith.constant 0 : index
    %swap3A_51 = vector.load %arg7[%swap3A, %swap3A_50] : memref<1000x128xf32, #tpu.memory_space<vmem>>, vector<1000x128xf32>
    tpu.vector_store %arg7[%swap3A, %swap3A_50], %mul3A_49 {strides = array<i32>} : memref<1000x128xf32, #tpu.memory_space<vmem>>, vector<1000x128xf32>,
    return
  }
  func.func @transform_0(%arg0: i32) -> (i32, i32, i32) {
    %c0_i32 = arith.constant 0 : i32
    %c0_i32_0 = arith.constant 0 : i32
    %c0_i32_1 = arith.constant 0 : i32
    return %c0_i32, %arg0, %c0_i32_0 : i32, i32, i32
  }
  func.func @transform_1(%arg0: i32) -> (i32, i32, i32) {
    %c0_i32 = arith.constant 0 : i32
    %c0_i32_0 = arith.constant 0 : i32
    %c0_i32_1 = arith.constant 0 : i32
    return %c0_i32, %arg0, %c0_i32_0 : i32, i32, i32
  }
  func.func @transform_2(%arg0: i32) -> (i32, i32) {
    %c0_i32 = arith.constant 0 : i32
    %c0_i32_0 = arith.constant 0 : i32
    %c0_i32_1 = arith.constant 0 : i32
    return %c0_i32, %c0_i32_0 : i32, i32
  }
  func.func @transform_3(%arg0: i32) -> (i32, i32) {
    %c0_i32 = arith.constant 0 : i32
    %c0_i32_0 = arith.constant 0 : i32
    %c0_i32_1 = arith.constant 0 : i32
    return %c0_i32, %c0_i32_0 : i32, i32
  }
  func.func @transform_4(%arg0: i32) -> (i32, i32) {
    %c0_i32 = arith.constant 0 : i32
    %c0_i32_0 = arith.constant 0 : i32
    %c0_i32_1 = arith.constant 0 : i32
    return %c0_i32, %c0_i32_0 : i32, i32
  }
  func.func @transform_5(%arg0: i32) -> (i32, i32) {
    %c0_i32 = arith.constant 0 : i32
    %c0_i32_0 = arith.constant 0 : i32
    %c0_i32_1 = arith.constant 0 : i32
    return %c0_i32, %c0_i32_0 : i32, i32
  }
  func.func @transform_6(%arg0: i32) -> (i32, i32) {
    %c0_i32 = arith.constant 0 : i32
    %c0_i32_0 = arith.constant 0 : i32
    return %arg0, %c0_i32 : i32, i32
  }
}

module attributes {stable_mosaic.version = 14 : i64} {
  func.func @body(%arg0: i32, %arg1: memref<1000x128xf32, #tpu.memory_space<vmem>>, %arg2: memref<128x128xf32, #tpu.memory_space<vmem>>, %arg3: memref<2x1000x128xf32, #tpu.memory_space<vmem>>, %arg4: memref<1000x128xf32, #tpu.memory_space<vmem>>) attributes {dimension_semantics = [#tpu.dimension_semantics<arbitrary>], iteration_bounds = array<i64: 10>, scalar_prefetch = 0 : i64, scratch_operands = 0 : i64, tpu.core_type = #tpu.core_type<tc>, window_params = [{transform_indices = @transform_0, window_bounds = array<i64: 1000, 128>}, {pipeline_mode = #tpu.pipeline_mode<synchronous>, transform_indices = @transform_1, window_bounds = array<i64: 128, 128>}, {transform_indices = @transform_2, window_bounds = array<i64: 2, 1000, 128>}, {transform_indices = @transform_3, window_bounds = array<i64: 1000, 128>}]} {
    %get3A = arith.constant 0 : index
    %get3A_0 = arith.constant 0 : index
    %get3A_1 = arith.constant 0 : index
    %get3A_2 = vector.load %arg3[%get3A, %get3A_0, %get3A_1] : memref<2x1000x128xf32, #tpu.memory_space<vmem>>, vector<1x1000x1xf32>
    %get3A_3 = vector.shape_cast %get3A_2 : vector<1x1000x1xf32> to vector<1000x1xf32>
    %get3A_4 = arith.constant 1 : index
    %get3A_5 = arith.constant 0 : index
    %get3A_6 = arith.constant 0 : index
    %get3A_7 = vector.load %arg3[%get3A_4, %get3A_5, %get3A_6] : memref<2x1000x128xf32, #tpu.memory_space<vmem>>, vector<1x1000x1xf32>
    %get3A_8 = vector.shape_cast %get3A_7 : vector<1x1000x1xf32> to vector<1000x1xf32>
    %add3A = arith.addf %get3A_3, %get3A_8 : vector<1000x1xf32>
    %gt3A = arith.constant 0.000000e+00 : f32
    %gt3A_9 = vector.broadcast %gt3A : f32 to vector<1000x1xf32>
    %gt3A_10 = arith.cmpf ogt, %add3A, %gt3A_9 : vector<1000x1xf32>
    %rsqrt3A = math.rsqrt %add3A : vector<1000x1xf32>
    %jit3A = arith.constant 0.000000e+00 : f32
    %broadcast_in_dim3A = vector.broadcast %jit3A : f32 to vector<1000x1xf32>
    %select_n3A = arith.select %gt3A_10, %rsqrt3A, %broadcast_in_dim3A : vector<1000x1xi1>, vector<1000x1xf32>
    %get3A_11 = arith.constant 0 : index
    %get3A_12 = arith.constant 0 : index
    %get3A_13 = vector.load %arg1[%get3A_11, %get3A_12] : memref<1000x128xf32, #tpu.memory_space<vmem>>, vector<1000x128xf32>
    %get3A_14 = arith.constant 0 : index
    %get3A_15 = arith.constant 0 : index
    %get3A_16 = vector.load %arg2[%get3A_14, %get3A_15] : memref<128x128xf32, #tpu.memory_space<vmem>>, vector<128x128xf32>
    %dot_general3A = arith.constant dense<0.000000e+00> : vector<1000x128xf32>
    %dot_general3A_17 = tpu.matmul %get3A_13, %get3A_16, %dot_general3A {dimension_numbers = #tpu.dot_dimension_numbers<[1], [0], [0], [1], [0, 0, 1, 1], [], []>, precision = #tpu.contract_precision<fp32>, transpose_lhs_hint = false} : vector<1000x128xf32>, vector<128x128xf32>, vector<1000x128xf32> -> vector<1000x128xf32>
    %mul3A = vector.broadcast %select_n3A : vector<1000x1xf32> to vector<1000x128xf32>
    %mul3A_18 = arith.mulf %dot_general3A_17, %mul3A : vector<1000x128xf32>
    %swap3A = arith.constant 0 : index
    %swap3A_19 = arith.constant 0 : index
    %swap3A_20 = vector.load %arg4[%swap3A, %swap3A_19] : memref<1000x128xf32, #tpu.memory_space<vmem>>, vector<1000x128xf32>
    tpu.vector_store %arg4[%swap3A, %swap3A_19], %mul3A_18 {strides = array<i32>} : memref<1000x128xf32, #tpu.memory_space<vmem>>, vector<1000x128xf32>,
    return
  }
  func.func @transform_0(%arg0: i32) -> (i32, i32) {
    %c0_i32 = arith.constant 0 : i32
    %c0_i32_0 = arith.constant 0 : i32
    return %arg0, %c0_i32 : i32, i32
  }
  func.func @transform_1(%arg0: i32) -> (i32, i32) {
    %c0_i32 = arith.constant 0 : i32
    %c0_i32_0 = arith.constant 0 : i32
    %c0_i32_1 = arith.constant 0 : i32
    return %c0_i32, %c0_i32_0 : i32, i32
  }
  func.func @transform_2(%arg0: i32) -> (i32, i32, i32) {
    %c0_i32 = arith.constant 0 : i32
    %c0_i32_0 = arith.constant 0 : i32
    %c0_i32_1 = arith.constant 0 : i32
    return %c0_i32, %arg0, %c0_i32_0 : i32, i32, i32
  }
  func.func @transform_3(%arg0: i32) -> (i32, i32) {
    %c0_i32 = arith.constant 0 : i32
    %c0_i32_0 = arith.constant 0 : i32
    return %arg0, %c0_i32 : i32, i32
  }
}

module attributes {stable_mosaic.version = 14 : i64} {
  func.func @body(%arg0: i32, %arg1: memref<2x1000x128xf32, #tpu.memory_space<vmem>>, %arg2: memref<2x1000x128xf32, #tpu.memory_space<vmem>>, %arg3: memref<1x128xf32, #tpu.memory_space<vmem>>, %arg4: memref<1000x128xf32, #tpu.memory_space<vmem>>) attributes {dimension_semantics = [#tpu.dimension_semantics<arbitrary>], iteration_bounds = array<i64: 10>, scalar_prefetch = 0 : i64, scratch_operands = 0 : i64, tpu.core_type = #tpu.core_type<tc>, window_params = [{transform_indices = @transform_0, window_bounds = array<i64: 2, 1000, 128>}, {transform_indices = @transform_1, window_bounds = array<i64: 2, 1000, 128>}, {pipeline_mode = #tpu.pipeline_mode<synchronous>, transform_indices = @transform_2, window_bounds = array<i64: 1, 128>}, {transform_indices = @transform_3, window_bounds = array<i64: 1000, 128>}]} {
    %get3A = arith.constant 0 : index
    %get3A_0 = arith.constant 0 : index
    %get3A_1 = arith.constant 0 : index
    %get3A_2 = vector.load %arg2[%get3A, %get3A_0, %get3A_1] : memref<2x1000x128xf32, #tpu.memory_space<vmem>>, vector<1x1000x1xf32>
    %get3A_3 = vector.shape_cast %get3A_2 : vector<1x1000x1xf32> to vector<1000x1xf32>
    %get3A_4 = arith.constant 1 : index
    %get3A_5 = arith.constant 0 : index
    %get3A_6 = arith.constant 0 : index
    %get3A_7 = vector.load %arg2[%get3A_4, %get3A_5, %get3A_6] : memref<2x1000x128xf32, #tpu.memory_space<vmem>>, vector<1x1000x1xf32>
    %get3A_8 = vector.shape_cast %get3A_7 : vector<1x1000x1xf32> to vector<1000x1xf32>
    %add3A = arith.addf %get3A_3, %get3A_8 : vector<1000x1xf32>
    %gt3A = arith.constant 0.000000e+00 : f32
    %gt3A_9 = vector.broadcast %gt3A : f32 to vector<1000x1xf32>
    %gt3A_10 = arith.cmpf ogt, %add3A, %gt3A_9 : vector<1000x1xf32>
    %rsqrt3A = math.rsqrt %add3A : vector<1000x1xf32>
    %jit3A = arith.constant 0.000000e+00 : f32
    %broadcast_in_dim3A = vector.broadcast %jit3A : f32 to vector<1000x1xf32>
    %select_n3A = arith.select %gt3A_10, %rsqrt3A, %broadcast_in_dim3A : vector<1000x1xi1>, vector<1000x1xf32>
    %get3A_11 = arith.constant 0 : index
    %get3A_12 = arith.constant 0 : index
    %get3A_13 = arith.constant 0 : index
    %get3A_14 = vector.load %arg1[%get3A_11, %get3A_12, %get3A_13] : memref<2x1000x128xf32, #tpu.memory_space<vmem>>, vector<1x1000x128xf32>
    %get3A_15 = vector.shape_cast %get3A_14 : vector<1x1000x128xf32> to vector<1000x128xf32>
    %get3A_16 = arith.constant 1 : index
    %get3A_17 = arith.constant 0 : index
    %get3A_18 = arith.constant 0 : index
    %get3A_19 = vector.load %arg1[%get3A_16, %get3A_17, %get3A_18] : memref<2x1000x128xf32, #tpu.memory_space<vmem>>, vector<1x1000x128xf32>
    %get3A_20 = vector.shape_cast %get3A_19 : vector<1x1000x128xf32> to vector<1000x128xf32>
    %add3A_21 = arith.addf %get3A_15, %get3A_20 : vector<1000x128xf32>
    %mul3A = vector.broadcast %select_n3A : vector<1000x1xf32> to vector<1000x128xf32>
    %mul3A_22 = arith.mulf %add3A_21, %mul3A : vector<1000x128xf32>
    %get3A_23 = arith.constant 0 : index
    %get3A_24 = arith.constant 0 : index
    %get3A_25 = vector.load %arg3[%get3A_23, %get3A_24] : memref<1x128xf32, #tpu.memory_space<vmem>>, vector<1x128xf32>
    %add3A_26 = vector.broadcast %get3A_25 : vector<1x128xf32> to vector<1000x128xf32>
    %add3A_27 = arith.addf %mul3A_22, %add3A_26 : vector<1000x128xf32>
    %iota3A = tpu.iota {dimensions = array<i32: 1>} : vector<1000x128xi32>
    %lt3A = arith.constant 2 : i32
    %lt3A_28 = vector.broadcast %lt3A : i32 to vector<1000x128xi32>
    %lt3A_29 = arith.cmpi slt, %iota3A, %lt3A_28 : vector<1000x128xi32>
    %jit3A_30 = arith.constant -1.000000e+30 : f32
    %broadcast_in_dim3A_31 = vector.broadcast %jit3A_30 : f32 to vector<1000x128xf32>
    %select_n3A_32 = arith.select %lt3A_29, %add3A_27, %broadcast_in_dim3A_31 : vector<1000x128xi1>, vector<1000x128xf32>
    %reduce_max3A = arith.constant dense<0xFF800000> : vector<1000xf32>
    %reduce_max3A_33 = vector.multi_reduction <maximumf>, %select_n3A_32, %reduce_max3A [1] : vector<1000x128xf32> to vector<1000xf32>
    %broadcast_in_dim3A_34 = vector.shape_cast %reduce_max3A_33 : vector<1000xf32> to vector<1000x1xf32>
    %sub3A = vector.broadcast %broadcast_in_dim3A_34 : vector<1000x1xf32> to vector<1000x128xf32>
    %sub3A_35 = arith.subf %add3A_27, %sub3A : vector<1000x128xf32>
    %exp3A = math.exp %sub3A_35 : vector<1000x128xf32>
    %jit3A_36 = arith.constant 0.000000e+00 : f32
    %broadcast_in_dim3A_37 = vector.broadcast %jit3A_36 : f32 to vector<1000x128xf32>
    %select_n3A_38 = arith.select %lt3A_29, %exp3A, %broadcast_in_dim3A_37 : vector<1000x128xi1>, vector<1000x128xf32>
    %reduce_sum3A = arith.constant dense<0.000000e+00> : vector<1000xf32>
    %reduce_sum3A_39 = vector.multi_reduction <add>, %select_n3A_38, %reduce_sum3A [1] : vector<1000x128xf32> to vector<1000xf32>
    %broadcast_in_dim3A_40 = vector.shape_cast %reduce_sum3A_39 : vector<1000xf32> to vector<1000x1xf32>
    %log3A = math.log %broadcast_in_dim3A_40 : vector<1000x1xf32>
    %add3A_41 = arith.addf %broadcast_in_dim3A_34, %log3A : vector<1000x1xf32>
    %sub3A_42 = vector.broadcast %add3A_41 : vector<1000x1xf32> to vector<1000x128xf32>
    %sub3A_43 = arith.subf %add3A_27, %sub3A_42 : vector<1000x128xf32>
    %swap3A = arith.constant 0 : index
    %swap3A_44 = arith.constant 0 : index
    %swap3A_45 = vector.load %arg4[%swap3A, %swap3A_44] : memref<1000x128xf32, #tpu.memory_space<vmem>>, vector<1000x128xf32>
    tpu.vector_store %arg4[%swap3A, %swap3A_44], %sub3A_43 {strides = array<i32>} : memref<1000x128xf32, #tpu.memory_space<vmem>>, vector<1000x128xf32>,
    return
  }
  func.func @transform_0(%arg0: i32) -> (i32, i32, i32) {
    %c0_i32 = arith.constant 0 : i32
    %c0_i32_0 = arith.constant 0 : i32
    %c0_i32_1 = arith.constant 0 : i32
    return %c0_i32, %arg0, %c0_i32_0 : i32, i32, i32
  }
  func.func @transform_1(%arg0: i32) -> (i32, i32, i32) {
    %c0_i32 = arith.constant 0 : i32
    %c0_i32_0 = arith.constant 0 : i32
    %c0_i32_1 = arith.constant 0 : i32
    return %c0_i32, %arg0, %c0_i32_0 : i32, i32, i32
  }
  func.func @transform_2(%arg0: i32) -> (i32, i32) {
    %c0_i32 = arith.constant 0 : i32
    %c0_i32_0 = arith.constant 0 : i32
    %c0_i32_1 = arith.constant 0 : i32
    return %c0_i32, %c0_i32_0 : i32, i32
  }
  func.func @transform_3(%arg0: i32) -> (i32, i32) {
    %c0_i32 = arith.constant 0 : i32
    %c0_i32_0 = arith.constant 0 : i32
    return %arg0, %c0_i32 : i32, i32
  }
}

</mosaic_0001>

<sc_bundles>
// kernel: kernel.12.cloned.1.call-start
scs
__scs_entry_jumppad:
0x0: {  	(pc) =	sbr.rel $0x88, $3  }
0x1: {  	(tag) =	ssettag $0x0;
	lr =	simm.s32 $0x1  }
0x2: {  	[smem:$0x3F91] =	sst lr;
	_ =	strace $0xD0000000  }
0x3: {  	_ = 	snop  }
0x4: {  	_ = 	snop  }
0x5: {  	_ = 	snop  }
0x6: {  	_ = 	snop  }
0x7: {  	_ = 	snop  }
__scs_overlays_trampoline_lowered:
0x8: {  	[smem:$0x3FA0] =	sst s0  }
0x9: {  	[smem:$0x3FA1] =	sst s1  }
0xa: {  	[smem:$0x3FA2] =	sst s2  }
0xb: {  	[smem:$0x3FA3] =	sst s3  }
0xc: {  	[smem:$0x3FA4] =	sst s4  }
0xd: {  	[smem:$0x3FA5] =	sst s5  }
0xe: {  	[smem:$0x3FA6] =	sst s6  }
0xf: {  	[smem:$0x3FA7] =	sst s7  }
0x10: {  	[smem:$0x3FA8] =	sst s8  }
0x11: {  	[smem:$0x3FA9] =	sst s9;
	s0 =	simm.s32 @!p0 $0x0  }
0x12: {  	s1 =	sld [smem:$0x3F8F];
	s0 =	simm.s32 @p0 $0x1  }
0x13: {  	[smem:$0x3FAA] =	sst s0;
	s0 =	simm.s32 @!p1 $0x0  }
0x14: {  	s2 =	sld [smem:$0x3F8E];
	s0 =	simm.s32 @p1 $0x1  }
0x15: {  	[smem:$0x3FAB] =	sst s0;
	s0 =	simm.s32 @!p2 $0x0  }
0x16: {  	s3 =	sld [smem:$0x3FDB];
	s0 =	simm.s32 @p2 $0x1  }
0x17: {  	s4 =	simm.s32 $0x1BF5;
	[smem:$0x3FAD] =	sst s0  }
0x18: {  	s0 =	sld [smem:$0x3F90];
	_ =	swait.ge [sflag:s4], $0x0  }
0x19: {  	s7 =	sld [smem:$0x3F91]  }
0x1a: {  	s8 =	sadd.s32 $0xFFFFE003, lr  }
0x1b: {  	s9 =	sadd.s32 $0xFFFFFEF7, lr;
	s5 =	simm.s32 $0xFFFFFFFF;
	p2 =	slt.u32 s8, $0xFFFFF086  }
0x1c: {  	p1 =	slt.u32 s9, $0xF7A;
	s5 =	simm.s32 @!p2 $0x0  }
0x1d: {  	s5 =	simm.s32 @p1 $0x1;
	p0 =	seq.s32 s7, s2  }
0x1e: {  	s7 =	smul.u32 @!p0 $0xF7A, s2;
	p2 =	seq.s32 @!p0 s5, $0x0  }
0x1f: {  	s9 =	smul.u32 $0xF7A, s1;
	s8 =	simm.s32 @!p0 $0x1BF5;
	p2 =	por !p2, p0  }
0x20: {  	[sflag:s8] =	ssyncset.s32 @!p0 $0xFFFFF086;
	s6 =	sadd.s32 @!p0 s3, s7;
	s7 =	simm.s32 @!p0 $0x108  }
0x21: {  	s3 =	sadd.s32 s3, s9;
	s6 =	sadd.s32 @!p0 $0x88, s6;
	s7 =	simm.s32 @p2 $0x1082  }
0x22: {  	[simem:s7], [sflag:s8] =	dma.local @!p0 [hbm:s6], $0xF7A  }
0x23: {  	s9 =	sor.u32 $0xD0000000, s2;
	s6 =	simm.s32 $0x108;
	_ =	swait.ge @!p0 [sflag:s8], $0x0  }
0x24: {  	s3 =	sadd.s32 $0x88, s3;
	s6 =	simm.s32 @!p1 $0x1082;
	[sflag:s4] =	ssyncset.s32 $0xFFFFF086  }
0x25: {  	[simem:s6], [sflag:s4] =	dma.local [hbm:s3], $0xF7A  }
0x26: {  	[smem:$0x3F91] =	sst s1;
	(tag) =	ssettag s2;
	_ =	strace s9  }
0x27: {  	s1 =	sld [smem:$0x3FA1]  }
0x28: {  	s2 =	sld [smem:$0x3FA2]  }
0x29: {  	s4 =	sld [smem:$0x3FA4]  }
0x2a: {  	p0 =	seq.s32 s5, $0x0;
	s5 =	sld [smem:$0x3FA5]  }
0x2b: {  	s6 =	sld [smem:$0x3FA6]  }
0x2c: {  	s7 =	sld [smem:$0x3FA7]  }
0x2d: {  	s3 =	simm.s32 $0x108;
	s8 =	sld [smem:$0x3FA8]  }
0x2e: {  	s3 =	simm.s32 @!p0 $0x1082;
	s9 =	sld [smem:$0x3FA9]  }
0x2f: {  	lr =	sadd.s32 s0, s3;
	s0 =	sld [smem:$0x3FA0]  }
0x30: {  	s3 =	sld [smem:$0x3FA3]  }
0x31: {  	[smem:$0x3FAC] =	sst s10  }
0x32: {  	s10 =	sld [smem:$0x3FAA];
	_ =	sdelay $0x3  }
0x33: {  	p0 =	seq.s32 s10, $0x1;
	s10 =	sld [smem:$0x3FAC];
	_ =	sdelay $0x3  }
0x34: {  	[smem:$0x3FAC] =	sst s10  }
0x35: {  	s10 =	sld [smem:$0x3FAB];
	_ =	sdelay $0x3  }
0x36: {  	p1 =	seq.s32 s10, $0x1;
	s10 =	sld [smem:$0x3FAC];
	_ =	sdelay $0x3  }
0x37: {  	[smem:$0x3FAC] =	sst s10  }
0x38: {  	s10 =	sld [smem:$0x3FAD]  }
0x39: {  	_ = 	snop;
	(pc) =	sbr.ind lr, $3  }
0x3a: {  	_ = 	snop  }
0x3b: {  	_ = 	snop  }
0x3c: {  	p2 =	seq.s32 s10, $0x1;
	s10 =	sld [smem:$0x3FAC]  }
0x3d: {  	_ =	shalt  }
0x3e: {  	_ =	shalt  }
0x3f: {  	_ =	shalt  }
0x40: {  	_ =	shalt  }
0x41: {  	_ =	shalt  }
0x42: {  	_ =	shalt  }
0x43: {  	_ =	shalt  }
0x44: {  	_ =	shalt  }
0x45: {  	_ =	shalt  }
0x46: {  	_ =	shalt  }
0x47: {  	_ =	shalt  }
0x48: {  	_ =	shalt  }
0x49: {  	_ =	shalt  }
0x4a: {  	_ =	shalt  }
0x4b: {  	_ =	shalt  }
0x4c: {  	_ =	shalt  }
0x4d: {  	_ =	shalt  }
0x4e: {  	_ =	shalt  }
0x4f: {  	_ =	shalt  }
0x50: {  	_ =	shalt  }
0x51: {  	_ =	shalt  }
0x52: {  	_ =	shalt  }
0x53: {  	_ =	shalt  }
0x54: {  	_ =	shalt  }
0x55: {  	_ =	shalt  }
0x56: {  	_ =	shalt  }
0x57: {  	_ =	shalt  }
0x58: {  	_ =	shalt  }
0x59: {  	_ =	shalt  }
0x5a: {  	_ =	shalt  }
0x5b: {  	_ =	shalt  }
0x5c: {  	_ =	shalt  }
0x5d: {  	_ =	shalt  }
0x5e: {  	_ =	shalt  }
0x5f: {  	_ =	shalt  }
0x60: {  	_ =	shalt  }
0x61: {  	_ =	shalt  }
0x62: {  	_ =	shalt  }
0x63: {  	_ =	shalt  }
0x64: {  	_ =	shalt  }
0x65: {  	_ =	shalt  }
0x66: {  	_ =	shalt  }
0x67: {  	_ =	shalt  }
0x68: {  	_ =	shalt  }
0x69: {  	_ =	shalt  }
0x6a: {  	_ =	shalt  }
0x6b: {  	_ =	shalt  }
0x6c: {  	_ =	shalt  }
0x6d: {  	_ =	shalt  }
0x6e: {  	_ =	shalt  }
0x6f: {  	_ =	shalt  }
0x70: {  	_ =	shalt  }
0x71: {  	_ =	shalt  }
0x72: {  	_ =	shalt  }
0x73: {  	_ =	shalt  }
0x74: {  	_ =	shalt  }
0x75: {  	_ =	shalt  }
0x76: {  	_ =	shalt  }
0x77: {  	_ =	shalt  }
0x78: {  	_ =	shalt  }
0x79: {  	_ =	shalt  }
0x7a: {  	_ =	shalt  }
0x7b: {  	_ =	shalt  }
0x7c: {  	_ =	shalt  }
0x7d: {  	_ =	shalt  }
0x7e: {  	_ =	shalt  }
0x7f: {  	_ =	shalt  }
0x80: {  	_ =	shalt  }
0x81: {  	_ =	shalt  }
0x82: {  	_ =	shalt  }
0x83: {  	_ =	shalt  }
0x84: {  	_ =	shalt  }
0x85: {  	_ =	shalt  }
0x86: {  	_ =	shalt  }
0x87: {  	_ =	shalt  }
.Lfunc_end0:
.L_simem_size_0:
called_computation_lowered:
.L_overlay_start_0:
0x88: {  	s2 =	sld [smem:$0x3FD9]  }
0x89: {  	s3 =	sld [smem:$0x3FFE];
	_ =	sdelay $0x1  }
0x8a: {  	s1 =	srdreg.scid  }
0x8b: {  	s0 =	sand.u32 $0x1, s1  }
0x8c: {  	s16 =	sshll.u32 s0, $0xA;
	s2 =	sadd.s32 s3, s2  }
0x8d: {  	s2 =	sadd.s32 s2, s16  }
0x8e: {  	[smem:$0x3FB8] =	sst s2  }
0x8f: {  	_ = 	snop  }
0x90: {  	(tm) =	ssettm $0x1  }
0x91: {  	s17 =	sld [smem:$0x3FFB];
	_ =	sdelay $0x3  }
0x92: {  	_ =	strace s17  }
0x93: {  	s2 =	sld [smem:$0x3FFC];
	_ =	sdelay $0x3  }
0x94: {  	_ =	strace s2  }
0x95: {  	s2 =	sld [smem:$0x3FFD];
	_ =	sdelay $0x3  }
0x96: {  	_ =	strace s2  }
0x97: {  	_ =	strace $0x8FFFFFFF  }
0x98: {  	s18 =	sld [smem:$0x3FDB];
	_ =	sdelay $0x1  }
0x99: {  	s19 =	simm.s32 $_scs_section_size  }
0x9a: {  	s4 =	simm.s32 $_size__tile_overlayer_lowered;
	s5 =	simm.s32 $_tile_overlayer_lowered  }
0x9b: {  	s22 =	simm.s32 $0x1BFF;
	s21 =	sshll.u32 s5, $0x1;
	s2 =	sadd.s32 s19, s18  }
0x9c: {  	s6 =	simm.s32 $0x0;
	s20 =	sshll.u32 s4, $0x1;
	s4 =	sadd.s32 s21, s2  }
0x9d: {  	[timem:s6], [sflag:s22] =	dma.local [hbm:s4], s20  }
0x9e: {  	_ =	swait.ge [sflag:s22], s20  }
0x9f: {  	s3 =	ssub.s32 $0x0, s20;
	[sflag:s22] =	ssyncset.done $0x0  }
0xa0: {  	[sflag:s22] =	ssyncadd.s32 s3;
	_ =	sdelay $0x1  }
0xa1: {  	s23 =	simm.s32 $0x1B8B  }
0xa2: {  	_ =	swait.ge [sflag:s23], $0x1  }
0xa3: {  	[sflag:s23] =	ssyncset.done $0x0  }
0xa4: {  	s25 =	simm.s32 $0x1B8E;
	s24 =	sld [smem:$0x3FFE];
	[sflag:s23] =	ssyncadd.s32 $0xFFFFFFFF  }
0xa5: {  	s26 =	simm.s32 $execute0_lowered;
	[smem:$0x3FD2] =	sst s25  }
0xa6: {  	s4 =	sshll.u32 s26, $0x1;
	_ =	strace $0x80000046;
	[dreg:$0x1] =	wrdreg $0xFFFFFFFF  }
0xa7: {  	s28 =	simm.s32 $_size_execute0_lowered;
	s2 =	sadd.s32 s2, s4;
	[dreg:$0x0] =	wrdreg $0x0  }
0xa8: {  	s4 =	sshll.u32 s28, $0x1;
	[dreg:$0x2] =	wrdreg s2  }
0xa9: {  	[dreg:$0x3] =	wrdreg s4  }
0xaa: {  	[dreg:$0x4] =	wrdreg $0xC0  }
0xab: {  	_ =	task [dreg:s6], $0x5FFFF  }
0xac: {  	[dreg:$0x1] =	wrdreg $0xFFFFFFFF  }
0xad: {  	[dreg:$0x0] =	wrdreg $0x60  }
0xae: {  	[dreg:$0x2] =	wrdreg s24  }
0xaf: {  	[dreg:$0x3] =	wrdreg $0x60800  }
0xb0: {  	[dreg:$0x4] =	wrdreg $0x9  }
0xb1: {  	_ =	task.clear_ibuf [dreg:s6], $0x5FFFF;
	_ =	strace $0x90000046  }
0xb2: {  	s29 =	simm.s32 $0x9;
	_ =	strace $0x80000048  }
0xb3: {  	_ =	swait.ge [sflag:s29], $0x1  }
0xb4: {  	[sflag:s29] =	ssyncadd.s32 $0xFFFFFFFF  }
0xb5: {  	_ =	strace $0x90000048  }
0xb6: {  	_ =	sfence  }
0xb7: {  	s30 =	sld [smem:$0x0];
	_ =	sdelay $0x2  }
0xb8: {  	s31 =	sshll.u32 s1, $0xD;
	s1 =	sshrl.u32 s1, $0x2  }
0xb9: {  	s3 =	sand.u32 $0x4000, s31;
	s1 =	sadd.s32 s1, s30  }
0xba: {  	s0 =	sor.u32 s3, s0;
	s1 =	sshll.u32 s1, $0x11  }
0xbb: {  	s0 =	sor.u32 s1, s0  }
0xbc: {  	s0 =	sadd.s32 $0x8F2B, s0  }
0xbd: {  	[sflag:s0] =	ssyncadd.remote.s32 $0x1  }
0xbe: {  	_ =	sfence.sel $0xFFFF  }
0xbf: {  	[dreg:$0x0] =	wrdreg $0xFFFFFFFF;
	(pc) =	sbr.abs _section_cstart, $3  }
0xc0: {  	[dreg:$0x1] =	wrdreg $0xFFFFFFFF  }
0xc1: {  	_ =	task.clear_ibuf [dreg:s6], $0x2FFFF;
	_ =	strace $0x9FFFFFFF  }
0xc2: {  	(tm) =	ssettm $0x7FFFFFFF  }
0xc3: {  	_ =	shalt  }
tec
execute0_lowered:
.L_overlay_start_1:
0x0: {  	(tag) =	ssettag $0x1  }
0x1: {  	s4 =	rddreg [dreg:$0x0]  }
0x2: {  	s2 =	rddreg [dreg:$0x1];
	s1 =	stileid.u32  }
0x3: {  	s0 =	rddreg [dreg:$0x2];
	s3 =	simm.s32 $0x0;
	s5 =	smul.u32 $0xA20, s1  }
0x4: {  	s6 =	srdreg.scid;
	s18 =	simm.s32 $0x80;
	s29 =	smul.u32 $0x50000, s1  }
0x5: {  	[smem:$0x7FF] =	sst s3;
	s12 =	sand.u32 $0x1, s6;
	s20 =	smul.u32 $0x2800, s1  }
0x6: {  	_ =	strace $0x80000047;
	s7 =	smul.u32 $0x28000, s12;
	s30 =	ssub.s32 $0x2, s12  }
0x7: {  	s17 =	smul.u32 $0x510, s12;
	s15 =	sadd.s32 s5, s4;
	s6 =	sshrl.u32 s29, $0x2  }
0x8: {  	s31 =	sshrl.u32 s30, $0x1;
	s14 =	sadd.s32 s7, s4;
	s4 =	sadd.s32 s6, s2  }
0x9: {  	s16 =	ssub.s32 s30, s31;
	s15 =	sadd.s32 s17, s15;
	s17 =	simm.s32 $0x1  }
0xa: {  	s5 =	sadd.s32 $0x2000, s4;
	s6 =	sadd.s32 $0x4000, s4;
	s7 =	sadd.s32 $0x6000, s4  }
0xb: {  	s8 =	sadd.s32 $0x8000, s4;
	s9 =	sadd.s32 $0xA000, s4;
	s10 =	sadd.s32 $0xC000, s4  }
0xc: {  	s11 =	sadd.s32 $0xE000, s4;
	s12 =	sadd.s32 $0x10000, s4;
	s13 =	sadd.s32 $0x12000, s4  }
0xd: {  	s19 =	sadd.s32 $0xDE00, s14;
	s14 =	smax.u32 s16, $0x1;
	s15 =	sadd.s32 $0x3C00, s15  }
0xe: {  	v0 =	vimm.f32 $0.0e+00;
	v1 =	vimm.f32 $1.000000000e+00;
	s16 =	simm.s32 $0x4080;
	s19 =	sadd.s32 s20, s19;
	s20 =	simm.s32 $0x0  }
.LBB2_1:
0xf: {  	s21 =	simm.s32 $0x0;
	s22 =	simm.s32 $0x200  }
.LBB2_2:
0x10: {  	p0 =	sne.s32 s22, $0x7E00;
	[tilespmem:s21+$0xF0] =	vst v1  }
0x11: {  	[tilespmem:s21+$0x4080] =	vst v0  }
0x12: {  	[tilespmem:s21+$0x80] =	vst v1  }
0x13: {  	[tilespmem:s21+$0x4090] =	vst v0  }
0x14: {  	[tilespmem:s21+$0x90] =	vst v1  }
0x15: {  	[tilespmem:s21+$0x40A0] =	vst v0  }
0x16: {  	[tilespmem:s21+$0xA0] =	vst v1  }
0x17: {  	[tilespmem:s21+$0x40B0] =	vst v0  }
0x18: {  	[tilespmem:s21+$0xB0] =	vst v1  }
0x19: {  	[tilespmem:s21+$0x40C0] =	vst v0  }
0x1a: {  	[tilespmem:s21+$0xC0] =	vst v1  }
.Ltmp0:
0x1b: {  	[tilespmem:s21+$0x40D0] =	vst v0;
	(pc) =	sbr.rel @p0 .LBB2_2-.Ltmp0, $4  }
0x1c: {  	[tilespmem:s21+$0xD0] =	vst v1  }
0x1d: {  	[tilespmem:s21+$0x40E0] =	vst v0  }
0x1e: {  	[tilespmem:s21+$0xE0] =	vst v1  }
0x1f: {  	[tilespmem:s21+$0x40F0] =	vst v0;
	s21 =	sshra.s32 s22, $0x2;
	s22 =	sadd.s32 $0x200, s22  }
0x20: {  	[tilespmem:s21+$0xF0] =	vst v1  }
0x21: {  	[tilespmem:s21+$0x4080] =	vst v0  }
0x22: {  	[tilespmem:s21+$0x80] =	vst v1  }
0x23: {  	[tilespmem:s21+$0x4090] =	vst v0  }
0x24: {  	[tilespmem:s21+$0x90] =	vst v1  }
0x25: {  	[tilespmem:s21+$0x40A0] =	vst v0  }
0x26: {  	[tilespmem:s21+$0xA0] =	vst v1  }
0x27: {  	[tilespmem:s21+$0x40B0] =	vst v0  }
0x28: {  	[tilespmem:s21+$0xB0] =	vst v1  }
0x29: {  	[tilespmem:s21+$0x40C0] =	vst v0  }
0x2a: {  	[tilespmem:s21+$0xC0] =	vst v1  }
0x2b: {  	[tilespmem:s21+$0x40D0] =	vst v0  }
0x2c: {  	[tilespmem:s21+$0xD0] =	vst v1  }
0x2d: {  	[tilespmem:s21+$0x40E0] =	vst v0  }
0x2e: {  	[tilespmem:s21+$0xE0] =	vst v1  }
0x2f: {  	[tilespmem:s21+$0x40F0] =	vst v0;
	s21 =	simm.s32 $0x0;
	s22 =	simm.s32 $0x200  }
.LBB2_4:
0x30: {  	p0 =	sne.s32 s22, $0x7E00;
	[tilespmem:s21+$0x20F0] =	vst v1  }
0x31: {  	[tilespmem:s21+$0x2080] =	vst v1  }
0x32: {  	[tilespmem:s21+$0x2090] =	vst v1  }
.Ltmp1:
0x33: {  	[tilespmem:s21+$0x20A0] =	vst v1;
	(pc) =	sbr.rel @p0 .LBB2_4-.Ltmp1, $4  }
0x34: {  	[tilespmem:s21+$0x20B0] =	vst v1  }
0x35: {  	[tilespmem:s21+$0x20C0] =	vst v1  }
0x36: {  	[tilespmem:s21+$0x20D0] =	vst v1  }
0x37: {  	[tilespmem:s21+$0x20E0] =	vst v1;
	s21 =	sshra.s32 s22, $0x2;
	s22 =	sadd.s32 $0x200, s22  }
0x38: {  	[tilespmem:s21+$0x20F0] =	vst v1  }
0x39: {  	[tilespmem:s21+$0x2080] =	vst v1  }
0x3a: {  	[tilespmem:s21+$0x2090] =	vst v1  }
0x3b: {  	[tilespmem:s21+$0x20A0] =	vst v1  }
0x3c: {  	[tilespmem:s21+$0x20B0] =	vst v1  }
0x3d: {  	[tilespmem:s21+$0x20C0] =	vst v1  }
0x3e: {  	[tilespmem:s21+$0x20D0] =	vst v1  }
0x3f: {  	[tilespmem:s21+$0x20E0] =	vst v1  }
0x40: {  	[spmem:s4] =	stream.linear.scatter [tilespmem:s16], [sflag:$0x1], $0x2000, $0x38;
	[tilespmem:$0x1A080] =	vst v63  }
0x41: {  	_ =	swait.ge [sflag:s17], $0x2000  }
0x42: {  	[sflag:s17] =	ssyncset.done $0x0  }
0x43: {  	[sflag:s17] =	ssyncadd.s32 $0xFFFFE000  }
0x44: {  	[spmem:s5] =	stream.linear.scatter [tilespmem:s16], [sflag:$0x1], $0x2000, $0x38;
	[tilespmem:$0x1A080] =	vst v63  }
0x45: {  	_ =	swait.ge [sflag:s17], $0x2000  }
0x46: {  	[sflag:s17] =	ssyncset.done $0x0  }
0x47: {  	[sflag:s17] =	ssyncadd.s32 $0xFFFFE000  }
0x48: {  	[spmem:s6] =	stream.linear.scatter [tilespmem:s16], [sflag:$0x1], $0x2000, $0x38;
	[tilespmem:$0x1A080] =	vst v63  }
0x49: {  	_ =	swait.ge [sflag:s17], $0x2000  }
0x4a: {  	[sflag:s17] =	ssyncset.done $0x0  }
0x4b: {  	[sflag:s17] =	ssyncadd.s32 $0xFFFFE000  }
0x4c: {  	[spmem:s7] =	stream.linear.scatter [tilespmem:s16], [sflag:$0x1], $0x2000, $0x38;
	[tilespmem:$0x1A080] =	vst v63  }
0x4d: {  	_ =	swait.ge [sflag:s17], $0x2000  }
0x4e: {  	[sflag:s17] =	ssyncset.done $0x0  }
0x4f: {  	[sflag:s17] =	ssyncadd.s32 $0xFFFFE000  }
0x50: {  	[spmem:s8] =	stream.linear.scatter [tilespmem:s16], [sflag:$0x1], $0x2000, $0x38;
	[tilespmem:$0x1A080] =	vst v63  }
0x51: {  	_ =	swait.ge [sflag:s17], $0x2000  }
0x52: {  	[sflag:s17] =	ssyncset.done $0x0  }
0x53: {  	[sflag:s17] =	ssyncadd.s32 $0xFFFFE000  }
0x54: {  	[spmem:s9] =	stream.linear.scatter [tilespmem:s16], [sflag:$0x1], $0x2000, $0x38;
	[tilespmem:$0x1A080] =	vst v63  }
0x55: {  	_ =	swait.ge [sflag:s17], $0x2000  }
0x56: {  	[sflag:s17] =	ssyncset.done $0x0  }
0x57: {  	[sflag:s17] =	ssyncadd.s32 $0xFFFFE000  }
0x58: {  	[spmem:s10] =	stream.linear.scatter [tilespmem:s16], [sflag:$0x1], $0x2000, $0x38;
	[tilespmem:$0x1A080] =	vst v63  }
0x59: {  	_ =	swait.ge [sflag:s17], $0x2000  }
0x5a: {  	[sflag:s17] =	ssyncset.done $0x0  }
0x5b: {  	[sflag:s17] =	ssyncadd.s32 $0xFFFFE000  }
0x5c: {  	[spmem:s11] =	stream.linear.scatter [tilespmem:s16], [sflag:$0x1], $0x2000, $0x38;
	[tilespmem:$0x1A080] =	vst v63  }
0x5d: {  	_ =	swait.ge [sflag:s17], $0x2000  }
0x5e: {  	[sflag:s17] =	ssyncset.done $0x0  }
0x5f: {  	[sflag:s17] =	ssyncadd.s32 $0xFFFFE000  }
0x60: {  	[spmem:s12] =	stream.linear.scatter [tilespmem:s16], [sflag:$0x1], $0x2000, $0x38;
	[tilespmem:$0x1A080] =	vst v63  }
0x61: {  	_ =	swait.ge [sflag:s17], $0x2000  }
0x62: {  	[sflag:s17] =	ssyncset.done $0x0  }
0x63: {  	[sflag:s17] =	ssyncadd.s32 $0xFFFFE000  }
0x64: {  	[spmem:s13] =	stream.linear.scatter [tilespmem:s16], [sflag:$0x1], $0x2000, $0x38;
	[tilespmem:$0x1A080] =	vst v63  }
0x65: {  	_ =	swait.ge [sflag:s17], $0x2000  }
0x66: {  	[sflag:s17] =	ssyncset.done $0x0  }
0x67: {  	[sflag:s17] =	ssyncadd.s32 $0xFFFFE000  }
0x68: {  	s31 =	sadd.s32 $0x0, s15;
	[bflag:$0x0] =	sbarrier.arrive $0xFFFF  }
0x69: {  	[tilespmem:s3], [sflag:$0x1] =	stream.linear.gather [hbm4b:s31+s3], $0x80, $0x38;
	[tilespmem:$0x1A080] =	vst v63  }
0x6a: {  	_ =	swait.ge [sflag:s17], $0x80  }
0x6b: {  	[sflag:s17] =	ssyncset.done $0x0  }
0x6c: {  	[sflag:s17] =	ssyncadd.s32 $0xFFFFFF80  }
0x6d: {  	[spmem:s2] =	stream.indirect.scatter.add.f32 [tilespmem:s18], [sflag:$0x1], $0x80, s3, s18, $0xb8;
	[tilespmem:$0x1A080] =	vst v63  }
0x6e: {  	_ =	swait.ge [sflag:s17], $0x4000  }
0x6f: {  	s21 =	simm.s32 $0x10;
	s22 =	simm.s32 $0x20;
	[sflag:s17] =	ssyncset.done $0x0  }
.LBB2_6:
0x70: {  	s23 =	sadd.s32 s21, s15  }
0x71: {  	[sflag:s17] =	ssyncadd.s32 $0xFFFFC000;
	s21 =	smov.u32 s22;
	s24 =	sadd.s32 $0x10, s22  }
0x72: {  	[tilespmem:s3], [sflag:$0x1] =	stream.linear.gather [hbm4b:s23+s3], $0x80, $0x38;
	[tilespmem:$0x1A080] =	vst v63  }
0x73: {  	p0 =	sne.s32 s22, $0x500;
	_ =	swait.ge [sflag:s17], $0x80  }
.Ltmp2:
0x74: {  	[sflag:s17] =	ssyncset.done $0x0;
	(pc) =	sbr.rel @p0 .LBB2_6-.Ltmp2, $4  }
0x75: {  	[sflag:s17] =	ssyncadd.s32 $0xFFFFFF80  }
0x76: {  	[spmem:s2] =	stream.indirect.scatter.add.f32 [tilespmem:s18], [sflag:$0x1], $0x80, s3, s18, $0xb8;
	[tilespmem:$0x1A080] =	vst v63  }
0x77: {  	_ =	swait.ge [sflag:s17], $0x4000  }
0x78: {  	s22 =	smov.u32 s24;
	[sflag:s17] =	ssyncset.done $0x0  }
0x79: {  	s21 =	sadd.s32 s21, s15;
	[sflag:s17] =	ssyncadd.s32 $0xFFFFC000  }
0x7a: {  	[tilespmem:s3], [sflag:$0x1] =	stream.linear.gather [hbm4b:s21+s3], $0x80, $0x38;
	[tilespmem:$0x1A080] =	vst v63  }
0x7b: {  	_ =	swait.ge [sflag:s17], $0x80  }
0x7c: {  	[sflag:s17] =	ssyncset.done $0x0  }
0x7d: {  	[sflag:s17] =	ssyncadd.s32 $0xFFFFFF80  }
0x7e: {  	[spmem:s2] =	stream.indirect.scatter.add.f32 [tilespmem:s18], [sflag:$0x1], $0x80, s3, s18, $0xb8;
	[tilespmem:$0x1A080] =	vst v63  }
0x7f: {  	_ =	swait.ge [sflag:s17], $0x4000  }
0x80: {  	s31 =	sshll.u32 s1, $0x6;
	s20 =	sadd.s32 $0x1, s20;
	[sflag:s17] =	ssyncset.done $0x0  }
0x81: {  	s22 =	sshrl.u32 s4, $0x3;
	p0 =	sne.s32 s20, s14;
	[sflag:s17] =	ssyncadd.s32 $0xFFFFC000  }
.Ltmp3:
0x82: {  	s21 =	sor.u32 $0x1C01, s31;
	[bflag:$0x0] =	sbarrier.arrive $0xFFFF;
	(pc) =	sbr.rel @p0 .LBB2_1-.Ltmp3, $4  }
0x83: {  	[hbm:s19], [sflag:s21] =	dma.local [spmem:s22], $0x2800  }
0x84: {  	_ =	swait.ge [sflag:s17], $0x2800  }
0x85: {  	[sflag:s17] =	ssyncset.done $0x0  }
0x86: {  	[sflag:s17] =	ssyncadd.s32 $0xFFFFD800  }
0x87: {  	_ =	sfence.sel $0x180000  }
0x88: {  	[bflag:$0x0] =	sbarrier.arrive $0xFFFF  }
0x89: {  	p0 =	sne.s32 s1, $0x0;
	_ =	strace $0x90000047  }
0x8a: {  	s0 =	sadd.s32 @!p0 $0x100000, s0;
	[bflag:$0x2] =	sbarrier.arrive $0xFFFF  }
0x8b: {  	[sflag:s0] =	ssyncadd.tile.s32 @!p0 $0x1;
	_ =	shalt  }
.Lfunc_end2:
_tile_overlayer_lowered:
.L_overlay_start_2:
0x8c: {  	(tag) =	ssettag $0x2  }
0x8d: {  	s0 =	rddreg [dreg:$0x0];
	s2 =	stileid.u32  }
0x8e: {  	s1 =	rddreg [dreg:$0x1];
	p0 =	sne.s32 s2, $0x0  }
0x8f: {  	s3 =	rddreg [dreg:$0x2];
	[bflag:$0x3] =	sbarrier.arrive $0xFFFF;
	s2 =	simm.s32 @!p0 $0x1C01  }
0x90: {  	[timem:s3], [sflag:s2] =	dma.local @!p0 [hbm:s0], s1  }
0x91: {  	s0 =	simm.s32 @!p0 $0x1  }
0x92: {  	_ =	swait.ge @!p0 [sflag:s0], s1  }
0x93: {  	s1 =	ssub.s32 @!p0 $0x0, s1;
	[sflag:s0] =	ssyncset.done @!p0 $0x0  }
0x94: {  	[sflag:s0] =	ssyncadd.s32 @!p0 s1  }
0x95: {  	[bflag:$0x3] =	sbarrier.arrive $0xFFFF  }
0x96: {  	_ =	shalt  }

// kernel: kernel.15.cloned.1.call-start
scs
__scs_entry_jumppad:
0x0: {  	(pc) =	sbr.rel $0x88, $3  }
0x1: {  	(tag) =	ssettag $0x0;
	lr =	simm.s32 $0x1  }
0x2: {  	[smem:$0x3F91] =	sst lr;
	_ =	strace $0xD0000000  }
0x3: {  	_ = 	snop  }
0x4: {  	_ = 	snop  }
0x5: {  	_ = 	snop  }
0x6: {  	_ = 	snop  }
0x7: {  	_ = 	snop  }
__scs_overlays_trampoline_lowered:
0x8: {  	[smem:$0x3FA0] =	sst s0  }
0x9: {  	[smem:$0x3FA1] =	sst s1  }
0xa: {  	[smem:$0x3FA2] =	sst s2  }
0xb: {  	[smem:$0x3FA3] =	sst s3  }
0xc: {  	[smem:$0x3FA4] =	sst s4  }
0xd: {  	[smem:$0x3FA5] =	sst s5  }
0xe: {  	[smem:$0x3FA6] =	sst s6  }
0xf: {  	[smem:$0x3FA7] =	sst s7  }
0x10: {  	[smem:$0x3FA8] =	sst s8  }
0x11: {  	[smem:$0x3FA9] =	sst s9;
	s0 =	simm.s32 @!p0 $0x0  }
0x12: {  	s1 =	sld [smem:$0x3F8F];
	s0 =	simm.s32 @p0 $0x1  }
0x13: {  	[smem:$0x3FAA] =	sst s0;
	s0 =	simm.s32 @!p1 $0x0  }
0x14: {  	s2 =	sld [smem:$0x3F8E];
	s0 =	simm.s32 @p1 $0x1  }
0x15: {  	[smem:$0x3FAB] =	sst s0;
	s0 =	simm.s32 @!p2 $0x0  }
0x16: {  	s3 =	sld [smem:$0x3FDB];
	s0 =	simm.s32 @p2 $0x1  }
0x17: {  	s4 =	simm.s32 $0x1BF5;
	[smem:$0x3FAD] =	sst s0  }
0x18: {  	s0 =	sld [smem:$0x3F90];
	_ =	swait.ge [sflag:s4], $0x0  }
0x19: {  	s7 =	sld [smem:$0x3F91]  }
0x1a: {  	s8 =	sadd.s32 $0xFFFFE003, lr  }
0x1b: {  	s9 =	sadd.s32 $0xFFFFFEF7, lr;
	s5 =	simm.s32 $0xFFFFFFFF;
	p2 =	slt.u32 s8, $0xFFFFF086  }
0x1c: {  	p1 =	slt.u32 s9, $0xF7A;
	s5 =	simm.s32 @!p2 $0x0  }
0x1d: {  	s5 =	simm.s32 @p1 $0x1;
	p0 =	seq.s32 s7, s2  }
0x1e: {  	s7 =	smul.u32 @!p0 $0xF7A, s2;
	p2 =	seq.s32 @!p0 s5, $0x0  }
0x1f: {  	s9 =	smul.u32 $0xF7A, s1;
	s8 =	simm.s32 @!p0 $0x1BF5;
	p2 =	por !p2, p0  }
0x20: {  	[sflag:s8] =	ssyncset.s32 @!p0 $0xFFFFF086;
	s6 =	sadd.s32 @!p0 s3, s7;
	s7 =	simm.s32 @!p0 $0x108  }
0x21: {  	s3 =	sadd.s32 s3, s9;
	s6 =	sadd.s32 @!p0 $0x88, s6;
	s7 =	simm.s32 @p2 $0x1082  }
0x22: {  	[simem:s7], [sflag:s8] =	dma.local @!p0 [hbm:s6], $0xF7A  }
0x23: {  	s9 =	sor.u32 $0xD0000000, s2;
	s6 =	simm.s32 $0x108;
	_ =	swait.ge @!p0 [sflag:s8], $0x0  }
0x24: {  	s3 =	sadd.s32 $0x88, s3;
	s6 =	simm.s32 @!p1 $0x1082;
	[sflag:s4] =	ssyncset.s32 $0xFFFFF086  }
0x25: {  	[simem:s6], [sflag:s4] =	dma.local [hbm:s3], $0xF7A  }
0x26: {  	[smem:$0x3F91] =	sst s1;
	(tag) =	ssettag s2;
	_ =	strace s9  }
0x27: {  	s1 =	sld [smem:$0x3FA1]  }
0x28: {  	s2 =	sld [smem:$0x3FA2]  }
0x29: {  	s4 =	sld [smem:$0x3FA4]  }
0x2a: {  	p0 =	seq.s32 s5, $0x0;
	s5 =	sld [smem:$0x3FA5]  }
0x2b: {  	s6 =	sld [smem:$0x3FA6]  }
0x2c: {  	s7 =	sld [smem:$0x3FA7]  }
0x2d: {  	s3 =	simm.s32 $0x108;
	s8 =	sld [smem:$0x3FA8]  }
0x2e: {  	s3 =	simm.s32 @!p0 $0x1082;
	s9 =	sld [smem:$0x3FA9]  }
0x2f: {  	lr =	sadd.s32 s0, s3;
	s0 =	sld [smem:$0x3FA0]  }
0x30: {  	s3 =	sld [smem:$0x3FA3]  }
0x31: {  	[smem:$0x3FAC] =	sst s10  }
0x32: {  	s10 =	sld [smem:$0x3FAA];
	_ =	sdelay $0x3  }
0x33: {  	p0 =	seq.s32 s10, $0x1;
	s10 =	sld [smem:$0x3FAC];
	_ =	sdelay $0x3  }
0x34: {  	[smem:$0x3FAC] =	sst s10  }
0x35: {  	s10 =	sld [smem:$0x3FAB];
	_ =	sdelay $0x3  }
0x36: {  	p1 =	seq.s32 s10, $0x1;
	s10 =	sld [smem:$0x3FAC];
	_ =	sdelay $0x3  }
0x37: {  	[smem:$0x3FAC] =	sst s10  }
0x38: {  	s10 =	sld [smem:$0x3FAD]  }
0x39: {  	_ = 	snop;
	(pc) =	sbr.ind lr, $3  }
0x3a: {  	_ = 	snop  }
0x3b: {  	_ = 	snop  }
0x3c: {  	p2 =	seq.s32 s10, $0x1;
	s10 =	sld [smem:$0x3FAC]  }
0x3d: {  	_ =	shalt  }
0x3e: {  	_ =	shalt  }
0x3f: {  	_ =	shalt  }
0x40: {  	_ =	shalt  }
0x41: {  	_ =	shalt  }
0x42: {  	_ =	shalt  }
0x43: {  	_ =	shalt  }
0x44: {  	_ =	shalt  }
0x45: {  	_ =	shalt  }
0x46: {  	_ =	shalt  }
0x47: {  	_ =	shalt  }
0x48: {  	_ =	shalt  }
0x49: {  	_ =	shalt  }
0x4a: {  	_ =	shalt  }
0x4b: {  	_ =	shalt  }
0x4c: {  	_ =	shalt  }
0x4d: {  	_ =	shalt  }
0x4e: {  	_ =	shalt  }
0x4f: {  	_ =	shalt  }
0x50: {  	_ =	shalt  }
0x51: {  	_ =	shalt  }
0x52: {  	_ =	shalt  }
0x53: {  	_ =	shalt  }
0x54: {  	_ =	shalt  }
0x55: {  	_ =	shalt  }
0x56: {  	_ =	shalt  }
0x57: {  	_ =	shalt  }
0x58: {  	_ =	shalt  }
0x59: {  	_ =	shalt  }
0x5a: {  	_ =	shalt  }
0x5b: {  	_ =	shalt  }
0x5c: {  	_ =	shalt  }
0x5d: {  	_ =	shalt  }
0x5e: {  	_ =	shalt  }
0x5f: {  	_ =	shalt  }
0x60: {  	_ =	shalt  }
0x61: {  	_ =	shalt  }
0x62: {  	_ =	shalt  }
0x63: {  	_ =	shalt  }
0x64: {  	_ =	shalt  }
0x65: {  	_ =	shalt  }
0x66: {  	_ =	shalt  }
0x67: {  	_ =	shalt  }
0x68: {  	_ =	shalt  }
0x69: {  	_ =	shalt  }
0x6a: {  	_ =	shalt  }
0x6b: {  	_ =	shalt  }
0x6c: {  	_ =	shalt  }
0x6d: {  	_ =	shalt  }
0x6e: {  	_ =	shalt  }
0x6f: {  	_ =	shalt  }
0x70: {  	_ =	shalt  }
0x71: {  	_ =	shalt  }
0x72: {  	_ =	shalt  }
0x73: {  	_ =	shalt  }
0x74: {  	_ =	shalt  }
0x75: {  	_ =	shalt  }
0x76: {  	_ =	shalt  }
0x77: {  	_ =	shalt  }
0x78: {  	_ =	shalt  }
0x79: {  	_ =	shalt  }
0x7a: {  	_ =	shalt  }
0x7b: {  	_ =	shalt  }
0x7c: {  	_ =	shalt  }
0x7d: {  	_ =	shalt  }
0x7e: {  	_ =	shalt  }
0x7f: {  	_ =	shalt  }
0x80: {  	_ =	shalt  }
0x81: {  	_ =	shalt  }
0x82: {  	_ =	shalt  }
0x83: {  	_ =	shalt  }
0x84: {  	_ =	shalt  }
0x85: {  	_ =	shalt  }
0x86: {  	_ =	shalt  }
0x87: {  	_ =	shalt  }
.Lfunc_end0:
.L_simem_size_0:
called_computation.1_lowered:
.L_overlay_start_0:
0x88: {  	s2 =	sld [smem:$0x3FD9]  }
0x89: {  	s3 =	sld [smem:$0x3FFE];
	_ =	sdelay $0x1  }
0x8a: {  	s1 =	srdreg.scid  }
0x8b: {  	s0 =	sand.u32 $0x1, s1  }
0x8c: {  	s16 =	sshll.u32 s0, $0xA;
	s2 =	sadd.s32 s3, s2  }
0x8d: {  	s2 =	sadd.s32 s2, s16  }
0x8e: {  	[smem:$0x3FB8] =	sst s2  }
0x8f: {  	_ = 	snop  }
0x90: {  	(tm) =	ssettm $0x1  }
0x91: {  	s17 =	sld [smem:$0x3FFB];
	_ =	sdelay $0x3  }
0x92: {  	_ =	strace s17  }
0x93: {  	s2 =	sld [smem:$0x3FFC];
	_ =	sdelay $0x3  }
0x94: {  	_ =	strace s2  }
0x95: {  	s2 =	sld [smem:$0x3FFD];
	_ =	sdelay $0x3  }
0x96: {  	_ =	strace s2  }
0x97: {  	_ =	strace $0x8FFFFFFF  }
0x98: {  	s18 =	sld [smem:$0x3FDB];
	_ =	sdelay $0x1  }
0x99: {  	s19 =	simm.s32 $_scs_section_size  }
0x9a: {  	s4 =	simm.s32 $_size__tile_overlayer_lowered;
	s5 =	simm.s32 $_tile_overlayer_lowered  }
0x9b: {  	s22 =	simm.s32 $0x1BFF;
	s21 =	sshll.u32 s5, $0x1;
	s2 =	sadd.s32 s19, s18  }
0x9c: {  	s6 =	simm.s32 $0x0;
	s20 =	sshll.u32 s4, $0x1;
	s4 =	sadd.s32 s21, s2  }
0x9d: {  	[timem:s6], [sflag:s22] =	dma.local [hbm:s4], s20  }
0x9e: {  	_ =	swait.ge [sflag:s22], s20  }
0x9f: {  	s3 =	ssub.s32 $0x0, s20;
	[sflag:s22] =	ssyncset.done $0x0  }
0xa0: {  	[sflag:s22] =	ssyncadd.s32 s3;
	_ =	sdelay $0x1  }
0xa1: {  	s23 =	simm.s32 $0x1B8B  }
0xa2: {  	_ =	swait.ge [sflag:s23], $0x1  }
0xa3: {  	[sflag:s23] =	ssyncset.done $0x0  }
0xa4: {  	s25 =	simm.s32 $0x1B8E;
	s24 =	sld [smem:$0x3FFE];
	[sflag:s23] =	ssyncadd.s32 $0xFFFFFFFF  }
0xa5: {  	s26 =	simm.s32 $execute0_lowered;
	[smem:$0x3FD2] =	sst s25  }
0xa6: {  	s4 =	sshll.u32 s26, $0x1;
	_ =	strace $0x80000049;
	[dreg:$0x1] =	wrdreg $0xFFFFFFFF  }
0xa7: {  	s28 =	simm.s32 $_size_execute0_lowered;
	s2 =	sadd.s32 s2, s4;
	[dreg:$0x0] =	wrdreg $0x0  }
0xa8: {  	s4 =	sshll.u32 s28, $0x1;
	[dreg:$0x2] =	wrdreg s2  }
0xa9: {  	[dreg:$0x3] =	wrdreg s4  }
0xaa: {  	[dreg:$0x4] =	wrdreg $0xC0  }
0xab: {  	_ =	task [dreg:s6], $0x5FFFF  }
0xac: {  	[dreg:$0x1] =	wrdreg $0xFFFFFFFF  }
0xad: {  	[dreg:$0x0] =	wrdreg $0x60  }
0xae: {  	[dreg:$0x2] =	wrdreg s24  }
0xaf: {  	[dreg:$0x3] =	wrdreg $0xA2000  }
0xb0: {  	[dreg:$0x4] =	wrdreg $0x9  }
0xb1: {  	_ =	task.clear_ibuf [dreg:s6], $0x5FFFF;
	_ =	strace $0x90000049  }
0xb2: {  	s29 =	simm.s32 $0x9;
	_ =	strace $0x8000004B  }
0xb3: {  	_ =	swait.ge [sflag:s29], $0x1  }
0xb4: {  	[sflag:s29] =	ssyncadd.s32 $0xFFFFFFFF  }
0xb5: {  	_ =	strace $0x9000004B  }
0xb6: {  	_ =	sfence  }
0xb7: {  	s30 =	sld [smem:$0x0];
	_ =	sdelay $0x2  }
0xb8: {  	s31 =	sshll.u32 s1, $0xD;
	s1 =	sshrl.u32 s1, $0x2  }
0xb9: {  	s3 =	sand.u32 $0x4000, s31;
	s1 =	sadd.s32 s1, s30  }
0xba: {  	s0 =	sor.u32 s3, s0;
	s1 =	sshll.u32 s1, $0x11  }
0xbb: {  	s0 =	sor.u32 s1, s0  }
0xbc: {  	s0 =	sadd.s32 $0x8F2B, s0  }
0xbd: {  	[sflag:s0] =	ssyncadd.remote.s32 $0x1  }
0xbe: {  	_ =	sfence.sel $0xFFFF  }
0xbf: {  	[dreg:$0x0] =	wrdreg $0xFFFFFFFF;
	(pc) =	sbr.abs _section_cstart, $3  }
0xc0: {  	[dreg:$0x1] =	wrdreg $0xFFFFFFFF  }
0xc1: {  	_ =	task.clear_ibuf [dreg:s6], $0x2FFFF;
	_ =	strace $0x9FFFFFFF  }
0xc2: {  	(tm) =	ssettm $0x7FFFFFFF  }
0xc3: {  	_ =	shalt  }
tec
execute0_lowered:
.L_overlay_start_1:
0x0: {  	(tag) =	ssettag $0x1  }
0x1: {  	s0 =	rddreg [dreg:$0x0]  }
0x2: {  	s2 =	rddreg [dreg:$0x1];
	s3 =	simm.s32 $0x0  }
0x3: {  	s18 =	stileid.u32;
	s1 =	srdreg.scid;
	s28 =	simm.s32 $0x8200  }
0x4: {  	s29 =	simm.s32 $0x4;
	s30 =	simm.s32 $0x80;
	s31 =	simm.s32 $0x200  }
0x5: {  	[smem:$0x7FF] =	sst s3;
	s5 =	smul.u32 $0x50000, s18;
	s4 =	sadd.s32 $0x68000, s0  }
0x6: {  	s6 =	sadd.s32 $0x5DE00, s0;
	s1 =	sand.u32 $0x1, s1;
	s13 =	smul.u32 $0x780, s18  }
0x7: {  	s14 =	sadd.s32 $0x3C00, s0;
	s26 =	smul.u32 $0x2800, s18;
	_ =	strace $0x8000004A  }
0x8: {  	s7 =	smul.u32 $0x28000, s1;
	s8 =	ssub.s32 $0x2, s1;
	p0 =	seq.s32 s1, $0x1  }
0x9: {  	s5 =	sshrl.u32 s5, $0x2;
	s9 =	sshrl.u32 s8, $0x1;
	s20 =	sor.u32 $0x10, s13  }
0xa: {  	s12 =	sadd.s32 s6, s13;
	s13 =	sadd.s32 s14, s13;
	s5 =	sadd.s32 s5, s2  }
0xb: {  	s0 =	sadd.s32 s7, s0;
	s15 =	ssub.s32 s8, s9;
	s21 =	sadd.s32 s6, s20  }
0xc: {  	s1 =	sadd.s32 s14, s20;
	s16 =	sadd.s32 $0x2000, s5;
	[dreg:$0x6] =	wrdreg s21  }
0xd: {  	s17 =	sadd.s32 $0x4000, s5;
	s19 =	sadd.s32 $0x6000, s5;
	[dreg:$0x7] =	wrdreg s1  }
0xe: {  	s9 =	sadd.s32 $0x8000, s5;
	s10 =	sadd.s32 $0xA000, s5;
	[dreg:$0x3] =	wrdreg s16  }
0xf: {  	s11 =	sadd.s32 $0xC000, s5;
	[dreg:$0x4] =	wrdreg s17;
	s16 =	smul.u32 $0x2A0, s18  }
0x10: {  	s0 =	sadd.s32 $0x8F200, s0;
	[dreg:$0x5] =	wrdreg s19;
	s18 =	simm.s32 $0x2  }
0x11: {  	s19 =	simm.s32 $0x0;
	s22 =	sadd.s32 $0x7800, s16;
	s17 =	sadd.s32 $0x7810, s16  }
0x12: {  	s20 =	sadd.s32 s16, s6;
	s21 =	sadd.s32 s16, s14;
	s23 =	sadd.s32 s6, s22  }
0x13: {  	s16 =	simm.s32 $0x4200;
	s1 =	sadd.s32 s14, s22;
	[dreg:$0x8] =	wrdreg s23  }
.Ltmp0:
0x14: {  	s24 =	sadd.s32 s6, s17;
	[dreg:$0x9] =	wrdreg s1;
	(pc) =	sbr.rel .LBB2_1-.Ltmp0, $4  }
0x15: {  	s25 =	sadd.s32 s14, s17;
	s22 =	sadd.s32 $0xE000, s5;
	[dreg:$0xa] =	wrdreg s24  }
0x16: {  	s14 =	simm.s32 $0x180;
	s17 =	simm.s32 $0x1;
	[dreg:$0xb] =	wrdreg s25  }
0x17: {  	s23 =	sadd.s32 s26, s0;
	s24 =	sadd.s32 $0x10000, s5;
	s25 =	smax.u32 s15, $0x1  }
0x18: {  	v0 =	vimm.f32 $0.0e+00;
	s26 =	sadd.s32 $0x12000, s5;
	s0 =	simm.s32 $0x100;
	s15 =	simm.s32 $0x3  }
.LBB2_6:
0x19: {  	[tilespmem:s14], [sflag:$0x3] =	stream.linear.gather [hbm4b:s6+s3], $0x80, $0x38;
	[tilespmem:$0x1E200] =	vst v63  }
.LBB2_10:
0x1a: {  	_ =	swait.ge [sflag:s15], $0x80  }
0x1b: {  	[sflag:s15] =	ssyncset.done $0x0  }
0x1c: {  	[sflag:s15] =	ssyncadd.s32 $0xFFFFFF80  }
0x1d: {  	_ =	swait.ge [sflag:s15], $0x80  }
0x1e: {  	[sflag:s15] =	ssyncset.done $0x0  }
0x1f: {  	[sflag:s15] =	ssyncadd.s32 $0xFFFFFF80  }
0x20: {  	[tilespmem:s16], [sflag:$0x2] =	stream.indirect.gather [hbm4b:s4+s30], $0x80, s0, s30, $0xb8;
	[tilespmem:$0x1E200] =	vst v63  }
0x21: {  	_ =	swait.ge [sflag:s17], $0x4000  }
0x22: {  	[sflag:s17] =	ssyncset.done $0x0  }
0x23: {  	[sflag:s17] =	ssyncadd.s32 $0xFFFFC000  }
0x24: {  	[spmem:s2] =	stream.indirect.scatter.add.f32 [tilespmem:s31], [sflag:$0x4], $0x80, s30, s30, $0xb8;
	[tilespmem:$0x1E200] =	vst v63  }
0x25: {  	_ =	swait.ge [sflag:s29], $0x4000  }
0x26: {  	[sflag:s29] =	ssyncset.done $0x0  }
0x27: {  	[sflag:s29] =	ssyncadd.s32 $0xFFFFC000  }
0x28: {  	_ =	swait.ge [sflag:s18], $0x4000  }
0x29: {  	[sflag:s18] =	ssyncset.done $0x0  }
0x2a: {  	[sflag:s18] =	ssyncadd.s32 $0xFFFFC000  }
0x2b: {  	[spmem:s2] =	stream.indirect.scatter.add.f32 [tilespmem:s16], [sflag:$0x4], $0x80, s14, s30, $0xb8;
	[tilespmem:$0x1E200] =	vst v63  }
0x2c: {  	s1 =	stileid.u32;
	_ =	swait.ge [sflag:s29], $0x4000  }
0x2d: {  	s6 =	sshrl.u32 s5, $0x3;
	s19 =	sadd.s32 $0x1, s19;
	[sflag:s29] =	ssyncset.done $0x0  }
0x2e: {  	s1 =	sshll.u32 s1, $0x6;
	p1 =	sne.s32 s19, s25;
	[sflag:s29] =	ssyncadd.s32 $0xFFFFC000  }
.Ltmp1:
0x2f: {  	s1 =	sor.u32 $0x1C04, s1;
	[bflag:$0x0] =	sbarrier.arrive $0xFFFF;
	(pc) =	sbr.rel @!p1 .LBB2_11-.Ltmp1, $4  }
0x30: {  	[hbm:s23], [sflag:s1] =	dma.local [spmem:s6], $0x2800  }
0x31: {  	_ =	swait.ge [sflag:s29], $0x2800  }
0x32: {  	[sflag:s29] =	ssyncset.done $0x0  }
0x33: {  	[sflag:s29] =	ssyncadd.s32 $0xFFFFD800  }
.LBB2_1:
0x34: {  	s1 =	simm.s32 $0x0;
	s6 =	simm.s32 $0x200  }
.LBB2_2:
0x35: {  	p1 =	sne.s32 s6, $0x7E00;
	[tilespmem:s1+$0x8270] =	vst v0  }
0x36: {  	[tilespmem:s1+$0x8200] =	vst v0  }
0x37: {  	[tilespmem:s1+$0x8210] =	vst v0  }
.Ltmp2:
0x38: {  	[tilespmem:s1+$0x8220] =	vst v0;
	(pc) =	sbr.rel @p1 .LBB2_2-.Ltmp2, $4  }
0x39: {  	[tilespmem:s1+$0x8230] =	vst v0  }
0x3a: {  	[tilespmem:s1+$0x8240] =	vst v0  }
0x3b: {  	[tilespmem:s1+$0x8250] =	vst v0  }
0x3c: {  	[tilespmem:s1+$0x8260] =	vst v0;
	s1 =	sshra.s32 s6, $0x2;
	s6 =	sadd.s32 $0x200, s6  }
0x3d: {  	[tilespmem:s1+$0x8270] =	vst v0  }
0x3e: {  	[tilespmem:s1+$0x8200] =	vst v0  }
0x3f: {  	[tilespmem:s1+$0x8210] =	vst v0  }
0x40: {  	[tilespmem:s1+$0x8220] =	vst v0  }
0x41: {  	[tilespmem:s1+$0x8230] =	vst v0  }
0x42: {  	[tilespmem:s1+$0x8240] =	vst v0  }
0x43: {  	[tilespmem:s1+$0x8250] =	vst v0  }
0x44: {  	[tilespmem:s1+$0x8260] =	vst v0  }
0x45: {  	[spmem:s5] =	stream.linear.scatter [tilespmem:s28], [sflag:$0x4], $0x2000, $0x38;
	[tilespmem:$0x1E200] =	vst v63  }
0x46: {  	_ =	swait.ge [sflag:s29], $0x2000  }
0x47: {  	[sflag:s29] =	ssyncset.done $0x0  }
0x48: {  	s6 =	rddreg [dreg:$0x3];
	[sflag:s29] =	ssyncadd.s32 $0xFFFFE000  }
0x49: {  	[spmem:s6] =	stream.linear.scatter [tilespmem:s28], [sflag:$0x4], $0x2000, $0x38;
	[tilespmem:$0x1E200] =	vst v63  }
0x4a: {  	_ =	swait.ge [sflag:s29], $0x2000  }
0x4b: {  	[sflag:s29] =	ssyncset.done $0x0  }
0x4c: {  	s7 =	rddreg [dreg:$0x4];
	[sflag:s29] =	ssyncadd.s32 $0xFFFFE000  }
0x4d: {  	[spmem:s7] =	stream.linear.scatter [tilespmem:s28], [sflag:$0x4], $0x2000, $0x38;
	[tilespmem:$0x1E200] =	vst v63  }
0x4e: {  	_ =	swait.ge [sflag:s29], $0x2000  }
0x4f: {  	[sflag:s29] =	ssyncset.done $0x0  }
0x50: {  	s8 =	rddreg [dreg:$0x5];
	[sflag:s29] =	ssyncadd.s32 $0xFFFFE000  }
0x51: {  	[spmem:s8] =	stream.linear.scatter [tilespmem:s28], [sflag:$0x4], $0x2000, $0x38;
	[tilespmem:$0x1E200] =	vst v63  }
0x52: {  	_ =	swait.ge [sflag:s29], $0x2000  }
0x53: {  	[sflag:s29] =	ssyncset.done $0x0  }
0x54: {  	[sflag:s29] =	ssyncadd.s32 $0xFFFFE000  }
0x55: {  	[spmem:s9] =	stream.linear.scatter [tilespmem:s28], [sflag:$0x4], $0x2000, $0x38;
	[tilespmem:$0x1E200] =	vst v63  }
0x56: {  	_ =	swait.ge [sflag:s29], $0x2000  }
0x57: {  	[sflag:s29] =	ssyncset.done $0x0  }
0x58: {  	[sflag:s29] =	ssyncadd.s32 $0xFFFFE000  }
0x59: {  	[spmem:s10] =	stream.linear.scatter [tilespmem:s28], [sflag:$0x4], $0x2000, $0x38;
	[tilespmem:$0x1E200] =	vst v63  }
0x5a: {  	_ =	swait.ge [sflag:s29], $0x2000  }
0x5b: {  	[sflag:s29] =	ssyncset.done $0x0  }
0x5c: {  	[sflag:s29] =	ssyncadd.s32 $0xFFFFE000  }
0x5d: {  	[spmem:s11] =	stream.linear.scatter [tilespmem:s28], [sflag:$0x4], $0x2000, $0x38;
	[tilespmem:$0x1E200] =	vst v63  }
0x5e: {  	_ =	swait.ge [sflag:s29], $0x2000  }
0x5f: {  	[sflag:s29] =	ssyncset.done $0x0  }
0x60: {  	[sflag:s29] =	ssyncadd.s32 $0xFFFFE000  }
0x61: {  	[spmem:s22] =	stream.linear.scatter [tilespmem:s28], [sflag:$0x4], $0x2000, $0x38;
	[tilespmem:$0x1E200] =	vst v63  }
0x62: {  	_ =	swait.ge [sflag:s29], $0x2000  }
0x63: {  	[sflag:s29] =	ssyncset.done $0x0  }
0x64: {  	[sflag:s29] =	ssyncadd.s32 $0xFFFFE000  }
0x65: {  	[spmem:s24] =	stream.linear.scatter [tilespmem:s28], [sflag:$0x4], $0x2000, $0x38;
	[tilespmem:$0x1E200] =	vst v63  }
0x66: {  	_ =	swait.ge [sflag:s29], $0x2000  }
0x67: {  	[sflag:s29] =	ssyncset.done $0x0  }
0x68: {  	[sflag:s29] =	ssyncadd.s32 $0xFFFFE000  }
0x69: {  	[spmem:s26] =	stream.linear.scatter [tilespmem:s28], [sflag:$0x4], $0x2000, $0x38;
	[tilespmem:$0x1E200] =	vst v63  }
.Ltmp3:
0x6a: {  	_ =	swait.ge [sflag:s29], $0x2000;
	(pc) =	sbr.rel @!p0 .LBB2_4-.Ltmp3, $3  }
0x6b: {  	[sflag:s29] =	ssyncset.done $0x0  }
0x6c: {  	[sflag:s29] =	ssyncadd.s32 $0xFFFFE000  }
0x6d: {  	[bflag:$0x0] =	sbarrier.arrive $0xFFFF;
	_ =	sdelay $0x1  }
0x6e: {  	s1 =	rddreg [dreg:$0x8]  }
0x6f: {  	[tilespmem:s3], [sflag:$0x4] =	stream.linear.gather [hbm4b:s1+s3], $0x80, $0x38;
	[tilespmem:$0x1E200] =	vst v63  }
0x70: {  	_ =	swait.ge [sflag:s29], $0x80  }
0x71: {  	[sflag:s29] =	ssyncset.done $0x0  }
0x72: {  	s8 =	rddreg [dreg:$0x9];
	[sflag:s29] =	ssyncadd.s32 $0xFFFFFF80  }
0x73: {  	[tilespmem:s30], [sflag:$0x4] =	stream.linear.gather [hbm4b:s8+s3], $0x80, $0x38;
	[tilespmem:$0x1E200] =	vst v63  }
0x74: {  	_ =	swait.ge [sflag:s29], $0x80  }
0x75: {  	[sflag:s29] =	ssyncset.done $0x0  }
0x76: {  	[sflag:s29] =	ssyncadd.s32 $0xFFFFFF80  }
0x77: {  	[tilespmem:s31], [sflag:$0x1] =	stream.indirect.gather [hbm4b:s4+s30], $0x80, s3, s30, $0xb8;
	[tilespmem:$0x1E200] =	vst v63  }
0x78: {  	s6 =	rddreg [dreg:$0xa]  }
0x79: {  	[tilespmem:s0], [sflag:$0x3] =	stream.linear.gather [hbm4b:s6+s3], $0x80, $0x38;
	[tilespmem:$0x1E200] =	vst v63  }
0x7a: {  	s7 =	rddreg [dreg:$0xb]  }
0x7b: {  	[tilespmem:s14], [sflag:$0x3] =	stream.linear.gather [hbm4b:s7+s3], $0x80, $0x38;
	[tilespmem:$0x1E200] =	vst v63  }
0x7c: {  	_ =	swait.ge [sflag:s15], $0x80  }
0x7d: {  	[sflag:s15] =	ssyncset.done $0x0  }
0x7e: {  	[sflag:s15] =	ssyncadd.s32 $0xFFFFFF80  }
0x7f: {  	_ =	swait.ge [sflag:s15], $0x80  }
0x80: {  	[sflag:s15] =	ssyncset.done $0x0  }
0x81: {  	[sflag:s15] =	ssyncadd.s32 $0xFFFFFF80  }
0x82: {  	[tilespmem:s16], [sflag:$0x2] =	stream.indirect.gather [hbm4b:s4+s30], $0x80, s0, s30, $0xb8;
	[tilespmem:$0x1E200] =	vst v63  }
0x83: {  	_ =	swait.ge [sflag:s17], $0x4000  }
0x84: {  	[sflag:s17] =	ssyncset.done $0x0  }
0x85: {  	[sflag:s17] =	ssyncadd.s32 $0xFFFFC000  }
0x86: {  	[spmem:s2] =	stream.indirect.scatter.add.f32 [tilespmem:s31], [sflag:$0x4], $0x80, s30, s30, $0xb8;
	[tilespmem:$0x1E200] =	vst v63  }
0x87: {  	_ =	swait.ge [sflag:s29], $0x4000  }
0x88: {  	s1 =	sadd.s32 $0xFFFFFD80, s20;
	[sflag:s29] =	ssyncset.done $0x0  }
0x89: {  	s6 =	sadd.s32 $0x7AA0, s1;
	[sflag:s29] =	ssyncadd.s32 $0xFFFFC000  }
0x8a: {  	[tilespmem:s3], [sflag:$0x4] =	stream.linear.gather [hbm4b:s6+s3], $0x80, $0x38;
	[tilespmem:$0x1E200] =	vst v63  }
0x8b: {  	_ =	swait.ge [sflag:s29], $0x80  }
0x8c: {  	s8 =	sadd.s32 $0xFFFFFD80, s21;
	[sflag:s29] =	ssyncset.done $0x0  }
0x8d: {  	s7 =	sadd.s32 $0x7AA0, s8;
	[sflag:s29] =	ssyncadd.s32 $0xFFFFFF80  }
0x8e: {  	[tilespmem:s30], [sflag:$0x4] =	stream.linear.gather [hbm4b:s7+s3], $0x80, $0x38;
	[tilespmem:$0x1E200] =	vst v63  }
0x8f: {  	_ =	swait.ge [sflag:s29], $0x80  }
0x90: {  	[sflag:s29] =	ssyncset.done $0x0  }
0x91: {  	[sflag:s29] =	ssyncadd.s32 $0xFFFFFF80  }
0x92: {  	[tilespmem:s31], [sflag:$0x1] =	stream.indirect.gather [hbm4b:s4+s30], $0x80, s3, s30, $0xb8;
	[tilespmem:$0x1E200] =	vst v63  }
0x93: {  	_ =	swait.ge [sflag:s18], $0x4000  }
0x94: {  	[sflag:s18] =	ssyncset.done $0x0  }
0x95: {  	[sflag:s18] =	ssyncadd.s32 $0xFFFFC000  }
0x96: {  	[spmem:s2] =	stream.indirect.scatter.add.f32 [tilespmem:s16], [sflag:$0x4], $0x80, s14, s30, $0xb8;
	[tilespmem:$0x1E200] =	vst v63  }
0x97: {  	_ =	swait.ge [sflag:s29], $0x4000  }
0x98: {  	[sflag:s29] =	ssyncset.done $0x0  }
0x99: {  	s1 =	sadd.s32 $0x7AB0, s1;
	[sflag:s29] =	ssyncadd.s32 $0xFFFFC000  }
0x9a: {  	[tilespmem:s0], [sflag:$0x3] =	stream.linear.gather [hbm4b:s1+s3], $0x80, $0x38;
	[tilespmem:$0x1E200] =	vst v63  }
0x9b: {  	s6 =	sadd.s32 $0x7AB0, s8;
	s1 =	simm.s32 $0xFFFFFDA0  }
.LBB2_8:
0x9c: {  	[tilespmem:s14], [sflag:$0x3] =	stream.linear.gather [hbm4b:s6+s3], $0x80, $0x38;
	[tilespmem:$0x1E200] =	vst v63  }
0x9d: {  	s6 =	smov.u32 s1  }
0x9e: {  	p1 =	sne.s32 s1, $0xFFFFFFE0;
	s1 =	sadd.s32 $0x20, s1;
	_ =	swait.ge [sflag:s15], $0x80  }
0x9f: {  	[sflag:s15] =	ssyncset.done $0x0  }
0xa0: {  	[sflag:s15] =	ssyncadd.s32 $0xFFFFFF80  }
0xa1: {  	_ =	swait.ge [sflag:s15], $0x80  }
0xa2: {  	[sflag:s15] =	ssyncset.done $0x0  }
0xa3: {  	[sflag:s15] =	ssyncadd.s32 $0xFFFFFF80  }
0xa4: {  	[tilespmem:s16], [sflag:$0x2] =	stream.indirect.gather [hbm4b:s4+s30], $0x80, s0, s30, $0xb8;
	[tilespmem:$0x1E200] =	vst v63  }
0xa5: {  	_ =	swait.ge [sflag:s17], $0x4000  }
0xa6: {  	[sflag:s17] =	ssyncset.done $0x0  }
0xa7: {  	[sflag:s17] =	ssyncadd.s32 $0xFFFFC000  }
0xa8: {  	[spmem:s2] =	stream.indirect.scatter.add.f32 [tilespmem:s31], [sflag:$0x4], $0x80, s30, s30, $0xb8;
	[tilespmem:$0x1E200] =	vst v63  }
0xa9: {  	_ =	swait.ge [sflag:s29], $0x4000  }
0xaa: {  	s7 =	sadd.s32 s6, s20;
	[sflag:s29] =	ssyncset.done $0x0  }
0xab: {  	s8 =	sadd.s32 $0x7AA0, s7;
	[sflag:s29] =	ssyncadd.s32 $0xFFFFC000  }
0xac: {  	[tilespmem:s3], [sflag:$0x4] =	stream.linear.gather [hbm4b:s8+s3], $0x80, $0x38;
	[tilespmem:$0x1E200] =	vst v63  }
0xad: {  	_ =	swait.ge [sflag:s29], $0x80  }
0xae: {  	s6 =	sadd.s32 s6, s21;
	[sflag:s29] =	ssyncset.done $0x0  }
0xaf: {  	s8 =	sadd.s32 $0x7AA0, s6;
	[sflag:s29] =	ssyncadd.s32 $0xFFFFFF80  }
0xb0: {  	[tilespmem:s30], [sflag:$0x4] =	stream.linear.gather [hbm4b:s8+s3], $0x80, $0x38;
	[tilespmem:$0x1E200] =	vst v63  }
0xb1: {  	_ =	swait.ge [sflag:s29], $0x80  }
0xb2: {  	[sflag:s29] =	ssyncset.done $0x0  }
0xb3: {  	[sflag:s29] =	ssyncadd.s32 $0xFFFFFF80  }
0xb4: {  	[tilespmem:s31], [sflag:$0x1] =	stream.indirect.gather [hbm4b:s4+s30], $0x80, s3, s30, $0xb8;
	[tilespmem:$0x1E200] =	vst v63  }
0xb5: {  	_ =	swait.ge [sflag:s18], $0x4000  }
0xb6: {  	[sflag:s18] =	ssyncset.done $0x0  }
0xb7: {  	[sflag:s18] =	ssyncadd.s32 $0xFFFFC000  }
0xb8: {  	[spmem:s2] =	stream.indirect.scatter.add.f32 [tilespmem:s16], [sflag:$0x4], $0x80, s14, s30, $0xb8;
	[tilespmem:$0x1E200] =	vst v63  }
.Ltmp4:
0xb9: {  	_ =	swait.ge [sflag:s29], $0x4000;
	(pc) =	sbr.rel @p1 .LBB2_8-.Ltmp4, $4  }
0xba: {  	[sflag:s29] =	ssyncset.done $0x0  }
0xbb: {  	s7 =	sadd.s32 $0x7AB0, s7;
	[sflag:s29] =	ssyncadd.s32 $0xFFFFC000  }
0xbc: {  	[tilespmem:s0], [sflag:$0x3] =	stream.linear.gather [hbm4b:s7+s3], $0x80, $0x38;
	[tilespmem:$0x1E200] =	vst v63  }
0xbd: {  	s6 =	sadd.s32 $0x7AB0, s6  }
.Ltmp5:
0xbe: {  	(pc) =	sbr.rel .LBB2_10-.Ltmp5, $2  }
0xbf: {  	_ =	sdelay $0x2  }
0xc0: {  	[tilespmem:s14], [sflag:$0x3] =	stream.linear.gather [hbm4b:s6+s3], $0x80, $0x38;
	[tilespmem:$0x1E200] =	vst v63  }
.LBB2_4:
0xc1: {  	[tilespmem:s3], [sflag:$0x4] =	stream.linear.gather [hbm4b:s12+s3], $0x80, $0x38;
	[tilespmem:$0x1E200] =	vst v63  }
0xc2: {  	_ =	swait.ge [sflag:s29], $0x80  }
0xc3: {  	[sflag:s29] =	ssyncset.done $0x0  }
0xc4: {  	[sflag:s29] =	ssyncadd.s32 $0xFFFFFF80  }
0xc5: {  	[tilespmem:s30], [sflag:$0x4] =	stream.linear.gather [hbm4b:s13+s3], $0x80, $0x38;
	[tilespmem:$0x1E200] =	vst v63  }
0xc6: {  	_ =	swait.ge [sflag:s29], $0x80  }
0xc7: {  	[sflag:s29] =	ssyncset.done $0x0  }
0xc8: {  	[sflag:s29] =	ssyncadd.s32 $0xFFFFFF80  }
0xc9: {  	[tilespmem:s31], [sflag:$0x1] =	stream.indirect.gather [hbm4b:s4+s30], $0x80, s3, s30, $0xb8;
	[tilespmem:$0x1E200] =	vst v63  }
0xca: {  	s1 =	rddreg [dreg:$0x6]  }
0xcb: {  	[tilespmem:s0], [sflag:$0x3] =	stream.linear.gather [hbm4b:s1+s3], $0x80, $0x38;
	[tilespmem:$0x1E200] =	vst v63  }
0xcc: {  	s7 =	rddreg [dreg:$0x7]  }
0xcd: {  	[tilespmem:s14], [sflag:$0x3] =	stream.linear.gather [hbm4b:s7+s3], $0x80, $0x38;
	[tilespmem:$0x1E200] =	vst v63  }
0xce: {  	_ =	swait.ge [sflag:s15], $0x80  }
0xcf: {  	[sflag:s15] =	ssyncset.done $0x0  }
0xd0: {  	[sflag:s15] =	ssyncadd.s32 $0xFFFFFF80  }
0xd1: {  	_ =	swait.ge [sflag:s15], $0x80  }
0xd2: {  	[sflag:s15] =	ssyncset.done $0x0  }
0xd3: {  	[sflag:s15] =	ssyncadd.s32 $0xFFFFFF80  }
0xd4: {  	[tilespmem:s16], [sflag:$0x2] =	stream.indirect.gather [hbm4b:s4+s30], $0x80, s0, s30, $0xb8;
	[tilespmem:$0x1E200] =	vst v63  }
0xd5: {  	_ =	swait.ge [sflag:s17], $0x4000  }
0xd6: {  	[sflag:s17] =	ssyncset.done $0x0  }
0xd7: {  	[sflag:s17] =	ssyncadd.s32 $0xFFFFC000  }
0xd8: {  	[spmem:s2] =	stream.indirect.scatter.add.f32 [tilespmem:s31], [sflag:$0x4], $0x80, s30, s30, $0xb8;
	[tilespmem:$0x1E200] =	vst v63  }
0xd9: {  	_ =	swait.ge [sflag:s29], $0x4000  }
0xda: {  	s1 =	sadd.s32 $0xFFFFF8A0, s12;
	[sflag:s29] =	ssyncset.done $0x0  }
0xdb: {  	s6 =	sadd.s32 $0x780, s1;
	[sflag:s29] =	ssyncadd.s32 $0xFFFFC000  }
0xdc: {  	[tilespmem:s3], [sflag:$0x4] =	stream.linear.gather [hbm4b:s6+s3], $0x80, $0x38;
	[tilespmem:$0x1E200] =	vst v63  }
0xdd: {  	_ =	swait.ge [sflag:s29], $0x80  }
0xde: {  	s8 =	sadd.s32 $0xFFFFF8A0, s13;
	[sflag:s29] =	ssyncset.done $0x0  }
0xdf: {  	s7 =	sadd.s32 $0x780, s8;
	[sflag:s29] =	ssyncadd.s32 $0xFFFFFF80  }
0xe0: {  	[tilespmem:s30], [sflag:$0x4] =	stream.linear.gather [hbm4b:s7+s3], $0x80, $0x38;
	[tilespmem:$0x1E200] =	vst v63  }
0xe1: {  	_ =	swait.ge [sflag:s29], $0x80  }
0xe2: {  	[sflag:s29] =	ssyncset.done $0x0  }
0xe3: {  	[sflag:s29] =	ssyncadd.s32 $0xFFFFFF80  }
0xe4: {  	[tilespmem:s31], [sflag:$0x1] =	stream.indirect.gather [hbm4b:s4+s30], $0x80, s3, s30, $0xb8;
	[tilespmem:$0x1E200] =	vst v63  }
0xe5: {  	_ =	swait.ge [sflag:s18], $0x4000  }
0xe6: {  	[sflag:s18] =	ssyncset.done $0x0  }
0xe7: {  	[sflag:s18] =	ssyncadd.s32 $0xFFFFC000  }
0xe8: {  	[spmem:s2] =	stream.indirect.scatter.add.f32 [tilespmem:s16], [sflag:$0x4], $0x80, s14, s30, $0xb8;
	[tilespmem:$0x1E200] =	vst v63  }
0xe9: {  	_ =	swait.ge [sflag:s29], $0x4000  }
0xea: {  	[sflag:s29] =	ssyncset.done $0x0  }
0xeb: {  	s1 =	sadd.s32 $0x790, s1;
	[sflag:s29] =	ssyncadd.s32 $0xFFFFC000  }
0xec: {  	[tilespmem:s0], [sflag:$0x3] =	stream.linear.gather [hbm4b:s1+s3], $0x80, $0x38;
	[tilespmem:$0x1E200] =	vst v63  }
0xed: {  	s6 =	sadd.s32 $0x790, s8;
	s1 =	simm.s32 $0xFFFFF8C0  }
.LBB2_5:
0xee: {  	[tilespmem:s14], [sflag:$0x3] =	stream.linear.gather [hbm4b:s6+s3], $0x80, $0x38;
	[tilespmem:$0x1E200] =	vst v63  }
0xef: {  	s6 =	smov.u32 s1  }
0xf0: {  	p1 =	seq.s32 s1, $0xFFFFFFE0;
	s1 =	sadd.s32 $0x20, s1;
	_ =	swait.ge [sflag:s15], $0x80  }
0xf1: {  	[sflag:s15] =	ssyncset.done $0x0  }
0xf2: {  	[sflag:s15] =	ssyncadd.s32 $0xFFFFFF80  }
0xf3: {  	_ =	swait.ge [sflag:s15], $0x80  }
0xf4: {  	[sflag:s15] =	ssyncset.done $0x0  }
0xf5: {  	[sflag:s15] =	ssyncadd.s32 $0xFFFFFF80  }
0xf6: {  	[tilespmem:s16], [sflag:$0x2] =	stream.indirect.gather [hbm4b:s4+s30], $0x80, s0, s30, $0xb8;
	[tilespmem:$0x1E200] =	vst v63  }
0xf7: {  	_ =	swait.ge [sflag:s17], $0x4000  }
0xf8: {  	[sflag:s17] =	ssyncset.done $0x0  }
0xf9: {  	[sflag:s17] =	ssyncadd.s32 $0xFFFFC000  }
0xfa: {  	[spmem:s2] =	stream.indirect.scatter.add.f32 [tilespmem:s31], [sflag:$0x4], $0x80, s30, s30, $0xb8;
	[tilespmem:$0x1E200] =	vst v63  }
0xfb: {  	_ =	swait.ge [sflag:s29], $0x4000  }
0xfc: {  	s7 =	sadd.s32 s6, s12;
	[sflag:s29] =	ssyncset.done $0x0  }
0xfd: {  	s8 =	sadd.s32 $0x780, s7;
	[sflag:s29] =	ssyncadd.s32 $0xFFFFC000  }
0xfe: {  	[tilespmem:s3], [sflag:$0x4] =	stream.linear.gather [hbm4b:s8+s3], $0x80, $0x38;
	[tilespmem:$0x1E200] =	vst v63  }
0xff: {  	_ =	swait.ge [sflag:s29], $0x80  }
0x100: {  	s6 =	sadd.s32 s6, s13;
	[sflag:s29] =	ssyncset.done $0x0  }
0x101: {  	s8 =	sadd.s32 $0x780, s6;
	[sflag:s29] =	ssyncadd.s32 $0xFFFFFF80  }
0x102: {  	[tilespmem:s30], [sflag:$0x4] =	stream.linear.gather [hbm4b:s8+s3], $0x80, $0x38;
	[tilespmem:$0x1E200] =	vst v63  }
0x103: {  	_ =	swait.ge [sflag:s29], $0x80  }
0x104: {  	[sflag:s29] =	ssyncset.done $0x0  }
0x105: {  	[sflag:s29] =	ssyncadd.s32 $0xFFFFFF80  }
0x106: {  	[tilespmem:s31], [sflag:$0x1] =	stream.indirect.gather [hbm4b:s4+s30], $0x80, s3, s30, $0xb8;
	[tilespmem:$0x1E200] =	vst v63  }
0x107: {  	_ =	swait.ge [sflag:s18], $0x4000  }
0x108: {  	[sflag:s18] =	ssyncset.done $0x0  }
0x109: {  	[sflag:s18] =	ssyncadd.s32 $0xFFFFC000  }
0x10a: {  	[spmem:s2] =	stream.indirect.scatter.add.f32 [tilespmem:s16], [sflag:$0x4], $0x80, s14, s30, $0xb8;
	[tilespmem:$0x1E200] =	vst v63  }
.Ltmp6:
0x10b: {  	_ =	swait.ge [sflag:s29], $0x4000;
	(pc) =	sbr.rel @!p1 .LBB2_5-.Ltmp6, $4  }
0x10c: {  	[sflag:s29] =	ssyncset.done $0x0  }
0x10d: {  	s7 =	sadd.s32 $0x790, s7;
	[sflag:s29] =	ssyncadd.s32 $0xFFFFC000  }
0x10e: {  	[tilespmem:s0], [sflag:$0x3] =	stream.linear.gather [hbm4b:s7+s3], $0x80, $0x38;
	[tilespmem:$0x1E200] =	vst v63  }
0x10f: {  	s6 =	sadd.s32 $0x790, s6  }
.Ltmp7:
0x110: {  	_ = 	snop;
	(pc) =	sbr.rel .LBB2_6-.Ltmp7, $1  }
0x111: {  	_ =	sdelay $0x3  }
.LBB2_11:
0x112: {  	_ =	sfence.sel $0x180000  }
0x113: {  	[bflag:$0x0] =	sbarrier.arrive $0xFFFF  }
0x114: {  	_ =	strace $0x9000004A  }
0x115: {  	s0 =	stileid.u32;
	[bflag:$0x2] =	sbarrier.arrive $0xFFFF  }
0x116: {  	p0 =	sne.s32 s0, $0x0;
	s0 =	rddreg [dreg:$0x2]  }
0x117: {  	s0 =	sadd.s32 @!p0 $0x100000, s0  }
0x118: {  	[sflag:s0] =	ssyncadd.tile.s32 @!p0 $0x1;
	_ =	shalt  }
.Lfunc_end2:
_tile_overlayer_lowered:
.L_overlay_start_2:
0x119: {  	(tag) =	ssettag $0x2  }
0x11a: {  	s0 =	rddreg [dreg:$0x0];
	s2 =	stileid.u32  }
0x11b: {  	s1 =	rddreg [dreg:$0x1];
	p0 =	sne.s32 s2, $0x0  }
0x11c: {  	s3 =	rddreg [dreg:$0x2];
	[bflag:$0x3] =	sbarrier.arrive $0xFFFF;
	s2 =	simm.s32 @!p0 $0x1C04  }
0x11d: {  	[timem:s3], [sflag:s2] =	dma.local @!p0 [hbm:s0], s1  }
0x11e: {  	s0 =	simm.s32 @!p0 $0x4  }
0x11f: {  	_ =	swait.ge @!p0 [sflag:s0], s1  }
0x120: {  	s1 =	ssub.s32 @!p0 $0x0, s1;
	[sflag:s0] =	ssyncset.done @!p0 $0x0  }
0x121: {  	[sflag:s0] =	ssyncadd.s32 @!p0 s1  }
0x122: {  	[bflag:$0x3] =	sbarrier.arrive $0xFFFF  }
0x123: {  	_ =	shalt  }

// kernel: kernel.18.cloned.1.call-start
scs
__scs_entry_jumppad:
0x0: {  	(pc) =	sbr.rel $0x88, $3  }
0x1: {  	(tag) =	ssettag $0x0;
	lr =	simm.s32 $0x1  }
0x2: {  	[smem:$0x3F91] =	sst lr;
	_ =	strace $0xD0000000  }
0x3: {  	_ = 	snop  }
0x4: {  	_ = 	snop  }
0x5: {  	_ = 	snop  }
0x6: {  	_ = 	snop  }
0x7: {  	_ = 	snop  }
__scs_overlays_trampoline_lowered:
0x8: {  	[smem:$0x3FA0] =	sst s0  }
0x9: {  	[smem:$0x3FA1] =	sst s1  }
0xa: {  	[smem:$0x3FA2] =	sst s2  }
0xb: {  	[smem:$0x3FA3] =	sst s3  }
0xc: {  	[smem:$0x3FA4] =	sst s4  }
0xd: {  	[smem:$0x3FA5] =	sst s5  }
0xe: {  	[smem:$0x3FA6] =	sst s6  }
0xf: {  	[smem:$0x3FA7] =	sst s7  }
0x10: {  	[smem:$0x3FA8] =	sst s8  }
0x11: {  	[smem:$0x3FA9] =	sst s9;
	s0 =	simm.s32 @!p0 $0x0  }
0x12: {  	s1 =	sld [smem:$0x3F8F];
	s0 =	simm.s32 @p0 $0x1  }
0x13: {  	[smem:$0x3FAA] =	sst s0;
	s0 =	simm.s32 @!p1 $0x0  }
0x14: {  	s2 =	sld [smem:$0x3F8E];
	s0 =	simm.s32 @p1 $0x1  }
0x15: {  	[smem:$0x3FAB] =	sst s0;
	s0 =	simm.s32 @!p2 $0x0  }
0x16: {  	s3 =	sld [smem:$0x3FDB];
	s0 =	simm.s32 @p2 $0x1  }
0x17: {  	s4 =	simm.s32 $0x1BF5;
	[smem:$0x3FAD] =	sst s0  }
0x18: {  	s0 =	sld [smem:$0x3F90];
	_ =	swait.ge [sflag:s4], $0x0  }
0x19: {  	s7 =	sld [smem:$0x3F91]  }
0x1a: {  	s8 =	sadd.s32 $0xFFFFE003, lr  }
0x1b: {  	s9 =	sadd.s32 $0xFFFFFEF7, lr;
	s5 =	simm.s32 $0xFFFFFFFF;
	p2 =	slt.u32 s8, $0xFFFFF086  }
0x1c: {  	p1 =	slt.u32 s9, $0xF7A;
	s5 =	simm.s32 @!p2 $0x0  }
0x1d: {  	s5 =	simm.s32 @p1 $0x1;
	p0 =	seq.s32 s7, s2  }
0x1e: {  	s7 =	smul.u32 @!p0 $0xF7A, s2;
	p2 =	seq.s32 @!p0 s5, $0x0  }
0x1f: {  	s9 =	smul.u32 $0xF7A, s1;
	s8 =	simm.s32 @!p0 $0x1BF5;
	p2 =	por !p2, p0  }
0x20: {  	[sflag:s8] =	ssyncset.s32 @!p0 $0xFFFFF086;
	s6 =	sadd.s32 @!p0 s3, s7;
	s7 =	simm.s32 @!p0 $0x108  }
0x21: {  	s3 =	sadd.s32 s3, s9;
	s6 =	sadd.s32 @!p0 $0x88, s6;
	s7 =	simm.s32 @p2 $0x1082  }
0x22: {  	[simem:s7], [sflag:s8] =	dma.local @!p0 [hbm:s6], $0xF7A  }
0x23: {  	s9 =	sor.u32 $0xD0000000, s2;
	s6 =	simm.s32 $0x108;
	_ =	swait.ge @!p0 [sflag:s8], $0x0  }
0x24: {  	s3 =	sadd.s32 $0x88, s3;
	s6 =	simm.s32 @!p1 $0x1082;
	[sflag:s4] =	ssyncset.s32 $0xFFFFF086  }
0x25: {  	[simem:s6], [sflag:s4] =	dma.local [hbm:s3], $0xF7A  }
0x26: {  	[smem:$0x3F91] =	sst s1;
	(tag) =	ssettag s2;
	_ =	strace s9  }
0x27: {  	s1 =	sld [smem:$0x3FA1]  }
0x28: {  	s2 =	sld [smem:$0x3FA2]  }
0x29: {  	s4 =	sld [smem:$0x3FA4]  }
0x2a: {  	p0 =	seq.s32 s5, $0x0;
	s5 =	sld [smem:$0x3FA5]  }
0x2b: {  	s6 =	sld [smem:$0x3FA6]  }
0x2c: {  	s7 =	sld [smem:$0x3FA7]  }
0x2d: {  	s3 =	simm.s32 $0x108;
	s8 =	sld [smem:$0x3FA8]  }
0x2e: {  	s3 =	simm.s32 @!p0 $0x1082;
	s9 =	sld [smem:$0x3FA9]  }
0x2f: {  	lr =	sadd.s32 s0, s3;
	s0 =	sld [smem:$0x3FA0]  }
0x30: {  	s3 =	sld [smem:$0x3FA3]  }
0x31: {  	[smem:$0x3FAC] =	sst s10  }
0x32: {  	s10 =	sld [smem:$0x3FAA];
	_ =	sdelay $0x3  }
0x33: {  	p0 =	seq.s32 s10, $0x1;
	s10 =	sld [smem:$0x3FAC];
	_ =	sdelay $0x3  }
0x34: {  	[smem:$0x3FAC] =	sst s10  }
0x35: {  	s10 =	sld [smem:$0x3FAB];
	_ =	sdelay $0x3  }
0x36: {  	p1 =	seq.s32 s10, $0x1;
	s10 =	sld [smem:$0x3FAC];
	_ =	sdelay $0x3  }
0x37: {  	[smem:$0x3FAC] =	sst s10  }
0x38: {  	s10 =	sld [smem:$0x3FAD]  }
0x39: {  	_ = 	snop;
	(pc) =	sbr.ind lr, $3  }
0x3a: {  	_ = 	snop  }
0x3b: {  	_ = 	snop  }
0x3c: {  	p2 =	seq.s32 s10, $0x1;
	s10 =	sld [smem:$0x3FAC]  }
0x3d: {  	_ =	shalt  }
0x3e: {  	_ =	shalt  }
0x3f: {  	_ =	shalt  }
0x40: {  	_ =	shalt  }
0x41: {  	_ =	shalt  }
0x42: {  	_ =	shalt  }
0x43: {  	_ =	shalt  }
0x44: {  	_ =	shalt  }
0x45: {  	_ =	shalt  }
0x46: {  	_ =	shalt  }
0x47: {  	_ =	shalt  }
0x48: {  	_ =	shalt  }
0x49: {  	_ =	shalt  }
0x4a: {  	_ =	shalt  }
0x4b: {  	_ =	shalt  }
0x4c: {  	_ =	shalt  }
0x4d: {  	_ =	shalt  }
0x4e: {  	_ =	shalt  }
0x4f: {  	_ =	shalt  }
0x50: {  	_ =	shalt  }
0x51: {  	_ =	shalt  }
0x52: {  	_ =	shalt  }
0x53: {  	_ =	shalt  }
0x54: {  	_ =	shalt  }
0x55: {  	_ =	shalt  }
0x56: {  	_ =	shalt  }
0x57: {  	_ =	shalt  }
0x58: {  	_ =	shalt  }
0x59: {  	_ =	shalt  }
0x5a: {  	_ =	shalt  }
0x5b: {  	_ =	shalt  }
0x5c: {  	_ =	shalt  }
0x5d: {  	_ =	shalt  }
0x5e: {  	_ =	shalt  }
0x5f: {  	_ =	shalt  }
0x60: {  	_ =	shalt  }
0x61: {  	_ =	shalt  }
0x62: {  	_ =	shalt  }
0x63: {  	_ =	shalt  }
0x64: {  	_ =	shalt  }
0x65: {  	_ =	shalt  }
0x66: {  	_ =	shalt  }
0x67: {  	_ =	shalt  }
0x68: {  	_ =	shalt  }
0x69: {  	_ =	shalt  }
0x6a: {  	_ =	shalt  }
0x6b: {  	_ =	shalt  }
0x6c: {  	_ =	shalt  }
0x6d: {  	_ =	shalt  }
0x6e: {  	_ =	shalt  }
0x6f: {  	_ =	shalt  }
0x70: {  	_ =	shalt  }
0x71: {  	_ =	shalt  }
0x72: {  	_ =	shalt  }
0x73: {  	_ =	shalt  }
0x74: {  	_ =	shalt  }
0x75: {  	_ =	shalt  }
0x76: {  	_ =	shalt  }
0x77: {  	_ =	shalt  }
0x78: {  	_ =	shalt  }
0x79: {  	_ =	shalt  }
0x7a: {  	_ =	shalt  }
0x7b: {  	_ =	shalt  }
0x7c: {  	_ =	shalt  }
0x7d: {  	_ =	shalt  }
0x7e: {  	_ =	shalt  }
0x7f: {  	_ =	shalt  }
0x80: {  	_ =	shalt  }
0x81: {  	_ =	shalt  }
0x82: {  	_ =	shalt  }
0x83: {  	_ =	shalt  }
0x84: {  	_ =	shalt  }
0x85: {  	_ =	shalt  }
0x86: {  	_ =	shalt  }
0x87: {  	_ =	shalt  }
.Lfunc_end0:
.L_simem_size_0:
called_computation.2_lowered:
.L_overlay_start_0:
0x88: {  	s2 =	sld [smem:$0x3FD9]  }
0x89: {  	s3 =	sld [smem:$0x3FFE];
	_ =	sdelay $0x1  }
0x8a: {  	s1 =	srdreg.scid  }
0x8b: {  	s0 =	sand.u32 $0x1, s1  }
0x8c: {  	s16 =	sshll.u32 s0, $0xA;
	s2 =	sadd.s32 s3, s2  }
0x8d: {  	s2 =	sadd.s32 s2, s16  }
0x8e: {  	[smem:$0x3FB8] =	sst s2  }
0x8f: {  	_ = 	snop  }
0x90: {  	(tm) =	ssettm $0x1  }
0x91: {  	s17 =	sld [smem:$0x3FFB];
	_ =	sdelay $0x3  }
0x92: {  	_ =	strace s17  }
0x93: {  	s2 =	sld [smem:$0x3FFC];
	_ =	sdelay $0x3  }
0x94: {  	_ =	strace s2  }
0x95: {  	s2 =	sld [smem:$0x3FFD];
	_ =	sdelay $0x3  }
0x96: {  	_ =	strace s2  }
0x97: {  	_ =	strace $0x8FFFFFFF  }
0x98: {  	s18 =	sld [smem:$0x3FDB];
	_ =	sdelay $0x1  }
0x99: {  	s19 =	simm.s32 $_scs_section_size  }
0x9a: {  	s4 =	simm.s32 $_size__tile_overlayer_lowered;
	s5 =	simm.s32 $_tile_overlayer_lowered  }
0x9b: {  	s22 =	simm.s32 $0x1BFF;
	s21 =	sshll.u32 s5, $0x1;
	s2 =	sadd.s32 s19, s18  }
0x9c: {  	s6 =	simm.s32 $0x0;
	s20 =	sshll.u32 s4, $0x1;
	s4 =	sadd.s32 s21, s2  }
0x9d: {  	[timem:s6], [sflag:s22] =	dma.local [hbm:s4], s20  }
0x9e: {  	_ =	swait.ge [sflag:s22], s20  }
0x9f: {  	s3 =	ssub.s32 $0x0, s20;
	[sflag:s22] =	ssyncset.done $0x0  }
0xa0: {  	[sflag:s22] =	ssyncadd.s32 s3;
	_ =	sdelay $0x1  }
0xa1: {  	s23 =	simm.s32 $0x1B8B  }
0xa2: {  	_ =	swait.ge [sflag:s23], $0x1  }
0xa3: {  	[sflag:s23] =	ssyncset.done $0x0  }
0xa4: {  	s25 =	simm.s32 $0x1B8E;
	s24 =	sld [smem:$0x3FFE];
	[sflag:s23] =	ssyncadd.s32 $0xFFFFFFFF  }
0xa5: {  	s26 =	simm.s32 $execute0_lowered;
	[smem:$0x3FD2] =	sst s25  }
0xa6: {  	s4 =	sshll.u32 s26, $0x1;
	_ =	strace $0x8000004C;
	[dreg:$0x1] =	wrdreg $0xFFFFFFFF  }
0xa7: {  	s28 =	simm.s32 $_size_execute0_lowered;
	s2 =	sadd.s32 s2, s4;
	[dreg:$0x0] =	wrdreg $0x0  }
0xa8: {  	s4 =	sshll.u32 s28, $0x1;
	[dreg:$0x2] =	wrdreg s2  }
0xa9: {  	[dreg:$0x3] =	wrdreg s4  }
0xaa: {  	[dreg:$0x4] =	wrdreg $0xC0  }
0xab: {  	_ =	task [dreg:s6], $0x5FFFF  }
0xac: {  	[dreg:$0x1] =	wrdreg $0xFFFFFFFF  }
0xad: {  	[dreg:$0x0] =	wrdreg $0x60  }
0xae: {  	[dreg:$0x2] =	wrdreg s24  }
0xaf: {  	[dreg:$0x3] =	wrdreg $0xA2000  }
0xb0: {  	[dreg:$0x4] =	wrdreg $0x9  }
0xb1: {  	_ =	task.clear_ibuf [dreg:s6], $0x5FFFF;
	_ =	strace $0x9000004C  }
0xb2: {  	s29 =	simm.s32 $0x9;
	_ =	strace $0x8000004E  }
0xb3: {  	_ =	swait.ge [sflag:s29], $0x1  }
0xb4: {  	[sflag:s29] =	ssyncadd.s32 $0xFFFFFFFF  }
0xb5: {  	_ =	strace $0x9000004E  }
0xb6: {  	_ =	sfence  }
0xb7: {  	s30 =	sld [smem:$0x0];
	_ =	sdelay $0x2  }
0xb8: {  	s31 =	sshll.u32 s1, $0xD;
	s1 =	sshrl.u32 s1, $0x2  }
0xb9: {  	s3 =	sand.u32 $0x4000, s31;
	s1 =	sadd.s32 s1, s30  }
0xba: {  	s0 =	sor.u32 s3, s0;
	s1 =	sshll.u32 s1, $0x11  }
0xbb: {  	s0 =	sor.u32 s1, s0  }
0xbc: {  	s0 =	sadd.s32 $0x8F2B, s0  }
0xbd: {  	[sflag:s0] =	ssyncadd.remote.s32 $0x1  }
0xbe: {  	_ =	sfence.sel $0xFFFF  }
0xbf: {  	[dreg:$0x0] =	wrdreg $0xFFFFFFFF;
	(pc) =	sbr.abs _section_cstart, $3  }
0xc0: {  	[dreg:$0x1] =	wrdreg $0xFFFFFFFF  }
0xc1: {  	_ =	task.clear_ibuf [dreg:s6], $0x2FFFF;
	_ =	strace $0x9FFFFFFF  }
0xc2: {  	(tm) =	ssettm $0x7FFFFFFF  }
0xc3: {  	_ =	shalt  }
tec
execute0_lowered:
.L_overlay_start_1:
0x0: {  	(tag) =	ssettag $0x1  }
0x1: {  	s0 =	rddreg [dreg:$0x0]  }
0x2: {  	s2 =	rddreg [dreg:$0x1];
	s3 =	simm.s32 $0x0  }
0x3: {  	s18 =	stileid.u32;
	s1 =	srdreg.scid;
	s28 =	simm.s32 $0x8200  }
0x4: {  	s29 =	simm.s32 $0x4;
	s30 =	simm.s32 $0x80;
	s31 =	simm.s32 $0x200  }
0x5: {  	[smem:$0x7FF] =	sst s3;
	s5 =	smul.u32 $0x50000, s18;
	s4 =	sadd.s32 $0x68000, s0  }
0x6: {  	s6 =	sadd.s32 $0x5DE00, s0;
	s1 =	sand.u32 $0x1, s1;
	s13 =	smul.u32 $0x780, s18  }
0x7: {  	s14 =	sadd.s32 $0x3C00, s0;
	s26 =	smul.u32 $0x2800, s18;
	_ =	strace $0x8000004D  }
0x8: {  	s7 =	smul.u32 $0x28000, s1;
	s8 =	ssub.s32 $0x2, s1;
	p0 =	seq.s32 s1, $0x1  }
0x9: {  	s5 =	sshrl.u32 s5, $0x2;
	s9 =	sshrl.u32 s8, $0x1;
	s20 =	sor.u32 $0x10, s13  }
0xa: {  	s12 =	sadd.s32 s6, s13;
	s13 =	sadd.s32 s14, s13;
	s5 =	sadd.s32 s5, s2  }
0xb: {  	s0 =	sadd.s32 s7, s0;
	s15 =	ssub.s32 s8, s9;
	s21 =	sadd.s32 s6, s20  }
0xc: {  	s1 =	sadd.s32 s14, s20;
	s16 =	sadd.s32 $0x2000, s5;
	[dreg:$0x6] =	wrdreg s21  }
0xd: {  	s17 =	sadd.s32 $0x4000, s5;
	s19 =	sadd.s32 $0x6000, s5;
	[dreg:$0x7] =	wrdreg s1  }
0xe: {  	s9 =	sadd.s32 $0x8000, s5;
	s10 =	sadd.s32 $0xA000, s5;
	[dreg:$0x3] =	wrdreg s16  }
0xf: {  	s11 =	sadd.s32 $0xC000, s5;
	[dreg:$0x4] =	wrdreg s17;
	s16 =	smul.u32 $0x2A0, s18  }
0x10: {  	s0 =	sadd.s32 $0x8F200, s0;
	[dreg:$0x5] =	wrdreg s19;
	s18 =	simm.s32 $0x2  }
0x11: {  	s19 =	simm.s32 $0x0;
	s22 =	sadd.s32 $0x7800, s16;
	s17 =	sadd.s32 $0x7810, s16  }
0x12: {  	s20 =	sadd.s32 s16, s6;
	s21 =	sadd.s32 s16, s14;
	s23 =	sadd.s32 s6, s22  }
0x13: {  	s16 =	simm.s32 $0x4200;
	s1 =	sadd.s32 s14, s22;
	[dreg:$0x8] =	wrdreg s23  }
.Ltmp0:
0x14: {  	s24 =	sadd.s32 s6, s17;
	[dreg:$0x9] =	wrdreg s1;
	(pc) =	sbr.rel .LBB2_1-.Ltmp0, $4  }
0x15: {  	s25 =	sadd.s32 s14, s17;
	s22 =	sadd.s32 $0xE000, s5;
	[dreg:$0xa] =	wrdreg s24  }
0x16: {  	s14 =	simm.s32 $0x180;
	s17 =	simm.s32 $0x1;
	[dreg:$0xb] =	wrdreg s25  }
0x17: {  	s23 =	sadd.s32 s26, s0;
	s24 =	sadd.s32 $0x10000, s5;
	s25 =	smax.u32 s15, $0x1  }
0x18: {  	v0 =	vimm.f32 $0.0e+00;
	s26 =	sadd.s32 $0x12000, s5;
	s0 =	simm.s32 $0x100;
	s15 =	simm.s32 $0x3  }
.LBB2_6:
0x19: {  	[tilespmem:s14], [sflag:$0x3] =	stream.linear.gather [hbm4b:s6+s3], $0x80, $0x38;
	[tilespmem:$0x1E200] =	vst v63  }
.LBB2_10:
0x1a: {  	_ =	swait.ge [sflag:s15], $0x80  }
0x1b: {  	[sflag:s15] =	ssyncset.done $0x0  }
0x1c: {  	[sflag:s15] =	ssyncadd.s32 $0xFFFFFF80  }
0x1d: {  	_ =	swait.ge [sflag:s15], $0x80  }
0x1e: {  	[sflag:s15] =	ssyncset.done $0x0  }
0x1f: {  	[sflag:s15] =	ssyncadd.s32 $0xFFFFFF80  }
0x20: {  	[tilespmem:s16], [sflag:$0x2] =	stream.indirect.gather [hbm4b:s4+s30], $0x80, s0, s30, $0xb8;
	[tilespmem:$0x1E200] =	vst v63  }
0x21: {  	_ =	swait.ge [sflag:s17], $0x4000  }
0x22: {  	[sflag:s17] =	ssyncset.done $0x0  }
0x23: {  	[sflag:s17] =	ssyncadd.s32 $0xFFFFC000  }
0x24: {  	[spmem:s2] =	stream.indirect.scatter.add.f32 [tilespmem:s31], [sflag:$0x4], $0x80, s30, s30, $0xb8;
	[tilespmem:$0x1E200] =	vst v63  }
0x25: {  	_ =	swait.ge [sflag:s29], $0x4000  }
0x26: {  	[sflag:s29] =	ssyncset.done $0x0  }
0x27: {  	[sflag:s29] =	ssyncadd.s32 $0xFFFFC000  }
0x28: {  	_ =	swait.ge [sflag:s18], $0x4000  }
0x29: {  	[sflag:s18] =	ssyncset.done $0x0  }
0x2a: {  	[sflag:s18] =	ssyncadd.s32 $0xFFFFC000  }
0x2b: {  	[spmem:s2] =	stream.indirect.scatter.add.f32 [tilespmem:s16], [sflag:$0x4], $0x80, s14, s30, $0xb8;
	[tilespmem:$0x1E200] =	vst v63  }
0x2c: {  	s1 =	stileid.u32;
	_ =	swait.ge [sflag:s29], $0x4000  }
0x2d: {  	s6 =	sshrl.u32 s5, $0x3;
	s19 =	sadd.s32 $0x1, s19;
	[sflag:s29] =	ssyncset.done $0x0  }
0x2e: {  	s1 =	sshll.u32 s1, $0x6;
	p1 =	sne.s32 s19, s25;
	[sflag:s29] =	ssyncadd.s32 $0xFFFFC000  }
.Ltmp1:
0x2f: {  	s1 =	sor.u32 $0x1C04, s1;
	[bflag:$0x0] =	sbarrier.arrive $0xFFFF;
	(pc) =	sbr.rel @!p1 .LBB2_11-.Ltmp1, $4  }
0x30: {  	[hbm:s23], [sflag:s1] =	dma.local [spmem:s6], $0x2800  }
0x31: {  	_ =	swait.ge [sflag:s29], $0x2800  }
0x32: {  	[sflag:s29] =	ssyncset.done $0x0  }
0x33: {  	[sflag:s29] =	ssyncadd.s32 $0xFFFFD800  }
.LBB2_1:
0x34: {  	s1 =	simm.s32 $0x0;
	s6 =	simm.s32 $0x200  }
.LBB2_2:
0x35: {  	p1 =	sne.s32 s6, $0x7E00;
	[tilespmem:s1+$0x8270] =	vst v0  }
0x36: {  	[tilespmem:s1+$0x8200] =	vst v0  }
0x37: {  	[tilespmem:s1+$0x8210] =	vst v0  }
.Ltmp2:
0x38: {  	[tilespmem:s1+$0x8220] =	vst v0;
	(pc) =	sbr.rel @p1 .LBB2_2-.Ltmp2, $4  }
0x39: {  	[tilespmem:s1+$0x8230] =	vst v0  }
0x3a: {  	[tilespmem:s1+$0x8240] =	vst v0  }
0x3b: {  	[tilespmem:s1+$0x8250] =	vst v0  }
0x3c: {  	[tilespmem:s1+$0x8260] =	vst v0;
	s1 =	sshra.s32 s6, $0x2;
	s6 =	sadd.s32 $0x200, s6  }
0x3d: {  	[tilespmem:s1+$0x8270] =	vst v0  }
0x3e: {  	[tilespmem:s1+$0x8200] =	vst v0  }
0x3f: {  	[tilespmem:s1+$0x8210] =	vst v0  }
0x40: {  	[tilespmem:s1+$0x8220] =	vst v0  }
0x41: {  	[tilespmem:s1+$0x8230] =	vst v0  }
0x42: {  	[tilespmem:s1+$0x8240] =	vst v0  }
0x43: {  	[tilespmem:s1+$0x8250] =	vst v0  }
0x44: {  	[tilespmem:s1+$0x8260] =	vst v0  }
0x45: {  	[spmem:s5] =	stream.linear.scatter [tilespmem:s28], [sflag:$0x4], $0x2000, $0x38;
	[tilespmem:$0x1E200] =	vst v63  }
0x46: {  	_ =	swait.ge [sflag:s29], $0x2000  }
0x47: {  	[sflag:s29] =	ssyncset.done $0x0  }
0x48: {  	s6 =	rddreg [dreg:$0x3];
	[sflag:s29] =	ssyncadd.s32 $0xFFFFE000  }
0x49: {  	[spmem:s6] =	stream.linear.scatter [tilespmem:s28], [sflag:$0x4], $0x2000, $0x38;
	[tilespmem:$0x1E200] =	vst v63  }
0x4a: {  	_ =	swait.ge [sflag:s29], $0x2000  }
0x4b: {  	[sflag:s29] =	ssyncset.done $0x0  }
0x4c: {  	s7 =	rddreg [dreg:$0x4];
	[sflag:s29] =	ssyncadd.s32 $0xFFFFE000  }
0x4d: {  	[spmem:s7] =	stream.linear.scatter [tilespmem:s28], [sflag:$0x4], $0x2000, $0x38;
	[tilespmem:$0x1E200] =	vst v63  }
0x4e: {  	_ =	swait.ge [sflag:s29], $0x2000  }
0x4f: {  	[sflag:s29] =	ssyncset.done $0x0  }
0x50: {  	s8 =	rddreg [dreg:$0x5];
	[sflag:s29] =	ssyncadd.s32 $0xFFFFE000  }
0x51: {  	[spmem:s8] =	stream.linear.scatter [tilespmem:s28], [sflag:$0x4], $0x2000, $0x38;
	[tilespmem:$0x1E200] =	vst v63  }
0x52: {  	_ =	swait.ge [sflag:s29], $0x2000  }
0x53: {  	[sflag:s29] =	ssyncset.done $0x0  }
0x54: {  	[sflag:s29] =	ssyncadd.s32 $0xFFFFE000  }
0x55: {  	[spmem:s9] =	stream.linear.scatter [tilespmem:s28], [sflag:$0x4], $0x2000, $0x38;
	[tilespmem:$0x1E200] =	vst v63  }
0x56: {  	_ =	swait.ge [sflag:s29], $0x2000  }
0x57: {  	[sflag:s29] =	ssyncset.done $0x0  }
0x58: {  	[sflag:s29] =	ssyncadd.s32 $0xFFFFE000  }
0x59: {  	[spmem:s10] =	stream.linear.scatter [tilespmem:s28], [sflag:$0x4], $0x2000, $0x38;
	[tilespmem:$0x1E200] =	vst v63  }
0x5a: {  	_ =	swait.ge [sflag:s29], $0x2000  }
0x5b: {  	[sflag:s29] =	ssyncset.done $0x0  }
0x5c: {  	[sflag:s29] =	ssyncadd.s32 $0xFFFFE000  }
0x5d: {  	[spmem:s11] =	stream.linear.scatter [tilespmem:s28], [sflag:$0x4], $0x2000, $0x38;
	[tilespmem:$0x1E200] =	vst v63  }
0x5e: {  	_ =	swait.ge [sflag:s29], $0x2000  }
0x5f: {  	[sflag:s29] =	ssyncset.done $0x0  }
0x60: {  	[sflag:s29] =	ssyncadd.s32 $0xFFFFE000  }
0x61: {  	[spmem:s22] =	stream.linear.scatter [tilespmem:s28], [sflag:$0x4], $0x2000, $0x38;
	[tilespmem:$0x1E200] =	vst v63  }
0x62: {  	_ =	swait.ge [sflag:s29], $0x2000  }
0x63: {  	[sflag:s29] =	ssyncset.done $0x0  }
0x64: {  	[sflag:s29] =	ssyncadd.s32 $0xFFFFE000  }
0x65: {  	[spmem:s24] =	stream.linear.scatter [tilespmem:s28], [sflag:$0x4], $0x2000, $0x38;
	[tilespmem:$0x1E200] =	vst v63  }
0x66: {  	_ =	swait.ge [sflag:s29], $0x2000  }
0x67: {  	[sflag:s29] =	ssyncset.done $0x0  }
0x68: {  	[sflag:s29] =	ssyncadd.s32 $0xFFFFE000  }
0x69: {  	[spmem:s26] =	stream.linear.scatter [tilespmem:s28], [sflag:$0x4], $0x2000, $0x38;
	[tilespmem:$0x1E200] =	vst v63  }
.Ltmp3:
0x6a: {  	_ =	swait.ge [sflag:s29], $0x2000;
	(pc) =	sbr.rel @!p0 .LBB2_4-.Ltmp3, $3  }
0x6b: {  	[sflag:s29] =	ssyncset.done $0x0  }
0x6c: {  	[sflag:s29] =	ssyncadd.s32 $0xFFFFE000  }
0x6d: {  	[bflag:$0x0] =	sbarrier.arrive $0xFFFF;
	_ =	sdelay $0x1  }
0x6e: {  	s1 =	rddreg [dreg:$0x8]  }
0x6f: {  	[tilespmem:s3], [sflag:$0x4] =	stream.linear.gather [hbm4b:s1+s3], $0x80, $0x38;
	[tilespmem:$0x1E200] =	vst v63  }
0x70: {  	_ =	swait.ge [sflag:s29], $0x80  }
0x71: {  	[sflag:s29] =	ssyncset.done $0x0  }
0x72: {  	s8 =	rddreg [dreg:$0x9];
	[sflag:s29] =	ssyncadd.s32 $0xFFFFFF80  }
0x73: {  	[tilespmem:s30], [sflag:$0x4] =	stream.linear.gather [hbm4b:s8+s3], $0x80, $0x38;
	[tilespmem:$0x1E200] =	vst v63  }
0x74: {  	_ =	swait.ge [sflag:s29], $0x80  }
0x75: {  	[sflag:s29] =	ssyncset.done $0x0  }
0x76: {  	[sflag:s29] =	ssyncadd.s32 $0xFFFFFF80  }
0x77: {  	[tilespmem:s31], [sflag:$0x1] =	stream.indirect.gather [hbm4b:s4+s30], $0x80, s3, s30, $0xb8;
	[tilespmem:$0x1E200] =	vst v63  }
0x78: {  	s6 =	rddreg [dreg:$0xa]  }
0x79: {  	[tilespmem:s0], [sflag:$0x3] =	stream.linear.gather [hbm4b:s6+s3], $0x80, $0x38;
	[tilespmem:$0x1E200] =	vst v63  }
0x7a: {  	s7 =	rddreg [dreg:$0xb]  }
0x7b: {  	[tilespmem:s14], [sflag:$0x3] =	stream.linear.gather [hbm4b:s7+s3], $0x80, $0x38;
	[tilespmem:$0x1E200] =	vst v63  }
0x7c: {  	_ =	swait.ge [sflag:s15], $0x80  }
0x7d: {  	[sflag:s15] =	ssyncset.done $0x0  }
0x7e: {  	[sflag:s15] =	ssyncadd.s32 $0xFFFFFF80  }
0x7f: {  	_ =	swait.ge [sflag:s15], $0x80  }
0x80: {  	[sflag:s15] =	ssyncset.done $0x0  }
0x81: {  	[sflag:s15] =	ssyncadd.s32 $0xFFFFFF80  }
0x82: {  	[tilespmem:s16], [sflag:$0x2] =	stream.indirect.gather [hbm4b:s4+s30], $0x80, s0, s30, $0xb8;
	[tilespmem:$0x1E200] =	vst v63  }
0x83: {  	_ =	swait.ge [sflag:s17], $0x4000  }
0x84: {  	[sflag:s17] =	ssyncset.done $0x0  }
0x85: {  	[sflag:s17] =	ssyncadd.s32 $0xFFFFC000  }
0x86: {  	[spmem:s2] =	stream.indirect.scatter.add.f32 [tilespmem:s31], [sflag:$0x4], $0x80, s30, s30, $0xb8;
	[tilespmem:$0x1E200] =	vst v63  }
0x87: {  	_ =	swait.ge [sflag:s29], $0x4000  }
0x88: {  	s1 =	sadd.s32 $0xFFFFFD80, s20;
	[sflag:s29] =	ssyncset.done $0x0  }
0x89: {  	s6 =	sadd.s32 $0x7AA0, s1;
	[sflag:s29] =	ssyncadd.s32 $0xFFFFC000  }
0x8a: {  	[tilespmem:s3], [sflag:$0x4] =	stream.linear.gather [hbm4b:s6+s3], $0x80, $0x38;
	[tilespmem:$0x1E200] =	vst v63  }
0x8b: {  	_ =	swait.ge [sflag:s29], $0x80  }
0x8c: {  	s8 =	sadd.s32 $0xFFFFFD80, s21;
	[sflag:s29] =	ssyncset.done $0x0  }
0x8d: {  	s7 =	sadd.s32 $0x7AA0, s8;
	[sflag:s29] =	ssyncadd.s32 $0xFFFFFF80  }
0x8e: {  	[tilespmem:s30], [sflag:$0x4] =	stream.linear.gather [hbm4b:s7+s3], $0x80, $0x38;
	[tilespmem:$0x1E200] =	vst v63  }
0x8f: {  	_ =	swait.ge [sflag:s29], $0x80  }
0x90: {  	[sflag:s29] =	ssyncset.done $0x0  }
0x91: {  	[sflag:s29] =	ssyncadd.s32 $0xFFFFFF80  }
0x92: {  	[tilespmem:s31], [sflag:$0x1] =	stream.indirect.gather [hbm4b:s4+s30], $0x80, s3, s30, $0xb8;
	[tilespmem:$0x1E200] =	vst v63  }
0x93: {  	_ =	swait.ge [sflag:s18], $0x4000  }
0x94: {  	[sflag:s18] =	ssyncset.done $0x0  }
0x95: {  	[sflag:s18] =	ssyncadd.s32 $0xFFFFC000  }
0x96: {  	[spmem:s2] =	stream.indirect.scatter.add.f32 [tilespmem:s16], [sflag:$0x4], $0x80, s14, s30, $0xb8;
	[tilespmem:$0x1E200] =	vst v63  }
0x97: {  	_ =	swait.ge [sflag:s29], $0x4000  }
0x98: {  	[sflag:s29] =	ssyncset.done $0x0  }
0x99: {  	s1 =	sadd.s32 $0x7AB0, s1;
	[sflag:s29] =	ssyncadd.s32 $0xFFFFC000  }
0x9a: {  	[tilespmem:s0], [sflag:$0x3] =	stream.linear.gather [hbm4b:s1+s3], $0x80, $0x38;
	[tilespmem:$0x1E200] =	vst v63  }
0x9b: {  	s6 =	sadd.s32 $0x7AB0, s8;
	s1 =	simm.s32 $0xFFFFFDA0  }
.LBB2_8:
0x9c: {  	[tilespmem:s14], [sflag:$0x3] =	stream.linear.gather [hbm4b:s6+s3], $0x80, $0x38;
	[tilespmem:$0x1E200] =	vst v63  }
0x9d: {  	s6 =	smov.u32 s1  }
0x9e: {  	p1 =	sne.s32 s1, $0xFFFFFFE0;
	s1 =	sadd.s32 $0x20, s1;
	_ =	swait.ge [sflag:s15], $0x80  }
0x9f: {  	[sflag:s15] =	ssyncset.done $0x0  }
0xa0: {  	[sflag:s15] =	ssyncadd.s32 $0xFFFFFF80  }
0xa1: {  	_ =	swait.ge [sflag:s15], $0x80  }
0xa2: {  	[sflag:s15] =	ssyncset.done $0x0  }
0xa3: {  	[sflag:s15] =	ssyncadd.s32 $0xFFFFFF80  }
0xa4: {  	[tilespmem:s16], [sflag:$0x2] =	stream.indirect.gather [hbm4b:s4+s30], $0x80, s0, s30, $0xb8;
	[tilespmem:$0x1E200] =	vst v63  }
0xa5: {  	_ =	swait.ge [sflag:s17], $0x4000  }
0xa6: {  	[sflag:s17] =	ssyncset.done $0x0  }
0xa7: {  	[sflag:s17] =	ssyncadd.s32 $0xFFFFC000  }
0xa8: {  	[spmem:s2] =	stream.indirect.scatter.add.f32 [tilespmem:s31], [sflag:$0x4], $0x80, s30, s30, $0xb8;
	[tilespmem:$0x1E200] =	vst v63  }
0xa9: {  	_ =	swait.ge [sflag:s29], $0x4000  }
0xaa: {  	s7 =	sadd.s32 s6, s20;
	[sflag:s29] =	ssyncset.done $0x0  }
0xab: {  	s8 =	sadd.s32 $0x7AA0, s7;
	[sflag:s29] =	ssyncadd.s32 $0xFFFFC000  }
0xac: {  	[tilespmem:s3], [sflag:$0x4] =	stream.linear.gather [hbm4b:s8+s3], $0x80, $0x38;
	[tilespmem:$0x1E200] =	vst v63  }
0xad: {  	_ =	swait.ge [sflag:s29], $0x80  }
0xae: {  	s6 =	sadd.s32 s6, s21;
	[sflag:s29] =	ssyncset.done $0x0  }
0xaf: {  	s8 =	sadd.s32 $0x7AA0, s6;
	[sflag:s29] =	ssyncadd.s32 $0xFFFFFF80  }
0xb0: {  	[tilespmem:s30], [sflag:$0x4] =	stream.linear.gather [hbm4b:s8+s3], $0x80, $0x38;
	[tilespmem:$0x1E200] =	vst v63  }
0xb1: {  	_ =	swait.ge [sflag:s29], $0x80  }
0xb2: {  	[sflag:s29] =	ssyncset.done $0x0  }
0xb3: {  	[sflag:s29] =	ssyncadd.s32 $0xFFFFFF80  }
0xb4: {  	[tilespmem:s31], [sflag:$0x1] =	stream.indirect.gather [hbm4b:s4+s30], $0x80, s3, s30, $0xb8;
	[tilespmem:$0x1E200] =	vst v63  }
0xb5: {  	_ =	swait.ge [sflag:s18], $0x4000  }
0xb6: {  	[sflag:s18] =	ssyncset.done $0x0  }
0xb7: {  	[sflag:s18] =	ssyncadd.s32 $0xFFFFC000  }
0xb8: {  	[spmem:s2] =	stream.indirect.scatter.add.f32 [tilespmem:s16], [sflag:$0x4], $0x80, s14, s30, $0xb8;
	[tilespmem:$0x1E200] =	vst v63  }
.Ltmp4:
0xb9: {  	_ =	swait.ge [sflag:s29], $0x4000;
	(pc) =	sbr.rel @p1 .LBB2_8-.Ltmp4, $4  }
0xba: {  	[sflag:s29] =	ssyncset.done $0x0  }
0xbb: {  	s7 =	sadd.s32 $0x7AB0, s7;
	[sflag:s29] =	ssyncadd.s32 $0xFFFFC000  }
0xbc: {  	[tilespmem:s0], [sflag:$0x3] =	stream.linear.gather [hbm4b:s7+s3], $0x80, $0x38;
	[tilespmem:$0x1E200] =	vst v63  }
0xbd: {  	s6 =	sadd.s32 $0x7AB0, s6  }
.Ltmp5:
0xbe: {  	(pc) =	sbr.rel .LBB2_10-.Ltmp5, $2  }
0xbf: {  	_ =	sdelay $0x2  }
0xc0: {  	[tilespmem:s14], [sflag:$0x3] =	stream.linear.gather [hbm4b:s6+s3], $0x80, $0x38;
	[tilespmem:$0x1E200] =	vst v63  }
.LBB2_4:
0xc1: {  	[tilespmem:s3], [sflag:$0x4] =	stream.linear.gather [hbm4b:s12+s3], $0x80, $0x38;
	[tilespmem:$0x1E200] =	vst v63  }
0xc2: {  	_ =	swait.ge [sflag:s29], $0x80  }
0xc3: {  	[sflag:s29] =	ssyncset.done $0x0  }
0xc4: {  	[sflag:s29] =	ssyncadd.s32 $0xFFFFFF80  }
0xc5: {  	[tilespmem:s30], [sflag:$0x4] =	stream.linear.gather [hbm4b:s13+s3], $0x80, $0x38;
	[tilespmem:$0x1E200] =	vst v63  }
0xc6: {  	_ =	swait.ge [sflag:s29], $0x80  }
0xc7: {  	[sflag:s29] =	ssyncset.done $0x0  }
0xc8: {  	[sflag:s29] =	ssyncadd.s32 $0xFFFFFF80  }
0xc9: {  	[tilespmem:s31], [sflag:$0x1] =	stream.indirect.gather [hbm4b:s4+s30], $0x80, s3, s30, $0xb8;
	[tilespmem:$0x1E200] =	vst v63  }
0xca: {  	s1 =	rddreg [dreg:$0x6]  }
0xcb: {  	[tilespmem:s0], [sflag:$0x3] =	stream.linear.gather [hbm4b:s1+s3], $0x80, $0x38;
	[tilespmem:$0x1E200] =	vst v63  }
0xcc: {  	s7 =	rddreg [dreg:$0x7]  }
0xcd: {  	[tilespmem:s14], [sflag:$0x3] =	stream.linear.gather [hbm4b:s7+s3], $0x80, $0x38;
	[tilespmem:$0x1E200] =	vst v63  }
0xce: {  	_ =	swait.ge [sflag:s15], $0x80  }
0xcf: {  	[sflag:s15] =	ssyncset.done $0x0  }
0xd0: {  	[sflag:s15] =	ssyncadd.s32 $0xFFFFFF80  }
0xd1: {  	_ =	swait.ge [sflag:s15], $0x80  }
0xd2: {  	[sflag:s15] =	ssyncset.done $0x0  }
0xd3: {  	[sflag:s15] =	ssyncadd.s32 $0xFFFFFF80  }
0xd4: {  	[tilespmem:s16], [sflag:$0x2] =	stream.indirect.gather [hbm4b:s4+s30], $0x80, s0, s30, $0xb8;
	[tilespmem:$0x1E200] =	vst v63  }
0xd5: {  	_ =	swait.ge [sflag:s17], $0x4000  }
0xd6: {  	[sflag:s17] =	ssyncset.done $0x0  }
0xd7: {  	[sflag:s17] =	ssyncadd.s32 $0xFFFFC000  }
0xd8: {  	[spmem:s2] =	stream.indirect.scatter.add.f32 [tilespmem:s31], [sflag:$0x4], $0x80, s30, s30, $0xb8;
	[tilespmem:$0x1E200] =	vst v63  }
0xd9: {  	_ =	swait.ge [sflag:s29], $0x4000  }
0xda: {  	s1 =	sadd.s32 $0xFFFFF8A0, s12;
	[sflag:s29] =	ssyncset.done $0x0  }
0xdb: {  	s6 =	sadd.s32 $0x780, s1;
	[sflag:s29] =	ssyncadd.s32 $0xFFFFC000  }
0xdc: {  	[tilespmem:s3], [sflag:$0x4] =	stream.linear.gather [hbm4b:s6+s3], $0x80, $0x38;
	[tilespmem:$0x1E200] =	vst v63  }
0xdd: {  	_ =	swait.ge [sflag:s29], $0x80  }
0xde: {  	s8 =	sadd.s32 $0xFFFFF8A0, s13;
	[sflag:s29] =	ssyncset.done $0x0  }
0xdf: {  	s7 =	sadd.s32 $0x780, s8;
	[sflag:s29] =	ssyncadd.s32 $0xFFFFFF80  }
0xe0: {  	[tilespmem:s30], [sflag:$0x4] =	stream.linear.gather [hbm4b:s7+s3], $0x80, $0x38;
	[tilespmem:$0x1E200] =	vst v63  }
0xe1: {  	_ =	swait.ge [sflag:s29], $0x80  }
0xe2: {  	[sflag:s29] =	ssyncset.done $0x0  }
0xe3: {  	[sflag:s29] =	ssyncadd.s32 $0xFFFFFF80  }
0xe4: {  	[tilespmem:s31], [sflag:$0x1] =	stream.indirect.gather [hbm4b:s4+s30], $0x80, s3, s30, $0xb8;
	[tilespmem:$0x1E200] =	vst v63  }
0xe5: {  	_ =	swait.ge [sflag:s18], $0x4000  }
0xe6: {  	[sflag:s18] =	ssyncset.done $0x0  }
0xe7: {  	[sflag:s18] =	ssyncadd.s32 $0xFFFFC000  }
0xe8: {  	[spmem:s2] =	stream.indirect.scatter.add.f32 [tilespmem:s16], [sflag:$0x4], $0x80, s14, s30, $0xb8;
	[tilespmem:$0x1E200] =	vst v63  }
0xe9: {  	_ =	swait.ge [sflag:s29], $0x4000  }
0xea: {  	[sflag:s29] =	ssyncset.done $0x0  }
0xeb: {  	s1 =	sadd.s32 $0x790, s1;
	[sflag:s29] =	ssyncadd.s32 $0xFFFFC000  }
0xec: {  	[tilespmem:s0], [sflag:$0x3] =	stream.linear.gather [hbm4b:s1+s3], $0x80, $0x38;
	[tilespmem:$0x1E200] =	vst v63  }
0xed: {  	s6 =	sadd.s32 $0x790, s8;
	s1 =	simm.s32 $0xFFFFF8C0  }
.LBB2_5:
0xee: {  	[tilespmem:s14], [sflag:$0x3] =	stream.linear.gather [hbm4b:s6+s3], $0x80, $0x38;
	[tilespmem:$0x1E200] =	vst v63  }
0xef: {  	s6 =	smov.u32 s1  }
0xf0: {  	p1 =	seq.s32 s1, $0xFFFFFFE0;
	s1 =	sadd.s32 $0x20, s1;
	_ =	swait.ge [sflag:s15], $0x80  }
0xf1: {  	[sflag:s15] =	ssyncset.done $0x0  }
0xf2: {  	[sflag:s15] =	ssyncadd.s32 $0xFFFFFF80  }
0xf3: {  	_ =	swait.ge [sflag:s15], $0x80  }
0xf4: {  	[sflag:s15] =	ssyncset.done $0x0  }
0xf5: {  	[sflag:s15] =	ssyncadd.s32 $0xFFFFFF80  }
0xf6: {  	[tilespmem:s16], [sflag:$0x2] =	stream.indirect.gather [hbm4b:s4+s30], $0x80, s0, s30, $0xb8;
	[tilespmem:$0x1E200] =	vst v63  }
0xf7: {  	_ =	swait.ge [sflag:s17], $0x4000  }
0xf8: {  	[sflag:s17] =	ssyncset.done $0x0  }
0xf9: {  	[sflag:s17] =	ssyncadd.s32 $0xFFFFC000  }
0xfa: {  	[spmem:s2] =	stream.indirect.scatter.add.f32 [tilespmem:s31], [sflag:$0x4], $0x80, s30, s30, $0xb8;
	[tilespmem:$0x1E200] =	vst v63  }
0xfb: {  	_ =	swait.ge [sflag:s29], $0x4000  }
0xfc: {  	s7 =	sadd.s32 s6, s12;
	[sflag:s29] =	ssyncset.done $0x0  }
0xfd: {  	s8 =	sadd.s32 $0x780, s7;
	[sflag:s29] =	ssyncadd.s32 $0xFFFFC000  }
0xfe: {  	[tilespmem:s3], [sflag:$0x4] =	stream.linear.gather [hbm4b:s8+s3], $0x80, $0x38;
	[tilespmem:$0x1E200] =	vst v63  }
0xff: {  	_ =	swait.ge [sflag:s29], $0x80  }
0x100: {  	s6 =	sadd.s32 s6, s13;
	[sflag:s29] =	ssyncset.done $0x0  }
0x101: {  	s8 =	sadd.s32 $0x780, s6;
	[sflag:s29] =	ssyncadd.s32 $0xFFFFFF80  }
0x102: {  	[tilespmem:s30], [sflag:$0x4] =	stream.linear.gather [hbm4b:s8+s3], $0x80, $0x38;
	[tilespmem:$0x1E200] =	vst v63  }
0x103: {  	_ =	swait.ge [sflag:s29], $0x80  }
0x104: {  	[sflag:s29] =	ssyncset.done $0x0  }
0x105: {  	[sflag:s29] =	ssyncadd.s32 $0xFFFFFF80  }
0x106: {  	[tilespmem:s31], [sflag:$0x1] =	stream.indirect.gather [hbm4b:s4+s30], $0x80, s3, s30, $0xb8;
	[tilespmem:$0x1E200] =	vst v63  }
0x107: {  	_ =	swait.ge [sflag:s18], $0x4000  }
0x108: {  	[sflag:s18] =	ssyncset.done $0x0  }
0x109: {  	[sflag:s18] =	ssyncadd.s32 $0xFFFFC000  }
0x10a: {  	[spmem:s2] =	stream.indirect.scatter.add.f32 [tilespmem:s16], [sflag:$0x4], $0x80, s14, s30, $0xb8;
	[tilespmem:$0x1E200] =	vst v63  }
.Ltmp6:
0x10b: {  	_ =	swait.ge [sflag:s29], $0x4000;
	(pc) =	sbr.rel @!p1 .LBB2_5-.Ltmp6, $4  }
0x10c: {  	[sflag:s29] =	ssyncset.done $0x0  }
0x10d: {  	s7 =	sadd.s32 $0x790, s7;
	[sflag:s29] =	ssyncadd.s32 $0xFFFFC000  }
0x10e: {  	[tilespmem:s0], [sflag:$0x3] =	stream.linear.gather [hbm4b:s7+s3], $0x80, $0x38;
	[tilespmem:$0x1E200] =	vst v63  }
0x10f: {  	s6 =	sadd.s32 $0x790, s6  }
.Ltmp7:
0x110: {  	_ = 	snop;
	(pc) =	sbr.rel .LBB2_6-.Ltmp7, $1  }
0x111: {  	_ =	sdelay $0x3  }
.LBB2_11:
0x112: {  	_ =	sfence.sel $0x180000  }
0x113: {  	[bflag:$0x0] =	sbarrier.arrive $0xFFFF  }
0x114: {  	_ =	strace $0x9000004D  }
0x115: {  	s0 =	stileid.u32;
	[bflag:$0x2] =	sbarrier.arrive $0xFFFF  }
0x116: {  	p0 =	sne.s32 s0, $0x0;
	s0 =	rddreg [dreg:$0x2]  }
0x117: {  	s0 =	sadd.s32 @!p0 $0x100000, s0  }
0x118: {  	[sflag:s0] =	ssyncadd.tile.s32 @!p0 $0x1;
	_ =	shalt  }
.Lfunc_end2:
_tile_overlayer_lowered:
.L_overlay_start_2:
0x119: {  	(tag) =	ssettag $0x2  }
0x11a: {  	s0 =	rddreg [dreg:$0x0];
	s2 =	stileid.u32  }
0x11b: {  	s1 =	rddreg [dreg:$0x1];
	p0 =	sne.s32 s2, $0x0  }
0x11c: {  	s3 =	rddreg [dreg:$0x2];
	[bflag:$0x3] =	sbarrier.arrive $0xFFFF;
	s2 =	simm.s32 @!p0 $0x1C04  }
0x11d: {  	[timem:s3], [sflag:s2] =	dma.local @!p0 [hbm:s0], s1  }
0x11e: {  	s0 =	simm.s32 @!p0 $0x4  }
0x11f: {  	_ =	swait.ge @!p0 [sflag:s0], s1  }
0x120: {  	s1 =	ssub.s32 @!p0 $0x0, s1;
	[sflag:s0] =	ssyncset.done @!p0 $0x0  }
0x121: {  	[sflag:s0] =	ssyncadd.s32 @!p0 s1  }
0x122: {  	[bflag:$0x3] =	sbarrier.arrive $0xFFFF  }
0x123: {  	_ =	shalt  }

// kernel: kernel.21.cloned.1.call-start
scs
__scs_entry_jumppad:
0x0: {  	(pc) =	sbr.rel $0x88, $3  }
0x1: {  	(tag) =	ssettag $0x0;
	lr =	simm.s32 $0x1  }
0x2: {  	[smem:$0x3F91] =	sst lr;
	_ =	strace $0xD0000000  }
0x3: {  	_ = 	snop  }
0x4: {  	_ = 	snop  }
0x5: {  	_ = 	snop  }
0x6: {  	_ = 	snop  }
0x7: {  	_ = 	snop  }
__scs_overlays_trampoline_lowered:
0x8: {  	[smem:$0x3FA0] =	sst s0  }
0x9: {  	[smem:$0x3FA1] =	sst s1  }
0xa: {  	[smem:$0x3FA2] =	sst s2  }
0xb: {  	[smem:$0x3FA3] =	sst s3  }
0xc: {  	[smem:$0x3FA4] =	sst s4  }
0xd: {  	[smem:$0x3FA5] =	sst s5  }
0xe: {  	[smem:$0x3FA6] =	sst s6  }
0xf: {  	[smem:$0x3FA7] =	sst s7  }
0x10: {  	[smem:$0x3FA8] =	sst s8  }
0x11: {  	[smem:$0x3FA9] =	sst s9;
	s0 =	simm.s32 @!p0 $0x0  }
0x12: {  	s1 =	sld [smem:$0x3F8F];
	s0 =	simm.s32 @p0 $0x1  }
0x13: {  	[smem:$0x3FAA] =	sst s0;
	s0 =	simm.s32 @!p1 $0x0  }
0x14: {  	s2 =	sld [smem:$0x3F8E];
	s0 =	simm.s32 @p1 $0x1  }
0x15: {  	[smem:$0x3FAB] =	sst s0;
	s0 =	simm.s32 @!p2 $0x0  }
0x16: {  	s3 =	sld [smem:$0x3FDB];
	s0 =	simm.s32 @p2 $0x1  }
0x17: {  	s4 =	simm.s32 $0x1BF5;
	[smem:$0x3FAD] =	sst s0  }
0x18: {  	s0 =	sld [smem:$0x3F90];
	_ =	swait.ge [sflag:s4], $0x0  }
0x19: {  	s7 =	sld [smem:$0x3F91]  }
0x1a: {  	s8 =	sadd.s32 $0xFFFFE003, lr  }
0x1b: {  	s9 =	sadd.s32 $0xFFFFFEF7, lr;
	s5 =	simm.s32 $0xFFFFFFFF;
	p2 =	slt.u32 s8, $0xFFFFF086  }
0x1c: {  	p1 =	slt.u32 s9, $0xF7A;
	s5 =	simm.s32 @!p2 $0x0  }
0x1d: {  	s5 =	simm.s32 @p1 $0x1;
	p0 =	seq.s32 s7, s2  }
0x1e: {  	s7 =	smul.u32 @!p0 $0xF7A, s2;
	p2 =	seq.s32 @!p0 s5, $0x0  }
0x1f: {  	s9 =	smul.u32 $0xF7A, s1;
	s8 =	simm.s32 @!p0 $0x1BF5;
	p2 =	por !p2, p0  }
0x20: {  	[sflag:s8] =	ssyncset.s32 @!p0 $0xFFFFF086;
	s6 =	sadd.s32 @!p0 s3, s7;
	s7 =	simm.s32 @!p0 $0x108  }
0x21: {  	s3 =	sadd.s32 s3, s9;
	s6 =	sadd.s32 @!p0 $0x88, s6;
	s7 =	simm.s32 @p2 $0x1082  }
0x22: {  	[simem:s7], [sflag:s8] =	dma.local @!p0 [hbm:s6], $0xF7A  }
0x23: {  	s9 =	sor.u32 $0xD0000000, s2;
	s6 =	simm.s32 $0x108;
	_ =	swait.ge @!p0 [sflag:s8], $0x0  }
0x24: {  	s3 =	sadd.s32 $0x88, s3;
	s6 =	simm.s32 @!p1 $0x1082;
	[sflag:s4] =	ssyncset.s32 $0xFFFFF086  }
0x25: {  	[simem:s6], [sflag:s4] =	dma.local [hbm:s3], $0xF7A  }
0x26: {  	[smem:$0x3F91] =	sst s1;
	(tag) =	ssettag s2;
	_ =	strace s9  }
0x27: {  	s1 =	sld [smem:$0x3FA1]  }
0x28: {  	s2 =	sld [smem:$0x3FA2]  }
0x29: {  	s4 =	sld [smem:$0x3FA4]  }
0x2a: {  	p0 =	seq.s32 s5, $0x0;
	s5 =	sld [smem:$0x3FA5]  }
0x2b: {  	s6 =	sld [smem:$0x3FA6]  }
0x2c: {  	s7 =	sld [smem:$0x3FA7]  }
0x2d: {  	s3 =	simm.s32 $0x108;
	s8 =	sld [smem:$0x3FA8]  }
0x2e: {  	s3 =	simm.s32 @!p0 $0x1082;
	s9 =	sld [smem:$0x3FA9]  }
0x2f: {  	lr =	sadd.s32 s0, s3;
	s0 =	sld [smem:$0x3FA0]  }
0x30: {  	s3 =	sld [smem:$0x3FA3]  }
0x31: {  	[smem:$0x3FAC] =	sst s10  }
0x32: {  	s10 =	sld [smem:$0x3FAA];
	_ =	sdelay $0x3  }
0x33: {  	p0 =	seq.s32 s10, $0x1;
	s10 =	sld [smem:$0x3FAC];
	_ =	sdelay $0x3  }
0x34: {  	[smem:$0x3FAC] =	sst s10  }
0x35: {  	s10 =	sld [smem:$0x3FAB];
	_ =	sdelay $0x3  }
0x36: {  	p1 =	seq.s32 s10, $0x1;
	s10 =	sld [smem:$0x3FAC];
	_ =	sdelay $0x3  }
0x37: {  	[smem:$0x3FAC] =	sst s10  }
0x38: {  	s10 =	sld [smem:$0x3FAD]  }
0x39: {  	_ = 	snop;
	(pc) =	sbr.ind lr, $3  }
0x3a: {  	_ = 	snop  }
0x3b: {  	_ = 	snop  }
0x3c: {  	p2 =	seq.s32 s10, $0x1;
	s10 =	sld [smem:$0x3FAC]  }
0x3d: {  	_ =	shalt  }
0x3e: {  	_ =	shalt  }
0x3f: {  	_ =	shalt  }
0x40: {  	_ =	shalt  }
0x41: {  	_ =	shalt  }
0x42: {  	_ =	shalt  }
0x43: {  	_ =	shalt  }
0x44: {  	_ =	shalt  }
0x45: {  	_ =	shalt  }
0x46: {  	_ =	shalt  }
0x47: {  	_ =	shalt  }
0x48: {  	_ =	shalt  }
0x49: {  	_ =	shalt  }
0x4a: {  	_ =	shalt  }
0x4b: {  	_ =	shalt  }
0x4c: {  	_ =	shalt  }
0x4d: {  	_ =	shalt  }
0x4e: {  	_ =	shalt  }
0x4f: {  	_ =	shalt  }
0x50: {  	_ =	shalt  }
0x51: {  	_ =	shalt  }
0x52: {  	_ =	shalt  }
0x53: {  	_ =	shalt  }
0x54: {  	_ =	shalt  }
0x55: {  	_ =	shalt  }
0x56: {  	_ =	shalt  }
0x57: {  	_ =	shalt  }
0x58: {  	_ =	shalt  }
0x59: {  	_ =	shalt  }
0x5a: {  	_ =	shalt  }
0x5b: {  	_ =	shalt  }
0x5c: {  	_ =	shalt  }
0x5d: {  	_ =	shalt  }
0x5e: {  	_ =	shalt  }
0x5f: {  	_ =	shalt  }
0x60: {  	_ =	shalt  }
0x61: {  	_ =	shalt  }
0x62: {  	_ =	shalt  }
0x63: {  	_ =	shalt  }
0x64: {  	_ =	shalt  }
0x65: {  	_ =	shalt  }
0x66: {  	_ =	shalt  }
0x67: {  	_ =	shalt  }
0x68: {  	_ =	shalt  }
0x69: {  	_ =	shalt  }
0x6a: {  	_ =	shalt  }
0x6b: {  	_ =	shalt  }
0x6c: {  	_ =	shalt  }
0x6d: {  	_ =	shalt  }
0x6e: {  	_ =	shalt  }
0x6f: {  	_ =	shalt  }
0x70: {  	_ =	shalt  }
0x71: {  	_ =	shalt  }
0x72: {  	_ =	shalt  }
0x73: {  	_ =	shalt  }
0x74: {  	_ =	shalt  }
0x75: {  	_ =	shalt  }
0x76: {  	_ =	shalt  }
0x77: {  	_ =	shalt  }
0x78: {  	_ =	shalt  }
0x79: {  	_ =	shalt  }
0x7a: {  	_ =	shalt  }
0x7b: {  	_ =	shalt  }
0x7c: {  	_ =	shalt  }
0x7d: {  	_ =	shalt  }
0x7e: {  	_ =	shalt  }
0x7f: {  	_ =	shalt  }
0x80: {  	_ =	shalt  }
0x81: {  	_ =	shalt  }
0x82: {  	_ =	shalt  }
0x83: {  	_ =	shalt  }
0x84: {  	_ =	shalt  }
0x85: {  	_ =	shalt  }
0x86: {  	_ =	shalt  }
0x87: {  	_ =	shalt  }
.Lfunc_end0:
.L_simem_size_0:
called_computation.3_lowered:
.L_overlay_start_0:
0x88: {  	s2 =	sld [smem:$0x3FD9]  }
0x89: {  	s3 =	sld [smem:$0x3FFE];
	_ =	sdelay $0x1  }
0x8a: {  	s1 =	srdreg.scid  }
0x8b: {  	s0 =	sand.u32 $0x1, s1  }
0x8c: {  	s16 =	sshll.u32 s0, $0xA;
	s2 =	sadd.s32 s3, s2  }
0x8d: {  	s2 =	sadd.s32 s2, s16  }
0x8e: {  	[smem:$0x3FB8] =	sst s2  }
0x8f: {  	_ = 	snop  }
0x90: {  	(tm) =	ssettm $0x1  }
0x91: {  	s17 =	sld [smem:$0x3FFB];
	_ =	sdelay $0x3  }
0x92: {  	_ =	strace s17  }
0x93: {  	s2 =	sld [smem:$0x3FFC];
	_ =	sdelay $0x3  }
0x94: {  	_ =	strace s2  }
0x95: {  	s2 =	sld [smem:$0x3FFD];
	_ =	sdelay $0x3  }
0x96: {  	_ =	strace s2  }
0x97: {  	_ =	strace $0x8FFFFFFF  }
0x98: {  	s18 =	sld [smem:$0x3FDB];
	_ =	sdelay $0x1  }
0x99: {  	s19 =	simm.s32 $_scs_section_size  }
0x9a: {  	s4 =	simm.s32 $_size__tile_overlayer_lowered;
	s5 =	simm.s32 $_tile_overlayer_lowered  }
0x9b: {  	s22 =	simm.s32 $0x1BFF;
	s21 =	sshll.u32 s5, $0x1;
	s2 =	sadd.s32 s19, s18  }
0x9c: {  	s6 =	simm.s32 $0x0;
	s20 =	sshll.u32 s4, $0x1;
	s4 =	sadd.s32 s21, s2  }
0x9d: {  	[timem:s6], [sflag:s22] =	dma.local [hbm:s4], s20  }
0x9e: {  	_ =	swait.ge [sflag:s22], s20  }
0x9f: {  	s3 =	ssub.s32 $0x0, s20;
	[sflag:s22] =	ssyncset.done $0x0  }
0xa0: {  	[sflag:s22] =	ssyncadd.s32 s3;
	_ =	sdelay $0x1  }
0xa1: {  	s23 =	simm.s32 $0x1B8B  }
0xa2: {  	_ =	swait.ge [sflag:s23], $0x1  }
0xa3: {  	[sflag:s23] =	ssyncset.done $0x0  }
0xa4: {  	s25 =	simm.s32 $0x1B8E;
	s24 =	sld [smem:$0x3FFE];
	[sflag:s23] =	ssyncadd.s32 $0xFFFFFFFF  }
0xa5: {  	s26 =	simm.s32 $execute0_lowered;
	[smem:$0x3FD2] =	sst s25  }
0xa6: {  	s4 =	sshll.u32 s26, $0x1;
	_ =	strace $0x8000004F;
	[dreg:$0x1] =	wrdreg $0xFFFFFFFF  }
0xa7: {  	s28 =	simm.s32 $_size_execute0_lowered;
	s2 =	sadd.s32 s2, s4;
	[dreg:$0x0] =	wrdreg $0x0  }
0xa8: {  	s4 =	sshll.u32 s28, $0x1;
	[dreg:$0x2] =	wrdreg s2  }
0xa9: {  	[dreg:$0x3] =	wrdreg s4  }
0xaa: {  	[dreg:$0x4] =	wrdreg $0xC0  }
0xab: {  	_ =	task [dreg:s6], $0x5FFFF  }
0xac: {  	[dreg:$0x1] =	wrdreg $0xFFFFFFFF  }
0xad: {  	[dreg:$0x0] =	wrdreg $0x60  }
0xae: {  	[dreg:$0x2] =	wrdreg s24  }
0xaf: {  	[dreg:$0x3] =	wrdreg $0xA2000  }
0xb0: {  	[dreg:$0x4] =	wrdreg $0x9  }
0xb1: {  	_ =	task.clear_ibuf [dreg:s6], $0x5FFFF;
	_ =	strace $0x9000004F  }
0xb2: {  	s29 =	simm.s32 $0x9;
	_ =	strace $0x80000051  }
0xb3: {  	_ =	swait.ge [sflag:s29], $0x1  }
0xb4: {  	[sflag:s29] =	ssyncadd.s32 $0xFFFFFFFF  }
0xb5: {  	_ =	strace $0x90000051  }
0xb6: {  	_ =	sfence  }
0xb7: {  	s30 =	sld [smem:$0x0];
	_ =	sdelay $0x2  }
0xb8: {  	s31 =	sshll.u32 s1, $0xD;
	s1 =	sshrl.u32 s1, $0x2  }
0xb9: {  	s3 =	sand.u32 $0x4000, s31;
	s1 =	sadd.s32 s1, s30  }
0xba: {  	s0 =	sor.u32 s3, s0;
	s1 =	sshll.u32 s1, $0x11  }
0xbb: {  	s0 =	sor.u32 s1, s0  }
0xbc: {  	s0 =	sadd.s32 $0x8F2B, s0  }
0xbd: {  	[sflag:s0] =	ssyncadd.remote.s32 $0x1  }
0xbe: {  	_ =	sfence.sel $0xFFFF  }
0xbf: {  	[dreg:$0x0] =	wrdreg $0xFFFFFFFF;
	(pc) =	sbr.abs _section_cstart, $3  }
0xc0: {  	[dreg:$0x1] =	wrdreg $0xFFFFFFFF  }
0xc1: {  	_ =	task.clear_ibuf [dreg:s6], $0x2FFFF;
	_ =	strace $0x9FFFFFFF  }
0xc2: {  	(tm) =	ssettm $0x7FFFFFFF  }
0xc3: {  	_ =	shalt  }
tec
execute0_lowered:
.L_overlay_start_1:
0x0: {  	(tag) =	ssettag $0x1  }
0x1: {  	s0 =	rddreg [dreg:$0x0]  }
0x2: {  	s2 =	rddreg [dreg:$0x1];
	s3 =	simm.s32 $0x0  }
0x3: {  	s18 =	stileid.u32;
	s1 =	srdreg.scid;
	s28 =	simm.s32 $0x8200  }
0x4: {  	s29 =	simm.s32 $0x4;
	s30 =	simm.s32 $0x80;
	s31 =	simm.s32 $0x200  }
0x5: {  	[smem:$0x7FF] =	sst s3;
	s5 =	smul.u32 $0x50000, s18;
	s4 =	sadd.s32 $0x68000, s0  }
0x6: {  	s6 =	sadd.s32 $0x5DE00, s0;
	s1 =	sand.u32 $0x1, s1;
	s13 =	smul.u32 $0x780, s18  }
0x7: {  	s14 =	sadd.s32 $0x3C00, s0;
	s26 =	smul.u32 $0x2800, s18;
	_ =	strace $0x80000050  }
0x8: {  	s7 =	smul.u32 $0x28000, s1;
	s8 =	ssub.s32 $0x2, s1;
	p0 =	seq.s32 s1, $0x1  }
0x9: {  	s5 =	sshrl.u32 s5, $0x2;
	s9 =	sshrl.u32 s8, $0x1;
	s20 =	sor.u32 $0x10, s13  }
0xa: {  	s12 =	sadd.s32 s6, s13;
	s13 =	sadd.s32 s14, s13;
	s5 =	sadd.s32 s5, s2  }
0xb: {  	s0 =	sadd.s32 s7, s0;
	s15 =	ssub.s32 s8, s9;
	s21 =	sadd.s32 s6, s20  }
0xc: {  	s1 =	sadd.s32 s14, s20;
	s16 =	sadd.s32 $0x2000, s5;
	[dreg:$0x6] =	wrdreg s21  }
0xd: {  	s17 =	sadd.s32 $0x4000, s5;
	s19 =	sadd.s32 $0x6000, s5;
	[dreg:$0x7] =	wrdreg s1  }
0xe: {  	s9 =	sadd.s32 $0x8000, s5;
	s10 =	sadd.s32 $0xA000, s5;
	[dreg:$0x3] =	wrdreg s16  }
0xf: {  	s11 =	sadd.s32 $0xC000, s5;
	[dreg:$0x4] =	wrdreg s17;
	s16 =	smul.u32 $0x2A0, s18  }
0x10: {  	s0 =	sadd.s32 $0x8F200, s0;
	[dreg:$0x5] =	wrdreg s19;
	s18 =	simm.s32 $0x2  }
0x11: {  	s19 =	simm.s32 $0x0;
	s22 =	sadd.s32 $0x7800, s16;
	s17 =	sadd.s32 $0x7810, s16  }
0x12: {  	s20 =	sadd.s32 s16, s6;
	s21 =	sadd.s32 s16, s14;
	s23 =	sadd.s32 s6, s22  }
0x13: {  	s16 =	simm.s32 $0x4200;
	s1 =	sadd.s32 s14, s22;
	[dreg:$0x8] =	wrdreg s23  }
.Ltmp0:
0x14: {  	s24 =	sadd.s32 s6, s17;
	[dreg:$0x9] =	wrdreg s1;
	(pc) =	sbr.rel .LBB2_1-.Ltmp0, $4  }
0x15: {  	s25 =	sadd.s32 s14, s17;
	s22 =	sadd.s32 $0xE000, s5;
	[dreg:$0xa] =	wrdreg s24  }
0x16: {  	s14 =	simm.s32 $0x180;
	s17 =	simm.s32 $0x1;
	[dreg:$0xb] =	wrdreg s25  }
0x17: {  	s23 =	sadd.s32 s26, s0;
	s24 =	sadd.s32 $0x10000, s5;
	s25 =	smax.u32 s15, $0x1  }
0x18: {  	v0 =	vimm.f32 $0.0e+00;
	s26 =	sadd.s32 $0x12000, s5;
	s0 =	simm.s32 $0x100;
	s15 =	simm.s32 $0x3  }
.LBB2_6:
0x19: {  	[tilespmem:s14], [sflag:$0x3] =	stream.linear.gather [hbm4b:s6+s3], $0x80, $0x38;
	[tilespmem:$0x1E200] =	vst v63  }
.LBB2_10:
0x1a: {  	_ =	swait.ge [sflag:s15], $0x80  }
0x1b: {  	[sflag:s15] =	ssyncset.done $0x0  }
0x1c: {  	[sflag:s15] =	ssyncadd.s32 $0xFFFFFF80  }
0x1d: {  	_ =	swait.ge [sflag:s15], $0x80  }
0x1e: {  	[sflag:s15] =	ssyncset.done $0x0  }
0x1f: {  	[sflag:s15] =	ssyncadd.s32 $0xFFFFFF80  }
0x20: {  	[tilespmem:s16], [sflag:$0x2] =	stream.indirect.gather [hbm4b:s4+s30], $0x80, s0, s30, $0xb8;
	[tilespmem:$0x1E200] =	vst v63  }
0x21: {  	_ =	swait.ge [sflag:s17], $0x4000  }
0x22: {  	[sflag:s17] =	ssyncset.done $0x0  }
0x23: {  	[sflag:s17] =	ssyncadd.s32 $0xFFFFC000  }
0x24: {  	[spmem:s2] =	stream.indirect.scatter.add.f32 [tilespmem:s31], [sflag:$0x4], $0x80, s30, s30, $0xb8;
	[tilespmem:$0x1E200] =	vst v63  }
0x25: {  	_ =	swait.ge [sflag:s29], $0x4000  }
0x26: {  	[sflag:s29] =	ssyncset.done $0x0  }
0x27: {  	[sflag:s29] =	ssyncadd.s32 $0xFFFFC000  }
0x28: {  	_ =	swait.ge [sflag:s18], $0x4000  }
0x29: {  	[sflag:s18] =	ssyncset.done $0x0  }
0x2a: {  	[sflag:s18] =	ssyncadd.s32 $0xFFFFC000  }
0x2b: {  	[spmem:s2] =	stream.indirect.scatter.add.f32 [tilespmem:s16], [sflag:$0x4], $0x80, s14, s30, $0xb8;
	[tilespmem:$0x1E200] =	vst v63  }
0x2c: {  	s1 =	stileid.u32;
	_ =	swait.ge [sflag:s29], $0x4000  }
0x2d: {  	s6 =	sshrl.u32 s5, $0x3;
	s19 =	sadd.s32 $0x1, s19;
	[sflag:s29] =	ssyncset.done $0x0  }
0x2e: {  	s1 =	sshll.u32 s1, $0x6;
	p1 =	sne.s32 s19, s25;
	[sflag:s29] =	ssyncadd.s32 $0xFFFFC000  }
.Ltmp1:
0x2f: {  	s1 =	sor.u32 $0x1C04, s1;
	[bflag:$0x0] =	sbarrier.arrive $0xFFFF;
	(pc) =	sbr.rel @!p1 .LBB2_11-.Ltmp1, $4  }
0x30: {  	[hbm:s23], [sflag:s1] =	dma.local [spmem:s6], $0x2800  }
0x31: {  	_ =	swait.ge [sflag:s29], $0x2800  }
0x32: {  	[sflag:s29] =	ssyncset.done $0x0  }
0x33: {  	[sflag:s29] =	ssyncadd.s32 $0xFFFFD800  }
.LBB2_1:
0x34: {  	s1 =	simm.s32 $0x0;
	s6 =	simm.s32 $0x200  }
.LBB2_2:
0x35: {  	p1 =	sne.s32 s6, $0x7E00;
	[tilespmem:s1+$0x8270] =	vst v0  }
0x36: {  	[tilespmem:s1+$0x8200] =	vst v0  }
0x37: {  	[tilespmem:s1+$0x8210] =	vst v0  }
.Ltmp2:
0x38: {  	[tilespmem:s1+$0x8220] =	vst v0;
	(pc) =	sbr.rel @p1 .LBB2_2-.Ltmp2, $4  }
0x39: {  	[tilespmem:s1+$0x8230] =	vst v0  }
0x3a: {  	[tilespmem:s1+$0x8240] =	vst v0  }
0x3b: {  	[tilespmem:s1+$0x8250] =	vst v0  }
0x3c: {  	[tilespmem:s1+$0x8260] =	vst v0;
	s1 =	sshra.s32 s6, $0x2;
	s6 =	sadd.s32 $0x200, s6  }
0x3d: {  	[tilespmem:s1+$0x8270] =	vst v0  }
0x3e: {  	[tilespmem:s1+$0x8200] =	vst v0  }
0x3f: {  	[tilespmem:s1+$0x8210] =	vst v0  }
0x40: {  	[tilespmem:s1+$0x8220] =	vst v0  }
0x41: {  	[tilespmem:s1+$0x8230] =	vst v0  }
0x42: {  	[tilespmem:s1+$0x8240] =	vst v0  }
0x43: {  	[tilespmem:s1+$0x8250] =	vst v0  }
0x44: {  	[tilespmem:s1+$0x8260] =	vst v0  }
0x45: {  	[spmem:s5] =	stream.linear.scatter [tilespmem:s28], [sflag:$0x4], $0x2000, $0x38;
	[tilespmem:$0x1E200] =	vst v63  }
0x46: {  	_ =	swait.ge [sflag:s29], $0x2000  }
0x47: {  	[sflag:s29] =	ssyncset.done $0x0  }
0x48: {  	s6 =	rddreg [dreg:$0x3];
	[sflag:s29] =	ssyncadd.s32 $0xFFFFE000  }
0x49: {  	[spmem:s6] =	stream.linear.scatter [tilespmem:s28], [sflag:$0x4], $0x2000, $0x38;
	[tilespmem:$0x1E200] =	vst v63  }
0x4a: {  	_ =	swait.ge [sflag:s29], $0x2000  }
0x4b: {  	[sflag:s29] =	ssyncset.done $0x0  }
0x4c: {  	s7 =	rddreg [dreg:$0x4];
	[sflag:s29] =	ssyncadd.s32 $0xFFFFE000  }
0x4d: {  	[spmem:s7] =	stream.linear.scatter [tilespmem:s28], [sflag:$0x4], $0x2000, $0x38;
	[tilespmem:$0x1E200] =	vst v63  }
0x4e: {  	_ =	swait.ge [sflag:s29], $0x2000  }
0x4f: {  	[sflag:s29] =	ssyncset.done $0x0  }
0x50: {  	s8 =	rddreg [dreg:$0x5];
	[sflag:s29] =	ssyncadd.s32 $0xFFFFE000  }
0x51: {  	[spmem:s8] =	stream.linear.scatter [tilespmem:s28], [sflag:$0x4], $0x2000, $0x38;
	[tilespmem:$0x1E200] =	vst v63  }
0x52: {  	_ =	swait.ge [sflag:s29], $0x2000  }
0x53: {  	[sflag:s29] =	ssyncset.done $0x0  }
0x54: {  	[sflag:s29] =	ssyncadd.s32 $0xFFFFE000  }
0x55: {  	[spmem:s9] =	stream.linear.scatter [tilespmem:s28], [sflag:$0x4], $0x2000, $0x38;
	[tilespmem:$0x1E200] =	vst v63  }
0x56: {  	_ =	swait.ge [sflag:s29], $0x2000  }
0x57: {  	[sflag:s29] =	ssyncset.done $0x0  }
0x58: {  	[sflag:s29] =	ssyncadd.s32 $0xFFFFE000  }
0x59: {  	[spmem:s10] =	stream.linear.scatter [tilespmem:s28], [sflag:$0x4], $0x2000, $0x38;
	[tilespmem:$0x1E200] =	vst v63  }
0x5a: {  	_ =	swait.ge [sflag:s29], $0x2000  }
0x5b: {  	[sflag:s29] =	ssyncset.done $0x0  }
0x5c: {  	[sflag:s29] =	ssyncadd.s32 $0xFFFFE000  }
0x5d: {  	[spmem:s11] =	stream.linear.scatter [tilespmem:s28], [sflag:$0x4], $0x2000, $0x38;
	[tilespmem:$0x1E200] =	vst v63  }
0x5e: {  	_ =	swait.ge [sflag:s29], $0x2000  }
0x5f: {  	[sflag:s29] =	ssyncset.done $0x0  }
0x60: {  	[sflag:s29] =	ssyncadd.s32 $0xFFFFE000  }
0x61: {  	[spmem:s22] =	stream.linear.scatter [tilespmem:s28], [sflag:$0x4], $0x2000, $0x38;
	[tilespmem:$0x1E200] =	vst v63  }
0x62: {  	_ =	swait.ge [sflag:s29], $0x2000  }
0x63: {  	[sflag:s29] =	ssyncset.done $0x0  }
0x64: {  	[sflag:s29] =	ssyncadd.s32 $0xFFFFE000  }
0x65: {  	[spmem:s24] =	stream.linear.scatter [tilespmem:s28], [sflag:$0x4], $0x2000, $0x38;
	[tilespmem:$0x1E200] =	vst v63  }
0x66: {  	_ =	swait.ge [sflag:s29], $0x2000  }
0x67: {  	[sflag:s29] =	ssyncset.done $0x0  }
0x68: {  	[sflag:s29] =	ssyncadd.s32 $0xFFFFE000  }
0x69: {  	[spmem:s26] =	stream.linear.scatter [tilespmem:s28], [sflag:$0x4], $0x2000, $0x38;
	[tilespmem:$0x1E200] =	vst v63  }
.Ltmp3:
0x6a: {  	_ =	swait.ge [sflag:s29], $0x2000;
	(pc) =	sbr.rel @!p0 .LBB2_4-.Ltmp3, $3  }
0x6b: {  	[sflag:s29] =	ssyncset.done $0x0  }
0x6c: {  	[sflag:s29] =	ssyncadd.s32 $0xFFFFE000  }
0x6d: {  	[bflag:$0x0] =	sbarrier.arrive $0xFFFF;
	_ =	sdelay $0x1  }
0x6e: {  	s1 =	rddreg [dreg:$0x8]  }
0x6f: {  	[tilespmem:s3], [sflag:$0x4] =	stream.linear.gather [hbm4b:s1+s3], $0x80, $0x38;
	[tilespmem:$0x1E200] =	vst v63  }
0x70: {  	_ =	swait.ge [sflag:s29], $0x80  }
0x71: {  	[sflag:s29] =	ssyncset.done $0x0  }
0x72: {  	s8 =	rddreg [dreg:$0x9];
	[sflag:s29] =	ssyncadd.s32 $0xFFFFFF80  }
0x73: {  	[tilespmem:s30], [sflag:$0x4] =	stream.linear.gather [hbm4b:s8+s3], $0x80, $0x38;
	[tilespmem:$0x1E200] =	vst v63  }
0x74: {  	_ =	swait.ge [sflag:s29], $0x80  }
0x75: {  	[sflag:s29] =	ssyncset.done $0x0  }
0x76: {  	[sflag:s29] =	ssyncadd.s32 $0xFFFFFF80  }
0x77: {  	[tilespmem:s31], [sflag:$0x1] =	stream.indirect.gather [hbm4b:s4+s30], $0x80, s3, s30, $0xb8;
	[tilespmem:$0x1E200] =	vst v63  }
0x78: {  	s6 =	rddreg [dreg:$0xa]  }
0x79: {  	[tilespmem:s0], [sflag:$0x3] =	stream.linear.gather [hbm4b:s6+s3], $0x80, $0x38;
	[tilespmem:$0x1E200] =	vst v63  }
0x7a: {  	s7 =	rddreg [dreg:$0xb]  }
0x7b: {  	[tilespmem:s14], [sflag:$0x3] =	stream.linear.gather [hbm4b:s7+s3], $0x80, $0x38;
	[tilespmem:$0x1E200] =	vst v63  }
0x7c: {  	_ =	swait.ge [sflag:s15], $0x80  }
0x7d: {  	[sflag:s15] =	ssyncset.done $0x0  }
0x7e: {  	[sflag:s15] =	ssyncadd.s32 $0xFFFFFF80  }
0x7f: {  	_ =	swait.ge [sflag:s15], $0x80  }
0x80: {  	[sflag:s15] =	ssyncset.done $0x0  }
0x81: {  	[sflag:s15] =	ssyncadd.s32 $0xFFFFFF80  }
0x82: {  	[tilespmem:s16], [sflag:$0x2] =	stream.indirect.gather [hbm4b:s4+s30], $0x80, s0, s30, $0xb8;
	[tilespmem:$0x1E200] =	vst v63  }
0x83: {  	_ =	swait.ge [sflag:s17], $0x4000  }
0x84: {  	[sflag:s17] =	ssyncset.done $0x0  }
0x85: {  	[sflag:s17] =	ssyncadd.s32 $0xFFFFC000  }
0x86: {  	[spmem:s2] =	stream.indirect.scatter.add.f32 [tilespmem:s31], [sflag:$0x4], $0x80, s30, s30, $0xb8;
	[tilespmem:$0x1E200] =	vst v63  }
0x87: {  	_ =	swait.ge [sflag:s29], $0x4000  }
0x88: {  	s1 =	sadd.s32 $0xFFFFFD80, s20;
	[sflag:s29] =	ssyncset.done $0x0  }
0x89: {  	s6 =	sadd.s32 $0x7AA0, s1;
	[sflag:s29] =	ssyncadd.s32 $0xFFFFC000  }
0x8a: {  	[tilespmem:s3], [sflag:$0x4] =	stream.linear.gather [hbm4b:s6+s3], $0x80, $0x38;
	[tilespmem:$0x1E200] =	vst v63  }
0x8b: {  	_ =	swait.ge [sflag:s29], $0x80  }
0x8c: {  	s8 =	sadd.s32 $0xFFFFFD80, s21;
	[sflag:s29] =	ssyncset.done $0x0  }
0x8d: {  	s7 =	sadd.s32 $0x7AA0, s8;
	[sflag:s29] =	ssyncadd.s32 $0xFFFFFF80  }
0x8e: {  	[tilespmem:s30], [sflag:$0x4] =	stream.linear.gather [hbm4b:s7+s3], $0x80, $0x38;
	[tilespmem:$0x1E200] =	vst v63  }
0x8f: {  	_ =	swait.ge [sflag:s29], $0x80  }
0x90: {  	[sflag:s29] =	ssyncset.done $0x0  }
0x91: {  	[sflag:s29] =	ssyncadd.s32 $0xFFFFFF80  }
0x92: {  	[tilespmem:s31], [sflag:$0x1] =	stream.indirect.gather [hbm4b:s4+s30], $0x80, s3, s30, $0xb8;
	[tilespmem:$0x1E200] =	vst v63  }
0x93: {  	_ =	swait.ge [sflag:s18], $0x4000  }
0x94: {  	[sflag:s18] =	ssyncset.done $0x0  }
0x95: {  	[sflag:s18] =	ssyncadd.s32 $0xFFFFC000  }
0x96: {  	[spmem:s2] =	stream.indirect.scatter.add.f32 [tilespmem:s16], [sflag:$0x4], $0x80, s14, s30, $0xb8;
	[tilespmem:$0x1E200] =	vst v63  }
0x97: {  	_ =	swait.ge [sflag:s29], $0x4000  }
0x98: {  	[sflag:s29] =	ssyncset.done $0x0  }
0x99: {  	s1 =	sadd.s32 $0x7AB0, s1;
	[sflag:s29] =	ssyncadd.s32 $0xFFFFC000  }
0x9a: {  	[tilespmem:s0], [sflag:$0x3] =	stream.linear.gather [hbm4b:s1+s3], $0x80, $0x38;
	[tilespmem:$0x1E200] =	vst v63  }
0x9b: {  	s6 =	sadd.s32 $0x7AB0, s8;
	s1 =	simm.s32 $0xFFFFFDA0  }
.LBB2_8:
0x9c: {  	[tilespmem:s14], [sflag:$0x3] =	stream.linear.gather [hbm4b:s6+s3], $0x80, $0x38;
	[tilespmem:$0x1E200] =	vst v63  }
0x9d: {  	s6 =	smov.u32 s1  }
0x9e: {  	p1 =	sne.s32 s1, $0xFFFFFFE0;
	s1 =	sadd.s32 $0x20, s1;
	_ =	swait.ge [sflag:s15], $0x80  }
0x9f: {  	[sflag:s15] =	ssyncset.done $0x0  }
0xa0: {  	[sflag:s15] =	ssyncadd.s32 $0xFFFFFF80  }
0xa1: {  	_ =	swait.ge [sflag:s15], $0x80  }
0xa2: {  	[sflag:s15] =	ssyncset.done $0x0  }
0xa3: {  	[sflag:s15] =	ssyncadd.s32 $0xFFFFFF80  }
0xa4: {  	[tilespmem:s16], [sflag:$0x2] =	stream.indirect.gather [hbm4b:s4+s30], $0x80, s0, s30, $0xb8;
	[tilespmem:$0x1E200] =	vst v63  }
0xa5: {  	_ =	swait.ge [sflag:s17], $0x4000  }
0xa6: {  	[sflag:s17] =	ssyncset.done $0x0  }
0xa7: {  	[sflag:s17] =	ssyncadd.s32 $0xFFFFC000  }
0xa8: {  	[spmem:s2] =	stream.indirect.scatter.add.f32 [tilespmem:s31], [sflag:$0x4], $0x80, s30, s30, $0xb8;
	[tilespmem:$0x1E200] =	vst v63  }
0xa9: {  	_ =	swait.ge [sflag:s29], $0x4000  }
0xaa: {  	s7 =	sadd.s32 s6, s20;
	[sflag:s29] =	ssyncset.done $0x0  }
0xab: {  	s8 =	sadd.s32 $0x7AA0, s7;
	[sflag:s29] =	ssyncadd.s32 $0xFFFFC000  }
0xac: {  	[tilespmem:s3], [sflag:$0x4] =	stream.linear.gather [hbm4b:s8+s3], $0x80, $0x38;
	[tilespmem:$0x1E200] =	vst v63  }
0xad: {  	_ =	swait.ge [sflag:s29], $0x80  }
0xae: {  	s6 =	sadd.s32 s6, s21;
	[sflag:s29] =	ssyncset.done $0x0  }
0xaf: {  	s8 =	sadd.s32 $0x7AA0, s6;
	[sflag:s29] =	ssyncadd.s32 $0xFFFFFF80  }
0xb0: {  	[tilespmem:s30], [sflag:$0x4] =	stream.linear.gather [hbm4b:s8+s3], $0x80, $0x38;
	[tilespmem:$0x1E200] =	vst v63  }
0xb1: {  	_ =	swait.ge [sflag:s29], $0x80  }
0xb2: {  	[sflag:s29] =	ssyncset.done $0x0  }
0xb3: {  	[sflag:s29] =	ssyncadd.s32 $0xFFFFFF80  }
0xb4: {  	[tilespmem:s31], [sflag:$0x1] =	stream.indirect.gather [hbm4b:s4+s30], $0x80, s3, s30, $0xb8;
	[tilespmem:$0x1E200] =	vst v63  }
0xb5: {  	_ =	swait.ge [sflag:s18], $0x4000  }
0xb6: {  	[sflag:s18] =	ssyncset.done $0x0  }
0xb7: {  	[sflag:s18] =	ssyncadd.s32 $0xFFFFC000  }
0xb8: {  	[spmem:s2] =	stream.indirect.scatter.add.f32 [tilespmem:s16], [sflag:$0x4], $0x80, s14, s30, $0xb8;
	[tilespmem:$0x1E200] =	vst v63  }
.Ltmp4:
0xb9: {  	_ =	swait.ge [sflag:s29], $0x4000;
	(pc) =	sbr.rel @p1 .LBB2_8-.Ltmp4, $4  }
0xba: {  	[sflag:s29] =	ssyncset.done $0x0  }
0xbb: {  	s7 =	sadd.s32 $0x7AB0, s7;
	[sflag:s29] =	ssyncadd.s32 $0xFFFFC000  }
0xbc: {  	[tilespmem:s0], [sflag:$0x3] =	stream.linear.gather [hbm4b:s7+s3], $0x80, $0x38;
	[tilespmem:$0x1E200] =	vst v63  }
0xbd: {  	s6 =	sadd.s32 $0x7AB0, s6  }
.Ltmp5:
0xbe: {  	(pc) =	sbr.rel .LBB2_10-.Ltmp5, $2  }
0xbf: {  	_ =	sdelay $0x2  }
0xc0: {  	[tilespmem:s14], [sflag:$0x3] =	stream.linear.gather [hbm4b:s6+s3], $0x80, $0x38;
	[tilespmem:$0x1E200] =	vst v63  }
.LBB2_4:
0xc1: {  	[tilespmem:s3], [sflag:$0x4] =	stream.linear.gather [hbm4b:s12+s3], $0x80, $0x38;
	[tilespmem:$0x1E200] =	vst v63  }
0xc2: {  	_ =	swait.ge [sflag:s29], $0x80  }
0xc3: {  	[sflag:s29] =	ssyncset.done $0x0  }
0xc4: {  	[sflag:s29] =	ssyncadd.s32 $0xFFFFFF80  }
0xc5: {  	[tilespmem:s30], [sflag:$0x4] =	stream.linear.gather [hbm4b:s13+s3], $0x80, $0x38;
	[tilespmem:$0x1E200] =	vst v63  }
0xc6: {  	_ =	swait.ge [sflag:s29], $0x80  }
0xc7: {  	[sflag:s29] =	ssyncset.done $0x0  }
0xc8: {  	[sflag:s29] =	ssyncadd.s32 $0xFFFFFF80  }
0xc9: {  	[tilespmem:s31], [sflag:$0x1] =	stream.indirect.gather [hbm4b:s4+s30], $0x80, s3, s30, $0xb8;
	[tilespmem:$0x1E200] =	vst v63  }
0xca: {  	s1 =	rddreg [dreg:$0x6]  }
0xcb: {  	[tilespmem:s0], [sflag:$0x3] =	stream.linear.gather [hbm4b:s1+s3], $0x80, $0x38;
	[tilespmem:$0x1E200] =	vst v63  }
0xcc: {  	s7 =	rddreg [dreg:$0x7]  }
0xcd: {  	[tilespmem:s14], [sflag:$0x3] =	stream.linear.gather [hbm4b:s7+s3], $0x80, $0x38;
	[tilespmem:$0x1E200] =	vst v63  }
0xce: {  	_ =	swait.ge [sflag:s15], $0x80  }
0xcf: {  	[sflag:s15] =	ssyncset.done $0x0  }
0xd0: {  	[sflag:s15] =	ssyncadd.s32 $0xFFFFFF80  }
0xd1: {  	_ =	swait.ge [sflag:s15], $0x80  }
0xd2: {  	[sflag:s15] =	ssyncset.done $0x0  }
0xd3: {  	[sflag:s15] =	ssyncadd.s32 $0xFFFFFF80  }
0xd4: {  	[tilespmem:s16], [sflag:$0x2] =	stream.indirect.gather [hbm4b:s4+s30], $0x80, s0, s30, $0xb8;
	[tilespmem:$0x1E200] =	vst v63  }
0xd5: {  	_ =	swait.ge [sflag:s17], $0x4000  }
0xd6: {  	[sflag:s17] =	ssyncset.done $0x0  }
0xd7: {  	[sflag:s17] =	ssyncadd.s32 $0xFFFFC000  }
0xd8: {  	[spmem:s2] =	stream.indirect.scatter.add.f32 [tilespmem:s31], [sflag:$0x4], $0x80, s30, s30, $0xb8;
	[tilespmem:$0x1E200] =	vst v63  }
0xd9: {  	_ =	swait.ge [sflag:s29], $0x4000  }
0xda: {  	s1 =	sadd.s32 $0xFFFFF8A0, s12;
	[sflag:s29] =	ssyncset.done $0x0  }
0xdb: {  	s6 =	sadd.s32 $0x780, s1;
	[sflag:s29] =	ssyncadd.s32 $0xFFFFC000  }
0xdc: {  	[tilespmem:s3], [sflag:$0x4] =	stream.linear.gather [hbm4b:s6+s3], $0x80, $0x38;
	[tilespmem:$0x1E200] =	vst v63  }
0xdd: {  	_ =	swait.ge [sflag:s29], $0x80  }
0xde: {  	s8 =	sadd.s32 $0xFFFFF8A0, s13;
	[sflag:s29] =	ssyncset.done $0x0  }
0xdf: {  	s7 =	sadd.s32 $0x780, s8;
	[sflag:s29] =	ssyncadd.s32 $0xFFFFFF80  }
0xe0: {  	[tilespmem:s30], [sflag:$0x4] =	stream.linear.gather [hbm4b:s7+s3], $0x80, $0x38;
	[tilespmem:$0x1E200] =	vst v63  }
0xe1: {  	_ =	swait.ge [sflag:s29], $0x80  }
0xe2: {  	[sflag:s29] =	ssyncset.done $0x0  }
0xe3: {  	[sflag:s29] =	ssyncadd.s32 $0xFFFFFF80  }
0xe4: {  	[tilespmem:s31], [sflag:$0x1] =	stream.indirect.gather [hbm4b:s4+s30], $0x80, s3, s30, $0xb8;
	[tilespmem:$0x1E200] =	vst v63  }
0xe5: {  	_ =	swait.ge [sflag:s18], $0x4000  }
0xe6: {  	[sflag:s18] =	ssyncset.done $0x0  }
0xe7: {  	[sflag:s18] =	ssyncadd.s32 $0xFFFFC000  }
0xe8: {  	[spmem:s2] =	stream.indirect.scatter.add.f32 [tilespmem:s16], [sflag:$0x4], $0x80, s14, s30, $0xb8;
	[tilespmem:$0x1E200] =	vst v63  }
0xe9: {  	_ =	swait.ge [sflag:s29], $0x4000  }
0xea: {  	[sflag:s29] =	ssyncset.done $0x0  }
0xeb: {  	s1 =	sadd.s32 $0x790, s1;
	[sflag:s29] =	ssyncadd.s32 $0xFFFFC000  }
0xec: {  	[tilespmem:s0], [sflag:$0x3] =	stream.linear.gather [hbm4b:s1+s3], $0x80, $0x38;
	[tilespmem:$0x1E200] =	vst v63  }
0xed: {  	s6 =	sadd.s32 $0x790, s8;
	s1 =	simm.s32 $0xFFFFF8C0  }
.LBB2_5:
0xee: {  	[tilespmem:s14], [sflag:$0x3] =	stream.linear.gather [hbm4b:s6+s3], $0x80, $0x38;
	[tilespmem:$0x1E200] =	vst v63  }
0xef: {  	s6 =	smov.u32 s1  }
0xf0: {  	p1 =	seq.s32 s1, $0xFFFFFFE0;
	s1 =	sadd.s32 $0x20, s1;
	_ =	swait.ge [sflag:s15], $0x80  }
0xf1: {  	[sflag:s15] =	ssyncset.done $0x0  }
0xf2: {  	[sflag:s15] =	ssyncadd.s32 $0xFFFFFF80  }
0xf3: {  	_ =	swait.ge [sflag:s15], $0x80  }
0xf4: {  	[sflag:s15] =	ssyncset.done $0x0  }
0xf5: {  	[sflag:s15] =	ssyncadd.s32 $0xFFFFFF80  }
0xf6: {  	[tilespmem:s16], [sflag:$0x2] =	stream.indirect.gather [hbm4b:s4+s30], $0x80, s0, s30, $0xb8;
	[tilespmem:$0x1E200] =	vst v63  }
0xf7: {  	_ =	swait.ge [sflag:s17], $0x4000  }
0xf8: {  	[sflag:s17] =	ssyncset.done $0x0  }
0xf9: {  	[sflag:s17] =	ssyncadd.s32 $0xFFFFC000  }
0xfa: {  	[spmem:s2] =	stream.indirect.scatter.add.f32 [tilespmem:s31], [sflag:$0x4], $0x80, s30, s30, $0xb8;
	[tilespmem:$0x1E200] =	vst v63  }
0xfb: {  	_ =	swait.ge [sflag:s29], $0x4000  }
0xfc: {  	s7 =	sadd.s32 s6, s12;
	[sflag:s29] =	ssyncset.done $0x0  }
0xfd: {  	s8 =	sadd.s32 $0x780, s7;
	[sflag:s29] =	ssyncadd.s32 $0xFFFFC000  }
0xfe: {  	[tilespmem:s3], [sflag:$0x4] =	stream.linear.gather [hbm4b:s8+s3], $0x80, $0x38;
	[tilespmem:$0x1E200] =	vst v63  }
0xff: {  	_ =	swait.ge [sflag:s29], $0x80  }
0x100: {  	s6 =	sadd.s32 s6, s13;
	[sflag:s29] =	ssyncset.done $0x0  }
0x101: {  	s8 =	sadd.s32 $0x780, s6;
	[sflag:s29] =	ssyncadd.s32 $0xFFFFFF80  }
0x102: {  	[tilespmem:s30], [sflag:$0x4] =	stream.linear.gather [hbm4b:s8+s3], $0x80, $0x38;
	[tilespmem:$0x1E200] =	vst v63  }
0x103: {  	_ =	swait.ge [sflag:s29], $0x80  }
0x104: {  	[sflag:s29] =	ssyncset.done $0x0  }
0x105: {  	[sflag:s29] =	ssyncadd.s32 $0xFFFFFF80  }
0x106: {  	[tilespmem:s31], [sflag:$0x1] =	stream.indirect.gather [hbm4b:s4+s30], $0x80, s3, s30, $0xb8;
	[tilespmem:$0x1E200] =	vst v63  }
0x107: {  	_ =	swait.ge [sflag:s18], $0x4000  }
0x108: {  	[sflag:s18] =	ssyncset.done $0x0  }
0x109: {  	[sflag:s18] =	ssyncadd.s32 $0xFFFFC000  }
0x10a: {  	[spmem:s2] =	stream.indirect.scatter.add.f32 [tilespmem:s16], [sflag:$0x4], $0x80, s14, s30, $0xb8;
	[tilespmem:$0x1E200] =	vst v63  }
.Ltmp6:
0x10b: {  	_ =	swait.ge [sflag:s29], $0x4000;
	(pc) =	sbr.rel @!p1 .LBB2_5-.Ltmp6, $4  }
0x10c: {  	[sflag:s29] =	ssyncset.done $0x0  }
0x10d: {  	s7 =	sadd.s32 $0x790, s7;
	[sflag:s29] =	ssyncadd.s32 $0xFFFFC000  }
0x10e: {  	[tilespmem:s0], [sflag:$0x3] =	stream.linear.gather [hbm4b:s7+s3], $0x80, $0x38;
	[tilespmem:$0x1E200] =	vst v63  }
0x10f: {  	s6 =	sadd.s32 $0x790, s6  }
.Ltmp7:
0x110: {  	_ = 	snop;
	(pc) =	sbr.rel .LBB2_6-.Ltmp7, $1  }
0x111: {  	_ =	sdelay $0x3  }
.LBB2_11:
0x112: {  	_ =	sfence.sel $0x180000  }
0x113: {  	[bflag:$0x0] =	sbarrier.arrive $0xFFFF  }
0x114: {  	_ =	strace $0x90000050  }
0x115: {  	s0 =	stileid.u32;
	[bflag:$0x2] =	sbarrier.arrive $0xFFFF  }
0x116: {  	p0 =	sne.s32 s0, $0x0;
	s0 =	rddreg [dreg:$0x2]  }
0x117: {  	s0 =	sadd.s32 @!p0 $0x100000, s0  }
0x118: {  	[sflag:s0] =	ssyncadd.tile.s32 @!p0 $0x1;
	_ =	shalt  }
.Lfunc_end2:
_tile_overlayer_lowered:
.L_overlay_start_2:
0x119: {  	(tag) =	ssettag $0x2  }
0x11a: {  	s0 =	rddreg [dreg:$0x0];
	s2 =	stileid.u32  }
0x11b: {  	s1 =	rddreg [dreg:$0x1];
	p0 =	sne.s32 s2, $0x0  }
0x11c: {  	s3 =	rddreg [dreg:$0x2];
	[bflag:$0x3] =	sbarrier.arrive $0xFFFF;
	s2 =	simm.s32 @!p0 $0x1C04  }
0x11d: {  	[timem:s3], [sflag:s2] =	dma.local @!p0 [hbm:s0], s1  }
0x11e: {  	s0 =	simm.s32 @!p0 $0x4  }
0x11f: {  	_ =	swait.ge @!p0 [sflag:s0], s1  }
0x120: {  	s1 =	ssub.s32 @!p0 $0x0, s1;
	[sflag:s0] =	ssyncset.done @!p0 $0x0  }
0x121: {  	[sflag:s0] =	ssyncadd.s32 @!p0 s1  }
0x122: {  	[bflag:$0x3] =	sbarrier.arrive $0xFFFF  }
0x123: {  	_ =	shalt  }

// kernel: kernel.24.cloned.1.call-start
scs
__scs_entry_jumppad:
0x0: {  	(pc) =	sbr.rel $0x88, $3  }
0x1: {  	(tag) =	ssettag $0x0;
	lr =	simm.s32 $0x1  }
0x2: {  	[smem:$0x3F91] =	sst lr;
	_ =	strace $0xD0000000  }
0x3: {  	_ = 	snop  }
0x4: {  	_ = 	snop  }
0x5: {  	_ = 	snop  }
0x6: {  	_ = 	snop  }
0x7: {  	_ = 	snop  }
__scs_overlays_trampoline_lowered:
0x8: {  	[smem:$0x3FA0] =	sst s0  }
0x9: {  	[smem:$0x3FA1] =	sst s1  }
0xa: {  	[smem:$0x3FA2] =	sst s2  }
0xb: {  	[smem:$0x3FA3] =	sst s3  }
0xc: {  	[smem:$0x3FA4] =	sst s4  }
0xd: {  	[smem:$0x3FA5] =	sst s5  }
0xe: {  	[smem:$0x3FA6] =	sst s6  }
0xf: {  	[smem:$0x3FA7] =	sst s7  }
0x10: {  	[smem:$0x3FA8] =	sst s8  }
0x11: {  	[smem:$0x3FA9] =	sst s9;
	s0 =	simm.s32 @!p0 $0x0  }
0x12: {  	s1 =	sld [smem:$0x3F8F];
	s0 =	simm.s32 @p0 $0x1  }
0x13: {  	[smem:$0x3FAA] =	sst s0;
	s0 =	simm.s32 @!p1 $0x0  }
0x14: {  	s2 =	sld [smem:$0x3F8E];
	s0 =	simm.s32 @p1 $0x1  }
0x15: {  	[smem:$0x3FAB] =	sst s0;
	s0 =	simm.s32 @!p2 $0x0  }
0x16: {  	s3 =	sld [smem:$0x3FDB];
	s0 =	simm.s32 @p2 $0x1  }
0x17: {  	s4 =	simm.s32 $0x1BF5;
	[smem:$0x3FAD] =	sst s0  }
0x18: {  	s0 =	sld [smem:$0x3F90];
	_ =	swait.ge [sflag:s4], $0x0  }
0x19: {  	s7 =	sld [smem:$0x3F91]  }
0x1a: {  	s8 =	sadd.s32 $0xFFFFE003, lr  }
0x1b: {  	s9 =	sadd.s32 $0xFFFFFEF7, lr;
	s5 =	simm.s32 $0xFFFFFFFF;
	p2 =	slt.u32 s8, $0xFFFFF086  }
0x1c: {  	p1 =	slt.u32 s9, $0xF7A;
	s5 =	simm.s32 @!p2 $0x0  }
0x1d: {  	s5 =	simm.s32 @p1 $0x1;
	p0 =	seq.s32 s7, s2  }
0x1e: {  	s7 =	smul.u32 @!p0 $0xF7A, s2;
	p2 =	seq.s32 @!p0 s5, $0x0  }
0x1f: {  	s9 =	smul.u32 $0xF7A, s1;
	s8 =	simm.s32 @!p0 $0x1BF5;
	p2 =	por !p2, p0  }
0x20: {  	[sflag:s8] =	ssyncset.s32 @!p0 $0xFFFFF086;
	s6 =	sadd.s32 @!p0 s3, s7;
	s7 =	simm.s32 @!p0 $0x108  }
0x21: {  	s3 =	sadd.s32 s3, s9;
	s6 =	sadd.s32 @!p0 $0x88, s6;
	s7 =	simm.s32 @p2 $0x1082  }
0x22: {  	[simem:s7], [sflag:s8] =	dma.local @!p0 [hbm:s6], $0xF7A  }
0x23: {  	s9 =	sor.u32 $0xD0000000, s2;
	s6 =	simm.s32 $0x108;
	_ =	swait.ge @!p0 [sflag:s8], $0x0  }
0x24: {  	s3 =	sadd.s32 $0x88, s3;
	s6 =	simm.s32 @!p1 $0x1082;
	[sflag:s4] =	ssyncset.s32 $0xFFFFF086  }
0x25: {  	[simem:s6], [sflag:s4] =	dma.local [hbm:s3], $0xF7A  }
0x26: {  	[smem:$0x3F91] =	sst s1;
	(tag) =	ssettag s2;
	_ =	strace s9  }
0x27: {  	s1 =	sld [smem:$0x3FA1]  }
0x28: {  	s2 =	sld [smem:$0x3FA2]  }
0x29: {  	s4 =	sld [smem:$0x3FA4]  }
0x2a: {  	p0 =	seq.s32 s5, $0x0;
	s5 =	sld [smem:$0x3FA5]  }
0x2b: {  	s6 =	sld [smem:$0x3FA6]  }
0x2c: {  	s7 =	sld [smem:$0x3FA7]  }
0x2d: {  	s3 =	simm.s32 $0x108;
	s8 =	sld [smem:$0x3FA8]  }
0x2e: {  	s3 =	simm.s32 @!p0 $0x1082;
	s9 =	sld [smem:$0x3FA9]  }
0x2f: {  	lr =	sadd.s32 s0, s3;
	s0 =	sld [smem:$0x3FA0]  }
0x30: {  	s3 =	sld [smem:$0x3FA3]  }
0x31: {  	[smem:$0x3FAC] =	sst s10  }
0x32: {  	s10 =	sld [smem:$0x3FAA];
	_ =	sdelay $0x3  }
0x33: {  	p0 =	seq.s32 s10, $0x1;
	s10 =	sld [smem:$0x3FAC];
	_ =	sdelay $0x3  }
0x34: {  	[smem:$0x3FAC] =	sst s10  }
0x35: {  	s10 =	sld [smem:$0x3FAB];
	_ =	sdelay $0x3  }
0x36: {  	p1 =	seq.s32 s10, $0x1;
	s10 =	sld [smem:$0x3FAC];
	_ =	sdelay $0x3  }
0x37: {  	[smem:$0x3FAC] =	sst s10  }
0x38: {  	s10 =	sld [smem:$0x3FAD]  }
0x39: {  	_ = 	snop;
	(pc) =	sbr.ind lr, $3  }
0x3a: {  	_ = 	snop  }
0x3b: {  	_ = 	snop  }
0x3c: {  	p2 =	seq.s32 s10, $0x1;
	s10 =	sld [smem:$0x3FAC]  }
0x3d: {  	_ =	shalt  }
0x3e: {  	_ =	shalt  }
0x3f: {  	_ =	shalt  }
0x40: {  	_ =	shalt  }
0x41: {  	_ =	shalt  }
0x42: {  	_ =	shalt  }
0x43: {  	_ =	shalt  }
0x44: {  	_ =	shalt  }
0x45: {  	_ =	shalt  }
0x46: {  	_ =	shalt  }
0x47: {  	_ =	shalt  }
0x48: {  	_ =	shalt  }
0x49: {  	_ =	shalt  }
0x4a: {  	_ =	shalt  }
0x4b: {  	_ =	shalt  }
0x4c: {  	_ =	shalt  }
0x4d: {  	_ =	shalt  }
0x4e: {  	_ =	shalt  }
0x4f: {  	_ =	shalt  }
0x50: {  	_ =	shalt  }
0x51: {  	_ =	shalt  }
0x52: {  	_ =	shalt  }
0x53: {  	_ =	shalt  }
0x54: {  	_ =	shalt  }
0x55: {  	_ =	shalt  }
0x56: {  	_ =	shalt  }
0x57: {  	_ =	shalt  }
0x58: {  	_ =	shalt  }
0x59: {  	_ =	shalt  }
0x5a: {  	_ =	shalt  }
0x5b: {  	_ =	shalt  }
0x5c: {  	_ =	shalt  }
0x5d: {  	_ =	shalt  }
0x5e: {  	_ =	shalt  }
0x5f: {  	_ =	shalt  }
0x60: {  	_ =	shalt  }
0x61: {  	_ =	shalt  }
0x62: {  	_ =	shalt  }
0x63: {  	_ =	shalt  }
0x64: {  	_ =	shalt  }
0x65: {  	_ =	shalt  }
0x66: {  	_ =	shalt  }
0x67: {  	_ =	shalt  }
0x68: {  	_ =	shalt  }
0x69: {  	_ =	shalt  }
0x6a: {  	_ =	shalt  }
0x6b: {  	_ =	shalt  }
0x6c: {  	_ =	shalt  }
0x6d: {  	_ =	shalt  }
0x6e: {  	_ =	shalt  }
0x6f: {  	_ =	shalt  }
0x70: {  	_ =	shalt  }
0x71: {  	_ =	shalt  }
0x72: {  	_ =	shalt  }
0x73: {  	_ =	shalt  }
0x74: {  	_ =	shalt  }
0x75: {  	_ =	shalt  }
0x76: {  	_ =	shalt  }
0x77: {  	_ =	shalt  }
0x78: {  	_ =	shalt  }
0x79: {  	_ =	shalt  }
0x7a: {  	_ =	shalt  }
0x7b: {  	_ =	shalt  }
0x7c: {  	_ =	shalt  }
0x7d: {  	_ =	shalt  }
0x7e: {  	_ =	shalt  }
0x7f: {  	_ =	shalt  }
0x80: {  	_ =	shalt  }
0x81: {  	_ =	shalt  }
0x82: {  	_ =	shalt  }
0x83: {  	_ =	shalt  }
0x84: {  	_ =	shalt  }
0x85: {  	_ =	shalt  }
0x86: {  	_ =	shalt  }
0x87: {  	_ =	shalt  }
.Lfunc_end0:
.L_simem_size_0:
called_computation.4_lowered:
.L_overlay_start_0:
0x88: {  	s2 =	sld [smem:$0x3FD9]  }
0x89: {  	s3 =	sld [smem:$0x3FFE];
	_ =	sdelay $0x1  }
0x8a: {  	s1 =	srdreg.scid  }
0x8b: {  	s0 =	sand.u32 $0x1, s1  }
0x8c: {  	s16 =	sshll.u32 s0, $0xA;
	s2 =	sadd.s32 s3, s2  }
0x8d: {  	s2 =	sadd.s32 s2, s16  }
0x8e: {  	[smem:$0x3FB8] =	sst s2  }
0x8f: {  	_ = 	snop  }
0x90: {  	(tm) =	ssettm $0x1  }
0x91: {  	s17 =	sld [smem:$0x3FFB];
	_ =	sdelay $0x3  }
0x92: {  	_ =	strace s17  }
0x93: {  	s2 =	sld [smem:$0x3FFC];
	_ =	sdelay $0x3  }
0x94: {  	_ =	strace s2  }
0x95: {  	s2 =	sld [smem:$0x3FFD];
	_ =	sdelay $0x3  }
0x96: {  	_ =	strace s2  }
0x97: {  	_ =	strace $0x8FFFFFFF  }
0x98: {  	s18 =	sld [smem:$0x3FDB];
	_ =	sdelay $0x1  }
0x99: {  	s19 =	simm.s32 $_scs_section_size  }
0x9a: {  	s4 =	simm.s32 $_size__tile_overlayer_lowered;
	s5 =	simm.s32 $_tile_overlayer_lowered  }
0x9b: {  	s22 =	simm.s32 $0x1BFF;
	s21 =	sshll.u32 s5, $0x1;
	s2 =	sadd.s32 s19, s18  }
0x9c: {  	s6 =	simm.s32 $0x0;
	s20 =	sshll.u32 s4, $0x1;
	s4 =	sadd.s32 s21, s2  }
0x9d: {  	[timem:s6], [sflag:s22] =	dma.local [hbm:s4], s20  }
0x9e: {  	_ =	swait.ge [sflag:s22], s20  }
0x9f: {  	s3 =	ssub.s32 $0x0, s20;
	[sflag:s22] =	ssyncset.done $0x0  }
0xa0: {  	[sflag:s22] =	ssyncadd.s32 s3;
	_ =	sdelay $0x1  }
0xa1: {  	s23 =	simm.s32 $0x1B8B  }
0xa2: {  	_ =	swait.ge [sflag:s23], $0x1  }
0xa3: {  	[sflag:s23] =	ssyncset.done $0x0  }
0xa4: {  	s25 =	simm.s32 $0x1B8E;
	s24 =	sld [smem:$0x3FFE];
	[sflag:s23] =	ssyncadd.s32 $0xFFFFFFFF  }
0xa5: {  	s26 =	simm.s32 $execute0_lowered;
	[smem:$0x3FD2] =	sst s25  }
0xa6: {  	s4 =	sshll.u32 s26, $0x1;
	_ =	strace $0x80000052;
	[dreg:$0x1] =	wrdreg $0xFFFFFFFF  }
0xa7: {  	s28 =	simm.s32 $_size_execute0_lowered;
	s2 =	sadd.s32 s2, s4;
	[dreg:$0x0] =	wrdreg $0x0  }
0xa8: {  	s4 =	sshll.u32 s28, $0x1;
	[dreg:$0x2] =	wrdreg s2  }
0xa9: {  	[dreg:$0x3] =	wrdreg s4  }
0xaa: {  	[dreg:$0x4] =	wrdreg $0xC0  }
0xab: {  	_ =	task [dreg:s6], $0x5FFFF  }
0xac: {  	[dreg:$0x1] =	wrdreg $0xFFFFFFFF  }
0xad: {  	[dreg:$0x0] =	wrdreg $0x60  }
0xae: {  	[dreg:$0x2] =	wrdreg s24  }
0xaf: {  	[dreg:$0x3] =	wrdreg $0xA2000  }
0xb0: {  	[dreg:$0x4] =	wrdreg $0x9  }
0xb1: {  	_ =	task.clear_ibuf [dreg:s6], $0x5FFFF;
	_ =	strace $0x90000052  }
0xb2: {  	s29 =	simm.s32 $0x9;
	_ =	strace $0x80000054  }
0xb3: {  	_ =	swait.ge [sflag:s29], $0x1  }
0xb4: {  	[sflag:s29] =	ssyncadd.s32 $0xFFFFFFFF  }
0xb5: {  	_ =	strace $0x90000054  }
0xb6: {  	_ =	sfence  }
0xb7: {  	s30 =	sld [smem:$0x0];
	_ =	sdelay $0x2  }
0xb8: {  	s31 =	sshll.u32 s1, $0xD;
	s1 =	sshrl.u32 s1, $0x2  }
0xb9: {  	s3 =	sand.u32 $0x4000, s31;
	s1 =	sadd.s32 s1, s30  }
0xba: {  	s0 =	sor.u32 s3, s0;
	s1 =	sshll.u32 s1, $0x11  }
0xbb: {  	s0 =	sor.u32 s1, s0  }
0xbc: {  	s0 =	sadd.s32 $0x8F2B, s0  }
0xbd: {  	[sflag:s0] =	ssyncadd.remote.s32 $0x1  }
0xbe: {  	_ =	sfence.sel $0xFFFF  }
0xbf: {  	[dreg:$0x0] =	wrdreg $0xFFFFFFFF;
	(pc) =	sbr.abs _section_cstart, $3  }
0xc0: {  	[dreg:$0x1] =	wrdreg $0xFFFFFFFF  }
0xc1: {  	_ =	task.clear_ibuf [dreg:s6], $0x2FFFF;
	_ =	strace $0x9FFFFFFF  }
0xc2: {  	(tm) =	ssettm $0x7FFFFFFF  }
0xc3: {  	_ =	shalt  }
tec
execute0_lowered:
.L_overlay_start_1:
0x0: {  	(tag) =	ssettag $0x1  }
0x1: {  	s0 =	rddreg [dreg:$0x0]  }
0x2: {  	s2 =	rddreg [dreg:$0x1];
	s3 =	simm.s32 $0x0  }
0x3: {  	s18 =	stileid.u32;
	s1 =	srdreg.scid;
	s28 =	simm.s32 $0x8200  }
0x4: {  	s29 =	simm.s32 $0x4;
	s30 =	simm.s32 $0x80;
	s31 =	simm.s32 $0x200  }
0x5: {  	[smem:$0x7FF] =	sst s3;
	s5 =	smul.u32 $0x50000, s18;
	s4 =	sadd.s32 $0x68000, s0  }
0x6: {  	s6 =	sadd.s32 $0x5DE00, s0;
	s1 =	sand.u32 $0x1, s1;
	s13 =	smul.u32 $0x780, s18  }
0x7: {  	s14 =	sadd.s32 $0x3C00, s0;
	s26 =	smul.u32 $0x2800, s18;
	_ =	strace $0x80000053  }
0x8: {  	s7 =	smul.u32 $0x28000, s1;
	s8 =	ssub.s32 $0x2, s1;
	p0 =	seq.s32 s1, $0x1  }
0x9: {  	s5 =	sshrl.u32 s5, $0x2;
	s9 =	sshrl.u32 s8, $0x1;
	s20 =	sor.u32 $0x10, s13  }
0xa: {  	s12 =	sadd.s32 s6, s13;
	s13 =	sadd.s32 s14, s13;
	s5 =	sadd.s32 s5, s2  }
0xb: {  	s0 =	sadd.s32 s7, s0;
	s15 =	ssub.s32 s8, s9;
	s21 =	sadd.s32 s6, s20  }
0xc: {  	s1 =	sadd.s32 s14, s20;
	s16 =	sadd.s32 $0x2000, s5;
	[dreg:$0x6] =	wrdreg s21  }
0xd: {  	s17 =	sadd.s32 $0x4000, s5;
	s19 =	sadd.s32 $0x6000, s5;
	[dreg:$0x7] =	wrdreg s1  }
0xe: {  	s9 =	sadd.s32 $0x8000, s5;
	s10 =	sadd.s32 $0xA000, s5;
	[dreg:$0x3] =	wrdreg s16  }
0xf: {  	s11 =	sadd.s32 $0xC000, s5;
	[dreg:$0x4] =	wrdreg s17;
	s16 =	smul.u32 $0x2A0, s18  }
0x10: {  	s0 =	sadd.s32 $0x8F200, s0;
	[dreg:$0x5] =	wrdreg s19;
	s18 =	simm.s32 $0x2  }
0x11: {  	s19 =	simm.s32 $0x0;
	s22 =	sadd.s32 $0x7800, s16;
	s17 =	sadd.s32 $0x7810, s16  }
0x12: {  	s20 =	sadd.s32 s16, s6;
	s21 =	sadd.s32 s16, s14;
	s23 =	sadd.s32 s6, s22  }
0x13: {  	s16 =	simm.s32 $0x4200;
	s1 =	sadd.s32 s14, s22;
	[dreg:$0x8] =	wrdreg s23  }
.Ltmp0:
0x14: {  	s24 =	sadd.s32 s6, s17;
	[dreg:$0x9] =	wrdreg s1;
	(pc) =	sbr.rel .LBB2_1-.Ltmp0, $4  }
0x15: {  	s25 =	sadd.s32 s14, s17;
	s22 =	sadd.s32 $0xE000, s5;
	[dreg:$0xa] =	wrdreg s24  }
0x16: {  	s14 =	simm.s32 $0x180;
	s17 =	simm.s32 $0x1;
	[dreg:$0xb] =	wrdreg s25  }
0x17: {  	s23 =	sadd.s32 s26, s0;
	s24 =	sadd.s32 $0x10000, s5;
	s25 =	smax.u32 s15, $0x1  }
0x18: {  	v0 =	vimm.f32 $0.0e+00;
	s26 =	sadd.s32 $0x12000, s5;
	s0 =	simm.s32 $0x100;
	s15 =	simm.s32 $0x3  }
.LBB2_6:
0x19: {  	[tilespmem:s14], [sflag:$0x3] =	stream.linear.gather [hbm4b:s6+s3], $0x80, $0x38;
	[tilespmem:$0x1E200] =	vst v63  }
.LBB2_10:
0x1a: {  	_ =	swait.ge [sflag:s15], $0x80  }
0x1b: {  	[sflag:s15] =	ssyncset.done $0x0  }
0x1c: {  	[sflag:s15] =	ssyncadd.s32 $0xFFFFFF80  }
0x1d: {  	_ =	swait.ge [sflag:s15], $0x80  }
0x1e: {  	[sflag:s15] =	ssyncset.done $0x0  }
0x1f: {  	[sflag:s15] =	ssyncadd.s32 $0xFFFFFF80  }
0x20: {  	[tilespmem:s16], [sflag:$0x2] =	stream.indirect.gather [hbm4b:s4+s30], $0x80, s0, s30, $0xb8;
	[tilespmem:$0x1E200] =	vst v63  }
0x21: {  	_ =	swait.ge [sflag:s17], $0x4000  }
0x22: {  	[sflag:s17] =	ssyncset.done $0x0  }
0x23: {  	[sflag:s17] =	ssyncadd.s32 $0xFFFFC000  }
0x24: {  	[spmem:s2] =	stream.indirect.scatter.add.f32 [tilespmem:s31], [sflag:$0x4], $0x80, s30, s30, $0xb8;
	[tilespmem:$0x1E200] =	vst v63  }
0x25: {  	_ =	swait.ge [sflag:s29], $0x4000  }
0x26: {  	[sflag:s29] =	ssyncset.done $0x0  }
0x27: {  	[sflag:s29] =	ssyncadd.s32 $0xFFFFC000  }
0x28: {  	_ =	swait.ge [sflag:s18], $0x4000  }
0x29: {  	[sflag:s18] =	ssyncset.done $0x0  }
0x2a: {  	[sflag:s18] =	ssyncadd.s32 $0xFFFFC000  }
0x2b: {  	[spmem:s2] =	stream.indirect.scatter.add.f32 [tilespmem:s16], [sflag:$0x4], $0x80, s14, s30, $0xb8;
	[tilespmem:$0x1E200] =	vst v63  }
0x2c: {  	s1 =	stileid.u32;
	_ =	swait.ge [sflag:s29], $0x4000  }
0x2d: {  	s6 =	sshrl.u32 s5, $0x3;
	s19 =	sadd.s32 $0x1, s19;
	[sflag:s29] =	ssyncset.done $0x0  }
0x2e: {  	s1 =	sshll.u32 s1, $0x6;
	p1 =	sne.s32 s19, s25;
	[sflag:s29] =	ssyncadd.s32 $0xFFFFC000  }
.Ltmp1:
0x2f: {  	s1 =	sor.u32 $0x1C04, s1;
	[bflag:$0x0] =	sbarrier.arrive $0xFFFF;
	(pc) =	sbr.rel @!p1 .LBB2_11-.Ltmp1, $4  }
0x30: {  	[hbm:s23], [sflag:s1] =	dma.local [spmem:s6], $0x2800  }
0x31: {  	_ =	swait.ge [sflag:s29], $0x2800  }
0x32: {  	[sflag:s29] =	ssyncset.done $0x0  }
0x33: {  	[sflag:s29] =	ssyncadd.s32 $0xFFFFD800  }
.LBB2_1:
0x34: {  	s1 =	simm.s32 $0x0;
	s6 =	simm.s32 $0x200  }
.LBB2_2:
0x35: {  	p1 =	sne.s32 s6, $0x7E00;
	[tilespmem:s1+$0x8270] =	vst v0  }
0x36: {  	[tilespmem:s1+$0x8200] =	vst v0  }
0x37: {  	[tilespmem:s1+$0x8210] =	vst v0  }
.Ltmp2:
0x38: {  	[tilespmem:s1+$0x8220] =	vst v0;
	(pc) =	sbr.rel @p1 .LBB2_2-.Ltmp2, $4  }
0x39: {  	[tilespmem:s1+$0x8230] =	vst v0  }
0x3a: {  	[tilespmem:s1+$0x8240] =	vst v0  }
0x3b: {  	[tilespmem:s1+$0x8250] =	vst v0  }
0x3c: {  	[tilespmem:s1+$0x8260] =	vst v0;
	s1 =	sshra.s32 s6, $0x2;
	s6 =	sadd.s32 $0x200, s6  }
0x3d: {  	[tilespmem:s1+$0x8270] =	vst v0  }
0x3e: {  	[tilespmem:s1+$0x8200] =	vst v0  }
0x3f: {  	[tilespmem:s1+$0x8210] =	vst v0  }
0x40: {  	[tilespmem:s1+$0x8220] =	vst v0  }
0x41: {  	[tilespmem:s1+$0x8230] =	vst v0  }
0x42: {  	[tilespmem:s1+$0x8240] =	vst v0  }
0x43: {  	[tilespmem:s1+$0x8250] =	vst v0  }
0x44: {  	[tilespmem:s1+$0x8260] =	vst v0  }
0x45: {  	[spmem:s5] =	stream.linear.scatter [tilespmem:s28], [sflag:$0x4], $0x2000, $0x38;
	[tilespmem:$0x1E200] =	vst v63  }
0x46: {  	_ =	swait.ge [sflag:s29], $0x2000  }
0x47: {  	[sflag:s29] =	ssyncset.done $0x0  }
0x48: {  	s6 =	rddreg [dreg:$0x3];
	[sflag:s29] =	ssyncadd.s32 $0xFFFFE000  }
0x49: {  	[spmem:s6] =	stream.linear.scatter [tilespmem:s28], [sflag:$0x4], $0x2000, $0x38;
	[tilespmem:$0x1E200] =	vst v63  }
0x4a: {  	_ =	swait.ge [sflag:s29], $0x2000  }
0x4b: {  	[sflag:s29] =	ssyncset.done $0x0  }
0x4c: {  	s7 =	rddreg [dreg:$0x4];
	[sflag:s29] =	ssyncadd.s32 $0xFFFFE000  }
0x4d: {  	[spmem:s7] =	stream.linear.scatter [tilespmem:s28], [sflag:$0x4], $0x2000, $0x38;
	[tilespmem:$0x1E200] =	vst v63  }
0x4e: {  	_ =	swait.ge [sflag:s29], $0x2000  }
0x4f: {  	[sflag:s29] =	ssyncset.done $0x0  }
0x50: {  	s8 =	rddreg [dreg:$0x5];
	[sflag:s29] =	ssyncadd.s32 $0xFFFFE000  }
0x51: {  	[spmem:s8] =	stream.linear.scatter [tilespmem:s28], [sflag:$0x4], $0x2000, $0x38;
	[tilespmem:$0x1E200] =	vst v63  }
0x52: {  	_ =	swait.ge [sflag:s29], $0x2000  }
0x53: {  	[sflag:s29] =	ssyncset.done $0x0  }
0x54: {  	[sflag:s29] =	ssyncadd.s32 $0xFFFFE000  }
0x55: {  	[spmem:s9] =	stream.linear.scatter [tilespmem:s28], [sflag:$0x4], $0x2000, $0x38;
	[tilespmem:$0x1E200] =	vst v63  }
0x56: {  	_ =	swait.ge [sflag:s29], $0x2000  }
0x57: {  	[sflag:s29] =	ssyncset.done $0x0  }
0x58: {  	[sflag:s29] =	ssyncadd.s32 $0xFFFFE000  }
0x59: {  	[spmem:s10] =	stream.linear.scatter [tilespmem:s28], [sflag:$0x4], $0x2000, $0x38;
	[tilespmem:$0x1E200] =	vst v63  }
0x5a: {  	_ =	swait.ge [sflag:s29], $0x2000  }
0x5b: {  	[sflag:s29] =	ssyncset.done $0x0  }
0x5c: {  	[sflag:s29] =	ssyncadd.s32 $0xFFFFE000  }
0x5d: {  	[spmem:s11] =	stream.linear.scatter [tilespmem:s28], [sflag:$0x4], $0x2000, $0x38;
	[tilespmem:$0x1E200] =	vst v63  }
0x5e: {  	_ =	swait.ge [sflag:s29], $0x2000  }
0x5f: {  	[sflag:s29] =	ssyncset.done $0x0  }
0x60: {  	[sflag:s29] =	ssyncadd.s32 $0xFFFFE000  }
0x61: {  	[spmem:s22] =	stream.linear.scatter [tilespmem:s28], [sflag:$0x4], $0x2000, $0x38;
	[tilespmem:$0x1E200] =	vst v63  }
0x62: {  	_ =	swait.ge [sflag:s29], $0x2000  }
0x63: {  	[sflag:s29] =	ssyncset.done $0x0  }
0x64: {  	[sflag:s29] =	ssyncadd.s32 $0xFFFFE000  }
0x65: {  	[spmem:s24] =	stream.linear.scatter [tilespmem:s28], [sflag:$0x4], $0x2000, $0x38;
	[tilespmem:$0x1E200] =	vst v63  }
0x66: {  	_ =	swait.ge [sflag:s29], $0x2000  }
0x67: {  	[sflag:s29] =	ssyncset.done $0x0  }
0x68: {  	[sflag:s29] =	ssyncadd.s32 $0xFFFFE000  }
0x69: {  	[spmem:s26] =	stream.linear.scatter [tilespmem:s28], [sflag:$0x4], $0x2000, $0x38;
	[tilespmem:$0x1E200] =	vst v63  }
.Ltmp3:
0x6a: {  	_ =	swait.ge [sflag:s29], $0x2000;
	(pc) =	sbr.rel @!p0 .LBB2_4-.Ltmp3, $3  }
0x6b: {  	[sflag:s29] =	ssyncset.done $0x0  }
0x6c: {  	[sflag:s29] =	ssyncadd.s32 $0xFFFFE000  }
0x6d: {  	[bflag:$0x0] =	sbarrier.arrive $0xFFFF;
	_ =	sdelay $0x1  }
0x6e: {  	s1 =	rddreg [dreg:$0x8]  }
0x6f: {  	[tilespmem:s3], [sflag:$0x4] =	stream.linear.gather [hbm4b:s1+s3], $0x80, $0x38;
	[tilespmem:$0x1E200] =	vst v63  }
0x70: {  	_ =	swait.ge [sflag:s29], $0x80  }
0x71: {  	[sflag:s29] =	ssyncset.done $0x0  }
0x72: {  	s8 =	rddreg [dreg:$0x9];
	[sflag:s29] =	ssyncadd.s32 $0xFFFFFF80  }
0x73: {  	[tilespmem:s30], [sflag:$0x4] =	stream.linear.gather [hbm4b:s8+s3], $0x80, $0x38;
	[tilespmem:$0x1E200] =	vst v63  }
0x74: {  	_ =	swait.ge [sflag:s29], $0x80  }
0x75: {  	[sflag:s29] =	ssyncset.done $0x0  }
0x76: {  	[sflag:s29] =	ssyncadd.s32 $0xFFFFFF80  }
0x77: {  	[tilespmem:s31], [sflag:$0x1] =	stream.indirect.gather [hbm4b:s4+s30], $0x80, s3, s30, $0xb8;
	[tilespmem:$0x1E200] =	vst v63  }
0x78: {  	s6 =	rddreg [dreg:$0xa]  }
0x79: {  	[tilespmem:s0], [sflag:$0x3] =	stream.linear.gather [hbm4b:s6+s3], $0x80, $0x38;
	[tilespmem:$0x1E200] =	vst v63  }
0x7a: {  	s7 =	rddreg [dreg:$0xb]  }
0x7b: {  	[tilespmem:s14], [sflag:$0x3] =	stream.linear.gather [hbm4b:s7+s3], $0x80, $0x38;
	[tilespmem:$0x1E200] =	vst v63  }
0x7c: {  	_ =	swait.ge [sflag:s15], $0x80  }
0x7d: {  	[sflag:s15] =	ssyncset.done $0x0  }
0x7e: {  	[sflag:s15] =	ssyncadd.s32 $0xFFFFFF80  }
0x7f: {  	_ =	swait.ge [sflag:s15], $0x80  }
0x80: {  	[sflag:s15] =	ssyncset.done $0x0  }
0x81: {  	[sflag:s15] =	ssyncadd.s32 $0xFFFFFF80  }
0x82: {  	[tilespmem:s16], [sflag:$0x2] =	stream.indirect.gather [hbm4b:s4+s30], $0x80, s0, s30, $0xb8;
	[tilespmem:$0x1E200] =	vst v63  }
0x83: {  	_ =	swait.ge [sflag:s17], $0x4000  }
0x84: {  	[sflag:s17] =	ssyncset.done $0x0  }
0x85: {  	[sflag:s17] =	ssyncadd.s32 $0xFFFFC000  }
0x86: {  	[spmem:s2] =	stream.indirect.scatter.add.f32 [tilespmem:s31], [sflag:$0x4], $0x80, s30, s30, $0xb8;
	[tilespmem:$0x1E200] =	vst v63  }
0x87: {  	_ =	swait.ge [sflag:s29], $0x4000  }
0x88: {  	s1 =	sadd.s32 $0xFFFFFD80, s20;
	[sflag:s29] =	ssyncset.done $0x0  }
0x89: {  	s6 =	sadd.s32 $0x7AA0, s1;
	[sflag:s29] =	ssyncadd.s32 $0xFFFFC000  }
0x8a: {  	[tilespmem:s3], [sflag:$0x4] =	stream.linear.gather [hbm4b:s6+s3], $0x80, $0x38;
	[tilespmem:$0x1E200] =	vst v63  }
0x8b: {  	_ =	swait.ge [sflag:s29], $0x80  }
0x8c: {  	s8 =	sadd.s32 $0xFFFFFD80, s21;
	[sflag:s29] =	ssyncset.done $0x0  }
0x8d: {  	s7 =	sadd.s32 $0x7AA0, s8;
	[sflag:s29] =	ssyncadd.s32 $0xFFFFFF80  }
0x8e: {  	[tilespmem:s30], [sflag:$0x4] =	stream.linear.gather [hbm4b:s7+s3], $0x80, $0x38;
	[tilespmem:$0x1E200] =	vst v63  }
0x8f: {  	_ =	swait.ge [sflag:s29], $0x80  }
0x90: {  	[sflag:s29] =	ssyncset.done $0x0  }
0x91: {  	[sflag:s29] =	ssyncadd.s32 $0xFFFFFF80  }
0x92: {  	[tilespmem:s31], [sflag:$0x1] =	stream.indirect.gather [hbm4b:s4+s30], $0x80, s3, s30, $0xb8;
	[tilespmem:$0x1E200] =	vst v63  }
0x93: {  	_ =	swait.ge [sflag:s18], $0x4000  }
0x94: {  	[sflag:s18] =	ssyncset.done $0x0  }
0x95: {  	[sflag:s18] =	ssyncadd.s32 $0xFFFFC000  }
0x96: {  	[spmem:s2] =	stream.indirect.scatter.add.f32 [tilespmem:s16], [sflag:$0x4], $0x80, s14, s30, $0xb8;
	[tilespmem:$0x1E200] =	vst v63  }
0x97: {  	_ =	swait.ge [sflag:s29], $0x4000  }
0x98: {  	[sflag:s29] =	ssyncset.done $0x0  }
0x99: {  	s1 =	sadd.s32 $0x7AB0, s1;
	[sflag:s29] =	ssyncadd.s32 $0xFFFFC000  }
0x9a: {  	[tilespmem:s0], [sflag:$0x3] =	stream.linear.gather [hbm4b:s1+s3], $0x80, $0x38;
	[tilespmem:$0x1E200] =	vst v63  }
0x9b: {  	s6 =	sadd.s32 $0x7AB0, s8;
	s1 =	simm.s32 $0xFFFFFDA0  }
.LBB2_8:
0x9c: {  	[tilespmem:s14], [sflag:$0x3] =	stream.linear.gather [hbm4b:s6+s3], $0x80, $0x38;
	[tilespmem:$0x1E200] =	vst v63  }
0x9d: {  	s6 =	smov.u32 s1  }
0x9e: {  	p1 =	sne.s32 s1, $0xFFFFFFE0;
	s1 =	sadd.s32 $0x20, s1;
	_ =	swait.ge [sflag:s15], $0x80  }
0x9f: {  	[sflag:s15] =	ssyncset.done $0x0  }
0xa0: {  	[sflag:s15] =	ssyncadd.s32 $0xFFFFFF80  }
0xa1: {  	_ =	swait.ge [sflag:s15], $0x80  }
0xa2: {  	[sflag:s15] =	ssyncset.done $0x0  }
0xa3: {  	[sflag:s15] =	ssyncadd.s32 $0xFFFFFF80  }
0xa4: {  	[tilespmem:s16], [sflag:$0x2] =	stream.indirect.gather [hbm4b:s4+s30], $0x80, s0, s30, $0xb8;
	[tilespmem:$0x1E200] =	vst v63  }
0xa5: {  	_ =	swait.ge [sflag:s17], $0x4000  }
0xa6: {  	[sflag:s17] =	ssyncset.done $0x0  }
0xa7: {  	[sflag:s17] =	ssyncadd.s32 $0xFFFFC000  }
0xa8: {  	[spmem:s2] =	stream.indirect.scatter.add.f32 [tilespmem:s31], [sflag:$0x4], $0x80, s30, s30, $0xb8;
	[tilespmem:$0x1E200] =	vst v63  }
0xa9: {  	_ =	swait.ge [sflag:s29], $0x4000  }
0xaa: {  	s7 =	sadd.s32 s6, s20;
	[sflag:s29] =	ssyncset.done $0x0  }
0xab: {  	s8 =	sadd.s32 $0x7AA0, s7;
	[sflag:s29] =	ssyncadd.s32 $0xFFFFC000  }
0xac: {  	[tilespmem:s3], [sflag:$0x4] =	stream.linear.gather [hbm4b:s8+s3], $0x80, $0x38;
	[tilespmem:$0x1E200] =	vst v63  }
0xad: {  	_ =	swait.ge [sflag:s29], $0x80  }
0xae: {  	s6 =	sadd.s32 s6, s21;
	[sflag:s29] =	ssyncset.done $0x0  }
0xaf: {  	s8 =	sadd.s32 $0x7AA0, s6;
	[sflag:s29] =	ssyncadd.s32 $0xFFFFFF80  }
0xb0: {  	[tilespmem:s30], [sflag:$0x4] =	stream.linear.gather [hbm4b:s8+s3], $0x80, $0x38;
	[tilespmem:$0x1E200] =	vst v63  }
0xb1: {  	_ =	swait.ge [sflag:s29], $0x80  }
0xb2: {  	[sflag:s29] =	ssyncset.done $0x0  }
0xb3: {  	[sflag:s29] =	ssyncadd.s32 $0xFFFFFF80  }
0xb4: {  	[tilespmem:s31], [sflag:$0x1] =	stream.indirect.gather [hbm4b:s4+s30], $0x80, s3, s30, $0xb8;
	[tilespmem:$0x1E200] =	vst v63  }
0xb5: {  	_ =	swait.ge [sflag:s18], $0x4000  }
0xb6: {  	[sflag:s18] =	ssyncset.done $0x0  }
0xb7: {  	[sflag:s18] =	ssyncadd.s32 $0xFFFFC000  }
0xb8: {  	[spmem:s2] =	stream.indirect.scatter.add.f32 [tilespmem:s16], [sflag:$0x4], $0x80, s14, s30, $0xb8;
	[tilespmem:$0x1E200] =	vst v63  }
.Ltmp4:
0xb9: {  	_ =	swait.ge [sflag:s29], $0x4000;
	(pc) =	sbr.rel @p1 .LBB2_8-.Ltmp4, $4  }
0xba: {  	[sflag:s29] =	ssyncset.done $0x0  }
0xbb: {  	s7 =	sadd.s32 $0x7AB0, s7;
	[sflag:s29] =	ssyncadd.s32 $0xFFFFC000  }
0xbc: {  	[tilespmem:s0], [sflag:$0x3] =	stream.linear.gather [hbm4b:s7+s3], $0x80, $0x38;
	[tilespmem:$0x1E200] =	vst v63  }
0xbd: {  	s6 =	sadd.s32 $0x7AB0, s6  }
.Ltmp5:
0xbe: {  	(pc) =	sbr.rel .LBB2_10-.Ltmp5, $2  }
0xbf: {  	_ =	sdelay $0x2  }
0xc0: {  	[tilespmem:s14], [sflag:$0x3] =	stream.linear.gather [hbm4b:s6+s3], $0x80, $0x38;
	[tilespmem:$0x1E200] =	vst v63  }
.LBB2_4:
0xc1: {  	[tilespmem:s3], [sflag:$0x4] =	stream.linear.gather [hbm4b:s12+s3], $0x80, $0x38;
	[tilespmem:$0x1E200] =	vst v63  }
0xc2: {  	_ =	swait.ge [sflag:s29], $0x80  }
0xc3: {  	[sflag:s29] =	ssyncset.done $0x0  }
0xc4: {  	[sflag:s29] =	ssyncadd.s32 $0xFFFFFF80  }
0xc5: {  	[tilespmem:s30], [sflag:$0x4] =	stream.linear.gather [hbm4b:s13+s3], $0x80, $0x38;
	[tilespmem:$0x1E200] =	vst v63  }
0xc6: {  	_ =	swait.ge [sflag:s29], $0x80  }
0xc7: {  	[sflag:s29] =	ssyncset.done $0x0  }
0xc8: {  	[sflag:s29] =	ssyncadd.s32 $0xFFFFFF80  }
0xc9: {  	[tilespmem:s31], [sflag:$0x1] =	stream.indirect.gather [hbm4b:s4+s30], $0x80, s3, s30, $0xb8;
	[tilespmem:$0x1E200] =	vst v63  }
0xca: {  	s1 =	rddreg [dreg:$0x6]  }
0xcb: {  	[tilespmem:s0], [sflag:$0x3] =	stream.linear.gather [hbm4b:s1+s3], $0x80, $0x38;
	[tilespmem:$0x1E200] =	vst v63  }
0xcc: {  	s7 =	rddreg [dreg:$0x7]  }
0xcd: {  	[tilespmem:s14], [sflag:$0x3] =	stream.linear.gather [hbm4b:s7+s3], $0x80, $0x38;
	[tilespmem:$0x1E200] =	vst v63  }
0xce: {  	_ =	swait.ge [sflag:s15], $0x80  }
0xcf: {  	[sflag:s15] =	ssyncset.done $0x0  }
0xd0: {  	[sflag:s15] =	ssyncadd.s32 $0xFFFFFF80  }
0xd1: {  	_ =	swait.ge [sflag:s15], $0x80  }
0xd2: {  	[sflag:s15] =	ssyncset.done $0x0  }
0xd3: {  	[sflag:s15] =	ssyncadd.s32 $0xFFFFFF80  }
0xd4: {  	[tilespmem:s16], [sflag:$0x2] =	stream.indirect.gather [hbm4b:s4+s30], $0x80, s0, s30, $0xb8;
	[tilespmem:$0x1E200] =	vst v63  }
0xd5: {  	_ =	swait.ge [sflag:s17], $0x4000  }
0xd6: {  	[sflag:s17] =	ssyncset.done $0x0  }
0xd7: {  	[sflag:s17] =	ssyncadd.s32 $0xFFFFC000  }
0xd8: {  	[spmem:s2] =	stream.indirect.scatter.add.f32 [tilespmem:s31], [sflag:$0x4], $0x80, s30, s30, $0xb8;
	[tilespmem:$0x1E200] =	vst v63  }
0xd9: {  	_ =	swait.ge [sflag:s29], $0x4000  }
0xda: {  	s1 =	sadd.s32 $0xFFFFF8A0, s12;
	[sflag:s29] =	ssyncset.done $0x0  }
0xdb: {  	s6 =	sadd.s32 $0x780, s1;
	[sflag:s29] =	ssyncadd.s32 $0xFFFFC000  }
0xdc: {  	[tilespmem:s3], [sflag:$0x4] =	stream.linear.gather [hbm4b:s6+s3], $0x80, $0x38;
	[tilespmem:$0x1E200] =	vst v63  }
0xdd: {  	_ =	swait.ge [sflag:s29], $0x80  }
0xde: {  	s8 =	sadd.s32 $0xFFFFF8A0, s13;
	[sflag:s29] =	ssyncset.done $0x0  }
0xdf: {  	s7 =	sadd.s32 $0x780, s8;
	[sflag:s29] =	ssyncadd.s32 $0xFFFFFF80  }
0xe0: {  	[tilespmem:s30], [sflag:$0x4] =	stream.linear.gather [hbm4b:s7+s3], $0x80, $0x38;
	[tilespmem:$0x1E200] =	vst v63  }
0xe1: {  	_ =	swait.ge [sflag:s29], $0x80  }
0xe2: {  	[sflag:s29] =	ssyncset.done $0x0  }
0xe3: {  	[sflag:s29] =	ssyncadd.s32 $0xFFFFFF80  }
0xe4: {  	[tilespmem:s31], [sflag:$0x1] =	stream.indirect.gather [hbm4b:s4+s30], $0x80, s3, s30, $0xb8;
	[tilespmem:$0x1E200] =	vst v63  }
0xe5: {  	_ =	swait.ge [sflag:s18], $0x4000  }
0xe6: {  	[sflag:s18] =	ssyncset.done $0x0  }
0xe7: {  	[sflag:s18] =	ssyncadd.s32 $0xFFFFC000  }
0xe8: {  	[spmem:s2] =	stream.indirect.scatter.add.f32 [tilespmem:s16], [sflag:$0x4], $0x80, s14, s30, $0xb8;
	[tilespmem:$0x1E200] =	vst v63  }
0xe9: {  	_ =	swait.ge [sflag:s29], $0x4000  }
0xea: {  	[sflag:s29] =	ssyncset.done $0x0  }
0xeb: {  	s1 =	sadd.s32 $0x790, s1;
	[sflag:s29] =	ssyncadd.s32 $0xFFFFC000  }
0xec: {  	[tilespmem:s0], [sflag:$0x3] =	stream.linear.gather [hbm4b:s1+s3], $0x80, $0x38;
	[tilespmem:$0x1E200] =	vst v63  }
0xed: {  	s6 =	sadd.s32 $0x790, s8;
	s1 =	simm.s32 $0xFFFFF8C0  }
.LBB2_5:
0xee: {  	[tilespmem:s14], [sflag:$0x3] =	stream.linear.gather [hbm4b:s6+s3], $0x80, $0x38;
	[tilespmem:$0x1E200] =	vst v63  }
0xef: {  	s6 =	smov.u32 s1  }
0xf0: {  	p1 =	seq.s32 s1, $0xFFFFFFE0;
	s1 =	sadd.s32 $0x20, s1;
	_ =	swait.ge [sflag:s15], $0x80  }
0xf1: {  	[sflag:s15] =	ssyncset.done $0x0  }
0xf2: {  	[sflag:s15] =	ssyncadd.s32 $0xFFFFFF80  }
0xf3: {  	_ =	swait.ge [sflag:s15], $0x80  }
0xf4: {  	[sflag:s15] =	ssyncset.done $0x0  }
0xf5: {  	[sflag:s15] =	ssyncadd.s32 $0xFFFFFF80  }
0xf6: {  	[tilespmem:s16], [sflag:$0x2] =	stream.indirect.gather [hbm4b:s4+s30], $0x80, s0, s30, $0xb8;
	[tilespmem:$0x1E200] =	vst v63  }
0xf7: {  	_ =	swait.ge [sflag:s17], $0x4000  }
0xf8: {  	[sflag:s17] =	ssyncset.done $0x0  }
0xf9: {  	[sflag:s17] =	ssyncadd.s32 $0xFFFFC000  }
0xfa: {  	[spmem:s2] =	stream.indirect.scatter.add.f32 [tilespmem:s31], [sflag:$0x4], $0x80, s30, s30, $0xb8;
	[tilespmem:$0x1E200] =	vst v63  }
0xfb: {  	_ =	swait.ge [sflag:s29], $0x4000  }
0xfc: {  	s7 =	sadd.s32 s6, s12;
	[sflag:s29] =	ssyncset.done $0x0  }
0xfd: {  	s8 =	sadd.s32 $0x780, s7;
	[sflag:s29] =	ssyncadd.s32 $0xFFFFC000  }
0xfe: {  	[tilespmem:s3], [sflag:$0x4] =	stream.linear.gather [hbm4b:s8+s3], $0x80, $0x38;
	[tilespmem:$0x1E200] =	vst v63  }
0xff: {  	_ =	swait.ge [sflag:s29], $0x80  }
0x100: {  	s6 =	sadd.s32 s6, s13;
	[sflag:s29] =	ssyncset.done $0x0  }
0x101: {  	s8 =	sadd.s32 $0x780, s6;
	[sflag:s29] =	ssyncadd.s32 $0xFFFFFF80  }
0x102: {  	[tilespmem:s30], [sflag:$0x4] =	stream.linear.gather [hbm4b:s8+s3], $0x80, $0x38;
	[tilespmem:$0x1E200] =	vst v63  }
0x103: {  	_ =	swait.ge [sflag:s29], $0x80  }
0x104: {  	[sflag:s29] =	ssyncset.done $0x0  }
0x105: {  	[sflag:s29] =	ssyncadd.s32 $0xFFFFFF80  }
0x106: {  	[tilespmem:s31], [sflag:$0x1] =	stream.indirect.gather [hbm4b:s4+s30], $0x80, s3, s30, $0xb8;
	[tilespmem:$0x1E200] =	vst v63  }
0x107: {  	_ =	swait.ge [sflag:s18], $0x4000  }
0x108: {  	[sflag:s18] =	ssyncset.done $0x0  }
0x109: {  	[sflag:s18] =	ssyncadd.s32 $0xFFFFC000  }
0x10a: {  	[spmem:s2] =	stream.indirect.scatter.add.f32 [tilespmem:s16], [sflag:$0x4], $0x80, s14, s30, $0xb8;
	[tilespmem:$0x1E200] =	vst v63  }
.Ltmp6:
0x10b: {  	_ =	swait.ge [sflag:s29], $0x4000;
	(pc) =	sbr.rel @!p1 .LBB2_5-.Ltmp6, $4  }
0x10c: {  	[sflag:s29] =	ssyncset.done $0x0  }
0x10d: {  	s7 =	sadd.s32 $0x790, s7;
	[sflag:s29] =	ssyncadd.s32 $0xFFFFC000  }
0x10e: {  	[tilespmem:s0], [sflag:$0x3] =	stream.linear.gather [hbm4b:s7+s3], $0x80, $0x38;
	[tilespmem:$0x1E200] =	vst v63  }
0x10f: {  	s6 =	sadd.s32 $0x790, s6  }
.Ltmp7:
0x110: {  	_ = 	snop;
	(pc) =	sbr.rel .LBB2_6-.Ltmp7, $1  }
0x111: {  	_ =	sdelay $0x3  }
.LBB2_11:
0x112: {  	_ =	sfence.sel $0x180000  }
0x113: {  	[bflag:$0x0] =	sbarrier.arrive $0xFFFF  }
0x114: {  	_ =	strace $0x90000053  }
0x115: {  	s0 =	stileid.u32;
	[bflag:$0x2] =	sbarrier.arrive $0xFFFF  }
0x116: {  	p0 =	sne.s32 s0, $0x0;
	s0 =	rddreg [dreg:$0x2]  }
0x117: {  	s0 =	sadd.s32 @!p0 $0x100000, s0  }
0x118: {  	[sflag:s0] =	ssyncadd.tile.s32 @!p0 $0x1;
	_ =	shalt  }
.Lfunc_end2:
_tile_overlayer_lowered:
.L_overlay_start_2:
0x119: {  	(tag) =	ssettag $0x2  }
0x11a: {  	s0 =	rddreg [dreg:$0x0];
	s2 =	stileid.u32  }
0x11b: {  	s1 =	rddreg [dreg:$0x1];
	p0 =	sne.s32 s2, $0x0  }
0x11c: {  	s3 =	rddreg [dreg:$0x2];
	[bflag:$0x3] =	sbarrier.arrive $0xFFFF;
	s2 =	simm.s32 @!p0 $0x1C04  }
0x11d: {  	[timem:s3], [sflag:s2] =	dma.local @!p0 [hbm:s0], s1  }
0x11e: {  	s0 =	simm.s32 @!p0 $0x4  }
0x11f: {  	_ =	swait.ge @!p0 [sflag:s0], s1  }
0x120: {  	s1 =	ssub.s32 @!p0 $0x0, s1;
	[sflag:s0] =	ssyncset.done @!p0 $0x0  }
0x121: {  	[sflag:s0] =	ssyncadd.s32 @!p0 s1  }
0x122: {  	[bflag:$0x3] =	sbarrier.arrive $0xFFFF  }
0x123: {  	_ =	shalt  }

</sc_bundles>
